<compile_context>
chip_gen: v7x
topology: tpu7x:2x2x1
jax: 0.10.2.dev20260603
libtpu: 0.0.44.dev20260713+nightly
codegen_flags: <defaults>
</compile_context>

<pallas_src>
import functools

import jax
import jax.numpy as jnp
from jax import lax
from jax.experimental import pallas as pl
from jax.experimental.pallas import tpu as pltpu
from jax.experimental.pallas import tpu_sc as plsc

N = 10000
E = 320000
NTILE = 32
EPT = E // NTILE
C = 80
NCHUNK = EPT // C
RPT = 624
REM = N - 16 * RPT

_mesh = plsc.VectorSubcoreMesh(core_axis_name="c", subcore_axis_name="s")



def _tc1_body(x_ref, w_ref, wd_ref, h_ref, ad_ref):
    x = x_ref[...]
    h_ref[...] = jnp.dot(x, w_ref[...], preferred_element_type=jnp.float32)
    ad_ref[...] = jnp.dot(x, wd_ref[...], preferred_element_type=jnp.float32)


def _tc1(x, w1e, w1d):
    return pl.pallas_call(
        _tc1_body,
        grid=(10,),
        in_specs=[pl.BlockSpec((1000, 128), lambda i: (i, 0)),
                  pl.BlockSpec((128, 80), lambda i: (0, 0)),
                  pl.BlockSpec((128, 16), lambda i: (0, 0))],
        out_specs=[pl.BlockSpec((1000, 80), lambda i: (i, 0)),
                   pl.BlockSpec((1000, 16), lambda i: (i, 0))],
        out_shape=[jax.ShapeDtypeStruct((N, 80), jnp.float32),
                   jax.ShapeDtypeStruct((N, 16), jnp.float32)],
    )(x, w1e, w1d)


def _tc2_body(a_ref, b_ref, b8_ref, b1_ref, w2e_ref, w2d_ref, h2_ref, ad2_ref):
    acc = a_ref[...] + b_ref[...]
    msg = acc[:, :64]
    den = acc[:, 64:72] + acc[:, 72:80]
    denb = jnp.dot(den, b8_ref[...], preferred_element_type=jnp.float32)
    o1 = msg / (denb + 1e-16) + b1_ref[...]
    o1 = jnp.where(o1 > 0, o1, jnp.exp(o1) - 1.0)
    h2_ref[...] = jnp.dot(o1, w2e_ref[...], preferred_element_type=jnp.float32)
    ad2_ref[...] = jnp.dot(o1, w2d_ref[...], preferred_element_type=jnp.float32)


def _tc2(p1a, p1b, b8, b1r, w2e, w2d):
    return pl.pallas_call(
        _tc2_body,
        grid=(10,),
        in_specs=[pl.BlockSpec((1000, 80), lambda i: (i, 0)),
                  pl.BlockSpec((1000, 80), lambda i: (i, 0)),
                  pl.BlockSpec((8, 64), lambda i: (0, 0)),
                  pl.BlockSpec((1, 64), lambda i: (0, 0)),
                  pl.BlockSpec((64, 32), lambda i: (0, 0)),
                  pl.BlockSpec((64, 16), lambda i: (0, 0))],
        out_specs=[pl.BlockSpec((1000, 32), lambda i: (i, 0)),
                   pl.BlockSpec((1000, 16), lambda i: (i, 0))],
        out_shape=[jax.ShapeDtypeStruct((N, 32), jnp.float32),
                   jax.ShapeDtypeStruct((N, 16), jnp.float32)],
    )(p1a, p1b, b8, b1r, w2e, w2d)


def _tc3_body(a_ref, b_ref, b2_ref, o_ref):
    acc = a_ref[...] + b_ref[...]
    msg = acc[:, :16]
    den = acc[:, 16:17]
    o_ref[...] = msg / (den + 1e-16) + b2_ref[...]


def _tc3(p2a, p2b, b2r):
    return pl.pallas_call(
        _tc3_body,
        grid=(10,),
        in_specs=[pl.BlockSpec((1000, 32), lambda i: (i, 0)),
                  pl.BlockSpec((1000, 32), lambda i: (i, 0)),
                  pl.BlockSpec((1, 16), lambda i: (0, 0))],
        out_specs=pl.BlockSpec((1000, 16), lambda i: (i, 0)),
        out_shape=jax.ShapeDtypeStruct((N, 16), jnp.float32),
    )(p2a, p2b, b2r)



@functools.partial(
    pl.kernel, mesh=_mesh,
    compiler_params=pltpu.CompilerParams(
        use_tc_tiling_on_sc=False, needs_layout_passes=False),
    out_type=jax.ShapeDtypeStruct((2, N, 80), jnp.float32),
    scratch_types=[
        pltpu.VMEM((EPT,), jnp.int32),
        pltpu.VMEM((EPT,), jnp.int32),
        pltpu.VMEM((C,), jnp.int32),
        pltpu.VMEM((C,), jnp.int32),
        pltpu.VMEM((C, 80), jnp.float32),
        pltpu.VMEM((C, 80), jnp.float32),
        pltpu.VMEM((C, 16), jnp.float32),
        pltpu.VMEM((C, 16), jnp.float32),
        pltpu.VMEM((C, 80), jnp.float32),
        pltpu.VMEM((C, 80), jnp.float32),
        pltpu.VMEM((RPT // 3, 80), jnp.float32),
        pltpu.VMEM_SHARED((N, 80), jnp.float32),
        pltpu.SemaphoreType.DMA,
        pltpu.SemaphoreType.DMA,
        pltpu.SemaphoreType.DMA,
        pltpu.SemaphoreType.DMA,
    ],
)
def _sc1(h_hbm, ad_hbm, ei_hbm, out_hbm,
         srcb, dstb, dsc0, dsc1, hr0, hr1, ad0, ad1, or0, or1,
         zbuf, acc, sg0, sg1, ss0, ss1):
    cid = lax.axis_index("c")
    sid = lax.axis_index("s")
    wid = sid * 2 + cid
    eoff = wid * EPT

    lane = lax.iota(jnp.int32, 16)
    ge8 = lane >> 3
    lo8 = lane & 7
    zf = jnp.zeros((16,), jnp.float32)

    hrows = (hr0, hr1)
    adrows = (ad0, ad1)
    orows = (or0, or1)
    dsc = (dsc0, dsc1)
    sg = (sg0, sg1)
    ss = (ss0, ss1)

    ci0 = pltpu.async_copy(ei_hbm.at[pl.ds(eoff, EPT)], srcb, sg0)
    ci1 = pltpu.async_copy(ei_hbm.at[pl.ds(E + eoff, EPT)], dstb, sg1)

    def _zrow(r, _):
        for k in range(5):
            zbuf[r, pl.ds(16 * k, 16)] = zf
        return 0
    lax.fori_loop(0, RPT // 3, _zrow, 0)
    for j in range(3):
        pltpu.sync_copy(zbuf, acc.at[pl.ds(sid * RPT + j * (RPT // 3),
                                           RPT // 3)])

    @pl.when(sid == 0)
    def _():
        pltpu.sync_copy(zbuf.at[pl.ds(0, REM)], acc.at[pl.ds(16 * RPT, REM)])

    ci0.wait()
    ci1.wait()

    def _fire(n, b):
        pass

    def _wait_g(b):
        pass

    def _wait_s(b):
        pass

    pidx = [2 * k + ge8 for k in range(4)]
    col_a = 64 + lo8

    def _compute(n, b):
        hb, ab, ob = hrows[b], adrows[b], orows[b]
        for k in range(5):
            dsc[b][pl.ds(16 * k, 16)] = dstb[pl.ds(n * C + 16 * k, 16)]

        @plsc.parallel_loop(0, C // 2, unroll=8)
        def _pair(p):
            rsel = ge8 + 2 * p
            asrc = plsc.load_gather(hb, [rsel, col_a])
            adst = plsc.load_gather(ab, [rsel, lo8])
            s = asrc + adst
            pv = jnp.exp(jnp.maximum(s, 0.2 * s))
            ob[2 * p, pl.ds(64, 16)] = jnp.where(lane < 8, pv, 0.0)
            ob[2 * p + 1, pl.ds(64, 16)] = jnp.where(lane < 8, 0.0, pv)
            for k in range(4):
                h0 = hb[2 * p, pl.ds(16 * k, 16)]
                h1 = hb[2 * p + 1, pl.ds(16 * k, 16)]
                ob[2 * p, pl.ds(16 * k, 16)] = h0 * pv[pidx[k]]
                ob[2 * p + 1, pl.ds(16 * k, 16)] = h1 * pv[pidx[k] + 8]

        pass

    _fire(0, 0)
    _fire(1, 1)

    def _main(i, _):
        for b in (0, 1):
            n = 2 * i + b

            @pl.when(i > 0)
            def _():
                _wait_s(b)
            _wait_g(b)
            _compute(n, b)
            if b == 0:
                _fire(n + 2, 0)
            else:
                @pl.when(i < NCHUNK // 2 - 1)
                def _():
                    _fire(n + 2, 1)
        return 0

    lax.fori_loop(0, NCHUNK // 2, _main, 0)
    _wait_s(0)
    _wait_g(0)
    _compute(NCHUNK - 1, 0)
    _wait_s(0)
    _wait_s(1)
    plsc.subcore_barrier()
    pltpu.sync_copy(acc.at[pl.ds(sid * RPT, RPT)],
                    out_hbm.at[cid, pl.ds(sid * RPT, RPT)])

    @pl.when(sid == 0)
    def _():
        pltpu.sync_copy(acc.at[pl.ds(16 * RPT, REM)],
                        out_hbm.at[cid, pl.ds(16 * RPT, REM)])



@functools.partial(
    pl.kernel, mesh=_mesh,
    compiler_params=pltpu.CompilerParams(
        use_tc_tiling_on_sc=False, needs_layout_passes=False),
    out_type=jax.ShapeDtypeStruct((2, N, 32), jnp.float32),
    scratch_types=[
        pltpu.VMEM((EPT,), jnp.int32),
        pltpu.VMEM((EPT,), jnp.int32),
        pltpu.VMEM((C,), jnp.int32),
        pltpu.VMEM((C,), jnp.int32),
        pltpu.VMEM((C, 32), jnp.float32),
        pltpu.VMEM((C, 32), jnp.float32),
        pltpu.VMEM((C, 32), jnp.float32),
        pltpu.VMEM((C, 32), jnp.float32),
        pltpu.VMEM((N,), jnp.float32),
        pltpu.VMEM((RPT // 3, 32), jnp.float32),
        pltpu.VMEM_SHARED((N, 32), jnp.float32),
        pltpu.SemaphoreType.DMA,
        pltpu.SemaphoreType.DMA,
        pltpu.SemaphoreType.DMA,
        pltpu.SemaphoreType.DMA,
    ],
)
def _sc2(h2_hbm, ad2_hbm, ei_hbm, out_hbm,
         srcb, dstb, dsc0, dsc1, hr0, hr1, or0, or1, ad2v,
         zbuf, acc, sg0, sg1, ss0, ss1):
    cid = lax.axis_index("c")
    sid = lax.axis_index("s")
    wid = sid * 2 + cid
    eoff = wid * EPT

    lane = lax.iota(jnp.int32, 16)
    zf = jnp.zeros((16,), jnp.float32)
    c16 = (lane >> 4) + 16

    hrows = (hr0, hr1)
    orows = (or0, or1)
    dsc = (dsc0, dsc1)
    sg = (sg0, sg1)
    ss = (ss0, ss1)

    ci0 = pltpu.async_copy(ei_hbm.at[pl.ds(eoff, EPT)], srcb, sg0)
    ci1 = pltpu.async_copy(ei_hbm.at[pl.ds(E + eoff, EPT)], dstb, sg1)
    ci2 = pltpu.async_copy(ad2_hbm, ad2v, ss0)

    def _zrow(r, _):
        for k in range(2):
            zbuf[r, pl.ds(16 * k, 16)] = zf
        return 0
    lax.fori_loop(0, RPT // 3, _zrow, 0)
    for j in range(3):
        pltpu.sync_copy(zbuf, acc.at[pl.ds(sid * RPT + j * (RPT // 3),
                                           RPT // 3)])

    @pl.when(sid == 0)
    def _():
        pltpu.sync_copy(zbuf.at[pl.ds(0, REM)], acc.at[pl.ds(16 * RPT, REM)])

    ci0.wait()
    ci1.wait()
    ci2.wait()

    @plsc.parallel_loop(0, C, unroll=4)
    def _oinit(r):
        or0[r, pl.ds(16, 16)] = zf
        or1[r, pl.ds(16, 16)] = zf

    def _fire(n, b):
        pltpu.async_copy(h2_hbm.at[srcb.at[pl.ds(n * C, C)]], hrows[b], sg[b])

    def _wait_g(b):
        pltpu.make_async_copy(h2_hbm.at[srcb.at[pl.ds(0, C)]], hrows[b],
                              sg[b]).wait()

    def _wait_s(b):
        pltpu.make_async_copy(orows[b], acc.at[dsc[b]], ss[b]).wait()

    def _compute(n, b):
        hb, ob = hrows[b], orows[b]
        for k in range(5):
            dsc[b][pl.ds(16 * k, 16)] = dstb[pl.ds(n * C + 16 * k, 16)]

        @plsc.parallel_loop(0, C // 16, unroll=5)
        def _grp(grp):
            row16 = lane + 16 * grp
            d16 = dstb[pl.ds(n * C + 16 * grp, 16)]
            adst = plsc.load_gather(ad2v, [d16])
            asrc = plsc.load_gather(hb, [row16, c16])
            s = asrc + adst
            pv = jnp.exp(jnp.maximum(s, 0.2 * s))
            plsc.store_scatter(ob, [row16, c16], pv)
            for j in range(16):
                e = 16 * grp + j
                pb = pv[(lane >> 4) + j]
                ob[e, pl.ds(0, 16)] = hb[e, pl.ds(0, 16)] * pb

        pltpu.async_copy(orows[b], acc.at[dsc[b]], ss[b], add=True)

    _fire(0, 0)
    _fire(1, 1)

    def _main(i, _):
        for b in (0, 1):
            n = 2 * i + b

            @pl.when(i > 0)
            def _():
                _wait_s(b)
            _wait_g(b)
            _compute(n, b)
            if b == 0:
                _fire(n + 2, 0)
            else:
                @pl.when(i < NCHUNK // 2 - 1)
                def _():
                    _fire(n + 2, 1)
        return 0

    lax.fori_loop(0, NCHUNK // 2, _main, 0)
    _wait_s(0)
    _wait_g(0)
    _compute(NCHUNK - 1, 0)
    _wait_s(0)
    _wait_s(1)
    plsc.subcore_barrier()
    pltpu.sync_copy(acc.at[pl.ds(sid * RPT, RPT)],
                    out_hbm.at[cid, pl.ds(sid * RPT, RPT)])

    @pl.when(sid == 0)
    def _():
        pltpu.sync_copy(acc.at[pl.ds(16 * RPT, REM)],
                        out_hbm.at[cid, pl.ds(16 * RPT, REM)])



def kernel(x, edge_indices, W1, a1_src, a1_dst, b1, W2, a2_src, a2_dst, b2):
    ei = edge_indices.reshape(-1)

    w1r = W1.reshape(128, 8, 8)
    v1s = jnp.einsum("dhj,hj->dh", w1r, a1_src)
    v1d = jnp.einsum("dhj,hj->dh", w1r, a1_dst)
    w1e = jnp.concatenate([W1, v1s, jnp.zeros((128, 8), jnp.float32)], axis=1)
    w1de = jnp.concatenate([v1d, jnp.zeros((128, 8), jnp.float32)], axis=1)

    v2s = W2 @ a2_src[0]
    v2d = W2 @ a2_dst[0]
    w2e = jnp.concatenate([W2, v2s[:, None],
                           jnp.zeros((64, 15), jnp.float32)], axis=1)
    w2de = jnp.concatenate([v2d[:, None],
                            jnp.zeros((64, 15), jnp.float32)], axis=1)
    b8 = jnp.kron(jnp.eye(8, dtype=jnp.float32),
                  jnp.ones((1, 8), jnp.float32))

    h1, ad1 = _tc1(x, w1e, w1de)
    p1 = _sc1(h1, ad1, ei)
    h2, ad2w = _tc2(p1[0], p1[1], b8, b1[None, :], w2e, w2de)
    ad2 = ad2w[:, 0]
    p2 = _sc2(h2, ad2, ei)
    return _tc3(p2[0], p2[1], b2[None, :])

# --- scband reference (transcript-rebuilt; emitter-appended) ---
"""Pipeline reference for scband-gatmodel-32925219291644 (READ-ONLY COPY).

The authoritative reference and input builder live on the scoring server;
editing this copy changes nothing except your own understanding.
"""

import jax, jax.numpy as jnp
import numpy as np

N = 10000
E = 320000
D_IN = 128
HIDDEN = 64
HEADS1 = 8
DH1 = HIDDEN // HEADS1
N_CLASSES = 16


def gat_layer(x, edge_index, W, a_src, a_dst, b, heads, dh):
    n = x.shape[0]
    h = (x @ W).reshape(n, heads, dh)
    src = edge_index[0]
    dst = edge_index[1]
    alpha_src = jnp.sum(h * a_src[None, :, :], axis=-1)  # [N, heads]
    alpha_dst = jnp.sum(h * a_dst[None, :, :], axis=-1)  # [N, heads]
    e = jax.nn.leaky_relu(alpha_src[src] + alpha_dst[dst], negative_slope=0.2)  # [E, heads]
    # numerically-stable segment softmax over incoming edges of each dst node
    e_max = jax.lax.stop_gradient(jax.ops.segment_max(e, dst, num_segments=n))
    e_exp = jnp.exp(e - e_max[dst])
    denom = jax.ops.segment_sum(e_exp, dst, num_segments=n)
    alpha = e_exp / (denom[dst] + 1e-16)  # [E, heads]
    msg = h[src] * alpha[..., None]  # [E, heads, dh]
    out = jax.ops.segment_sum(msg, dst, num_segments=n)  # [N, heads, dh]
    return out.reshape(n, heads * dh) + b


def setup_inputs(seed: int = 0) -> dict:
    key = jax.random.key(seed)
    ks = jax.random.split(key, 12)
    x = jax.random.normal(ks[0], (N, D_IN), dtype=jnp.float32)
    edge_indices = jax.random.randint(ks[1], (2, E), 0, N)
    W1 = jax.random.normal(ks[2], (D_IN, HIDDEN), dtype=jnp.float32) * (1.0 / np.sqrt(D_IN))
    a1_src = jax.random.normal(ks[3], (HEADS1, DH1), dtype=jnp.float32) * (1.0 / np.sqrt(DH1))
    a1_dst = jax.random.normal(ks[4], (HEADS1, DH1), dtype=jnp.float32) * (1.0 / np.sqrt(DH1))
    b1 = jnp.zeros((HIDDEN,), dtype=jnp.float32)
    W2 = jax.random.normal(ks[5], (HIDDEN, N_CLASSES), dtype=jnp.float32) * (1.0 / np.sqrt(HIDDEN))
    a2_src = jax.random.normal(ks[6], (1, N_CLASSES), dtype=jnp.float32) * (1.0 / np.sqrt(N_CLASSES))
    a2_dst = jax.random.normal(ks[7], (1, N_CLASSES), dtype=jnp.float32) * (1.0 / np.sqrt(N_CLASSES))
    b2 = jnp.zeros((N_CLASSES,), dtype=jnp.float32)
    return {"x": x, "edge_indices": edge_indices, "W1": W1, "a1_src": a1_src, "a1_dst": a1_dst, "b1": b1, "W2": W2, "a2_src": a2_src, "a2_dst": a2_dst, "b2": b2}


def reference(x, edge_indices, W1, a1_src, a1_dst, b1, W2, a2_src, a2_dst, b2):
    # dropout p=0.0 (eval) -> identity
    h = gat_layer(x, edge_indices, W1, a1_src, a1_dst, b1, HEADS1, DH1)
    h = jax.nn.elu(h)
    out = gat_layer(h, edge_indices, W2, a2_src, a2_dst, b2, 1, N_CLASSES)
    return out

if __name__ == "__main__":
    import jax
    _d = setup_inputs()
    print(jax.jit(kernel)(*tuple(_d.values())))

</pallas_src>

<mosaic_0001>
#map = affine_map<(d0, d1) -> (0, 0)>
#map1 = affine_map<(d0, d1) -> (0)>
#map2 = affine_map<(d0, d1) -> (0, 0, 0)>
module attributes {stable_mosaic.version = 14 : i64} {
  func.func @_sc1(%arg0: i32, %arg1: i32, %arg2: memref<10000x80xf32, #tpu.memory_space<hbm>>, %arg3: memref<10000x16xf32, #tpu.memory_space<hbm>>, %arg4: memref<640000xi32, #tpu.memory_space<hbm>>, %arg5: memref<2x10000x80xf32, #tpu.memory_space<hbm>>, %arg6: memref<10000xi32, #tpu.memory_space<vmem>>, %arg7: memref<10000xi32, #tpu.memory_space<vmem>>, %arg8: memref<80xi32, #tpu.memory_space<vmem>>, %arg9: memref<80xi32, #tpu.memory_space<vmem>>, %arg10: memref<80x80xf32, #tpu.memory_space<vmem>>, %arg11: memref<80x80xf32, #tpu.memory_space<vmem>>, %arg12: memref<80x16xf32, #tpu.memory_space<vmem>>, %arg13: memref<80x16xf32, #tpu.memory_space<vmem>>, %arg14: memref<80x80xf32, #tpu.memory_space<vmem>>, %arg15: memref<80x80xf32, #tpu.memory_space<vmem>>, %arg16: memref<208x80xf32, #tpu.memory_space<vmem>>, %arg17: memref<10000x80xf32, #tpu.memory_space<vmem_shared>>, %arg18: memref<!tpu.dma_semaphore, #tpu.memory_space<semaphore_mem>>, %arg19: memref<!tpu.dma_semaphore, #tpu.memory_space<semaphore_mem>>, %arg20: memref<!tpu.dma_semaphore, #tpu.memory_space<semaphore_mem>>, %arg21: memref<!tpu.dma_semaphore, #tpu.memory_space<semaphore_mem>>) attributes {dimension_semantics = [#tpu.dimension_semantics<core_parallel>, #tpu.dimension_semantics<subcore_parallel>], iteration_bounds = array<i64: 2, 16>, scalar_prefetch = 0 : i64, scratch_operands = 16 : i64, tpu.core_type = #tpu.core_type<sc_vector_subcore>, window_params = [{transform_indices = #map}, {transform_indices = #map}, {transform_indices = #map1}, {transform_indices = #map2}]} {
    %mul3A = arith.constant 2 : i32
    %mul3A_0 = arith.muli %arg1, %mul3A : i32
    %add3A = arith.addi %mul3A_0, %arg0 : i32
    %mul3A_1 = arith.constant 10000 : i32
    %mul3A_2 = arith.muli %add3A, %mul3A_1 : i32
    %iota3A = tpu.iota {dimensions = array<i32: 0>} : vector<16xi32>
    %shift_right_arithmetic3A = arith.constant 3 : i32
    %shift_right_arithmetic3A_3 = vector.broadcast %shift_right_arithmetic3A : i32 to vector<16xi32>
    %shift_right_arithmetic3A_4 = arith.shrsi %iota3A, %shift_right_arithmetic3A_3 : vector<16xi32>
    %and3A = arith.constant 7 : i32
    %and3A_5 = vector.broadcast %and3A : i32 to vector<16xi32>
    %and3A_6 = arith.andi %iota3A, %and3A_5 : vector<16xi32>
    %broadcast_in_dim3A = arith.constant 0.000000e+00 : f32
    %broadcast_in_dim3A_7 = vector.broadcast %broadcast_in_dim3A : f32 to vector<16xf32>
    %dma_start3A = tpu.memref_slice %arg4[%mul3A_2] : memref<640000xi32, #tpu.memory_space<hbm>> -> memref<10000xi32, #tpu.memory_space<hbm>>
    %dma_start3A_8 = tpu.memref_slice %arg4[%mul3A_2] : memref<640000xi32, #tpu.memory_space<hbm>> -> memref<10000xi32, #tpu.memory_space<hbm>>
    tpu.enqueue_dma source(%dma_start3A_8 : memref<10000xi32, #tpu.memory_space<hbm>>) target(%arg6 : memref<10000xi32, #tpu.memory_space<vmem>>) target_semaphore(%arg18 : memref<!tpu.dma_semaphore, #tpu.memory_space<semaphore_mem>>)
    %add3A_9 = arith.constant 320000 : i32
    %add3A_10 = arith.addi %add3A_9, %mul3A_2 : i32
    %dma_start3A_11 = tpu.memref_slice %arg4[%add3A_10] : memref<640000xi32, #tpu.memory_space<hbm>> -> memref<10000xi32, #tpu.memory_space<hbm>>
    %dma_start3A_12 = tpu.memref_slice %arg4[%add3A_10] : memref<640000xi32, #tpu.memory_space<hbm>> -> memref<10000xi32, #tpu.memory_space<hbm>>
    tpu.enqueue_dma source(%dma_start3A_12 : memref<10000xi32, #tpu.memory_space<hbm>>) target(%arg7 : memref<10000xi32, #tpu.memory_space<vmem>>) target_semaphore(%arg19 : memref<!tpu.dma_semaphore, #tpu.memory_space<semaphore_mem>>)
    %scan3A = arith.constant 0 : i32
    %scan3A_13 = arith.constant 0 : i32
    %scan3A_14 = arith.constant 208 : i32
    %scan3A_15 = arith.addi %scan3A_13, %scan3A_14 : i32
    %scan3A_16 = arith.constant 1 : i32
    %scan3A_17 = scf.for %scan3A_87 = %scan3A_13 to %scan3A_15 step %scan3A_16 iter_args(%scan3A_88 = %scan3A) -> (i32)  : i32 {
      %swap3A_89 = arith.index_cast %scan3A_87 : i32 to index
      %swap3A_90 = arith.constant 0 : index
      %swap3A_91 = tpu.vector_load %arg16[%swap3A_89, %swap3A_90] {strides = array<i32>} : memref<208x80xf32, #tpu.memory_space<vmem>>, vector<16xf32>,
      tpu.vector_store %arg16[%swap3A_89, %swap3A_90], %broadcast_in_dim3A_7 {strides = array<i32>} : memref<208x80xf32, #tpu.memory_space<vmem>>, vector<16xf32>,
      %swap3A_92 = arith.index_cast %scan3A_87 : i32 to index
      %swap3A_93 = arith.constant 16 : index
      %swap3A_94 = tpu.vector_load %arg16[%swap3A_92, %swap3A_93] {strides = array<i32>} : memref<208x80xf32, #tpu.memory_space<vmem>>, vector<16xf32>,
      tpu.vector_store %arg16[%swap3A_92, %swap3A_93], %broadcast_in_dim3A_7 {strides = array<i32>} : memref<208x80xf32, #tpu.memory_space<vmem>>, vector<16xf32>,
      %swap3A_95 = arith.index_cast %scan3A_87 : i32 to index
      %swap3A_96 = arith.constant 32 : index
      %swap3A_97 = tpu.vector_load %arg16[%swap3A_95, %swap3A_96] {strides = array<i32>} : memref<208x80xf32, #tpu.memory_space<vmem>>, vector<16xf32>,
      tpu.vector_store %arg16[%swap3A_95, %swap3A_96], %broadcast_in_dim3A_7 {strides = array<i32>} : memref<208x80xf32, #tpu.memory_space<vmem>>, vector<16xf32>,
      %swap3A_98 = arith.index_cast %scan3A_87 : i32 to index
      %swap3A_99 = arith.constant 48 : index
      %swap3A_100 = tpu.vector_load %arg16[%swap3A_98, %swap3A_99] {strides = array<i32>} : memref<208x80xf32, #tpu.memory_space<vmem>>, vector<16xf32>,
      tpu.vector_store %arg16[%swap3A_98, %swap3A_99], %broadcast_in_dim3A_7 {strides = array<i32>} : memref<208x80xf32, #tpu.memory_space<vmem>>, vector<16xf32>,
      %swap3A_101 = arith.index_cast %scan3A_87 : i32 to index
      %swap3A_102 = arith.constant 64 : index
      %swap3A_103 = tpu.vector_load %arg16[%swap3A_101, %swap3A_102] {strides = array<i32>} : memref<208x80xf32, #tpu.memory_space<vmem>>, vector<16xf32>,
      tpu.vector_store %arg16[%swap3A_101, %swap3A_102], %broadcast_in_dim3A_7 {strides = array<i32>} : memref<208x80xf32, #tpu.memory_space<vmem>>, vector<16xf32>,
      %scan3A_104 = arith.constant 0 : i32
      scf.yield %scan3A_104 : i32
    }
    %scan3A_18 = arith.constant 208 : i32
    %mul3A_19 = arith.constant 624 : i32
    %mul3A_20 = arith.muli %arg1, %mul3A_19 : i32
    %add3A_21 = arith.constant 0 : i32
    %add3A_22 = arith.addi %mul3A_20, %add3A_21 : i32
    "tpu.region"() ({
      %run_scoped3A = tpu.sem_alloc : memref<!tpu.dma_semaphore, #tpu.memory_space<semaphore_mem>>
      %dma_start3A_87 = arith.constant 0 : i32
      %dma_start3A_88 = tpu.memref_slice %arg17[%add3A_22, %dma_start3A_87] : memref<10000x80xf32, #tpu.memory_space<vmem_shared>> -> memref<208x80xf32, #tpu.memory_space<vmem_shared>>
      %dma_start3A_89 = arith.constant 0 : i32
      %dma_start3A_90 = tpu.memref_slice %arg17[%add3A_22, %dma_start3A_89] : memref<10000x80xf32, #tpu.memory_space<vmem_shared>> -> memref<208x80xf32, #tpu.memory_space<vmem_shared>>
      tpu.enqueue_dma source(%arg16 : memref<208x80xf32, #tpu.memory_space<vmem>>) target(%dma_start3A_90 : memref<208x80xf32, #tpu.memory_space<vmem_shared>>) target_semaphore(%run_scoped3A : memref<!tpu.dma_semaphore, #tpu.memory_space<semaphore_mem>>)
      %dma_wait3A_91 = arith.constant 0 : i32
      %dma_wait3A_92 = tpu.memref_slice %arg17[%add3A_22, %dma_wait3A_91] : memref<10000x80xf32, #tpu.memory_space<vmem_shared>> -> memref<208x80xf32, #tpu.memory_space<vmem_shared>>
      %dma_wait3A_93 = arith.constant 0 : i32
      %dma_wait3A_94 = tpu.memref_slice %arg17[%add3A_22, %dma_wait3A_93] : memref<10000x80xf32, #tpu.memory_space<vmem_shared>> -> memref<208x80xf32, #tpu.memory_space<vmem_shared>>
      tpu.wait_dma2 semaphore(%run_scoped3A : memref<!tpu.dma_semaphore, #tpu.memory_space<semaphore_mem>>) src(%arg16 : memref<208x80xf32, #tpu.memory_space<vmem>>) dst(%dma_wait3A_94 : memref<208x80xf32, #tpu.memory_space<vmem_shared>>)
      tpu.yield
    }) : () -> ()
    %mul3A_23 = arith.constant 624 : i32
    %mul3A_24 = arith.muli %arg1, %mul3A_23 : i32
    %add3A_25 = arith.constant 208 : i32
    %add3A_26 = arith.addi %mul3A_24, %add3A_25 : i32
    "tpu.region"() ({
      %run_scoped3A = tpu.sem_alloc : memref<!tpu.dma_semaphore, #tpu.memory_space<semaphore_mem>>
      %dma_start3A_87 = arith.constant 0 : i32
      %dma_start3A_88 = tpu.memref_slice %arg17[%add3A_26, %dma_start3A_87] : memref<10000x80xf32, #tpu.memory_space<vmem_shared>> -> memref<208x80xf32, #tpu.memory_space<vmem_shared>>
      %dma_start3A_89 = arith.constant 0 : i32
      %dma_start3A_90 = tpu.memref_slice %arg17[%add3A_26, %dma_start3A_89] : memref<10000x80xf32, #tpu.memory_space<vmem_shared>> -> memref<208x80xf32, #tpu.memory_space<vmem_shared>>
      tpu.enqueue_dma source(%arg16 : memref<208x80xf32, #tpu.memory_space<vmem>>) target(%dma_start3A_90 : memref<208x80xf32, #tpu.memory_space<vmem_shared>>) target_semaphore(%run_scoped3A : memref<!tpu.dma_semaphore, #tpu.memory_space<semaphore_mem>>)
      %dma_wait3A_91 = arith.constant 0 : i32
      %dma_wait3A_92 = tpu.memref_slice %arg17[%add3A_26, %dma_wait3A_91] : memref<10000x80xf32, #tpu.memory_space<vmem_shared>> -> memref<208x80xf32, #tpu.memory_space<vmem_shared>>
      %dma_wait3A_93 = arith.constant 0 : i32
      %dma_wait3A_94 = tpu.memref_slice %arg17[%add3A_26, %dma_wait3A_93] : memref<10000x80xf32, #tpu.memory_space<vmem_shared>> -> memref<208x80xf32, #tpu.memory_space<vmem_shared>>
      tpu.wait_dma2 semaphore(%run_scoped3A : memref<!tpu.dma_semaphore, #tpu.memory_space<semaphore_mem>>) src(%arg16 : memref<208x80xf32, #tpu.memory_space<vmem>>) dst(%dma_wait3A_94 : memref<208x80xf32, #tpu.memory_space<vmem_shared>>)
      tpu.yield
    }) : () -> ()
    %mul3A_27 = arith.constant 624 : i32
    %mul3A_28 = arith.muli %arg1, %mul3A_27 : i32
    %add3A_29 = arith.constant 416 : i32
    %add3A_30 = arith.addi %mul3A_28, %add3A_29 : i32
    "tpu.region"() ({
      %run_scoped3A = tpu.sem_alloc : memref<!tpu.dma_semaphore, #tpu.memory_space<semaphore_mem>>
      %dma_start3A_87 = arith.constant 0 : i32
      %dma_start3A_88 = tpu.memref_slice %arg17[%add3A_30, %dma_start3A_87] : memref<10000x80xf32, #tpu.memory_space<vmem_shared>> -> memref<208x80xf32, #tpu.memory_space<vmem_shared>>
      %dma_start3A_89 = arith.constant 0 : i32
      %dma_start3A_90 = tpu.memref_slice %arg17[%add3A_30, %dma_start3A_89] : memref<10000x80xf32, #tpu.memory_space<vmem_shared>> -> memref<208x80xf32, #tpu.memory_space<vmem_shared>>
      tpu.enqueue_dma source(%arg16 : memref<208x80xf32, #tpu.memory_space<vmem>>) target(%dma_start3A_90 : memref<208x80xf32, #tpu.memory_space<vmem_shared>>) target_semaphore(%run_scoped3A : memref<!tpu.dma_semaphore, #tpu.memory_space<semaphore_mem>>)
      %dma_wait3A_91 = arith.constant 0 : i32
      %dma_wait3A_92 = tpu.memref_slice %arg17[%add3A_30, %dma_wait3A_91] : memref<10000x80xf32, #tpu.memory_space<vmem_shared>> -> memref<208x80xf32, #tpu.memory_space<vmem_shared>>
      %dma_wait3A_93 = arith.constant 0 : i32
      %dma_wait3A_94 = tpu.memref_slice %arg17[%add3A_30, %dma_wait3A_93] : memref<10000x80xf32, #tpu.memory_space<vmem_shared>> -> memref<208x80xf32, #tpu.memory_space<vmem_shared>>
      tpu.wait_dma2 semaphore(%run_scoped3A : memref<!tpu.dma_semaphore, #tpu.memory_space<semaphore_mem>>) src(%arg16 : memref<208x80xf32, #tpu.memory_space<vmem>>) dst(%dma_wait3A_94 : memref<208x80xf32, #tpu.memory_space<vmem_shared>>)
      tpu.yield
    }) : () -> ()
    %eq3A = arith.constant 0 : i32
    %eq3A_31 = arith.cmpi eq, %arg1, %eq3A : i32
    %convert_element_type3A = arith.extui %eq3A_31 : i1 to i32
    %cond3A = arith.constant 0 : i32
    %cond3A_32 = arith.cmpi ne, %convert_element_type3A, %cond3A : i32
    scf.if %cond3A_32 {
      "tpu.region"() ({
        %run_scoped3A = tpu.sem_alloc : memref<!tpu.dma_semaphore, #tpu.memory_space<semaphore_mem>>
        %dma_start3A_87 = arith.constant 0 : i32
        %dma_start3A_88 = arith.constant 0 : i32
        %dma_start3A_89 = tpu.memref_slice %arg16[%dma_start3A_87, %dma_start3A_88] : memref<208x80xf32, #tpu.memory_space<vmem>> -> memref<16x80xf32, #tpu.memory_space<vmem>>
        %dma_start3A_90 = arith.constant 9984 : i32
        %dma_start3A_91 = arith.constant 0 : i32
        %dma_start3A_92 = tpu.memref_slice %arg17[%dma_start3A_90, %dma_start3A_91] : memref<10000x80xf32, #tpu.memory_space<vmem_shared>> -> memref<16x80xf32, #tpu.memory_space<vmem_shared>>
        %dma_start3A_93 = arith.constant 9984 : i32
        %dma_start3A_94 = arith.constant 0 : i32
        %dma_start3A_95 = tpu.memref_slice %arg17[%dma_start3A_93, %dma_start3A_94] : memref<10000x80xf32, #tpu.memory_space<vmem_shared>> -> memref<16x80xf32, #tpu.memory_space<vmem_shared>>
        %dma_start3A_96 = arith.constant 0 : i32
        %dma_start3A_97 = arith.constant 0 : i32
        %dma_start3A_98 = tpu.memref_slice %arg16[%dma_start3A_96, %dma_start3A_97] : memref<208x80xf32, #tpu.memory_space<vmem>> -> memref<16x80xf32, #tpu.memory_space<vmem>>
        tpu.enqueue_dma source(%dma_start3A_98 : memref<16x80xf32, #tpu.memory_space<vmem>>) target(%dma_start3A_95 : memref<16x80xf32, #tpu.memory_space<vmem_shared>>) target_semaphore(%run_scoped3A : memref<!tpu.dma_semaphore, #tpu.memory_space<semaphore_mem>>)
        %dma_wait3A_99 = arith.constant 0 : i32
        %dma_wait3A_100 = arith.constant 0 : i32
        %dma_wait3A_101 = tpu.memref_slice %arg16[%dma_wait3A_99, %dma_wait3A_100] : memref<208x80xf32, #tpu.memory_space<vmem>> -> memref<16x80xf32, #tpu.memory_space<vmem>>
        %dma_wait3A_102 = arith.constant 9984 : i32
        %dma_wait3A_103 = arith.constant 0 : i32
        %dma_wait3A_104 = tpu.memref_slice %arg17[%dma_wait3A_102, %dma_wait3A_103] : memref<10000x80xf32, #tpu.memory_space<vmem_shared>> -> memref<16x80xf32, #tpu.memory_space<vmem_shared>>
        %dma_wait3A_105 = arith.constant 9984 : i32
        %dma_wait3A_106 = arith.constant 0 : i32
        %dma_wait3A_107 = tpu.memref_slice %arg17[%dma_wait3A_105, %dma_wait3A_106] : memref<10000x80xf32, #tpu.memory_space<vmem_shared>> -> memref<16x80xf32, #tpu.memory_space<vmem_shared>>
        %dma_wait3A_108 = arith.constant 0 : i32
        %dma_wait3A_109 = arith.constant 0 : i32
        %dma_wait3A_110 = tpu.memref_slice %arg16[%dma_wait3A_108, %dma_wait3A_109] : memref<208x80xf32, #tpu.memory_space<vmem>> -> memref<16x80xf32, #tpu.memory_space<vmem>>
        tpu.wait_dma2 semaphore(%run_scoped3A : memref<!tpu.dma_semaphore, #tpu.memory_space<semaphore_mem>>) src(%dma_wait3A_110 : memref<16x80xf32, #tpu.memory_space<vmem>>) dst(%dma_wait3A_107 : memref<16x80xf32, #tpu.memory_space<vmem_shared>>)
        tpu.yield
      }) : () -> ()
    } else {
    }
    %dma_wait3A = tpu.memref_slice %arg4[%mul3A_2] : memref<640000xi32, #tpu.memory_space<hbm>> -> memref<10000xi32, #tpu.memory_space<hbm>>
    %dma_wait3A_33 = tpu.memref_slice %arg4[%mul3A_2] : memref<640000xi32, #tpu.memory_space<hbm>> -> memref<10000xi32, #tpu.memory_space<hbm>>
    tpu.wait_dma2 semaphore(%arg18 : memref<!tpu.dma_semaphore, #tpu.memory_space<semaphore_mem>>) src(%dma_wait3A_33 : memref<10000xi32, #tpu.memory_space<hbm>>) dst(%arg6 : memref<10000xi32, #tpu.memory_space<vmem>>)
    %dma_wait3A_34 = tpu.memref_slice %arg4[%add3A_10] : memref<640000xi32, #tpu.memory_space<hbm>> -> memref<10000xi32, #tpu.memory_space<hbm>>
    %dma_wait3A_35 = tpu.memref_slice %arg4[%add3A_10] : memref<640000xi32, #tpu.memory_space<hbm>> -> memref<10000xi32, #tpu.memory_space<hbm>>
    tpu.wait_dma2 semaphore(%arg19 : memref<!tpu.dma_semaphore, #tpu.memory_space<semaphore_mem>>) src(%dma_wait3A_35 : memref<10000xi32, #tpu.memory_space<hbm>>) dst(%arg7 : memref<10000xi32, #tpu.memory_space<vmem>>)
    %add3A_36 = arith.constant 0 : i32
    %add3A_37 = vector.broadcast %add3A_36 : i32 to vector<16xi32>
    %add3A_38 = arith.addi %add3A_37, %shift_right_arithmetic3A_4 : vector<16xi32>
    %add3A_39 = arith.constant 2 : i32
    %add3A_40 = vector.broadcast %add3A_39 : i32 to vector<16xi32>
    %add3A_41 = arith.addi %add3A_40, %shift_right_arithmetic3A_4 : vector<16xi32>
    %add3A_42 = arith.constant 4 : i32
    %add3A_43 = vector.broadcast %add3A_42 : i32 to vector<16xi32>
    %add3A_44 = arith.addi %add3A_43, %shift_right_arithmetic3A_4 : vector<16xi32>
    %add3A_45 = arith.constant 6 : i32
    %add3A_46 = vector.broadcast %add3A_45 : i32 to vector<16xi32>
    %add3A_47 = arith.addi %add3A_46, %shift_right_arithmetic3A_4 : vector<16xi32>
    %add3A_48 = arith.constant 64 : i32
    %add3A_49 = vector.broadcast %add3A_48 : i32 to vector<16xi32>
    %add3A_50 = arith.addi %add3A_49, %and3A_6 : vector<16xi32>
    %scan3A_51 = arith.constant 0 : i32
    %scan3A_52 = arith.constant 0 : i32
    %scan3A_53 = arith.constant 62 : i32
    %scan3A_54 = arith.addi %scan3A_52, %scan3A_53 : i32
    %scan3A_55 = arith.constant 1 : i32
    %scan3A_56 = scf.for %scan3A_87 = %scan3A_52 to %scan3A_54 step %scan3A_55 iter_args(%scan3A_88 = %scan3A_51) -> (i32)  : i32 {
      %mul3A_89 = arith.constant 2 : i32
      %mul3A_90 = arith.muli %mul3A_89, %scan3A_87 : i32
      %add3A_91 = arith.constant 0 : i32
      %add3A_92 = arith.addi %mul3A_90, %add3A_91 : i32
      %gt3A = arith.constant 0 : i32
      %gt3A_93 = arith.cmpi sgt, %scan3A_87, %gt3A : i32
      %convert_element_type3A_94 = arith.extui %gt3A_93 : i1 to i32
      %cond3A_95 = arith.constant 0 : i32
      %cond3A_96 = arith.cmpi ne, %convert_element_type3A_94, %cond3A_95 : i32
      scf.if %cond3A_96 {
      } else {
      }
      %mul3A_97 = arith.constant 80 : i32
      %mul3A_98 = arith.muli %add3A_92, %mul3A_97 : i32
      %add3A_99 = arith.constant 0 : i32
      %add3A_100 = arith.addi %mul3A_98, %add3A_99 : i32
      %get3A_101 = arith.index_cast %add3A_100 : i32 to index
      %get3A_102 = tpu.vector_load %arg7[%get3A_101] {strides = array<i32>} : memref<10000xi32, #tpu.memory_space<vmem>>, vector<16xi32>,
      %swap3A_103 = arith.constant 0 : index
      %swap3A_104 = tpu.vector_load %arg8[%swap3A_103] {strides = array<i32>} : memref<80xi32, #tpu.memory_space<vmem>>, vector<16xi32>,
      tpu.vector_store %arg8[%swap3A_103], %get3A_102 {strides = array<i32>} : memref<80xi32, #tpu.memory_space<vmem>>, vector<16xi32>,
      %mul3A_105 = arith.constant 80 : i32
      %mul3A_106 = arith.muli %add3A_92, %mul3A_105 : i32
      %add3A_107 = arith.constant 16 : i32
      %add3A_108 = arith.addi %mul3A_106, %add3A_107 : i32
      %get3A_109 = arith.index_cast %add3A_108 : i32 to index
      %get3A_110 = tpu.vector_load %arg7[%get3A_109] {strides = array<i32>} : memref<10000xi32, #tpu.memory_space<vmem>>, vector<16xi32>,
      %swap3A_111 = arith.constant 16 : index
      %swap3A_112 = tpu.vector_load %arg8[%swap3A_111] {strides = array<i32>} : memref<80xi32, #tpu.memory_space<vmem>>, vector<16xi32>,
      tpu.vector_store %arg8[%swap3A_111], %get3A_110 {strides = array<i32>} : memref<80xi32, #tpu.memory_space<vmem>>, vector<16xi32>,
      %mul3A_113 = arith.constant 80 : i32
      %mul3A_114 = arith.muli %add3A_92, %mul3A_113 : i32
      %add3A_115 = arith.constant 32 : i32
      %add3A_116 = arith.addi %mul3A_114, %add3A_115 : i32
      %get3A_117 = arith.index_cast %add3A_116 : i32 to index
      %get3A_118 = tpu.vector_load %arg7[%get3A_117] {strides = array<i32>} : memref<10000xi32, #tpu.memory_space<vmem>>, vector<16xi32>,
      %swap3A_119 = arith.constant 32 : index
      %swap3A_120 = tpu.vector_load %arg8[%swap3A_119] {strides = array<i32>} : memref<80xi32, #tpu.memory_space<vmem>>, vector<16xi32>,
      tpu.vector_store %arg8[%swap3A_119], %get3A_118 {strides = array<i32>} : memref<80xi32, #tpu.memory_space<vmem>>, vector<16xi32>,
      %mul3A_121 = arith.constant 80 : i32
      %mul3A_122 = arith.muli %add3A_92, %mul3A_121 : i32
      %add3A_123 = arith.constant 48 : i32
      %add3A_124 = arith.addi %mul3A_122, %add3A_123 : i32
      %get3A_125 = arith.index_cast %add3A_124 : i32 to index
      %get3A_126 = tpu.vector_load %arg7[%get3A_125] {strides = array<i32>} : memref<10000xi32, #tpu.memory_space<vmem>>, vector<16xi32>,
      %swap3A_127 = arith.constant 48 : index
      %swap3A_128 = tpu.vector_load %arg8[%swap3A_127] {strides = array<i32>} : memref<80xi32, #tpu.memory_space<vmem>>, vector<16xi32>,
      tpu.vector_store %arg8[%swap3A_127], %get3A_126 {strides = array<i32>} : memref<80xi32, #tpu.memory_space<vmem>>, vector<16xi32>,
      %mul3A_129 = arith.constant 80 : i32
      %mul3A_130 = arith.muli %add3A_92, %mul3A_129 : i32
      %add3A_131 = arith.constant 64 : i32
      %add3A_132 = arith.addi %mul3A_130, %add3A_131 : i32
      %get3A_133 = arith.index_cast %add3A_132 : i32 to index
      %get3A_134 = tpu.vector_load %arg7[%get3A_133] {strides = array<i32>} : memref<10000xi32, #tpu.memory_space<vmem>>, vector<16xi32>,
      %swap3A_135 = arith.constant 64 : index
      %swap3A_136 = tpu.vector_load %arg8[%swap3A_135] {strides = array<i32>} : memref<80xi32, #tpu.memory_space<vmem>>, vector<16xi32>,
      tpu.vector_store %arg8[%swap3A_135], %get3A_134 {strides = array<i32>} : memref<80xi32, #tpu.memory_space<vmem>>, vector<16xi32>,
      %parallel_loop3A_137 = arith.constant 0 : i32
      %parallel_loop3A_138 = arith.constant 40 : i32
      %parallel_loop3A_139 = arith.constant 1 : i32
      scf.for %parallel_loop3A_199 = %parallel_loop3A_137 to %parallel_loop3A_138 step %parallel_loop3A_139  : i32 {
        %parallel_loop3A_200 = arith.constant 2 : i32
        %parallel_loop3A_201 = arith.muli %parallel_loop3A_200, %parallel_loop3A_199 : i32
        %parallel_loop3A_202 = vector.broadcast %parallel_loop3A_201 : i32 to vector<16xi32>
        %parallel_loop3A_203 = arith.addi %shift_right_arithmetic3A_4, %parallel_loop3A_202 : vector<16xi32>
        %parallel_loop3A_204 = tpu.vector_load_idx %arg10[%parallel_loop3A_203, %add3A_50] : memref<80x80xf32, #tpu.memory_space<vmem>>[vector<16xi32>, vector<16xi32>], vector<16xf32>,
        %parallel_loop3A_205 = tpu.vector_load_idx %arg12[%parallel_loop3A_203, %and3A_6] : memref<80x16xf32, #tpu.memory_space<vmem>>[vector<16xi32>, vector<16xi32>], vector<16xf32>,
        %parallel_loop3A_206 = arith.addf %parallel_loop3A_204, %parallel_loop3A_205 : vector<16xf32>
        %parallel_loop3A_207 = arith.constant 2.000000e-01 : f32
        %parallel_loop3A_208 = vector.broadcast %parallel_loop3A_207 : f32 to vector<16xf32>
        %parallel_loop3A_209 = arith.mulf %parallel_loop3A_208, %parallel_loop3A_206 : vector<16xf32>
        %parallel_loop3A_210 = arith.maximumf %parallel_loop3A_206, %parallel_loop3A_209 : vector<16xf32>
        %parallel_loop3A_211 = math.exp %parallel_loop3A_210 : vector<16xf32>
        %parallel_loop3A_212 = arith.constant 8 : i32
        %parallel_loop3A_213 = vector.broadcast %parallel_loop3A_212 : i32 to vector<16xi32>
        %parallel_loop3A_214 = arith.cmpi slt, %iota3A, %parallel_loop3A_213 : vector<16xi32>
        %parallel_loop3A_215 = arith.constant 0.000000e+00 : f32
        %parallel_loop3A_216 = vector.broadcast %parallel_loop3A_215 : f32 to vector<16xf32>
        %parallel_loop3A_217 = arith.select %parallel_loop3A_214, %parallel_loop3A_211, %parallel_loop3A_216 : vector<16xi1>, vector<16xf32>
        %parallel_loop3A_218 = arith.constant 2 : i32
        %parallel_loop3A_219 = arith.muli %parallel_loop3A_218, %parallel_loop3A_199 : i32
        %parallel_loop3A_220 = arith.index_cast %parallel_loop3A_219 : i32 to index
        %parallel_loop3A_221 = arith.constant 64 : index
        %parallel_loop3A_222 = tpu.vector_load %arg14[%parallel_loop3A_220, %parallel_loop3A_221] {strides = array<i32>} : memref<80x80xf32, #tpu.memory_space<vmem>>, vector<16xf32>,
        tpu.vector_store %arg14[%parallel_loop3A_220, %parallel_loop3A_221], %parallel_loop3A_217 {strides = array<i32>} : memref<80x80xf32, #tpu.memory_space<vmem>>, vector<16xf32>,
        %parallel_loop3A_223 = arith.constant 8 : i32
        %parallel_loop3A_224 = vector.broadcast %parallel_loop3A_223 : i32 to vector<16xi32>
        %parallel_loop3A_225 = arith.cmpi slt, %iota3A, %parallel_loop3A_224 : vector<16xi32>
        %parallel_loop3A_226 = arith.constant 0.000000e+00 : f32
        %parallel_loop3A_227 = vector.broadcast %parallel_loop3A_226 : f32 to vector<16xf32>
        %parallel_loop3A_228 = arith.select %parallel_loop3A_225, %parallel_loop3A_227, %parallel_loop3A_211 : vector<16xi1>, vector<16xf32>
        %parallel_loop3A_229 = arith.constant 2 : i32
        %parallel_loop3A_230 = arith.muli %parallel_loop3A_229, %parallel_loop3A_199 : i32
        %parallel_loop3A_231 = arith.constant 1 : i32
        %parallel_loop3A_232 = arith.addi %parallel_loop3A_230, %parallel_loop3A_231 : i32
        %parallel_loop3A_233 = arith.index_cast %parallel_loop3A_232 : i32 to index
        %parallel_loop3A_234 = arith.constant 64 : index
        %parallel_loop3A_235 = tpu.vector_load %arg14[%parallel_loop3A_233, %parallel_loop3A_234] {strides = array<i32>} : memref<80x80xf32, #tpu.memory_space<vmem>>, vector<16xf32>,
        tpu.vector_store %arg14[%parallel_loop3A_233, %parallel_loop3A_234], %parallel_loop3A_228 {strides = array<i32>} : memref<80x80xf32, #tpu.memory_space<vmem>>, vector<16xf32>,
        %parallel_loop3A_236 = arith.constant 2 : i32
        %parallel_loop3A_237 = arith.muli %parallel_loop3A_236, %parallel_loop3A_199 : i32
        %parallel_loop3A_238 = arith.index_cast %parallel_loop3A_237 : i32 to index
        %parallel_loop3A_239 = arith.constant 0 : index
        %parallel_loop3A_240 = tpu.vector_load %arg10[%parallel_loop3A_238, %parallel_loop3A_239] {strides = array<i32>} : memref<80x80xf32, #tpu.memory_space<vmem>>, vector<16xf32>,
        %parallel_loop3A_241 = arith.constant 2 : i32
        %parallel_loop3A_242 = arith.muli %parallel_loop3A_241, %parallel_loop3A_199 : i32
        %parallel_loop3A_243 = arith.constant 1 : i32
        %parallel_loop3A_244 = arith.addi %parallel_loop3A_242, %parallel_loop3A_243 : i32
        %parallel_loop3A_245 = arith.index_cast %parallel_loop3A_244 : i32 to index
        %parallel_loop3A_246 = arith.constant 0 : index
        %parallel_loop3A_247 = tpu.vector_load %arg10[%parallel_loop3A_245, %parallel_loop3A_246] {strides = array<i32>} : memref<80x80xf32, #tpu.memory_space<vmem>>, vector<16xf32>,
        %parallel_loop3A_248 = arith.constant 0 : i32
        %parallel_loop3A_249 = vector.broadcast %parallel_loop3A_248 : i32 to vector<16xi32>
        %parallel_loop3A_250 = arith.cmpi slt, %add3A_38, %parallel_loop3A_249 : vector<16xi32>
        %parallel_loop3A_251 = arith.constant 16 : i32
        %parallel_loop3A_252 = vector.broadcast %parallel_loop3A_251 : i32 to vector<16xi32>
        %parallel_loop3A_253 = arith.addi %add3A_38, %parallel_loop3A_252 : vector<16xi32>
        %parallel_loop3A_254 = arith.select %parallel_loop3A_250, %parallel_loop3A_253, %add3A_38 : vector<16xi1>, vector<16xi32>
        %parallel_loop3A_255 = vector.shape_cast %parallel_loop3A_254 : vector<16xi32> to vector<16x1xi32>
        %parallel_loop3A_256 = vector.shape_cast %parallel_loop3A_255 : vector<16x1xi32> to vector<16xi32>
        %parallel_loop3A_257 = tpu.dynamic_gather %parallel_loop3A_211[%parallel_loop3A_256] in [0] : vector<16xf32>, vector<16xi32> -> vector<16xf32>
        %parallel_loop3A_258 = arith.mulf %parallel_loop3A_240, %parallel_loop3A_257 : vector<16xf32>
        %parallel_loop3A_259 = arith.constant 2 : i32
        %parallel_loop3A_260 = arith.muli %parallel_loop3A_259, %parallel_loop3A_199 : i32
        %parallel_loop3A_261 = arith.index_cast %parallel_loop3A_260 : i32 to index
        %parallel_loop3A_262 = arith.constant 0 : index
        %parallel_loop3A_263 = tpu.vector_load %arg14[%parallel_loop3A_261, %parallel_loop3A_262] {strides = array<i32>} : memref<80x80xf32, #tpu.memory_space<vmem>>, vector<16xf32>,
        tpu.vector_store %arg14[%parallel_loop3A_261, %parallel_loop3A_262], %parallel_loop3A_258 {strides = array<i32>} : memref<80x80xf32, #tpu.memory_space<vmem>>, vector<16xf32>,
        %parallel_loop3A_264 = arith.constant 8 : i32
        %parallel_loop3A_265 = vector.broadcast %parallel_loop3A_264 : i32 to vector<16xi32>
        %parallel_loop3A_266 = arith.addi %add3A_38, %parallel_loop3A_265 : vector<16xi32>
        %parallel_loop3A_267 = arith.constant 0 : i32
        %parallel_loop3A_268 = vector.broadcast %parallel_loop3A_267 : i32 to vector<16xi32>
        %parallel_loop3A_269 = arith.cmpi slt, %parallel_loop3A_266, %parallel_loop3A_268 : vector<16xi32>
        %parallel_loop3A_270 = arith.constant 16 : i32
        %parallel_loop3A_271 = vector.broadcast %parallel_loop3A_270 : i32 to vector<16xi32>
        %parallel_loop3A_272 = arith.addi %parallel_loop3A_266, %parallel_loop3A_271 : vector<16xi32>
        %parallel_loop3A_273 = arith.select %parallel_loop3A_269, %parallel_loop3A_272, %parallel_loop3A_266 : vector<16xi1>, vector<16xi32>
        %parallel_loop3A_274 = vector.shape_cast %parallel_loop3A_273 : vector<16xi32> to vector<16x1xi32>
        %parallel_loop3A_275 = vector.shape_cast %parallel_loop3A_274 : vector<16x1xi32> to vector<16xi32>
        %parallel_loop3A_276 = tpu.dynamic_gather %parallel_loop3A_211[%parallel_loop3A_275] in [0] : vector<16xf32>, vector<16xi32> -> vector<16xf32>
        %parallel_loop3A_277 = arith.mulf %parallel_loop3A_247, %parallel_loop3A_276 : vector<16xf32>
        %parallel_loop3A_278 = arith.constant 2 : i32
        %parallel_loop3A_279 = arith.muli %parallel_loop3A_278, %parallel_loop3A_199 : i32
        %parallel_loop3A_280 = arith.constant 1 : i32
        %parallel_loop3A_281 = arith.addi %parallel_loop3A_279, %parallel_loop3A_280 : i32
        %parallel_loop3A_282 = arith.index_cast %parallel_loop3A_281 : i32 to index
        %parallel_loop3A_283 = arith.constant 0 : index
        %parallel_loop3A_284 = tpu.vector_load %arg14[%parallel_loop3A_282, %parallel_loop3A_283] {strides = array<i32>} : memref<80x80xf32, #tpu.memory_space<vmem>>, vector<16xf32>,
        tpu.vector_store %arg14[%parallel_loop3A_282, %parallel_loop3A_283], %parallel_loop3A_277 {strides = array<i32>} : memref<80x80xf32, #tpu.memory_space<vmem>>, vector<16xf32>,
        %parallel_loop3A_285 = arith.constant 2 : i32
        %parallel_loop3A_286 = arith.muli %parallel_loop3A_285, %parallel_loop3A_199 : i32
        %parallel_loop3A_287 = arith.index_cast %parallel_loop3A_286 : i32 to index
        %parallel_loop3A_288 = arith.constant 16 : index
        %parallel_loop3A_289 = tpu.vector_load %arg10[%parallel_loop3A_287, %parallel_loop3A_288] {strides = array<i32>} : memref<80x80xf32, #tpu.memory_space<vmem>>, vector<16xf32>,
        %parallel_loop3A_290 = arith.constant 2 : i32
        %parallel_loop3A_291 = arith.muli %parallel_loop3A_290, %parallel_loop3A_199 : i32
        %parallel_loop3A_292 = arith.constant 1 : i32
        %parallel_loop3A_293 = arith.addi %parallel_loop3A_291, %parallel_loop3A_292 : i32
        %parallel_loop3A_294 = arith.index_cast %parallel_loop3A_293 : i32 to index
        %parallel_loop3A_295 = arith.constant 16 : index
        %parallel_loop3A_296 = tpu.vector_load %arg10[%parallel_loop3A_294, %parallel_loop3A_295] {strides = array<i32>} : memref<80x80xf32, #tpu.memory_space<vmem>>, vector<16xf32>,
        %parallel_loop3A_297 = arith.constant 0 : i32
        %parallel_loop3A_298 = vector.broadcast %parallel_loop3A_297 : i32 to vector<16xi32>
        %parallel_loop3A_299 = arith.cmpi slt, %add3A_41, %parallel_loop3A_298 : vector<16xi32>
        %parallel_loop3A_300 = arith.constant 16 : i32
        %parallel_loop3A_301 = vector.broadcast %parallel_loop3A_300 : i32 to vector<16xi32>
        %parallel_loop3A_302 = arith.addi %add3A_41, %parallel_loop3A_301 : vector<16xi32>
        %parallel_loop3A_303 = arith.select %parallel_loop3A_299, %parallel_loop3A_302, %add3A_41 : vector<16xi1>, vector<16xi32>
        %parallel_loop3A_304 = vector.shape_cast %parallel_loop3A_303 : vector<16xi32> to vector<16x1xi32>
        %parallel_loop3A_305 = vector.shape_cast %parallel_loop3A_304 : vector<16x1xi32> to vector<16xi32>
        %parallel_loop3A_306 = tpu.dynamic_gather %parallel_loop3A_211[%parallel_loop3A_305] in [0] : vector<16xf32>, vector<16xi32> -> vector<16xf32>
        %parallel_loop3A_307 = arith.mulf %parallel_loop3A_289, %parallel_loop3A_306 : vector<16xf32>
        %parallel_loop3A_308 = arith.constant 2 : i32
        %parallel_loop3A_309 = arith.muli %parallel_loop3A_308, %parallel_loop3A_199 : i32
        %parallel_loop3A_310 = arith.index_cast %parallel_loop3A_309 : i32 to index
        %parallel_loop3A_311 = arith.constant 16 : index
        %parallel_loop3A_312 = tpu.vector_load %arg14[%parallel_loop3A_310, %parallel_loop3A_311] {strides = array<i32>} : memref<80x80xf32, #tpu.memory_space<vmem>>, vector<16xf32>,
        tpu.vector_store %arg14[%parallel_loop3A_310, %parallel_loop3A_311], %parallel_loop3A_307 {strides = array<i32>} : memref<80x80xf32, #tpu.memory_space<vmem>>, vector<16xf32>,
        %parallel_loop3A_313 = arith.constant 8 : i32
        %parallel_loop3A_314 = vector.broadcast %parallel_loop3A_313 : i32 to vector<16xi32>
        %parallel_loop3A_315 = arith.addi %add3A_41, %parallel_loop3A_314 : vector<16xi32>
        %parallel_loop3A_316 = arith.constant 0 : i32
        %parallel_loop3A_317 = vector.broadcast %parallel_loop3A_316 : i32 to vector<16xi32>
        %parallel_loop3A_318 = arith.cmpi slt, %parallel_loop3A_315, %parallel_loop3A_317 : vector<16xi32>
        %parallel_loop3A_319 = arith.constant 16 : i32
        %parallel_loop3A_320 = vector.broadcast %parallel_loop3A_319 : i32 to vector<16xi32>
        %parallel_loop3A_321 = arith.addi %parallel_loop3A_315, %parallel_loop3A_320 : vector<16xi32>
        %parallel_loop3A_322 = arith.select %parallel_loop3A_318, %parallel_loop3A_321, %parallel_loop3A_315 : vector<16xi1>, vector<16xi32>
        %parallel_loop3A_323 = vector.shape_cast %parallel_loop3A_322 : vector<16xi32> to vector<16x1xi32>
        %parallel_loop3A_324 = vector.shape_cast %parallel_loop3A_323 : vector<16x1xi32> to vector<16xi32>
        %parallel_loop3A_325 = tpu.dynamic_gather %parallel_loop3A_211[%parallel_loop3A_324] in [0] : vector<16xf32>, vector<16xi32> -> vector<16xf32>
        %parallel_loop3A_326 = arith.mulf %parallel_loop3A_296, %parallel_loop3A_325 : vector<16xf32>
        %parallel_loop3A_327 = arith.constant 2 : i32
        %parallel_loop3A_328 = arith.muli %parallel_loop3A_327, %parallel_loop3A_199 : i32
        %parallel_loop3A_329 = arith.constant 1 : i32
        %parallel_loop3A_330 = arith.addi %parallel_loop3A_328, %parallel_loop3A_329 : i32
        %parallel_loop3A_331 = arith.index_cast %parallel_loop3A_330 : i32 to index
        %parallel_loop3A_332 = arith.constant 16 : index
        %parallel_loop3A_333 = tpu.vector_load %arg14[%parallel_loop3A_331, %parallel_loop3A_332] {strides = array<i32>} : memref<80x80xf32, #tpu.memory_space<vmem>>, vector<16xf32>,
        tpu.vector_store %arg14[%parallel_loop3A_331, %parallel_loop3A_332], %parallel_loop3A_326 {strides = array<i32>} : memref<80x80xf32, #tpu.memory_space<vmem>>, vector<16xf32>,
        %parallel_loop3A_334 = arith.constant 2 : i32
        %parallel_loop3A_335 = arith.muli %parallel_loop3A_334, %parallel_loop3A_199 : i32
        %parallel_loop3A_336 = arith.index_cast %parallel_loop3A_335 : i32 to index
        %parallel_loop3A_337 = arith.constant 32 : index
        %parallel_loop3A_338 = tpu.vector_load %arg10[%parallel_loop3A_336, %parallel_loop3A_337] {strides = array<i32>} : memref<80x80xf32, #tpu.memory_space<vmem>>, vector<16xf32>,
        %parallel_loop3A_339 = arith.constant 2 : i32
        %parallel_loop3A_340 = arith.muli %parallel_loop3A_339, %parallel_loop3A_199 : i32
        %parallel_loop3A_341 = arith.constant 1 : i32
        %parallel_loop3A_342 = arith.addi %parallel_loop3A_340, %parallel_loop3A_341 : i32
        %parallel_loop3A_343 = arith.index_cast %parallel_loop3A_342 : i32 to index
        %parallel_loop3A_344 = arith.constant 32 : index
        %parallel_loop3A_345 = tpu.vector_load %arg10[%parallel_loop3A_343, %parallel_loop3A_344] {strides = array<i32>} : memref<80x80xf32, #tpu.memory_space<vmem>>, vector<16xf32>,
        %parallel_loop3A_346 = arith.constant 0 : i32
        %parallel_loop3A_347 = vector.broadcast %parallel_loop3A_346 : i32 to vector<16xi32>
        %parallel_loop3A_348 = arith.cmpi slt, %add3A_44, %parallel_loop3A_347 : vector<16xi32>
        %parallel_loop3A_349 = arith.constant 16 : i32
        %parallel_loop3A_350 = vector.broadcast %parallel_loop3A_349 : i32 to vector<16xi32>
        %parallel_loop3A_351 = arith.addi %add3A_44, %parallel_loop3A_350 : vector<16xi32>
        %parallel_loop3A_352 = arith.select %parallel_loop3A_348, %parallel_loop3A_351, %add3A_44 : vector<16xi1>, vector<16xi32>
        %parallel_loop3A_353 = vector.shape_cast %parallel_loop3A_352 : vector<16xi32> to vector<16x1xi32>
        %parallel_loop3A_354 = vector.shape_cast %parallel_loop3A_353 : vector<16x1xi32> to vector<16xi32>
        %parallel_loop3A_355 = tpu.dynamic_gather %parallel_loop3A_211[%parallel_loop3A_354] in [0] : vector<16xf32>, vector<16xi32> -> vector<16xf32>
        %parallel_loop3A_356 = arith.mulf %parallel_loop3A_338, %parallel_loop3A_355 : vector<16xf32>
        %parallel_loop3A_357 = arith.constant 2 : i32
        %parallel_loop3A_358 = arith.muli %parallel_loop3A_357, %parallel_loop3A_199 : i32
        %parallel_loop3A_359 = arith.index_cast %parallel_loop3A_358 : i32 to index
        %parallel_loop3A_360 = arith.constant 32 : index
        %parallel_loop3A_361 = tpu.vector_load %arg14[%parallel_loop3A_359, %parallel_loop3A_360] {strides = array<i32>} : memref<80x80xf32, #tpu.memory_space<vmem>>, vector<16xf32>,
        tpu.vector_store %arg14[%parallel_loop3A_359, %parallel_loop3A_360], %parallel_loop3A_356 {strides = array<i32>} : memref<80x80xf32, #tpu.memory_space<vmem>>, vector<16xf32>,
        %parallel_loop3A_362 = arith.constant 8 : i32
        %parallel_loop3A_363 = vector.broadcast %parallel_loop3A_362 : i32 to vector<16xi32>
        %parallel_loop3A_364 = arith.addi %add3A_44, %parallel_loop3A_363 : vector<16xi32>
        %parallel_loop3A_365 = arith.constant 0 : i32
        %parallel_loop3A_366 = vector.broadcast %parallel_loop3A_365 : i32 to vector<16xi32>
        %parallel_loop3A_367 = arith.cmpi slt, %parallel_loop3A_364, %parallel_loop3A_366 : vector<16xi32>
        %parallel_loop3A_368 = arith.constant 16 : i32
        %parallel_loop3A_369 = vector.broadcast %parallel_loop3A_368 : i32 to vector<16xi32>
        %parallel_loop3A_370 = arith.addi %parallel_loop3A_364, %parallel_loop3A_369 : vector<16xi32>
        %parallel_loop3A_371 = arith.select %parallel_loop3A_367, %parallel_loop3A_370, %parallel_loop3A_364 : vector<16xi1>, vector<16xi32>
        %parallel_loop3A_372 = vector.shape_cast %parallel_loop3A_371 : vector<16xi32> to vector<16x1xi32>
        %parallel_loop3A_373 = vector.shape_cast %parallel_loop3A_372 : vector<16x1xi32> to vector<16xi32>
        %parallel_loop3A_374 = tpu.dynamic_gather %parallel_loop3A_211[%parallel_loop3A_373] in [0] : vector<16xf32>, vector<16xi32> -> vector<16xf32>
        %parallel_loop3A_375 = arith.mulf %parallel_loop3A_345, %parallel_loop3A_374 : vector<16xf32>
        %parallel_loop3A_376 = arith.constant 2 : i32
        %parallel_loop3A_377 = arith.muli %parallel_loop3A_376, %parallel_loop3A_199 : i32
        %parallel_loop3A_378 = arith.constant 1 : i32
        %parallel_loop3A_379 = arith.addi %parallel_loop3A_377, %parallel_loop3A_378 : i32
        %parallel_loop3A_380 = arith.index_cast %parallel_loop3A_379 : i32 to index
        %parallel_loop3A_381 = arith.constant 32 : index
        %parallel_loop3A_382 = tpu.vector_load %arg14[%parallel_loop3A_380, %parallel_loop3A_381] {strides = array<i32>} : memref<80x80xf32, #tpu.memory_space<vmem>>, vector<16xf32>,
        tpu.vector_store %arg14[%parallel_loop3A_380, %parallel_loop3A_381], %parallel_loop3A_375 {strides = array<i32>} : memref<80x80xf32, #tpu.memory_space<vmem>>, vector<16xf32>,
        %parallel_loop3A_383 = arith.constant 2 : i32
        %parallel_loop3A_384 = arith.muli %parallel_loop3A_383, %parallel_loop3A_199 : i32
        %parallel_loop3A_385 = arith.index_cast %parallel_loop3A_384 : i32 to index
        %parallel_loop3A_386 = arith.constant 48 : index
        %parallel_loop3A_387 = tpu.vector_load %arg10[%parallel_loop3A_385, %parallel_loop3A_386] {strides = array<i32>} : memref<80x80xf32, #tpu.memory_space<vmem>>, vector<16xf32>,
        %parallel_loop3A_388 = arith.constant 2 : i32
        %parallel_loop3A_389 = arith.muli %parallel_loop3A_388, %parallel_loop3A_199 : i32
        %parallel_loop3A_390 = arith.constant 1 : i32
        %parallel_loop3A_391 = arith.addi %parallel_loop3A_389, %parallel_loop3A_390 : i32
        %parallel_loop3A_392 = arith.index_cast %parallel_loop3A_391 : i32 to index
        %parallel_loop3A_393 = arith.constant 48 : index
        %parallel_loop3A_394 = tpu.vector_load %arg10[%parallel_loop3A_392, %parallel_loop3A_393] {strides = array<i32>} : memref<80x80xf32, #tpu.memory_space<vmem>>, vector<16xf32>,
        %parallel_loop3A_395 = arith.constant 0 : i32
        %parallel_loop3A_396 = vector.broadcast %parallel_loop3A_395 : i32 to vector<16xi32>
        %parallel_loop3A_397 = arith.cmpi slt, %add3A_47, %parallel_loop3A_396 : vector<16xi32>
        %parallel_loop3A_398 = arith.constant 16 : i32
        %parallel_loop3A_399 = vector.broadcast %parallel_loop3A_398 : i32 to vector<16xi32>
        %parallel_loop3A_400 = arith.addi %add3A_47, %parallel_loop3A_399 : vector<16xi32>
        %parallel_loop3A_401 = arith.select %parallel_loop3A_397, %parallel_loop3A_400, %add3A_47 : vector<16xi1>, vector<16xi32>
        %parallel_loop3A_402 = vector.shape_cast %parallel_loop3A_401 : vector<16xi32> to vector<16x1xi32>
        %parallel_loop3A_403 = vector.shape_cast %parallel_loop3A_402 : vector<16x1xi32> to vector<16xi32>
        %parallel_loop3A_404 = tpu.dynamic_gather %parallel_loop3A_211[%parallel_loop3A_403] in [0] : vector<16xf32>, vector<16xi32> -> vector<16xf32>
        %parallel_loop3A_405 = arith.mulf %parallel_loop3A_387, %parallel_loop3A_404 : vector<16xf32>
        %parallel_loop3A_406 = arith.constant 2 : i32
        %parallel_loop3A_407 = arith.muli %parallel_loop3A_406, %parallel_loop3A_199 : i32
        %parallel_loop3A_408 = arith.index_cast %parallel_loop3A_407 : i32 to index
        %parallel_loop3A_409 = arith.constant 48 : index
        %parallel_loop3A_410 = tpu.vector_load %arg14[%parallel_loop3A_408, %parallel_loop3A_409] {strides = array<i32>} : memref<80x80xf32, #tpu.memory_space<vmem>>, vector<16xf32>,
        tpu.vector_store %arg14[%parallel_loop3A_408, %parallel_loop3A_409], %parallel_loop3A_405 {strides = array<i32>} : memref<80x80xf32, #tpu.memory_space<vmem>>, vector<16xf32>,
        %parallel_loop3A_411 = arith.constant 8 : i32
        %parallel_loop3A_412 = vector.broadcast %parallel_loop3A_411 : i32 to vector<16xi32>
        %parallel_loop3A_413 = arith.addi %add3A_47, %parallel_loop3A_412 : vector<16xi32>
        %parallel_loop3A_414 = arith.constant 0 : i32
        %parallel_loop3A_415 = vector.broadcast %parallel_loop3A_414 : i32 to vector<16xi32>
        %parallel_loop3A_416 = arith.cmpi slt, %parallel_loop3A_413, %parallel_loop3A_415 : vector<16xi32>
        %parallel_loop3A_417 = arith.constant 16 : i32
        %parallel_loop3A_418 = vector.broadcast %parallel_loop3A_417 : i32 to vector<16xi32>
        %parallel_loop3A_419 = arith.addi %parallel_loop3A_413, %parallel_loop3A_418 : vector<16xi32>
        %parallel_loop3A_420 = arith.select %parallel_loop3A_416, %parallel_loop3A_419, %parallel_loop3A_413 : vector<16xi1>, vector<16xi32>
        %parallel_loop3A_421 = vector.shape_cast %parallel_loop3A_420 : vector<16xi32> to vector<16x1xi32>
        %parallel_loop3A_422 = vector.shape_cast %parallel_loop3A_421 : vector<16x1xi32> to vector<16xi32>
        %parallel_loop3A_423 = tpu.dynamic_gather %parallel_loop3A_211[%parallel_loop3A_422] in [0] : vector<16xf32>, vector<16xi32> -> vector<16xf32>
        %parallel_loop3A_424 = arith.mulf %parallel_loop3A_394, %parallel_loop3A_423 : vector<16xf32>
        %parallel_loop3A_425 = arith.constant 2 : i32
        %parallel_loop3A_426 = arith.muli %parallel_loop3A_425, %parallel_loop3A_199 : i32
        %parallel_loop3A_427 = arith.constant 1 : i32
        %parallel_loop3A_428 = arith.addi %parallel_loop3A_426, %parallel_loop3A_427 : i32
        %parallel_loop3A_429 = arith.index_cast %parallel_loop3A_428 : i32 to index
        %parallel_loop3A_430 = arith.constant 48 : index
        %parallel_loop3A_431 = tpu.vector_load %arg14[%parallel_loop3A_429, %parallel_loop3A_430] {strides = array<i32>} : memref<80x80xf32, #tpu.memory_space<vmem>>, vector<16xf32>,
        tpu.vector_store %arg14[%parallel_loop3A_429, %parallel_loop3A_430], %parallel_loop3A_424 {strides = array<i32>} : memref<80x80xf32, #tpu.memory_space<vmem>>, vector<16xf32>,
      } {sc.loop_unroll_factor = 8 : i64, sc.parallel_access}
      %add3A_140 = arith.constant 2 : i32
      %add3A_141 = arith.addi %add3A_92, %add3A_140 : i32
      %mul3A_142 = arith.constant 2 : i32
      %mul3A_143 = arith.muli %mul3A_142, %scan3A_87 : i32
      %add3A_144 = arith.constant 1 : i32
      %add3A_145 = arith.addi %mul3A_143, %add3A_144 : i32
      %gt3A_146 = arith.constant 0 : i32
      %gt3A_147 = arith.cmpi sgt, %scan3A_87, %gt3A_146 : i32
      %convert_element_type3A_148 = arith.extui %gt3A_147 : i1 to i32
      %cond3A_149 = arith.constant 0 : i32
      %cond3A_150 = arith.cmpi ne, %convert_element_type3A_148, %cond3A_149 : i32
      scf.if %cond3A_150 {
      } else {
      }
      %mul3A_151 = arith.constant 80 : i32
      %mul3A_152 = arith.muli %add3A_145, %mul3A_151 : i32
      %add3A_153 = arith.constant 0 : i32
      %add3A_154 = arith.addi %mul3A_152, %add3A_153 : i32
      %get3A_155 = arith.index_cast %add3A_154 : i32 to index
      %get3A_156 = tpu.vector_load %arg7[%get3A_155] {strides = array<i32>} : memref<10000xi32, #tpu.memory_space<vmem>>, vector<16xi32>,
      %swap3A_157 = arith.constant 0 : index
      %swap3A_158 = tpu.vector_load %arg9[%swap3A_157] {strides = array<i32>} : memref<80xi32, #tpu.memory_space<vmem>>, vector<16xi32>,
      tpu.vector_store %arg9[%swap3A_157], %get3A_156 {strides = array<i32>} : memref<80xi32, #tpu.memory_space<vmem>>, vector<16xi32>,
      %mul3A_159 = arith.constant 80 : i32
      %mul3A_160 = arith.muli %add3A_145, %mul3A_159 : i32
      %add3A_161 = arith.constant 16 : i32
      %add3A_162 = arith.addi %mul3A_160, %add3A_161 : i32
      %get3A_163 = arith.index_cast %add3A_162 : i32 to index
      %get3A_164 = tpu.vector_load %arg7[%get3A_163] {strides = array<i32>} : memref<10000xi32, #tpu.memory_space<vmem>>, vector<16xi32>,
      %swap3A_165 = arith.constant 16 : index
      %swap3A_166 = tpu.vector_load %arg9[%swap3A_165] {strides = array<i32>} : memref<80xi32, #tpu.memory_space<vmem>>, vector<16xi32>,
      tpu.vector_store %arg9[%swap3A_165], %get3A_164 {strides = array<i32>} : memref<80xi32, #tpu.memory_space<vmem>>, vector<16xi32>,
      %mul3A_167 = arith.constant 80 : i32
      %mul3A_168 = arith.muli %add3A_145, %mul3A_167 : i32
      %add3A_169 = arith.constant 32 : i32
      %add3A_170 = arith.addi %mul3A_168, %add3A_169 : i32
      %get3A_171 = arith.index_cast %add3A_170 : i32 to index
      %get3A_172 = tpu.vector_load %arg7[%get3A_171] {strides = array<i32>} : memref<10000xi32, #tpu.memory_space<vmem>>, vector<16xi32>,
      %swap3A_173 = arith.constant 32 : index
      %swap3A_174 = tpu.vector_load %arg9[%swap3A_173] {strides = array<i32>} : memref<80xi32, #tpu.memory_space<vmem>>, vector<16xi32>,
      tpu.vector_store %arg9[%swap3A_173], %get3A_172 {strides = array<i32>} : memref<80xi32, #tpu.memory_space<vmem>>, vector<16xi32>,
      %mul3A_175 = arith.constant 80 : i32
      %mul3A_176 = arith.muli %add3A_145, %mul3A_175 : i32
      %add3A_177 = arith.constant 48 : i32
      %add3A_178 = arith.addi %mul3A_176, %add3A_177 : i32
      %get3A_179 = arith.index_cast %add3A_178 : i32 to index
      %get3A_180 = tpu.vector_load %arg7[%get3A_179] {strides = array<i32>} : memref<10000xi32, #tpu.memory_space<vmem>>, vector<16xi32>,
      %swap3A_181 = arith.constant 48 : index
      %swap3A_182 = tpu.vector_load %arg9[%swap3A_181] {strides = array<i32>} : memref<80xi32, #tpu.memory_space<vmem>>, vector<16xi32>,
      tpu.vector_store %arg9[%swap3A_181], %get3A_180 {strides = array<i32>} : memref<80xi32, #tpu.memory_space<vmem>>, vector<16xi32>,
      %mul3A_183 = arith.constant 80 : i32
      %mul3A_184 = arith.muli %add3A_145, %mul3A_183 : i32
      %add3A_185 = arith.constant 64 : i32
      %add3A_186 = arith.addi %mul3A_184, %add3A_185 : i32
      %get3A_187 = arith.index_cast %add3A_186 : i32 to index
      %get3A_188 = tpu.vector_load %arg7[%get3A_187] {strides = array<i32>} : memref<10000xi32, #tpu.memory_space<vmem>>, vector<16xi32>,
      %swap3A_189 = arith.constant 64 : index
      %swap3A_190 = tpu.vector_load %arg9[%swap3A_189] {strides = array<i32>} : memref<80xi32, #tpu.memory_space<vmem>>, vector<16xi32>,
      tpu.vector_store %arg9[%swap3A_189], %get3A_188 {strides = array<i32>} : memref<80xi32, #tpu.memory_space<vmem>>, vector<16xi32>,
      %parallel_loop3A_191 = arith.constant 0 : i32
      %parallel_loop3A_192 = arith.constant 40 : i32
      %parallel_loop3A_193 = arith.constant 1 : i32
      scf.for %parallel_loop3A_199 = %parallel_loop3A_191 to %parallel_loop3A_192 step %parallel_loop3A_193  : i32 {
        %parallel_loop3A_200 = arith.constant 2 : i32
        %parallel_loop3A_201 = arith.muli %parallel_loop3A_200, %parallel_loop3A_199 : i32
        %parallel_loop3A_202 = vector.broadcast %parallel_loop3A_201 : i32 to vector<16xi32>
        %parallel_loop3A_203 = arith.addi %shift_right_arithmetic3A_4, %parallel_loop3A_202 : vector<16xi32>
        %parallel_loop3A_204 = tpu.vector_load_idx %arg11[%parallel_loop3A_203, %add3A_50] : memref<80x80xf32, #tpu.memory_space<vmem>>[vector<16xi32>, vector<16xi32>], vector<16xf32>,
        %parallel_loop3A_205 = tpu.vector_load_idx %arg13[%parallel_loop3A_203, %and3A_6] : memref<80x16xf32, #tpu.memory_space<vmem>>[vector<16xi32>, vector<16xi32>], vector<16xf32>,
        %parallel_loop3A_206 = arith.addf %parallel_loop3A_204, %parallel_loop3A_205 : vector<16xf32>
        %parallel_loop3A_207 = arith.constant 2.000000e-01 : f32
        %parallel_loop3A_208 = vector.broadcast %parallel_loop3A_207 : f32 to vector<16xf32>
        %parallel_loop3A_209 = arith.mulf %parallel_loop3A_208, %parallel_loop3A_206 : vector<16xf32>
        %parallel_loop3A_210 = arith.maximumf %parallel_loop3A_206, %parallel_loop3A_209 : vector<16xf32>
        %parallel_loop3A_211 = math.exp %parallel_loop3A_210 : vector<16xf32>
        %parallel_loop3A_212 = arith.constant 8 : i32
        %parallel_loop3A_213 = vector.broadcast %parallel_loop3A_212 : i32 to vector<16xi32>
        %parallel_loop3A_214 = arith.cmpi slt, %iota3A, %parallel_loop3A_213 : vector<16xi32>
        %parallel_loop3A_215 = arith.constant 0.000000e+00 : f32
        %parallel_loop3A_216 = vector.broadcast %parallel_loop3A_215 : f32 to vector<16xf32>
        %parallel_loop3A_217 = arith.select %parallel_loop3A_214, %parallel_loop3A_211, %parallel_loop3A_216 : vector<16xi1>, vector<16xf32>
        %parallel_loop3A_218 = arith.constant 2 : i32
        %parallel_loop3A_219 = arith.muli %parallel_loop3A_218, %parallel_loop3A_199 : i32
        %parallel_loop3A_220 = arith.index_cast %parallel_loop3A_219 : i32 to index
        %parallel_loop3A_221 = arith.constant 64 : index
        %parallel_loop3A_222 = tpu.vector_load %arg15[%parallel_loop3A_220, %parallel_loop3A_221] {strides = array<i32>} : memref<80x80xf32, #tpu.memory_space<vmem>>, vector<16xf32>,
        tpu.vector_store %arg15[%parallel_loop3A_220, %parallel_loop3A_221], %parallel_loop3A_217 {strides = array<i32>} : memref<80x80xf32, #tpu.memory_space<vmem>>, vector<16xf32>,
        %parallel_loop3A_223 = arith.constant 8 : i32
        %parallel_loop3A_224 = vector.broadcast %parallel_loop3A_223 : i32 to vector<16xi32>
        %parallel_loop3A_225 = arith.cmpi slt, %iota3A, %parallel_loop3A_224 : vector<16xi32>
        %parallel_loop3A_226 = arith.constant 0.000000e+00 : f32
        %parallel_loop3A_227 = vector.broadcast %parallel_loop3A_226 : f32 to vector<16xf32>
        %parallel_loop3A_228 = arith.select %parallel_loop3A_225, %parallel_loop3A_227, %parallel_loop3A_211 : vector<16xi1>, vector<16xf32>
        %parallel_loop3A_229 = arith.constant 2 : i32
        %parallel_loop3A_230 = arith.muli %parallel_loop3A_229, %parallel_loop3A_199 : i32
        %parallel_loop3A_231 = arith.constant 1 : i32
        %parallel_loop3A_232 = arith.addi %parallel_loop3A_230, %parallel_loop3A_231 : i32
        %parallel_loop3A_233 = arith.index_cast %parallel_loop3A_232 : i32 to index
        %parallel_loop3A_234 = arith.constant 64 : index
        %parallel_loop3A_235 = tpu.vector_load %arg15[%parallel_loop3A_233, %parallel_loop3A_234] {strides = array<i32>} : memref<80x80xf32, #tpu.memory_space<vmem>>, vector<16xf32>,
        tpu.vector_store %arg15[%parallel_loop3A_233, %parallel_loop3A_234], %parallel_loop3A_228 {strides = array<i32>} : memref<80x80xf32, #tpu.memory_space<vmem>>, vector<16xf32>,
        %parallel_loop3A_236 = arith.constant 2 : i32
        %parallel_loop3A_237 = arith.muli %parallel_loop3A_236, %parallel_loop3A_199 : i32
        %parallel_loop3A_238 = arith.index_cast %parallel_loop3A_237 : i32 to index
        %parallel_loop3A_239 = arith.constant 0 : index
        %parallel_loop3A_240 = tpu.vector_load %arg11[%parallel_loop3A_238, %parallel_loop3A_239] {strides = array<i32>} : memref<80x80xf32, #tpu.memory_space<vmem>>, vector<16xf32>,
        %parallel_loop3A_241 = arith.constant 2 : i32
        %parallel_loop3A_242 = arith.muli %parallel_loop3A_241, %parallel_loop3A_199 : i32
        %parallel_loop3A_243 = arith.constant 1 : i32
        %parallel_loop3A_244 = arith.addi %parallel_loop3A_242, %parallel_loop3A_243 : i32
        %parallel_loop3A_245 = arith.index_cast %parallel_loop3A_244 : i32 to index
        %parallel_loop3A_246 = arith.constant 0 : index
        %parallel_loop3A_247 = tpu.vector_load %arg11[%parallel_loop3A_245, %parallel_loop3A_246] {strides = array<i32>} : memref<80x80xf32, #tpu.memory_space<vmem>>, vector<16xf32>,
        %parallel_loop3A_248 = arith.constant 0 : i32
        %parallel_loop3A_249 = vector.broadcast %parallel_loop3A_248 : i32 to vector<16xi32>
        %parallel_loop3A_250 = arith.cmpi slt, %add3A_38, %parallel_loop3A_249 : vector<16xi32>
        %parallel_loop3A_251 = arith.constant 16 : i32
        %parallel_loop3A_252 = vector.broadcast %parallel_loop3A_251 : i32 to vector<16xi32>
        %parallel_loop3A_253 = arith.addi %add3A_38, %parallel_loop3A_252 : vector<16xi32>
        %parallel_loop3A_254 = arith.select %parallel_loop3A_250, %parallel_loop3A_253, %add3A_38 : vector<16xi1>, vector<16xi32>
        %parallel_loop3A_255 = vector.shape_cast %parallel_loop3A_254 : vector<16xi32> to vector<16x1xi32>
        %parallel_loop3A_256 = vector.shape_cast %parallel_loop3A_255 : vector<16x1xi32> to vector<16xi32>
        %parallel_loop3A_257 = tpu.dynamic_gather %parallel_loop3A_211[%parallel_loop3A_256] in [0] : vector<16xf32>, vector<16xi32> -> vector<16xf32>
        %parallel_loop3A_258 = arith.mulf %parallel_loop3A_240, %parallel_loop3A_257 : vector<16xf32>
        %parallel_loop3A_259 = arith.constant 2 : i32
        %parallel_loop3A_260 = arith.muli %parallel_loop3A_259, %parallel_loop3A_199 : i32
        %parallel_loop3A_261 = arith.index_cast %parallel_loop3A_260 : i32 to index
        %parallel_loop3A_262 = arith.constant 0 : index
        %parallel_loop3A_263 = tpu.vector_load %arg15[%parallel_loop3A_261, %parallel_loop3A_262] {strides = array<i32>} : memref<80x80xf32, #tpu.memory_space<vmem>>, vector<16xf32>,
        tpu.vector_store %arg15[%parallel_loop3A_261, %parallel_loop3A_262], %parallel_loop3A_258 {strides = array<i32>} : memref<80x80xf32, #tpu.memory_space<vmem>>, vector<16xf32>,
        %parallel_loop3A_264 = arith.constant 8 : i32
        %parallel_loop3A_265 = vector.broadcast %parallel_loop3A_264 : i32 to vector<16xi32>
        %parallel_loop3A_266 = arith.addi %add3A_38, %parallel_loop3A_265 : vector<16xi32>
        %parallel_loop3A_267 = arith.constant 0 : i32
        %parallel_loop3A_268 = vector.broadcast %parallel_loop3A_267 : i32 to vector<16xi32>
        %parallel_loop3A_269 = arith.cmpi slt, %parallel_loop3A_266, %parallel_loop3A_268 : vector<16xi32>
        %parallel_loop3A_270 = arith.constant 16 : i32
        %parallel_loop3A_271 = vector.broadcast %parallel_loop3A_270 : i32 to vector<16xi32>
        %parallel_loop3A_272 = arith.addi %parallel_loop3A_266, %parallel_loop3A_271 : vector<16xi32>
        %parallel_loop3A_273 = arith.select %parallel_loop3A_269, %parallel_loop3A_272, %parallel_loop3A_266 : vector<16xi1>, vector<16xi32>
        %parallel_loop3A_274 = vector.shape_cast %parallel_loop3A_273 : vector<16xi32> to vector<16x1xi32>
        %parallel_loop3A_275 = vector.shape_cast %parallel_loop3A_274 : vector<16x1xi32> to vector<16xi32>
        %parallel_loop3A_276 = tpu.dynamic_gather %parallel_loop3A_211[%parallel_loop3A_275] in [0] : vector<16xf32>, vector<16xi32> -> vector<16xf32>
        %parallel_loop3A_277 = arith.mulf %parallel_loop3A_247, %parallel_loop3A_276 : vector<16xf32>
        %parallel_loop3A_278 = arith.constant 2 : i32
        %parallel_loop3A_279 = arith.muli %parallel_loop3A_278, %parallel_loop3A_199 : i32
        %parallel_loop3A_280 = arith.constant 1 : i32
        %parallel_loop3A_281 = arith.addi %parallel_loop3A_279, %parallel_loop3A_280 : i32
        %parallel_loop3A_282 = arith.index_cast %parallel_loop3A_281 : i32 to index
        %parallel_loop3A_283 = arith.constant 0 : index
        %parallel_loop3A_284 = tpu.vector_load %arg15[%parallel_loop3A_282, %parallel_loop3A_283] {strides = array<i32>} : memref<80x80xf32, #tpu.memory_space<vmem>>, vector<16xf32>,
        tpu.vector_store %arg15[%parallel_loop3A_282, %parallel_loop3A_283], %parallel_loop3A_277 {strides = array<i32>} : memref<80x80xf32, #tpu.memory_space<vmem>>, vector<16xf32>,
        %parallel_loop3A_285 = arith.constant 2 : i32
        %parallel_loop3A_286 = arith.muli %parallel_loop3A_285, %parallel_loop3A_199 : i32
        %parallel_loop3A_287 = arith.index_cast %parallel_loop3A_286 : i32 to index
        %parallel_loop3A_288 = arith.constant 16 : index
        %parallel_loop3A_289 = tpu.vector_load %arg11[%parallel_loop3A_287, %parallel_loop3A_288] {strides = array<i32>} : memref<80x80xf32, #tpu.memory_space<vmem>>, vector<16xf32>,
        %parallel_loop3A_290 = arith.constant 2 : i32
        %parallel_loop3A_291 = arith.muli %parallel_loop3A_290, %parallel_loop3A_199 : i32
        %parallel_loop3A_292 = arith.constant 1 : i32
        %parallel_loop3A_293 = arith.addi %parallel_loop3A_291, %parallel_loop3A_292 : i32
        %parallel_loop3A_294 = arith.index_cast %parallel_loop3A_293 : i32 to index
        %parallel_loop3A_295 = arith.constant 16 : index
        %parallel_loop3A_296 = tpu.vector_load %arg11[%parallel_loop3A_294, %parallel_loop3A_295] {strides = array<i32>} : memref<80x80xf32, #tpu.memory_space<vmem>>, vector<16xf32>,
        %parallel_loop3A_297 = arith.constant 0 : i32
        %parallel_loop3A_298 = vector.broadcast %parallel_loop3A_297 : i32 to vector<16xi32>
        %parallel_loop3A_299 = arith.cmpi slt, %add3A_41, %parallel_loop3A_298 : vector<16xi32>
        %parallel_loop3A_300 = arith.constant 16 : i32
        %parallel_loop3A_301 = vector.broadcast %parallel_loop3A_300 : i32 to vector<16xi32>
        %parallel_loop3A_302 = arith.addi %add3A_41, %parallel_loop3A_301 : vector<16xi32>
        %parallel_loop3A_303 = arith.select %parallel_loop3A_299, %parallel_loop3A_302, %add3A_41 : vector<16xi1>, vector<16xi32>
        %parallel_loop3A_304 = vector.shape_cast %parallel_loop3A_303 : vector<16xi32> to vector<16x1xi32>
        %parallel_loop3A_305 = vector.shape_cast %parallel_loop3A_304 : vector<16x1xi32> to vector<16xi32>
        %parallel_loop3A_306 = tpu.dynamic_gather %parallel_loop3A_211[%parallel_loop3A_305] in [0] : vector<16xf32>, vector<16xi32> -> vector<16xf32>
        %parallel_loop3A_307 = arith.mulf %parallel_loop3A_289, %parallel_loop3A_306 : vector<16xf32>
        %parallel_loop3A_308 = arith.constant 2 : i32
        %parallel_loop3A_309 = arith.muli %parallel_loop3A_308, %parallel_loop3A_199 : i32
        %parallel_loop3A_310 = arith.index_cast %parallel_loop3A_309 : i32 to index
        %parallel_loop3A_311 = arith.constant 16 : index
        %parallel_loop3A_312 = tpu.vector_load %arg15[%parallel_loop3A_310, %parallel_loop3A_311] {strides = array<i32>} : memref<80x80xf32, #tpu.memory_space<vmem>>, vector<16xf32>,
        tpu.vector_store %arg15[%parallel_loop3A_310, %parallel_loop3A_311], %parallel_loop3A_307 {strides = array<i32>} : memref<80x80xf32, #tpu.memory_space<vmem>>, vector<16xf32>,
        %parallel_loop3A_313 = arith.constant 8 : i32
        %parallel_loop3A_314 = vector.broadcast %parallel_loop3A_313 : i32 to vector<16xi32>
        %parallel_loop3A_315 = arith.addi %add3A_41, %parallel_loop3A_314 : vector<16xi32>
        %parallel_loop3A_316 = arith.constant 0 : i32
        %parallel_loop3A_317 = vector.broadcast %parallel_loop3A_316 : i32 to vector<16xi32>
        %parallel_loop3A_318 = arith.cmpi slt, %parallel_loop3A_315, %parallel_loop3A_317 : vector<16xi32>
        %parallel_loop3A_319 = arith.constant 16 : i32
        %parallel_loop3A_320 = vector.broadcast %parallel_loop3A_319 : i32 to vector<16xi32>
        %parallel_loop3A_321 = arith.addi %parallel_loop3A_315, %parallel_loop3A_320 : vector<16xi32>
        %parallel_loop3A_322 = arith.select %parallel_loop3A_318, %parallel_loop3A_321, %parallel_loop3A_315 : vector<16xi1>, vector<16xi32>
        %parallel_loop3A_323 = vector.shape_cast %parallel_loop3A_322 : vector<16xi32> to vector<16x1xi32>
        %parallel_loop3A_324 = vector.shape_cast %parallel_loop3A_323 : vector<16x1xi32> to vector<16xi32>
        %parallel_loop3A_325 = tpu.dynamic_gather %parallel_loop3A_211[%parallel_loop3A_324] in [0] : vector<16xf32>, vector<16xi32> -> vector<16xf32>
        %parallel_loop3A_326 = arith.mulf %parallel_loop3A_296, %parallel_loop3A_325 : vector<16xf32>
        %parallel_loop3A_327 = arith.constant 2 : i32
        %parallel_loop3A_328 = arith.muli %parallel_loop3A_327, %parallel_loop3A_199 : i32
        %parallel_loop3A_329 = arith.constant 1 : i32
        %parallel_loop3A_330 = arith.addi %parallel_loop3A_328, %parallel_loop3A_329 : i32
        %parallel_loop3A_331 = arith.index_cast %parallel_loop3A_330 : i32 to index
        %parallel_loop3A_332 = arith.constant 16 : index
        %parallel_loop3A_333 = tpu.vector_load %arg15[%parallel_loop3A_331, %parallel_loop3A_332] {strides = array<i32>} : memref<80x80xf32, #tpu.memory_space<vmem>>, vector<16xf32>,
        tpu.vector_store %arg15[%parallel_loop3A_331, %parallel_loop3A_332], %parallel_loop3A_326 {strides = array<i32>} : memref<80x80xf32, #tpu.memory_space<vmem>>, vector<16xf32>,
        %parallel_loop3A_334 = arith.constant 2 : i32
        %parallel_loop3A_335 = arith.muli %parallel_loop3A_334, %parallel_loop3A_199 : i32
        %parallel_loop3A_336 = arith.index_cast %parallel_loop3A_335 : i32 to index
        %parallel_loop3A_337 = arith.constant 32 : index
        %parallel_loop3A_338 = tpu.vector_load %arg11[%parallel_loop3A_336, %parallel_loop3A_337] {strides = array<i32>} : memref<80x80xf32, #tpu.memory_space<vmem>>, vector<16xf32>,
        %parallel_loop3A_339 = arith.constant 2 : i32
        %parallel_loop3A_340 = arith.muli %parallel_loop3A_339, %parallel_loop3A_199 : i32
        %parallel_loop3A_341 = arith.constant 1 : i32
        %parallel_loop3A_342 = arith.addi %parallel_loop3A_340, %parallel_loop3A_341 : i32
        %parallel_loop3A_343 = arith.index_cast %parallel_loop3A_342 : i32 to index
        %parallel_loop3A_344 = arith.constant 32 : index
        %parallel_loop3A_345 = tpu.vector_load %arg11[%parallel_loop3A_343, %parallel_loop3A_344] {strides = array<i32>} : memref<80x80xf32, #tpu.memory_space<vmem>>, vector<16xf32>,
        %parallel_loop3A_346 = arith.constant 0 : i32
        %parallel_loop3A_347 = vector.broadcast %parallel_loop3A_346 : i32 to vector<16xi32>
        %parallel_loop3A_348 = arith.cmpi slt, %add3A_44, %parallel_loop3A_347 : vector<16xi32>
        %parallel_loop3A_349 = arith.constant 16 : i32
        %parallel_loop3A_350 = vector.broadcast %parallel_loop3A_349 : i32 to vector<16xi32>
        %parallel_loop3A_351 = arith.addi %add3A_44, %parallel_loop3A_350 : vector<16xi32>
        %parallel_loop3A_352 = arith.select %parallel_loop3A_348, %parallel_loop3A_351, %add3A_44 : vector<16xi1>, vector<16xi32>
        %parallel_loop3A_353 = vector.shape_cast %parallel_loop3A_352 : vector<16xi32> to vector<16x1xi32>
        %parallel_loop3A_354 = vector.shape_cast %parallel_loop3A_353 : vector<16x1xi32> to vector<16xi32>
        %parallel_loop3A_355 = tpu.dynamic_gather %parallel_loop3A_211[%parallel_loop3A_354] in [0] : vector<16xf32>, vector<16xi32> -> vector<16xf32>
        %parallel_loop3A_356 = arith.mulf %parallel_loop3A_338, %parallel_loop3A_355 : vector<16xf32>
        %parallel_loop3A_357 = arith.constant 2 : i32
        %parallel_loop3A_358 = arith.muli %parallel_loop3A_357, %parallel_loop3A_199 : i32
        %parallel_loop3A_359 = arith.index_cast %parallel_loop3A_358 : i32 to index
        %parallel_loop3A_360 = arith.constant 32 : index
        %parallel_loop3A_361 = tpu.vector_load %arg15[%parallel_loop3A_359, %parallel_loop3A_360] {strides = array<i32>} : memref<80x80xf32, #tpu.memory_space<vmem>>, vector<16xf32>,
        tpu.vector_store %arg15[%parallel_loop3A_359, %parallel_loop3A_360], %parallel_loop3A_356 {strides = array<i32>} : memref<80x80xf32, #tpu.memory_space<vmem>>, vector<16xf32>,
        %parallel_loop3A_362 = arith.constant 8 : i32
        %parallel_loop3A_363 = vector.broadcast %parallel_loop3A_362 : i32 to vector<16xi32>
        %parallel_loop3A_364 = arith.addi %add3A_44, %parallel_loop3A_363 : vector<16xi32>
        %parallel_loop3A_365 = arith.constant 0 : i32
        %parallel_loop3A_366 = vector.broadcast %parallel_loop3A_365 : i32 to vector<16xi32>
        %parallel_loop3A_367 = arith.cmpi slt, %parallel_loop3A_364, %parallel_loop3A_366 : vector<16xi32>
        %parallel_loop3A_368 = arith.constant 16 : i32
        %parallel_loop3A_369 = vector.broadcast %parallel_loop3A_368 : i32 to vector<16xi32>
        %parallel_loop3A_370 = arith.addi %parallel_loop3A_364, %parallel_loop3A_369 : vector<16xi32>
        %parallel_loop3A_371 = arith.select %parallel_loop3A_367, %parallel_loop3A_370, %parallel_loop3A_364 : vector<16xi1>, vector<16xi32>
        %parallel_loop3A_372 = vector.shape_cast %parallel_loop3A_371 : vector<16xi32> to vector<16x1xi32>
        %parallel_loop3A_373 = vector.shape_cast %parallel_loop3A_372 : vector<16x1xi32> to vector<16xi32>
        %parallel_loop3A_374 = tpu.dynamic_gather %parallel_loop3A_211[%parallel_loop3A_373] in [0] : vector<16xf32>, vector<16xi32> -> vector<16xf32>
        %parallel_loop3A_375 = arith.mulf %parallel_loop3A_345, %parallel_loop3A_374 : vector<16xf32>
        %parallel_loop3A_376 = arith.constant 2 : i32
        %parallel_loop3A_377 = arith.muli %parallel_loop3A_376, %parallel_loop3A_199 : i32
        %parallel_loop3A_378 = arith.constant 1 : i32
        %parallel_loop3A_379 = arith.addi %parallel_loop3A_377, %parallel_loop3A_378 : i32
        %parallel_loop3A_380 = arith.index_cast %parallel_loop3A_379 : i32 to index
        %parallel_loop3A_381 = arith.constant 32 : index
        %parallel_loop3A_382 = tpu.vector_load %arg15[%parallel_loop3A_380, %parallel_loop3A_381] {strides = array<i32>} : memref<80x80xf32, #tpu.memory_space<vmem>>, vector<16xf32>,
        tpu.vector_store %arg15[%parallel_loop3A_380, %parallel_loop3A_381], %parallel_loop3A_375 {strides = array<i32>} : memref<80x80xf32, #tpu.memory_space<vmem>>, vector<16xf32>,
        %parallel_loop3A_383 = arith.constant 2 : i32
        %parallel_loop3A_384 = arith.muli %parallel_loop3A_383, %parallel_loop3A_199 : i32
        %parallel_loop3A_385 = arith.index_cast %parallel_loop3A_384 : i32 to index
        %parallel_loop3A_386 = arith.constant 48 : index
        %parallel_loop3A_387 = tpu.vector_load %arg11[%parallel_loop3A_385, %parallel_loop3A_386] {strides = array<i32>} : memref<80x80xf32, #tpu.memory_space<vmem>>, vector<16xf32>,
        %parallel_loop3A_388 = arith.constant 2 : i32
        %parallel_loop3A_389 = arith.muli %parallel_loop3A_388, %parallel_loop3A_199 : i32
        %parallel_loop3A_390 = arith.constant 1 : i32
        %parallel_loop3A_391 = arith.addi %parallel_loop3A_389, %parallel_loop3A_390 : i32
        %parallel_loop3A_392 = arith.index_cast %parallel_loop3A_391 : i32 to index
        %parallel_loop3A_393 = arith.constant 48 : index
        %parallel_loop3A_394 = tpu.vector_load %arg11[%parallel_loop3A_392, %parallel_loop3A_393] {strides = array<i32>} : memref<80x80xf32, #tpu.memory_space<vmem>>, vector<16xf32>,
        %parallel_loop3A_395 = arith.constant 0 : i32
        %parallel_loop3A_396 = vector.broadcast %parallel_loop3A_395 : i32 to vector<16xi32>
        %parallel_loop3A_397 = arith.cmpi slt, %add3A_47, %parallel_loop3A_396 : vector<16xi32>
        %parallel_loop3A_398 = arith.constant 16 : i32
        %parallel_loop3A_399 = vector.broadcast %parallel_loop3A_398 : i32 to vector<16xi32>
        %parallel_loop3A_400 = arith.addi %add3A_47, %parallel_loop3A_399 : vector<16xi32>
        %parallel_loop3A_401 = arith.select %parallel_loop3A_397, %parallel_loop3A_400, %add3A_47 : vector<16xi1>, vector<16xi32>
        %parallel_loop3A_402 = vector.shape_cast %parallel_loop3A_401 : vector<16xi32> to vector<16x1xi32>
        %parallel_loop3A_403 = vector.shape_cast %parallel_loop3A_402 : vector<16x1xi32> to vector<16xi32>
        %parallel_loop3A_404 = tpu.dynamic_gather %parallel_loop3A_211[%parallel_loop3A_403] in [0] : vector<16xf32>, vector<16xi32> -> vector<16xf32>
        %parallel_loop3A_405 = arith.mulf %parallel_loop3A_387, %parallel_loop3A_404 : vector<16xf32>
        %parallel_loop3A_406 = arith.constant 2 : i32
        %parallel_loop3A_407 = arith.muli %parallel_loop3A_406, %parallel_loop3A_199 : i32
        %parallel_loop3A_408 = arith.index_cast %parallel_loop3A_407 : i32 to index
        %parallel_loop3A_409 = arith.constant 48 : index
        %parallel_loop3A_410 = tpu.vector_load %arg15[%parallel_loop3A_408, %parallel_loop3A_409] {strides = array<i32>} : memref<80x80xf32, #tpu.memory_space<vmem>>, vector<16xf32>,
        tpu.vector_store %arg15[%parallel_loop3A_408, %parallel_loop3A_409], %parallel_loop3A_405 {strides = array<i32>} : memref<80x80xf32, #tpu.memory_space<vmem>>, vector<16xf32>,
        %parallel_loop3A_411 = arith.constant 8 : i32
        %parallel_loop3A_412 = vector.broadcast %parallel_loop3A_411 : i32 to vector<16xi32>
        %parallel_loop3A_413 = arith.addi %add3A_47, %parallel_loop3A_412 : vector<16xi32>
        %parallel_loop3A_414 = arith.constant 0 : i32
        %parallel_loop3A_415 = vector.broadcast %parallel_loop3A_414 : i32 to vector<16xi32>
        %parallel_loop3A_416 = arith.cmpi slt, %parallel_loop3A_413, %parallel_loop3A_415 : vector<16xi32>
        %parallel_loop3A_417 = arith.constant 16 : i32
        %parallel_loop3A_418 = vector.broadcast %parallel_loop3A_417 : i32 to vector<16xi32>
        %parallel_loop3A_419 = arith.addi %parallel_loop3A_413, %parallel_loop3A_418 : vector<16xi32>
        %parallel_loop3A_420 = arith.select %parallel_loop3A_416, %parallel_loop3A_419, %parallel_loop3A_413 : vector<16xi1>, vector<16xi32>
        %parallel_loop3A_421 = vector.shape_cast %parallel_loop3A_420 : vector<16xi32> to vector<16x1xi32>
        %parallel_loop3A_422 = vector.shape_cast %parallel_loop3A_421 : vector<16x1xi32> to vector<16xi32>
        %parallel_loop3A_423 = tpu.dynamic_gather %parallel_loop3A_211[%parallel_loop3A_422] in [0] : vector<16xf32>, vector<16xi32> -> vector<16xf32>
        %parallel_loop3A_424 = arith.mulf %parallel_loop3A_394, %parallel_loop3A_423 : vector<16xf32>
        %parallel_loop3A_425 = arith.constant 2 : i32
        %parallel_loop3A_426 = arith.muli %parallel_loop3A_425, %parallel_loop3A_199 : i32
        %parallel_loop3A_427 = arith.constant 1 : i32
        %parallel_loop3A_428 = arith.addi %parallel_loop3A_426, %parallel_loop3A_427 : i32
        %parallel_loop3A_429 = arith.index_cast %parallel_loop3A_428 : i32 to index
        %parallel_loop3A_430 = arith.constant 48 : index
        %parallel_loop3A_431 = tpu.vector_load %arg15[%parallel_loop3A_429, %parallel_loop3A_430] {strides = array<i32>} : memref<80x80xf32, #tpu.memory_space<vmem>>, vector<16xf32>,
        tpu.vector_store %arg15[%parallel_loop3A_429, %parallel_loop3A_430], %parallel_loop3A_424 {strides = array<i32>} : memref<80x80xf32, #tpu.memory_space<vmem>>, vector<16xf32>,
      } {sc.loop_unroll_factor = 8 : i64, sc.parallel_access}
      %lt3A = arith.constant 61 : i32
      %lt3A_194 = arith.cmpi slt, %scan3A_87, %lt3A : i32
      %convert_element_type3A_195 = arith.extui %lt3A_194 : i1 to i32
      %cond3A_196 = arith.constant 0 : i32
      %cond3A_197 = arith.cmpi ne, %convert_element_type3A_195, %cond3A_196 : i32
      scf.if %cond3A_197 {
        %add3A_199 = arith.constant 2 : i32
        %add3A_200 = arith.addi %add3A_145, %add3A_199 : i32
      } else {
      }
      %scan3A_198 = arith.constant 0 : i32
      scf.yield %scan3A_198 : i32
    }
    %scan3A_57 = arith.constant 62 : i32
    %get3A = arith.constant 9920 : index
    %get3A_58 = tpu.vector_load %arg7[%get3A] {strides = array<i32>} : memref<10000xi32, #tpu.memory_space<vmem>>, vector<16xi32>,
    %swap3A = arith.constant 0 : index
    %swap3A_59 = tpu.vector_load %arg8[%swap3A] {strides = array<i32>} : memref<80xi32, #tpu.memory_space<vmem>>, vector<16xi32>,
    tpu.vector_store %arg8[%swap3A], %get3A_58 {strides = array<i32>} : memref<80xi32, #tpu.memory_space<vmem>>, vector<16xi32>,
    %get3A_60 = arith.constant 9936 : index
    %get3A_61 = tpu.vector_load %arg7[%get3A_60] {strides = array<i32>} : memref<10000xi32, #tpu.memory_space<vmem>>, vector<16xi32>,
    %swap3A_62 = arith.constant 16 : index
    %swap3A_63 = tpu.vector_load %arg8[%swap3A_62] {strides = array<i32>} : memref<80xi32, #tpu.memory_space<vmem>>, vector<16xi32>,
    tpu.vector_store %arg8[%swap3A_62], %get3A_61 {strides = array<i32>} : memref<80xi32, #tpu.memory_space<vmem>>, vector<16xi32>,
    %get3A_64 = arith.constant 9952 : index
    %get3A_65 = tpu.vector_load %arg7[%get3A_64] {strides = array<i32>} : memref<10000xi32, #tpu.memory_space<vmem>>, vector<16xi32>,
    %swap3A_66 = arith.constant 32 : index
    %swap3A_67 = tpu.vector_load %arg8[%swap3A_66] {strides = array<i32>} : memref<80xi32, #tpu.memory_space<vmem>>, vector<16xi32>,
    tpu.vector_store %arg8[%swap3A_66], %get3A_65 {strides = array<i32>} : memref<80xi32, #tpu.memory_space<vmem>>, vector<16xi32>,
    %get3A_68 = arith.constant 9968 : index
    %get3A_69 = tpu.vector_load %arg7[%get3A_68] {strides = array<i32>} : memref<10000xi32, #tpu.memory_space<vmem>>, vector<16xi32>,
    %swap3A_70 = arith.constant 48 : index
    %swap3A_71 = tpu.vector_load %arg8[%swap3A_70] {strides = array<i32>} : memref<80xi32, #tpu.memory_space<vmem>>, vector<16xi32>,
    tpu.vector_store %arg8[%swap3A_70], %get3A_69 {strides = array<i32>} : memref<80xi32, #tpu.memory_space<vmem>>, vector<16xi32>,
    %get3A_72 = arith.constant 9984 : index
    %get3A_73 = tpu.vector_load %arg7[%get3A_72] {strides = array<i32>} : memref<10000xi32, #tpu.memory_space<vmem>>, vector<16xi32>,
    %swap3A_74 = arith.constant 64 : index
    %swap3A_75 = tpu.vector_load %arg8[%swap3A_74] {strides = array<i32>} : memref<80xi32, #tpu.memory_space<vmem>>, vector<16xi32>,
    tpu.vector_store %arg8[%swap3A_74], %get3A_73 {strides = array<i32>} : memref<80xi32, #tpu.memory_space<vmem>>, vector<16xi32>,
    %parallel_loop3A = arith.constant 0 : i32
    %parallel_loop3A_76 = arith.constant 40 : i32
    %parallel_loop3A_77 = arith.constant 1 : i32
    scf.for %parallel_loop3A_87 = %parallel_loop3A to %parallel_loop3A_76 step %parallel_loop3A_77  : i32 {
      %parallel_loop3A_88 = arith.constant 2 : i32
      %parallel_loop3A_89 = arith.muli %parallel_loop3A_88, %parallel_loop3A_87 : i32
      %parallel_loop3A_90 = vector.broadcast %parallel_loop3A_89 : i32 to vector<16xi32>
      %parallel_loop3A_91 = arith.addi %shift_right_arithmetic3A_4, %parallel_loop3A_90 : vector<16xi32>
      %parallel_loop3A_92 = tpu.vector_load_idx %arg10[%parallel_loop3A_91, %add3A_50] : memref<80x80xf32, #tpu.memory_space<vmem>>[vector<16xi32>, vector<16xi32>], vector<16xf32>,
      %parallel_loop3A_93 = tpu.vector_load_idx %arg12[%parallel_loop3A_91, %and3A_6] : memref<80x16xf32, #tpu.memory_space<vmem>>[vector<16xi32>, vector<16xi32>], vector<16xf32>,
      %parallel_loop3A_94 = arith.addf %parallel_loop3A_92, %parallel_loop3A_93 : vector<16xf32>
      %parallel_loop3A_95 = arith.constant 2.000000e-01 : f32
      %parallel_loop3A_96 = vector.broadcast %parallel_loop3A_95 : f32 to vector<16xf32>
      %parallel_loop3A_97 = arith.mulf %parallel_loop3A_96, %parallel_loop3A_94 : vector<16xf32>
      %parallel_loop3A_98 = arith.maximumf %parallel_loop3A_94, %parallel_loop3A_97 : vector<16xf32>
      %parallel_loop3A_99 = math.exp %parallel_loop3A_98 : vector<16xf32>
      %parallel_loop3A_100 = arith.constant 8 : i32
      %parallel_loop3A_101 = vector.broadcast %parallel_loop3A_100 : i32 to vector<16xi32>
      %parallel_loop3A_102 = arith.cmpi slt, %iota3A, %parallel_loop3A_101 : vector<16xi32>
      %parallel_loop3A_103 = arith.constant 0.000000e+00 : f32
      %parallel_loop3A_104 = vector.broadcast %parallel_loop3A_103 : f32 to vector<16xf32>
      %parallel_loop3A_105 = arith.select %parallel_loop3A_102, %parallel_loop3A_99, %parallel_loop3A_104 : vector<16xi1>, vector<16xf32>
      %parallel_loop3A_106 = arith.constant 2 : i32
      %parallel_loop3A_107 = arith.muli %parallel_loop3A_106, %parallel_loop3A_87 : i32
      %parallel_loop3A_108 = arith.index_cast %parallel_loop3A_107 : i32 to index
      %parallel_loop3A_109 = arith.constant 64 : index
      %parallel_loop3A_110 = tpu.vector_load %arg14[%parallel_loop3A_108, %parallel_loop3A_109] {strides = array<i32>} : memref<80x80xf32, #tpu.memory_space<vmem>>, vector<16xf32>,
      tpu.vector_store %arg14[%parallel_loop3A_108, %parallel_loop3A_109], %parallel_loop3A_105 {strides = array<i32>} : memref<80x80xf32, #tpu.memory_space<vmem>>, vector<16xf32>,
      %parallel_loop3A_111 = arith.constant 8 : i32
      %parallel_loop3A_112 = vector.broadcast %parallel_loop3A_111 : i32 to vector<16xi32>
      %parallel_loop3A_113 = arith.cmpi slt, %iota3A, %parallel_loop3A_112 : vector<16xi32>
      %parallel_loop3A_114 = arith.constant 0.000000e+00 : f32
      %parallel_loop3A_115 = vector.broadcast %parallel_loop3A_114 : f32 to vector<16xf32>
      %parallel_loop3A_116 = arith.select %parallel_loop3A_113, %parallel_loop3A_115, %parallel_loop3A_99 : vector<16xi1>, vector<16xf32>
      %parallel_loop3A_117 = arith.constant 2 : i32
      %parallel_loop3A_118 = arith.muli %parallel_loop3A_117, %parallel_loop3A_87 : i32
      %parallel_loop3A_119 = arith.constant 1 : i32
      %parallel_loop3A_120 = arith.addi %parallel_loop3A_118, %parallel_loop3A_119 : i32
      %parallel_loop3A_121 = arith.index_cast %parallel_loop3A_120 : i32 to index
      %parallel_loop3A_122 = arith.constant 64 : index
      %parallel_loop3A_123 = tpu.vector_load %arg14[%parallel_loop3A_121, %parallel_loop3A_122] {strides = array<i32>} : memref<80x80xf32, #tpu.memory_space<vmem>>, vector<16xf32>,
      tpu.vector_store %arg14[%parallel_loop3A_121, %parallel_loop3A_122], %parallel_loop3A_116 {strides = array<i32>} : memref<80x80xf32, #tpu.memory_space<vmem>>, vector<16xf32>,
      %parallel_loop3A_124 = arith.constant 2 : i32
      %parallel_loop3A_125 = arith.muli %parallel_loop3A_124, %parallel_loop3A_87 : i32
      %parallel_loop3A_126 = arith.index_cast %parallel_loop3A_125 : i32 to index
      %parallel_loop3A_127 = arith.constant 0 : index
      %parallel_loop3A_128 = tpu.vector_load %arg10[%parallel_loop3A_126, %parallel_loop3A_127] {strides = array<i32>} : memref<80x80xf32, #tpu.memory_space<vmem>>, vector<16xf32>,
      %parallel_loop3A_129 = arith.constant 2 : i32
      %parallel_loop3A_130 = arith.muli %parallel_loop3A_129, %parallel_loop3A_87 : i32
      %parallel_loop3A_131 = arith.constant 1 : i32
      %parallel_loop3A_132 = arith.addi %parallel_loop3A_130, %parallel_loop3A_131 : i32
      %parallel_loop3A_133 = arith.index_cast %parallel_loop3A_132 : i32 to index
      %parallel_loop3A_134 = arith.constant 0 : index
      %parallel_loop3A_135 = tpu.vector_load %arg10[%parallel_loop3A_133, %parallel_loop3A_134] {strides = array<i32>} : memref<80x80xf32, #tpu.memory_space<vmem>>, vector<16xf32>,
      %parallel_loop3A_136 = arith.constant 0 : i32
      %parallel_loop3A_137 = vector.broadcast %parallel_loop3A_136 : i32 to vector<16xi32>
      %parallel_loop3A_138 = arith.cmpi slt, %add3A_38, %parallel_loop3A_137 : vector<16xi32>
      %parallel_loop3A_139 = arith.constant 16 : i32
      %parallel_loop3A_140 = vector.broadcast %parallel_loop3A_139 : i32 to vector<16xi32>
      %parallel_loop3A_141 = arith.addi %add3A_38, %parallel_loop3A_140 : vector<16xi32>
      %parallel_loop3A_142 = arith.select %parallel_loop3A_138, %parallel_loop3A_141, %add3A_38 : vector<16xi1>, vector<16xi32>
      %parallel_loop3A_143 = vector.shape_cast %parallel_loop3A_142 : vector<16xi32> to vector<16x1xi32>
      %parallel_loop3A_144 = vector.shape_cast %parallel_loop3A_143 : vector<16x1xi32> to vector<16xi32>
      %parallel_loop3A_145 = tpu.dynamic_gather %parallel_loop3A_99[%parallel_loop3A_144] in [0] : vector<16xf32>, vector<16xi32> -> vector<16xf32>
      %parallel_loop3A_146 = arith.mulf %parallel_loop3A_128, %parallel_loop3A_145 : vector<16xf32>
      %parallel_loop3A_147 = arith.constant 2 : i32
      %parallel_loop3A_148 = arith.muli %parallel_loop3A_147, %parallel_loop3A_87 : i32
      %parallel_loop3A_149 = arith.index_cast %parallel_loop3A_148 : i32 to index
      %parallel_loop3A_150 = arith.constant 0 : index
      %parallel_loop3A_151 = tpu.vector_load %arg14[%parallel_loop3A_149, %parallel_loop3A_150] {strides = array<i32>} : memref<80x80xf32, #tpu.memory_space<vmem>>, vector<16xf32>,
      tpu.vector_store %arg14[%parallel_loop3A_149, %parallel_loop3A_150], %parallel_loop3A_146 {strides = array<i32>} : memref<80x80xf32, #tpu.memory_space<vmem>>, vector<16xf32>,
      %parallel_loop3A_152 = arith.constant 8 : i32
      %parallel_loop3A_153 = vector.broadcast %parallel_loop3A_152 : i32 to vector<16xi32>
      %parallel_loop3A_154 = arith.addi %add3A_38, %parallel_loop3A_153 : vector<16xi32>
      %parallel_loop3A_155 = arith.constant 0 : i32
      %parallel_loop3A_156 = vector.broadcast %parallel_loop3A_155 : i32 to vector<16xi32>
      %parallel_loop3A_157 = arith.cmpi slt, %parallel_loop3A_154, %parallel_loop3A_156 : vector<16xi32>
      %parallel_loop3A_158 = arith.constant 16 : i32
      %parallel_loop3A_159 = vector.broadcast %parallel_loop3A_158 : i32 to vector<16xi32>
      %parallel_loop3A_160 = arith.addi %parallel_loop3A_154, %parallel_loop3A_159 : vector<16xi32>
      %parallel_loop3A_161 = arith.select %parallel_loop3A_157, %parallel_loop3A_160, %parallel_loop3A_154 : vector<16xi1>, vector<16xi32>
      %parallel_loop3A_162 = vector.shape_cast %parallel_loop3A_161 : vector<16xi32> to vector<16x1xi32>
      %parallel_loop3A_163 = vector.shape_cast %parallel_loop3A_162 : vector<16x1xi32> to vector<16xi32>
      %parallel_loop3A_164 = tpu.dynamic_gather %parallel_loop3A_99[%parallel_loop3A_163] in [0] : vector<16xf32>, vector<16xi32> -> vector<16xf32>
      %parallel_loop3A_165 = arith.mulf %parallel_loop3A_135, %parallel_loop3A_164 : vector<16xf32>
      %parallel_loop3A_166 = arith.constant 2 : i32
      %parallel_loop3A_167 = arith.muli %parallel_loop3A_166, %parallel_loop3A_87 : i32
      %parallel_loop3A_168 = arith.constant 1 : i32
      %parallel_loop3A_169 = arith.addi %parallel_loop3A_167, %parallel_loop3A_168 : i32
      %parallel_loop3A_170 = arith.index_cast %parallel_loop3A_169 : i32 to index
      %parallel_loop3A_171 = arith.constant 0 : index
      %parallel_loop3A_172 = tpu.vector_load %arg14[%parallel_loop3A_170, %parallel_loop3A_171] {strides = array<i32>} : memref<80x80xf32, #tpu.memory_space<vmem>>, vector<16xf32>,
      tpu.vector_store %arg14[%parallel_loop3A_170, %parallel_loop3A_171], %parallel_loop3A_165 {strides = array<i32>} : memref<80x80xf32, #tpu.memory_space<vmem>>, vector<16xf32>,
      %parallel_loop3A_173 = arith.constant 2 : i32
      %parallel_loop3A_174 = arith.muli %parallel_loop3A_173, %parallel_loop3A_87 : i32
      %parallel_loop3A_175 = arith.index_cast %parallel_loop3A_174 : i32 to index
      %parallel_loop3A_176 = arith.constant 16 : index
      %parallel_loop3A_177 = tpu.vector_load %arg10[%parallel_loop3A_175, %parallel_loop3A_176] {strides = array<i32>} : memref<80x80xf32, #tpu.memory_space<vmem>>, vector<16xf32>,
      %parallel_loop3A_178 = arith.constant 2 : i32
      %parallel_loop3A_179 = arith.muli %parallel_loop3A_178, %parallel_loop3A_87 : i32
      %parallel_loop3A_180 = arith.constant 1 : i32
      %parallel_loop3A_181 = arith.addi %parallel_loop3A_179, %parallel_loop3A_180 : i32
      %parallel_loop3A_182 = arith.index_cast %parallel_loop3A_181 : i32 to index
      %parallel_loop3A_183 = arith.constant 16 : index
      %parallel_loop3A_184 = tpu.vector_load %arg10[%parallel_loop3A_182, %parallel_loop3A_183] {strides = array<i32>} : memref<80x80xf32, #tpu.memory_space<vmem>>, vector<16xf32>,
      %parallel_loop3A_185 = arith.constant 0 : i32
      %parallel_loop3A_186 = vector.broadcast %parallel_loop3A_185 : i32 to vector<16xi32>
      %parallel_loop3A_187 = arith.cmpi slt, %add3A_41, %parallel_loop3A_186 : vector<16xi32>
      %parallel_loop3A_188 = arith.constant 16 : i32
      %parallel_loop3A_189 = vector.broadcast %parallel_loop3A_188 : i32 to vector<16xi32>
      %parallel_loop3A_190 = arith.addi %add3A_41, %parallel_loop3A_189 : vector<16xi32>
      %parallel_loop3A_191 = arith.select %parallel_loop3A_187, %parallel_loop3A_190, %add3A_41 : vector<16xi1>, vector<16xi32>
      %parallel_loop3A_192 = vector.shape_cast %parallel_loop3A_191 : vector<16xi32> to vector<16x1xi32>
      %parallel_loop3A_193 = vector.shape_cast %parallel_loop3A_192 : vector<16x1xi32> to vector<16xi32>
      %parallel_loop3A_194 = tpu.dynamic_gather %parallel_loop3A_99[%parallel_loop3A_193] in [0] : vector<16xf32>, vector<16xi32> -> vector<16xf32>
      %parallel_loop3A_195 = arith.mulf %parallel_loop3A_177, %parallel_loop3A_194 : vector<16xf32>
      %parallel_loop3A_196 = arith.constant 2 : i32
      %parallel_loop3A_197 = arith.muli %parallel_loop3A_196, %parallel_loop3A_87 : i32
      %parallel_loop3A_198 = arith.index_cast %parallel_loop3A_197 : i32 to index
      %parallel_loop3A_199 = arith.constant 16 : index
      %parallel_loop3A_200 = tpu.vector_load %arg14[%parallel_loop3A_198, %parallel_loop3A_199] {strides = array<i32>} : memref<80x80xf32, #tpu.memory_space<vmem>>, vector<16xf32>,
      tpu.vector_store %arg14[%parallel_loop3A_198, %parallel_loop3A_199], %parallel_loop3A_195 {strides = array<i32>} : memref<80x80xf32, #tpu.memory_space<vmem>>, vector<16xf32>,
      %parallel_loop3A_201 = arith.constant 8 : i32
      %parallel_loop3A_202 = vector.broadcast %parallel_loop3A_201 : i32 to vector<16xi32>
      %parallel_loop3A_203 = arith.addi %add3A_41, %parallel_loop3A_202 : vector<16xi32>
      %parallel_loop3A_204 = arith.constant 0 : i32
      %parallel_loop3A_205 = vector.broadcast %parallel_loop3A_204 : i32 to vector<16xi32>
      %parallel_loop3A_206 = arith.cmpi slt, %parallel_loop3A_203, %parallel_loop3A_205 : vector<16xi32>
      %parallel_loop3A_207 = arith.constant 16 : i32
      %parallel_loop3A_208 = vector.broadcast %parallel_loop3A_207 : i32 to vector<16xi32>
      %parallel_loop3A_209 = arith.addi %parallel_loop3A_203, %parallel_loop3A_208 : vector<16xi32>
      %parallel_loop3A_210 = arith.select %parallel_loop3A_206, %parallel_loop3A_209, %parallel_loop3A_203 : vector<16xi1>, vector<16xi32>
      %parallel_loop3A_211 = vector.shape_cast %parallel_loop3A_210 : vector<16xi32> to vector<16x1xi32>
      %parallel_loop3A_212 = vector.shape_cast %parallel_loop3A_211 : vector<16x1xi32> to vector<16xi32>
      %parallel_loop3A_213 = tpu.dynamic_gather %parallel_loop3A_99[%parallel_loop3A_212] in [0] : vector<16xf32>, vector<16xi32> -> vector<16xf32>
      %parallel_loop3A_214 = arith.mulf %parallel_loop3A_184, %parallel_loop3A_213 : vector<16xf32>
      %parallel_loop3A_215 = arith.constant 2 : i32
      %parallel_loop3A_216 = arith.muli %parallel_loop3A_215, %parallel_loop3A_87 : i32
      %parallel_loop3A_217 = arith.constant 1 : i32
      %parallel_loop3A_218 = arith.addi %parallel_loop3A_216, %parallel_loop3A_217 : i32
      %parallel_loop3A_219 = arith.index_cast %parallel_loop3A_218 : i32 to index
      %parallel_loop3A_220 = arith.constant 16 : index
      %parallel_loop3A_221 = tpu.vector_load %arg14[%parallel_loop3A_219, %parallel_loop3A_220] {strides = array<i32>} : memref<80x80xf32, #tpu.memory_space<vmem>>, vector<16xf32>,
      tpu.vector_store %arg14[%parallel_loop3A_219, %parallel_loop3A_220], %parallel_loop3A_214 {strides = array<i32>} : memref<80x80xf32, #tpu.memory_space<vmem>>, vector<16xf32>,
      %parallel_loop3A_222 = arith.constant 2 : i32
      %parallel_loop3A_223 = arith.muli %parallel_loop3A_222, %parallel_loop3A_87 : i32
      %parallel_loop3A_224 = arith.index_cast %parallel_loop3A_223 : i32 to index
      %parallel_loop3A_225 = arith.constant 32 : index
      %parallel_loop3A_226 = tpu.vector_load %arg10[%parallel_loop3A_224, %parallel_loop3A_225] {strides = array<i32>} : memref<80x80xf32, #tpu.memory_space<vmem>>, vector<16xf32>,
      %parallel_loop3A_227 = arith.constant 2 : i32
      %parallel_loop3A_228 = arith.muli %parallel_loop3A_227, %parallel_loop3A_87 : i32
      %parallel_loop3A_229 = arith.constant 1 : i32
      %parallel_loop3A_230 = arith.addi %parallel_loop3A_228, %parallel_loop3A_229 : i32
      %parallel_loop3A_231 = arith.index_cast %parallel_loop3A_230 : i32 to index
      %parallel_loop3A_232 = arith.constant 32 : index
      %parallel_loop3A_233 = tpu.vector_load %arg10[%parallel_loop3A_231, %parallel_loop3A_232] {strides = array<i32>} : memref<80x80xf32, #tpu.memory_space<vmem>>, vector<16xf32>,
      %parallel_loop3A_234 = arith.constant 0 : i32
      %parallel_loop3A_235 = vector.broadcast %parallel_loop3A_234 : i32 to vector<16xi32>
      %parallel_loop3A_236 = arith.cmpi slt, %add3A_44, %parallel_loop3A_235 : vector<16xi32>
      %parallel_loop3A_237 = arith.constant 16 : i32
      %parallel_loop3A_238 = vector.broadcast %parallel_loop3A_237 : i32 to vector<16xi32>
      %parallel_loop3A_239 = arith.addi %add3A_44, %parallel_loop3A_238 : vector<16xi32>
      %parallel_loop3A_240 = arith.select %parallel_loop3A_236, %parallel_loop3A_239, %add3A_44 : vector<16xi1>, vector<16xi32>
      %parallel_loop3A_241 = vector.shape_cast %parallel_loop3A_240 : vector<16xi32> to vector<16x1xi32>
      %parallel_loop3A_242 = vector.shape_cast %parallel_loop3A_241 : vector<16x1xi32> to vector<16xi32>
      %parallel_loop3A_243 = tpu.dynamic_gather %parallel_loop3A_99[%parallel_loop3A_242] in [0] : vector<16xf32>, vector<16xi32> -> vector<16xf32>
      %parallel_loop3A_244 = arith.mulf %parallel_loop3A_226, %parallel_loop3A_243 : vector<16xf32>
      %parallel_loop3A_245 = arith.constant 2 : i32
      %parallel_loop3A_246 = arith.muli %parallel_loop3A_245, %parallel_loop3A_87 : i32
      %parallel_loop3A_247 = arith.index_cast %parallel_loop3A_246 : i32 to index
      %parallel_loop3A_248 = arith.constant 32 : index
      %parallel_loop3A_249 = tpu.vector_load %arg14[%parallel_loop3A_247, %parallel_loop3A_248] {strides = array<i32>} : memref<80x80xf32, #tpu.memory_space<vmem>>, vector<16xf32>,
      tpu.vector_store %arg14[%parallel_loop3A_247, %parallel_loop3A_248], %parallel_loop3A_244 {strides = array<i32>} : memref<80x80xf32, #tpu.memory_space<vmem>>, vector<16xf32>,
      %parallel_loop3A_250 = arith.constant 8 : i32
      %parallel_loop3A_251 = vector.broadcast %parallel_loop3A_250 : i32 to vector<16xi32>
      %parallel_loop3A_252 = arith.addi %add3A_44, %parallel_loop3A_251 : vector<16xi32>
      %parallel_loop3A_253 = arith.constant 0 : i32
      %parallel_loop3A_254 = vector.broadcast %parallel_loop3A_253 : i32 to vector<16xi32>
      %parallel_loop3A_255 = arith.cmpi slt, %parallel_loop3A_252, %parallel_loop3A_254 : vector<16xi32>
      %parallel_loop3A_256 = arith.constant 16 : i32
      %parallel_loop3A_257 = vector.broadcast %parallel_loop3A_256 : i32 to vector<16xi32>
      %parallel_loop3A_258 = arith.addi %parallel_loop3A_252, %parallel_loop3A_257 : vector<16xi32>
      %parallel_loop3A_259 = arith.select %parallel_loop3A_255, %parallel_loop3A_258, %parallel_loop3A_252 : vector<16xi1>, vector<16xi32>
      %parallel_loop3A_260 = vector.shape_cast %parallel_loop3A_259 : vector<16xi32> to vector<16x1xi32>
      %parallel_loop3A_261 = vector.shape_cast %parallel_loop3A_260 : vector<16x1xi32> to vector<16xi32>
      %parallel_loop3A_262 = tpu.dynamic_gather %parallel_loop3A_99[%parallel_loop3A_261] in [0] : vector<16xf32>, vector<16xi32> -> vector<16xf32>
      %parallel_loop3A_263 = arith.mulf %parallel_loop3A_233, %parallel_loop3A_262 : vector<16xf32>
      %parallel_loop3A_264 = arith.constant 2 : i32
      %parallel_loop3A_265 = arith.muli %parallel_loop3A_264, %parallel_loop3A_87 : i32
      %parallel_loop3A_266 = arith.constant 1 : i32
      %parallel_loop3A_267 = arith.addi %parallel_loop3A_265, %parallel_loop3A_266 : i32
      %parallel_loop3A_268 = arith.index_cast %parallel_loop3A_267 : i32 to index
      %parallel_loop3A_269 = arith.constant 32 : index
      %parallel_loop3A_270 = tpu.vector_load %arg14[%parallel_loop3A_268, %parallel_loop3A_269] {strides = array<i32>} : memref<80x80xf32, #tpu.memory_space<vmem>>, vector<16xf32>,
      tpu.vector_store %arg14[%parallel_loop3A_268, %parallel_loop3A_269], %parallel_loop3A_263 {strides = array<i32>} : memref<80x80xf32, #tpu.memory_space<vmem>>, vector<16xf32>,
      %parallel_loop3A_271 = arith.constant 2 : i32
      %parallel_loop3A_272 = arith.muli %parallel_loop3A_271, %parallel_loop3A_87 : i32
      %parallel_loop3A_273 = arith.index_cast %parallel_loop3A_272 : i32 to index
      %parallel_loop3A_274 = arith.constant 48 : index
      %parallel_loop3A_275 = tpu.vector_load %arg10[%parallel_loop3A_273, %parallel_loop3A_274] {strides = array<i32>} : memref<80x80xf32, #tpu.memory_space<vmem>>, vector<16xf32>,
      %parallel_loop3A_276 = arith.constant 2 : i32
      %parallel_loop3A_277 = arith.muli %parallel_loop3A_276, %parallel_loop3A_87 : i32
      %parallel_loop3A_278 = arith.constant 1 : i32
      %parallel_loop3A_279 = arith.addi %parallel_loop3A_277, %parallel_loop3A_278 : i32
      %parallel_loop3A_280 = arith.index_cast %parallel_loop3A_279 : i32 to index
      %parallel_loop3A_281 = arith.constant 48 : index
      %parallel_loop3A_282 = tpu.vector_load %arg10[%parallel_loop3A_280, %parallel_loop3A_281] {strides = array<i32>} : memref<80x80xf32, #tpu.memory_space<vmem>>, vector<16xf32>,
      %parallel_loop3A_283 = arith.constant 0 : i32
      %parallel_loop3A_284 = vector.broadcast %parallel_loop3A_283 : i32 to vector<16xi32>
      %parallel_loop3A_285 = arith.cmpi slt, %add3A_47, %parallel_loop3A_284 : vector<16xi32>
      %parallel_loop3A_286 = arith.constant 16 : i32
      %parallel_loop3A_287 = vector.broadcast %parallel_loop3A_286 : i32 to vector<16xi32>
      %parallel_loop3A_288 = arith.addi %add3A_47, %parallel_loop3A_287 : vector<16xi32>
      %parallel_loop3A_289 = arith.select %parallel_loop3A_285, %parallel_loop3A_288, %add3A_47 : vector<16xi1>, vector<16xi32>
      %parallel_loop3A_290 = vector.shape_cast %parallel_loop3A_289 : vector<16xi32> to vector<16x1xi32>
      %parallel_loop3A_291 = vector.shape_cast %parallel_loop3A_290 : vector<16x1xi32> to vector<16xi32>
      %parallel_loop3A_292 = tpu.dynamic_gather %parallel_loop3A_99[%parallel_loop3A_291] in [0] : vector<16xf32>, vector<16xi32> -> vector<16xf32>
      %parallel_loop3A_293 = arith.mulf %parallel_loop3A_275, %parallel_loop3A_292 : vector<16xf32>
      %parallel_loop3A_294 = arith.constant 2 : i32
      %parallel_loop3A_295 = arith.muli %parallel_loop3A_294, %parallel_loop3A_87 : i32
      %parallel_loop3A_296 = arith.index_cast %parallel_loop3A_295 : i32 to index
      %parallel_loop3A_297 = arith.constant 48 : index
      %parallel_loop3A_298 = tpu.vector_load %arg14[%parallel_loop3A_296, %parallel_loop3A_297] {strides = array<i32>} : memref<80x80xf32, #tpu.memory_space<vmem>>, vector<16xf32>,
      tpu.vector_store %arg14[%parallel_loop3A_296, %parallel_loop3A_297], %parallel_loop3A_293 {strides = array<i32>} : memref<80x80xf32, #tpu.memory_space<vmem>>, vector<16xf32>,
      %parallel_loop3A_299 = arith.constant 8 : i32
      %parallel_loop3A_300 = vector.broadcast %parallel_loop3A_299 : i32 to vector<16xi32>
      %parallel_loop3A_301 = arith.addi %add3A_47, %parallel_loop3A_300 : vector<16xi32>
      %parallel_loop3A_302 = arith.constant 0 : i32
      %parallel_loop3A_303 = vector.broadcast %parallel_loop3A_302 : i32 to vector<16xi32>
      %parallel_loop3A_304 = arith.cmpi slt, %parallel_loop3A_301, %parallel_loop3A_303 : vector<16xi32>
      %parallel_loop3A_305 = arith.constant 16 : i32
      %parallel_loop3A_306 = vector.broadcast %parallel_loop3A_305 : i32 to vector<16xi32>
      %parallel_loop3A_307 = arith.addi %parallel_loop3A_301, %parallel_loop3A_306 : vector<16xi32>
      %parallel_loop3A_308 = arith.select %parallel_loop3A_304, %parallel_loop3A_307, %parallel_loop3A_301 : vector<16xi1>, vector<16xi32>
      %parallel_loop3A_309 = vector.shape_cast %parallel_loop3A_308 : vector<16xi32> to vector<16x1xi32>
      %parallel_loop3A_310 = vector.shape_cast %parallel_loop3A_309 : vector<16x1xi32> to vector<16xi32>
      %parallel_loop3A_311 = tpu.dynamic_gather %parallel_loop3A_99[%parallel_loop3A_310] in [0] : vector<16xf32>, vector<16xi32> -> vector<16xf32>
      %parallel_loop3A_312 = arith.mulf %parallel_loop3A_282, %parallel_loop3A_311 : vector<16xf32>
      %parallel_loop3A_313 = arith.constant 2 : i32
      %parallel_loop3A_314 = arith.muli %parallel_loop3A_313, %parallel_loop3A_87 : i32
      %parallel_loop3A_315 = arith.constant 1 : i32
      %parallel_loop3A_316 = arith.addi %parallel_loop3A_314, %parallel_loop3A_315 : i32
      %parallel_loop3A_317 = arith.index_cast %parallel_loop3A_316 : i32 to index
      %parallel_loop3A_318 = arith.constant 48 : index
      %parallel_loop3A_319 = tpu.vector_load %arg14[%parallel_loop3A_317, %parallel_loop3A_318] {strides = array<i32>} : memref<80x80xf32, #tpu.memory_space<vmem>>, vector<16xf32>,
      tpu.vector_store %arg14[%parallel_loop3A_317, %parallel_loop3A_318], %parallel_loop3A_312 {strides = array<i32>} : memref<80x80xf32, #tpu.memory_space<vmem>>, vector<16xf32>,
    } {sc.loop_unroll_factor = 8 : i64, sc.parallel_access}
    %barrier3A = arith.constant 0 : index
    tpu.barrier barrier_id(%barrier3A)
    %mul3A_78 = arith.constant 624 : i32
    %mul3A_79 = arith.muli %arg1, %mul3A_78 : i32
    %mul3A_80 = arith.constant 624 : i32
    %mul3A_81 = arith.muli %arg1, %mul3A_80 : i32
    "tpu.region"() ({
      %run_scoped3A = tpu.sem_alloc : memref<!tpu.dma_semaphore, #tpu.memory_space<semaphore_mem>>
      %dma_start3A_87 = arith.constant 0 : i32
      %dma_start3A_88 = tpu.memref_slice %arg5[%arg0, %mul3A_81, %dma_start3A_87] : memref<2x10000x80xf32, #tpu.memory_space<hbm>> -> memref<1x624x80xf32, #tpu.memory_space<hbm>>
      %dma_start3A_89 = tpu.memref_squeeze %dma_start3A_88 : memref<1x624x80xf32, #tpu.memory_space<hbm>> -> memref<624x80xf32, #tpu.memory_space<hbm>>
      %dma_start3A_90 = arith.constant 0 : i32
      %dma_start3A_91 = tpu.memref_slice %arg17[%mul3A_79, %dma_start3A_90] : memref<10000x80xf32, #tpu.memory_space<vmem_shared>> -> memref<624x80xf32, #tpu.memory_space<vmem_shared>>
      tpu.enqueue_dma source(%dma_start3A_91 : memref<624x80xf32, #tpu.memory_space<vmem_shared>>) target(%dma_start3A_89 : memref<624x80xf32, #tpu.memory_space<hbm>>) target_semaphore(%run_scoped3A : memref<!tpu.dma_semaphore, #tpu.memory_space<semaphore_mem>>)
      %dma_wait3A_92 = arith.constant 0 : i32
      %dma_wait3A_93 = tpu.memref_slice %arg5[%arg0, %mul3A_81, %dma_wait3A_92] : memref<2x10000x80xf32, #tpu.memory_space<hbm>> -> memref<1x624x80xf32, #tpu.memory_space<hbm>>
      %dma_wait3A_94 = tpu.memref_squeeze %dma_wait3A_93 : memref<1x624x80xf32, #tpu.memory_space<hbm>> -> memref<624x80xf32, #tpu.memory_space<hbm>>
      %dma_wait3A_95 = arith.constant 0 : i32
      %dma_wait3A_96 = tpu.memref_slice %arg17[%mul3A_79, %dma_wait3A_95] : memref<10000x80xf32, #tpu.memory_space<vmem_shared>> -> memref<624x80xf32, #tpu.memory_space<vmem_shared>>
      tpu.wait_dma2 semaphore(%run_scoped3A : memref<!tpu.dma_semaphore, #tpu.memory_space<semaphore_mem>>) src(%dma_wait3A_96 : memref<624x80xf32, #tpu.memory_space<vmem_shared>>) dst(%dma_wait3A_94 : memref<624x80xf32, #tpu.memory_space<hbm>>)
      tpu.yield
    }) : () -> ()
    %eq3A_82 = arith.constant 0 : i32
    %eq3A_83 = arith.cmpi eq, %arg1, %eq3A_82 : i32
    %convert_element_type3A_84 = arith.extui %eq3A_83 : i1 to i32
    %cond3A_85 = arith.constant 0 : i32
    %cond3A_86 = arith.cmpi ne, %convert_element_type3A_84, %cond3A_85 : i32
    scf.if %cond3A_86 {
      "tpu.region"() ({
        %run_scoped3A = tpu.sem_alloc : memref<!tpu.dma_semaphore, #tpu.memory_space<semaphore_mem>>
        %dma_start3A_87 = arith.constant 9984 : i32
        %dma_start3A_88 = arith.constant 0 : i32
        %dma_start3A_89 = tpu.memref_slice %arg5[%arg0, %dma_start3A_87, %dma_start3A_88] : memref<2x10000x80xf32, #tpu.memory_space<hbm>> -> memref<1x16x80xf32, #tpu.memory_space<hbm>>
        %dma_start3A_90 = tpu.memref_squeeze %dma_start3A_89 : memref<1x16x80xf32, #tpu.memory_space<hbm>> -> memref<16x80xf32, #tpu.memory_space<hbm>>
        %dma_start3A_91 = arith.constant 9984 : i32
        %dma_start3A_92 = arith.constant 0 : i32
        %dma_start3A_93 = tpu.memref_slice %arg17[%dma_start3A_91, %dma_start3A_92] : memref<10000x80xf32, #tpu.memory_space<vmem_shared>> -> memref<16x80xf32, #tpu.memory_space<vmem_shared>>
        tpu.enqueue_dma source(%dma_start3A_93 : memref<16x80xf32, #tpu.memory_space<vmem_shared>>) target(%dma_start3A_90 : memref<16x80xf32, #tpu.memory_space<hbm>>) target_semaphore(%run_scoped3A : memref<!tpu.dma_semaphore, #tpu.memory_space<semaphore_mem>>)
        %dma_wait3A_94 = arith.constant 9984 : i32
        %dma_wait3A_95 = arith.constant 0 : i32
        %dma_wait3A_96 = tpu.memref_slice %arg5[%arg0, %dma_wait3A_94, %dma_wait3A_95] : memref<2x10000x80xf32, #tpu.memory_space<hbm>> -> memref<1x16x80xf32, #tpu.memory_space<hbm>>
        %dma_wait3A_97 = tpu.memref_squeeze %dma_wait3A_96 : memref<1x16x80xf32, #tpu.memory_space<hbm>> -> memref<16x80xf32, #tpu.memory_space<hbm>>
        %dma_wait3A_98 = arith.constant 9984 : i32
        %dma_wait3A_99 = arith.constant 0 : i32
        %dma_wait3A_100 = tpu.memref_slice %arg17[%dma_wait3A_98, %dma_wait3A_99] : memref<10000x80xf32, #tpu.memory_space<vmem_shared>> -> memref<16x80xf32, #tpu.memory_space<vmem_shared>>
        tpu.wait_dma2 semaphore(%run_scoped3A : memref<!tpu.dma_semaphore, #tpu.memory_space<semaphore_mem>>) src(%dma_wait3A_100 : memref<16x80xf32, #tpu.memory_space<vmem_shared>>) dst(%dma_wait3A_97 : memref<16x80xf32, #tpu.memory_space<hbm>>)
        tpu.yield
      }) : () -> ()
    } else {
    }
    return
  }
}

#map = affine_map<(d0, d1) -> (0, 0)>
#map1 = affine_map<(d0, d1) -> (0)>
#map2 = affine_map<(d0, d1) -> (0, 0, 0)>
module attributes {stable_mosaic.version = 14 : i64} {
  func.func @_sc2(%arg0: i32, %arg1: i32, %arg2: memref<10000x32xf32, #tpu.memory_space<hbm>>, %arg3: memref<10000xf32, #tpu.memory_space<hbm>>, %arg4: memref<640000xi32, #tpu.memory_space<hbm>>, %arg5: memref<2x10000x32xf32, #tpu.memory_space<hbm>>, %arg6: memref<10000xi32, #tpu.memory_space<vmem>>, %arg7: memref<10000xi32, #tpu.memory_space<vmem>>, %arg8: memref<80xi32, #tpu.memory_space<vmem>>, %arg9: memref<80xi32, #tpu.memory_space<vmem>>, %arg10: memref<80x32xf32, #tpu.memory_space<vmem>>, %arg11: memref<80x32xf32, #tpu.memory_space<vmem>>, %arg12: memref<80x32xf32, #tpu.memory_space<vmem>>, %arg13: memref<80x32xf32, #tpu.memory_space<vmem>>, %arg14: memref<10000xf32, #tpu.memory_space<vmem>>, %arg15: memref<208x32xf32, #tpu.memory_space<vmem>>, %arg16: memref<10000x32xf32, #tpu.memory_space<vmem_shared>>, %arg17: memref<!tpu.dma_semaphore, #tpu.memory_space<semaphore_mem>>, %arg18: memref<!tpu.dma_semaphore, #tpu.memory_space<semaphore_mem>>, %arg19: memref<!tpu.dma_semaphore, #tpu.memory_space<semaphore_mem>>, %arg20: memref<!tpu.dma_semaphore, #tpu.memory_space<semaphore_mem>>) attributes {dimension_semantics = [#tpu.dimension_semantics<core_parallel>, #tpu.dimension_semantics<subcore_parallel>], iteration_bounds = array<i64: 2, 16>, scalar_prefetch = 0 : i64, scratch_operands = 15 : i64, tpu.core_type = #tpu.core_type<sc_vector_subcore>, window_params = [{transform_indices = #map}, {transform_indices = #map1}, {transform_indices = #map1}, {transform_indices = #map2}]} {
    %mul3A = arith.constant 2 : i32
    %mul3A_0 = arith.muli %arg1, %mul3A : i32
    %add3A = arith.addi %mul3A_0, %arg0 : i32
    %mul3A_1 = arith.constant 10000 : i32
    %mul3A_2 = arith.muli %add3A, %mul3A_1 : i32
    %iota3A = tpu.iota {dimensions = array<i32: 0>} : vector<16xi32>
    %broadcast_in_dim3A = arith.constant 0.000000e+00 : f32
    %broadcast_in_dim3A_3 = vector.broadcast %broadcast_in_dim3A : f32 to vector<16xf32>
    %shift_right_arithmetic3A = arith.constant 4 : i32
    %shift_right_arithmetic3A_4 = vector.broadcast %shift_right_arithmetic3A : i32 to vector<16xi32>
    %shift_right_arithmetic3A_5 = arith.shrsi %iota3A, %shift_right_arithmetic3A_4 : vector<16xi32>
    %add3A_6 = arith.constant 16 : i32
    %add3A_7 = vector.broadcast %add3A_6 : i32 to vector<16xi32>
    %add3A_8 = arith.addi %shift_right_arithmetic3A_5, %add3A_7 : vector<16xi32>
    %dma_start3A = tpu.memref_slice %arg4[%mul3A_2] : memref<640000xi32, #tpu.memory_space<hbm>> -> memref<10000xi32, #tpu.memory_space<hbm>>
    %dma_start3A_9 = tpu.memref_slice %arg4[%mul3A_2] : memref<640000xi32, #tpu.memory_space<hbm>> -> memref<10000xi32, #tpu.memory_space<hbm>>
    tpu.enqueue_dma source(%dma_start3A_9 : memref<10000xi32, #tpu.memory_space<hbm>>) target(%arg6 : memref<10000xi32, #tpu.memory_space<vmem>>) target_semaphore(%arg17 : memref<!tpu.dma_semaphore, #tpu.memory_space<semaphore_mem>>)
    %add3A_10 = arith.constant 320000 : i32
    %add3A_11 = arith.addi %add3A_10, %mul3A_2 : i32
    %dma_start3A_12 = tpu.memref_slice %arg4[%add3A_11] : memref<640000xi32, #tpu.memory_space<hbm>> -> memref<10000xi32, #tpu.memory_space<hbm>>
    %dma_start3A_13 = tpu.memref_slice %arg4[%add3A_11] : memref<640000xi32, #tpu.memory_space<hbm>> -> memref<10000xi32, #tpu.memory_space<hbm>>
    tpu.enqueue_dma source(%dma_start3A_13 : memref<10000xi32, #tpu.memory_space<hbm>>) target(%arg7 : memref<10000xi32, #tpu.memory_space<vmem>>) target_semaphore(%arg18 : memref<!tpu.dma_semaphore, #tpu.memory_space<semaphore_mem>>)
    tpu.enqueue_dma source(%arg3 : memref<10000xf32, #tpu.memory_space<hbm>>) target(%arg14 : memref<10000xf32, #tpu.memory_space<vmem>>) target_semaphore(%arg19 : memref<!tpu.dma_semaphore, #tpu.memory_space<semaphore_mem>>)
    %scan3A = arith.constant 0 : i32
    %scan3A_14 = arith.constant 0 : i32
    %scan3A_15 = arith.constant 208 : i32
    %scan3A_16 = arith.addi %scan3A_14, %scan3A_15 : i32
    %scan3A_17 = arith.constant 1 : i32
    %scan3A_18 = scf.for %scan3A_103 = %scan3A_14 to %scan3A_16 step %scan3A_17 iter_args(%scan3A_104 = %scan3A) -> (i32)  : i32 {
      %swap3A_105 = arith.index_cast %scan3A_103 : i32 to index
      %swap3A_106 = arith.constant 0 : index
      %swap3A_107 = tpu.vector_load %arg15[%swap3A_105, %swap3A_106] {strides = array<i32>} : memref<208x32xf32, #tpu.memory_space<vmem>>, vector<16xf32>,
      tpu.vector_store %arg15[%swap3A_105, %swap3A_106], %broadcast_in_dim3A_3 {strides = array<i32>} : memref<208x32xf32, #tpu.memory_space<vmem>>, vector<16xf32>,
      %swap3A_108 = arith.index_cast %scan3A_103 : i32 to index
      %swap3A_109 = arith.constant 16 : index
      %swap3A_110 = tpu.vector_load %arg15[%swap3A_108, %swap3A_109] {strides = array<i32>} : memref<208x32xf32, #tpu.memory_space<vmem>>, vector<16xf32>,
      tpu.vector_store %arg15[%swap3A_108, %swap3A_109], %broadcast_in_dim3A_3 {strides = array<i32>} : memref<208x32xf32, #tpu.memory_space<vmem>>, vector<16xf32>,
      %scan3A_111 = arith.constant 0 : i32
      scf.yield %scan3A_111 : i32
    }
    %scan3A_19 = arith.constant 208 : i32
    %mul3A_20 = arith.constant 624 : i32
    %mul3A_21 = arith.muli %arg1, %mul3A_20 : i32
    %add3A_22 = arith.constant 0 : i32
    %add3A_23 = arith.addi %mul3A_21, %add3A_22 : i32
    "tpu.region"() ({
      %run_scoped3A = tpu.sem_alloc : memref<!tpu.dma_semaphore, #tpu.memory_space<semaphore_mem>>
      %dma_start3A_103 = arith.constant 0 : i32
      %dma_start3A_104 = tpu.memref_slice %arg16[%add3A_23, %dma_start3A_103] : memref<10000x32xf32, #tpu.memory_space<vmem_shared>> -> memref<208x32xf32, #tpu.memory_space<vmem_shared>>
      %dma_start3A_105 = arith.constant 0 : i32
      %dma_start3A_106 = tpu.memref_slice %arg16[%add3A_23, %dma_start3A_105] : memref<10000x32xf32, #tpu.memory_space<vmem_shared>> -> memref<208x32xf32, #tpu.memory_space<vmem_shared>>
      tpu.enqueue_dma source(%arg15 : memref<208x32xf32, #tpu.memory_space<vmem>>) target(%dma_start3A_106 : memref<208x32xf32, #tpu.memory_space<vmem_shared>>) target_semaphore(%run_scoped3A : memref<!tpu.dma_semaphore, #tpu.memory_space<semaphore_mem>>)
      %dma_wait3A_107 = arith.constant 0 : i32
      %dma_wait3A_108 = tpu.memref_slice %arg16[%add3A_23, %dma_wait3A_107] : memref<10000x32xf32, #tpu.memory_space<vmem_shared>> -> memref<208x32xf32, #tpu.memory_space<vmem_shared>>
      %dma_wait3A_109 = arith.constant 0 : i32
      %dma_wait3A_110 = tpu.memref_slice %arg16[%add3A_23, %dma_wait3A_109] : memref<10000x32xf32, #tpu.memory_space<vmem_shared>> -> memref<208x32xf32, #tpu.memory_space<vmem_shared>>
      tpu.wait_dma2 semaphore(%run_scoped3A : memref<!tpu.dma_semaphore, #tpu.memory_space<semaphore_mem>>) src(%arg15 : memref<208x32xf32, #tpu.memory_space<vmem>>) dst(%dma_wait3A_110 : memref<208x32xf32, #tpu.memory_space<vmem_shared>>)
      tpu.yield
    }) : () -> ()
    %mul3A_24 = arith.constant 624 : i32
    %mul3A_25 = arith.muli %arg1, %mul3A_24 : i32
    %add3A_26 = arith.constant 208 : i32
    %add3A_27 = arith.addi %mul3A_25, %add3A_26 : i32
    "tpu.region"() ({
      %run_scoped3A = tpu.sem_alloc : memref<!tpu.dma_semaphore, #tpu.memory_space<semaphore_mem>>
      %dma_start3A_103 = arith.constant 0 : i32
      %dma_start3A_104 = tpu.memref_slice %arg16[%add3A_27, %dma_start3A_103] : memref<10000x32xf32, #tpu.memory_space<vmem_shared>> -> memref<208x32xf32, #tpu.memory_space<vmem_shared>>
      %dma_start3A_105 = arith.constant 0 : i32
      %dma_start3A_106 = tpu.memref_slice %arg16[%add3A_27, %dma_start3A_105] : memref<10000x32xf32, #tpu.memory_space<vmem_shared>> -> memref<208x32xf32, #tpu.memory_space<vmem_shared>>
      tpu.enqueue_dma source(%arg15 : memref<208x32xf32, #tpu.memory_space<vmem>>) target(%dma_start3A_106 : memref<208x32xf32, #tpu.memory_space<vmem_shared>>) target_semaphore(%run_scoped3A : memref<!tpu.dma_semaphore, #tpu.memory_space<semaphore_mem>>)
      %dma_wait3A_107 = arith.constant 0 : i32
      %dma_wait3A_108 = tpu.memref_slice %arg16[%add3A_27, %dma_wait3A_107] : memref<10000x32xf32, #tpu.memory_space<vmem_shared>> -> memref<208x32xf32, #tpu.memory_space<vmem_shared>>
      %dma_wait3A_109 = arith.constant 0 : i32
      %dma_wait3A_110 = tpu.memref_slice %arg16[%add3A_27, %dma_wait3A_109] : memref<10000x32xf32, #tpu.memory_space<vmem_shared>> -> memref<208x32xf32, #tpu.memory_space<vmem_shared>>
      tpu.wait_dma2 semaphore(%run_scoped3A : memref<!tpu.dma_semaphore, #tpu.memory_space<semaphore_mem>>) src(%arg15 : memref<208x32xf32, #tpu.memory_space<vmem>>) dst(%dma_wait3A_110 : memref<208x32xf32, #tpu.memory_space<vmem_shared>>)
      tpu.yield
    }) : () -> ()
    %mul3A_28 = arith.constant 624 : i32
    %mul3A_29 = arith.muli %arg1, %mul3A_28 : i32
    %add3A_30 = arith.constant 416 : i32
    %add3A_31 = arith.addi %mul3A_29, %add3A_30 : i32
    "tpu.region"() ({
      %run_scoped3A = tpu.sem_alloc : memref<!tpu.dma_semaphore, #tpu.memory_space<semaphore_mem>>
      %dma_start3A_103 = arith.constant 0 : i32
      %dma_start3A_104 = tpu.memref_slice %arg16[%add3A_31, %dma_start3A_103] : memref<10000x32xf32, #tpu.memory_space<vmem_shared>> -> memref<208x32xf32, #tpu.memory_space<vmem_shared>>
      %dma_start3A_105 = arith.constant 0 : i32
      %dma_start3A_106 = tpu.memref_slice %arg16[%add3A_31, %dma_start3A_105] : memref<10000x32xf32, #tpu.memory_space<vmem_shared>> -> memref<208x32xf32, #tpu.memory_space<vmem_shared>>
      tpu.enqueue_dma source(%arg15 : memref<208x32xf32, #tpu.memory_space<vmem>>) target(%dma_start3A_106 : memref<208x32xf32, #tpu.memory_space<vmem_shared>>) target_semaphore(%run_scoped3A : memref<!tpu.dma_semaphore, #tpu.memory_space<semaphore_mem>>)
      %dma_wait3A_107 = arith.constant 0 : i32
      %dma_wait3A_108 = tpu.memref_slice %arg16[%add3A_31, %dma_wait3A_107] : memref<10000x32xf32, #tpu.memory_space<vmem_shared>> -> memref<208x32xf32, #tpu.memory_space<vmem_shared>>
      %dma_wait3A_109 = arith.constant 0 : i32
      %dma_wait3A_110 = tpu.memref_slice %arg16[%add3A_31, %dma_wait3A_109] : memref<10000x32xf32, #tpu.memory_space<vmem_shared>> -> memref<208x32xf32, #tpu.memory_space<vmem_shared>>
      tpu.wait_dma2 semaphore(%run_scoped3A : memref<!tpu.dma_semaphore, #tpu.memory_space<semaphore_mem>>) src(%arg15 : memref<208x32xf32, #tpu.memory_space<vmem>>) dst(%dma_wait3A_110 : memref<208x32xf32, #tpu.memory_space<vmem_shared>>)
      tpu.yield
    }) : () -> ()
    %eq3A = arith.constant 0 : i32
    %eq3A_32 = arith.cmpi eq, %arg1, %eq3A : i32
    %convert_element_type3A = arith.extui %eq3A_32 : i1 to i32
    %cond3A = arith.constant 0 : i32
    %cond3A_33 = arith.cmpi ne, %convert_element_type3A, %cond3A : i32
    scf.if %cond3A_33 {
      "tpu.region"() ({
        %run_scoped3A = tpu.sem_alloc : memref<!tpu.dma_semaphore, #tpu.memory_space<semaphore_mem>>
        %dma_start3A_103 = arith.constant 0 : i32
        %dma_start3A_104 = arith.constant 0 : i32
        %dma_start3A_105 = tpu.memref_slice %arg15[%dma_start3A_103, %dma_start3A_104] : memref<208x32xf32, #tpu.memory_space<vmem>> -> memref<16x32xf32, #tpu.memory_space<vmem>>
        %dma_start3A_106 = arith.constant 9984 : i32
        %dma_start3A_107 = arith.constant 0 : i32
        %dma_start3A_108 = tpu.memref_slice %arg16[%dma_start3A_106, %dma_start3A_107] : memref<10000x32xf32, #tpu.memory_space<vmem_shared>> -> memref<16x32xf32, #tpu.memory_space<vmem_shared>>
        %dma_start3A_109 = arith.constant 9984 : i32
        %dma_start3A_110 = arith.constant 0 : i32
        %dma_start3A_111 = tpu.memref_slice %arg16[%dma_start3A_109, %dma_start3A_110] : memref<10000x32xf32, #tpu.memory_space<vmem_shared>> -> memref<16x32xf32, #tpu.memory_space<vmem_shared>>
        %dma_start3A_112 = arith.constant 0 : i32
        %dma_start3A_113 = arith.constant 0 : i32
        %dma_start3A_114 = tpu.memref_slice %arg15[%dma_start3A_112, %dma_start3A_113] : memref<208x32xf32, #tpu.memory_space<vmem>> -> memref<16x32xf32, #tpu.memory_space<vmem>>
        tpu.enqueue_dma source(%dma_start3A_114 : memref<16x32xf32, #tpu.memory_space<vmem>>) target(%dma_start3A_111 : memref<16x32xf32, #tpu.memory_space<vmem_shared>>) target_semaphore(%run_scoped3A : memref<!tpu.dma_semaphore, #tpu.memory_space<semaphore_mem>>)
        %dma_wait3A_115 = arith.constant 0 : i32
        %dma_wait3A_116 = arith.constant 0 : i32
        %dma_wait3A_117 = tpu.memref_slice %arg15[%dma_wait3A_115, %dma_wait3A_116] : memref<208x32xf32, #tpu.memory_space<vmem>> -> memref<16x32xf32, #tpu.memory_space<vmem>>
        %dma_wait3A_118 = arith.constant 9984 : i32
        %dma_wait3A_119 = arith.constant 0 : i32
        %dma_wait3A_120 = tpu.memref_slice %arg16[%dma_wait3A_118, %dma_wait3A_119] : memref<10000x32xf32, #tpu.memory_space<vmem_shared>> -> memref<16x32xf32, #tpu.memory_space<vmem_shared>>
        %dma_wait3A_121 = arith.constant 9984 : i32
        %dma_wait3A_122 = arith.constant 0 : i32
        %dma_wait3A_123 = tpu.memref_slice %arg16[%dma_wait3A_121, %dma_wait3A_122] : memref<10000x32xf32, #tpu.memory_space<vmem_shared>> -> memref<16x32xf32, #tpu.memory_space<vmem_shared>>
        %dma_wait3A_124 = arith.constant 0 : i32
        %dma_wait3A_125 = arith.constant 0 : i32
        %dma_wait3A_126 = tpu.memref_slice %arg15[%dma_wait3A_124, %dma_wait3A_125] : memref<208x32xf32, #tpu.memory_space<vmem>> -> memref<16x32xf32, #tpu.memory_space<vmem>>
        tpu.wait_dma2 semaphore(%run_scoped3A : memref<!tpu.dma_semaphore, #tpu.memory_space<semaphore_mem>>) src(%dma_wait3A_126 : memref<16x32xf32, #tpu.memory_space<vmem>>) dst(%dma_wait3A_123 : memref<16x32xf32, #tpu.memory_space<vmem_shared>>)
        tpu.yield
      }) : () -> ()
    } else {
    }
    %dma_wait3A = tpu.memref_slice %arg4[%mul3A_2] : memref<640000xi32, #tpu.memory_space<hbm>> -> memref<10000xi32, #tpu.memory_space<hbm>>
    %dma_wait3A_34 = tpu.memref_slice %arg4[%mul3A_2] : memref<640000xi32, #tpu.memory_space<hbm>> -> memref<10000xi32, #tpu.memory_space<hbm>>
    tpu.wait_dma2 semaphore(%arg17 : memref<!tpu.dma_semaphore, #tpu.memory_space<semaphore_mem>>) src(%dma_wait3A_34 : memref<10000xi32, #tpu.memory_space<hbm>>) dst(%arg6 : memref<10000xi32, #tpu.memory_space<vmem>>)
    %dma_wait3A_35 = tpu.memref_slice %arg4[%add3A_11] : memref<640000xi32, #tpu.memory_space<hbm>> -> memref<10000xi32, #tpu.memory_space<hbm>>
    %dma_wait3A_36 = tpu.memref_slice %arg4[%add3A_11] : memref<640000xi32, #tpu.memory_space<hbm>> -> memref<10000xi32, #tpu.memory_space<hbm>>
    tpu.wait_dma2 semaphore(%arg18 : memref<!tpu.dma_semaphore, #tpu.memory_space<semaphore_mem>>) src(%dma_wait3A_36 : memref<10000xi32, #tpu.memory_space<hbm>>) dst(%arg7 : memref<10000xi32, #tpu.memory_space<vmem>>)
    tpu.wait_dma2 semaphore(%arg19 : memref<!tpu.dma_semaphore, #tpu.memory_space<semaphore_mem>>) src(%arg3 : memref<10000xf32, #tpu.memory_space<hbm>>) dst(%arg14 : memref<10000xf32, #tpu.memory_space<vmem>>)
    %parallel_loop3A = arith.constant 0 : i32
    %parallel_loop3A_37 = arith.constant 80 : i32
    %parallel_loop3A_38 = arith.constant 1 : i32
    scf.for %parallel_loop3A_103 = %parallel_loop3A to %parallel_loop3A_37 step %parallel_loop3A_38  : i32 {
      %parallel_loop3A_104 = arith.index_cast %parallel_loop3A_103 : i32 to index
      %parallel_loop3A_105 = arith.constant 16 : index
      %parallel_loop3A_106 = tpu.vector_load %arg12[%parallel_loop3A_104, %parallel_loop3A_105] {strides = array<i32>} : memref<80x32xf32, #tpu.memory_space<vmem>>, vector<16xf32>,
      tpu.vector_store %arg12[%parallel_loop3A_104, %parallel_loop3A_105], %broadcast_in_dim3A_3 {strides = array<i32>} : memref<80x32xf32, #tpu.memory_space<vmem>>, vector<16xf32>,
      %parallel_loop3A_107 = arith.index_cast %parallel_loop3A_103 : i32 to index
      %parallel_loop3A_108 = arith.constant 16 : index
      %parallel_loop3A_109 = tpu.vector_load %arg13[%parallel_loop3A_107, %parallel_loop3A_108] {strides = array<i32>} : memref<80x32xf32, #tpu.memory_space<vmem>>, vector<16xf32>,
      tpu.vector_store %arg13[%parallel_loop3A_107, %parallel_loop3A_108], %broadcast_in_dim3A_3 {strides = array<i32>} : memref<80x32xf32, #tpu.memory_space<vmem>>, vector<16xf32>,
    } {sc.loop_unroll_factor = 4 : i64, sc.parallel_access}
    %dma_start3A_39 = arith.constant 0 : i32
    %dma_start3A_40 = tpu.memref_slice %arg6[%dma_start3A_39] : memref<10000xi32, #tpu.memory_space<vmem>> -> memref<80xi32, #tpu.memory_space<vmem>>
    %dma_start3A_41 = arith.constant 0 : i32
    %dma_start3A_42 = arith.constant 0 : i32
    %dma_start3A_43 = tpu.memref_slice %arg2[%dma_start3A_41, %dma_start3A_42] : memref<10000x32xf32, #tpu.memory_space<hbm>> -> memref<10000x32xf32, #tpu.memory_space<hbm>>
    tpu.enqueue_indirect_dma source(%dma_start3A_43 : memref<10000x32xf32, #tpu.memory_space<hbm>>) target(%arg10 : memref<80x32xf32, #tpu.memory_space<vmem>>) offsets(%dma_start3A_40 : memref<80xi32, #tpu.memory_space<vmem>>) semaphore(%arg17 : memref<!tpu.dma_semaphore, #tpu.memory_space<semaphore_mem>>)
    %dma_start3A_44 = arith.constant 80 : i32
    %dma_start3A_45 = tpu.memref_slice %arg6[%dma_start3A_44] : memref<10000xi32, #tpu.memory_space<vmem>> -> memref<80xi32, #tpu.memory_space<vmem>>
    %dma_start3A_46 = arith.constant 0 : i32
    %dma_start3A_47 = arith.constant 0 : i32
    %dma_start3A_48 = tpu.memref_slice %arg2[%dma_start3A_46, %dma_start3A_47] : memref<10000x32xf32, #tpu.memory_space<hbm>> -> memref<10000x32xf32, #tpu.memory_space<hbm>>
    tpu.enqueue_indirect_dma source(%dma_start3A_48 : memref<10000x32xf32, #tpu.memory_space<hbm>>) target(%arg11 : memref<80x32xf32, #tpu.memory_space<vmem>>) offsets(%dma_start3A_45 : memref<80xi32, #tpu.memory_space<vmem>>) semaphore(%arg18 : memref<!tpu.dma_semaphore, #tpu.memory_space<semaphore_mem>>)
    %scan3A_49 = arith.constant 0 : i32
    %scan3A_50 = arith.constant 0 : i32
    %scan3A_51 = arith.constant 62 : i32
    %scan3A_52 = arith.addi %scan3A_50, %scan3A_51 : i32
    %scan3A_53 = arith.constant 1 : i32
    %scan3A_54 = scf.for %scan3A_103 = %scan3A_50 to %scan3A_52 step %scan3A_53 iter_args(%scan3A_104 = %scan3A_49) -> (i32)  : i32 {
      %mul3A_105 = arith.constant 2 : i32
      %mul3A_106 = arith.muli %mul3A_105, %scan3A_103 : i32
      %add3A_107 = arith.constant 0 : i32
      %add3A_108 = arith.addi %mul3A_106, %add3A_107 : i32
      %gt3A = arith.constant 0 : i32
      %gt3A_109 = arith.cmpi sgt, %scan3A_103, %gt3A : i32
      %convert_element_type3A_110 = arith.extui %gt3A_109 : i1 to i32
      %cond3A_111 = arith.constant 0 : i32
      %cond3A_112 = arith.cmpi ne, %convert_element_type3A_110, %cond3A_111 : i32
      scf.if %cond3A_112 {
        %dma_wait3A_237 = arith.constant 0 : i32
        %dma_wait3A_238 = arith.constant 0 : i32
        %dma_wait3A_239 = tpu.memref_slice %arg16[%dma_wait3A_237, %dma_wait3A_238] : memref<10000x32xf32, #tpu.memory_space<vmem_shared>> -> memref<10000x32xf32, #tpu.memory_space<vmem_shared>>
        tpu.wait_indirect_dma semaphore(%arg19 : memref<!tpu.dma_semaphore, #tpu.memory_space<semaphore_mem>>) src(%arg12 : memref<80x32xf32, #tpu.memory_space<vmem>>) dst(%dma_wait3A_239 : memref<10000x32xf32, #tpu.memory_space<vmem_shared>>)
      } else {
      }
      %dma_wait3A_113 = arith.constant 0 : i32
      %dma_wait3A_114 = tpu.memref_slice %arg6[%dma_wait3A_113] : memref<10000xi32, #tpu.memory_space<vmem>> -> memref<80xi32, #tpu.memory_space<vmem>>
      %dma_wait3A_115 = arith.constant 0 : i32
      %dma_wait3A_116 = arith.constant 0 : i32
      %dma_wait3A_117 = tpu.memref_slice %arg2[%dma_wait3A_115, %dma_wait3A_116] : memref<10000x32xf32, #tpu.memory_space<hbm>> -> memref<10000x32xf32, #tpu.memory_space<hbm>>
      tpu.wait_indirect_dma semaphore(%arg17 : memref<!tpu.dma_semaphore, #tpu.memory_space<semaphore_mem>>) src(%dma_wait3A_117 : memref<10000x32xf32, #tpu.memory_space<hbm>>) dst(%arg10 : memref<80x32xf32, #tpu.memory_space<vmem>>)
      %mul3A_118 = arith.constant 80 : i32
      %mul3A_119 = arith.muli %add3A_108, %mul3A_118 : i32
      %add3A_120 = arith.constant 0 : i32
      %add3A_121 = arith.addi %mul3A_119, %add3A_120 : i32
      %get3A_122 = arith.index_cast %add3A_121 : i32 to index
      %get3A_123 = tpu.vector_load %arg7[%get3A_122] {strides = array<i32>} : memref<10000xi32, #tpu.memory_space<vmem>>, vector<16xi32>,
      %swap3A_124 = arith.constant 0 : index
      %swap3A_125 = tpu.vector_load %arg8[%swap3A_124] {strides = array<i32>} : memref<80xi32, #tpu.memory_space<vmem>>, vector<16xi32>,
      tpu.vector_store %arg8[%swap3A_124], %get3A_123 {strides = array<i32>} : memref<80xi32, #tpu.memory_space<vmem>>, vector<16xi32>,
      %mul3A_126 = arith.constant 80 : i32
      %mul3A_127 = arith.muli %add3A_108, %mul3A_126 : i32
      %add3A_128 = arith.constant 16 : i32
      %add3A_129 = arith.addi %mul3A_127, %add3A_128 : i32
      %get3A_130 = arith.index_cast %add3A_129 : i32 to index
      %get3A_131 = tpu.vector_load %arg7[%get3A_130] {strides = array<i32>} : memref<10000xi32, #tpu.memory_space<vmem>>, vector<16xi32>,
      %swap3A_132 = arith.constant 16 : index
      %swap3A_133 = tpu.vector_load %arg8[%swap3A_132] {strides = array<i32>} : memref<80xi32, #tpu.memory_space<vmem>>, vector<16xi32>,
      tpu.vector_store %arg8[%swap3A_132], %get3A_131 {strides = array<i32>} : memref<80xi32, #tpu.memory_space<vmem>>, vector<16xi32>,
      %mul3A_134 = arith.constant 80 : i32
      %mul3A_135 = arith.muli %add3A_108, %mul3A_134 : i32
      %add3A_136 = arith.constant 32 : i32
      %add3A_137 = arith.addi %mul3A_135, %add3A_136 : i32
      %get3A_138 = arith.index_cast %add3A_137 : i32 to index
      %get3A_139 = tpu.vector_load %arg7[%get3A_138] {strides = array<i32>} : memref<10000xi32, #tpu.memory_space<vmem>>, vector<16xi32>,
      %swap3A_140 = arith.constant 32 : index
      %swap3A_141 = tpu.vector_load %arg8[%swap3A_140] {strides = array<i32>} : memref<80xi32, #tpu.memory_space<vmem>>, vector<16xi32>,
      tpu.vector_store %arg8[%swap3A_140], %get3A_139 {strides = array<i32>} : memref<80xi32, #tpu.memory_space<vmem>>, vector<16xi32>,
      %mul3A_142 = arith.constant 80 : i32
      %mul3A_143 = arith.muli %add3A_108, %mul3A_142 : i32
      %add3A_144 = arith.constant 48 : i32
      %add3A_145 = arith.addi %mul3A_143, %add3A_144 : i32
      %get3A_146 = arith.index_cast %add3A_145 : i32 to index
      %get3A_147 = tpu.vector_load %arg7[%get3A_146] {strides = array<i32>} : memref<10000xi32, #tpu.memory_space<vmem>>, vector<16xi32>,
      %swap3A_148 = arith.constant 48 : index
      %swap3A_149 = tpu.vector_load %arg8[%swap3A_148] {strides = array<i32>} : memref<80xi32, #tpu.memory_space<vmem>>, vector<16xi32>,
      tpu.vector_store %arg8[%swap3A_148], %get3A_147 {strides = array<i32>} : memref<80xi32, #tpu.memory_space<vmem>>, vector<16xi32>,
      %mul3A_150 = arith.constant 80 : i32
      %mul3A_151 = arith.muli %add3A_108, %mul3A_150 : i32
      %add3A_152 = arith.constant 64 : i32
      %add3A_153 = arith.addi %mul3A_151, %add3A_152 : i32
      %get3A_154 = arith.index_cast %add3A_153 : i32 to index
      %get3A_155 = tpu.vector_load %arg7[%get3A_154] {strides = array<i32>} : memref<10000xi32, #tpu.memory_space<vmem>>, vector<16xi32>,
      %swap3A_156 = arith.constant 64 : index
      %swap3A_157 = tpu.vector_load %arg8[%swap3A_156] {strides = array<i32>} : memref<80xi32, #tpu.memory_space<vmem>>, vector<16xi32>,
      tpu.vector_store %arg8[%swap3A_156], %get3A_155 {strides = array<i32>} : memref<80xi32, #tpu.memory_space<vmem>>, vector<16xi32>,
      %parallel_loop3A_158 = arith.constant 0 : i32
      %parallel_loop3A_159 = arith.constant 5 : i32
      %parallel_loop3A_160 = arith.constant 1 : i32
      scf.for %parallel_loop3A_237 = %parallel_loop3A_158 to %parallel_loop3A_159 step %parallel_loop3A_160  : i32 {
        %parallel_loop3A_238 = arith.constant 16 : i32
        %parallel_loop3A_239 = arith.muli %parallel_loop3A_238, %parallel_loop3A_237 : i32
        %parallel_loop3A_240 = vector.broadcast %parallel_loop3A_239 : i32 to vector<16xi32>
        %parallel_loop3A_241 = arith.addi %iota3A, %parallel_loop3A_240 : vector<16xi32>
        %parallel_loop3A_242 = arith.constant 80 : i32
        %parallel_loop3A_243 = arith.muli %add3A_108, %parallel_loop3A_242 : i32
        %parallel_loop3A_244 = arith.constant 16 : i32
        %parallel_loop3A_245 = arith.muli %parallel_loop3A_244, %parallel_loop3A_237 : i32
        %parallel_loop3A_246 = arith.addi %parallel_loop3A_243, %parallel_loop3A_245 : i32
        %parallel_loop3A_247 = arith.index_cast %parallel_loop3A_246 : i32 to index
        %parallel_loop3A_248 = tpu.vector_load %arg7[%parallel_loop3A_247] {strides = array<i32>} : memref<10000xi32, #tpu.memory_space<vmem>>, vector<16xi32>,
        %parallel_loop3A_249 = tpu.vector_load_idx %arg14[%parallel_loop3A_248] : memref<10000xf32, #tpu.memory_space<vmem>>[vector<16xi32>], vector<16xf32>,
        %parallel_loop3A_250 = tpu.vector_load_idx %arg10[%parallel_loop3A_241, %add3A_8] : memref<80x32xf32, #tpu.memory_space<vmem>>[vector<16xi32>, vector<16xi32>], vector<16xf32>,
        %parallel_loop3A_251 = arith.addf %parallel_loop3A_250, %parallel_loop3A_249 : vector<16xf32>
        %parallel_loop3A_252 = arith.constant 2.000000e-01 : f32
        %parallel_loop3A_253 = vector.broadcast %parallel_loop3A_252 : f32 to vector<16xf32>
        %parallel_loop3A_254 = arith.mulf %parallel_loop3A_253, %parallel_loop3A_251 : vector<16xf32>
        %parallel_loop3A_255 = arith.maximumf %parallel_loop3A_251, %parallel_loop3A_254 : vector<16xf32>
        %parallel_loop3A_256 = math.exp %parallel_loop3A_255 : vector<16xf32>
        tpu.vector_store_idx %arg12[%parallel_loop3A_241, %add3A_8], %parallel_loop3A_256 : memref<80x32xf32, #tpu.memory_space<vmem>>[vector<16xi32>, vector<16xi32>], vector<16xf32>,
        %parallel_loop3A_257 = arith.constant 16 : i32
        %parallel_loop3A_258 = arith.muli %parallel_loop3A_257, %parallel_loop3A_237 : i32
        %parallel_loop3A_259 = arith.constant 0 : i32
        %parallel_loop3A_260 = arith.addi %parallel_loop3A_258, %parallel_loop3A_259 : i32
        %parallel_loop3A_261 = arith.constant 4 : i32
        %parallel_loop3A_262 = vector.broadcast %parallel_loop3A_261 : i32 to vector<16xi32>
        %parallel_loop3A_263 = arith.shrsi %iota3A, %parallel_loop3A_262 : vector<16xi32>
        %parallel_loop3A_264 = arith.constant 0 : i32
        %parallel_loop3A_265 = vector.broadcast %parallel_loop3A_264 : i32 to vector<16xi32>
        %parallel_loop3A_266 = arith.addi %parallel_loop3A_263, %parallel_loop3A_265 : vector<16xi32>
        %parallel_loop3A_267 = arith.constant 0 : i32
        %parallel_loop3A_268 = vector.broadcast %parallel_loop3A_267 : i32 to vector<16xi32>
        %parallel_loop3A_269 = arith.cmpi slt, %parallel_loop3A_266, %parallel_loop3A_268 : vector<16xi32>
        %parallel_loop3A_270 = arith.constant 16 : i32
        %parallel_loop3A_271 = vector.broadcast %parallel_loop3A_270 : i32 to vector<16xi32>
        %parallel_loop3A_272 = arith.addi %parallel_loop3A_266, %parallel_loop3A_271 : vector<16xi32>
        %parallel_loop3A_273 = arith.select %parallel_loop3A_269, %parallel_loop3A_272, %parallel_loop3A_266 : vector<16xi1>, vector<16xi32>
        %parallel_loop3A_274 = vector.shape_cast %parallel_loop3A_273 : vector<16xi32> to vector<16x1xi32>
        %parallel_loop3A_275 = vector.shape_cast %parallel_loop3A_274 : vector<16x1xi32> to vector<16xi32>
        %parallel_loop3A_276 = tpu.dynamic_gather %parallel_loop3A_256[%parallel_loop3A_275] in [0] : vector<16xf32>, vector<16xi32> -> vector<16xf32>
        %parallel_loop3A_277 = arith.index_cast %parallel_loop3A_260 : i32 to index
        %parallel_loop3A_278 = arith.constant 0 : index
        %parallel_loop3A_279 = tpu.vector_load %arg10[%parallel_loop3A_277, %parallel_loop3A_278] {strides = array<i32>} : memref<80x32xf32, #tpu.memory_space<vmem>>, vector<16xf32>,
        %parallel_loop3A_280 = arith.mulf %parallel_loop3A_279, %parallel_loop3A_276 : vector<16xf32>
        %parallel_loop3A_281 = arith.index_cast %parallel_loop3A_260 : i32 to index
        %parallel_loop3A_282 = arith.constant 0 : index
        %parallel_loop3A_283 = tpu.vector_load %arg12[%parallel_loop3A_281, %parallel_loop3A_282] {strides = array<i32>} : memref<80x32xf32, #tpu.memory_space<vmem>>, vector<16xf32>,
        tpu.vector_store %arg12[%parallel_loop3A_281, %parallel_loop3A_282], %parallel_loop3A_280 {strides = array<i32>} : memref<80x32xf32, #tpu.memory_space<vmem>>, vector<16xf32>,
        %parallel_loop3A_284 = arith.constant 16 : i32
        %parallel_loop3A_285 = arith.muli %parallel_loop3A_284, %parallel_loop3A_237 : i32
        %parallel_loop3A_286 = arith.constant 1 : i32
        %parallel_loop3A_287 = arith.addi %parallel_loop3A_285, %parallel_loop3A_286 : i32
        %parallel_loop3A_288 = arith.constant 4 : i32
        %parallel_loop3A_289 = vector.broadcast %parallel_loop3A_288 : i32 to vector<16xi32>
        %parallel_loop3A_290 = arith.shrsi %iota3A, %parallel_loop3A_289 : vector<16xi32>
        %parallel_loop3A_291 = arith.constant 1 : i32
        %parallel_loop3A_292 = vector.broadcast %parallel_loop3A_291 : i32 to vector<16xi32>
        %parallel_loop3A_293 = arith.addi %parallel_loop3A_290, %parallel_loop3A_292 : vector<16xi32>
        %parallel_loop3A_294 = arith.constant 0 : i32
        %parallel_loop3A_295 = vector.broadcast %parallel_loop3A_294 : i32 to vector<16xi32>
        %parallel_loop3A_296 = arith.cmpi slt, %parallel_loop3A_293, %parallel_loop3A_295 : vector<16xi32>
        %parallel_loop3A_297 = arith.constant 16 : i32
        %parallel_loop3A_298 = vector.broadcast %parallel_loop3A_297 : i32 to vector<16xi32>
        %parallel_loop3A_299 = arith.addi %parallel_loop3A_293, %parallel_loop3A_298 : vector<16xi32>
        %parallel_loop3A_300 = arith.select %parallel_loop3A_296, %parallel_loop3A_299, %parallel_loop3A_293 : vector<16xi1>, vector<16xi32>
        %parallel_loop3A_301 = vector.shape_cast %parallel_loop3A_300 : vector<16xi32> to vector<16x1xi32>
        %parallel_loop3A_302 = vector.shape_cast %parallel_loop3A_301 : vector<16x1xi32> to vector<16xi32>
        %parallel_loop3A_303 = tpu.dynamic_gather %parallel_loop3A_256[%parallel_loop3A_302] in [0] : vector<16xf32>, vector<16xi32> -> vector<16xf32>
        %parallel_loop3A_304 = arith.index_cast %parallel_loop3A_287 : i32 to index
        %parallel_loop3A_305 = arith.constant 0 : index
        %parallel_loop3A_306 = tpu.vector_load %arg10[%parallel_loop3A_304, %parallel_loop3A_305] {strides = array<i32>} : memref<80x32xf32, #tpu.memory_space<vmem>>, vector<16xf32>,
        %parallel_loop3A_307 = arith.mulf %parallel_loop3A_306, %parallel_loop3A_303 : vector<16xf32>
        %parallel_loop3A_308 = arith.index_cast %parallel_loop3A_287 : i32 to index
        %parallel_loop3A_309 = arith.constant 0 : index
        %parallel_loop3A_310 = tpu.vector_load %arg12[%parallel_loop3A_308, %parallel_loop3A_309] {strides = array<i32>} : memref<80x32xf32, #tpu.memory_space<vmem>>, vector<16xf32>,
        tpu.vector_store %arg12[%parallel_loop3A_308, %parallel_loop3A_309], %parallel_loop3A_307 {strides = array<i32>} : memref<80x32xf32, #tpu.memory_space<vmem>>, vector<16xf32>,
        %parallel_loop3A_311 = arith.constant 16 : i32
        %parallel_loop3A_312 = arith.muli %parallel_loop3A_311, %parallel_loop3A_237 : i32
        %parallel_loop3A_313 = arith.constant 2 : i32
        %parallel_loop3A_314 = arith.addi %parallel_loop3A_312, %parallel_loop3A_313 : i32
        %parallel_loop3A_315 = arith.constant 4 : i32
        %parallel_loop3A_316 = vector.broadcast %parallel_loop3A_315 : i32 to vector<16xi32>
        %parallel_loop3A_317 = arith.shrsi %iota3A, %parallel_loop3A_316 : vector<16xi32>
        %parallel_loop3A_318 = arith.constant 2 : i32
        %parallel_loop3A_319 = vector.broadcast %parallel_loop3A_318 : i32 to vector<16xi32>
        %parallel_loop3A_320 = arith.addi %parallel_loop3A_317, %parallel_loop3A_319 : vector<16xi32>
        %parallel_loop3A_321 = arith.constant 0 : i32
        %parallel_loop3A_322 = vector.broadcast %parallel_loop3A_321 : i32 to vector<16xi32>
        %parallel_loop3A_323 = arith.cmpi slt, %parallel_loop3A_320, %parallel_loop3A_322 : vector<16xi32>
        %parallel_loop3A_324 = arith.constant 16 : i32
        %parallel_loop3A_325 = vector.broadcast %parallel_loop3A_324 : i32 to vector<16xi32>
        %parallel_loop3A_326 = arith.addi %parallel_loop3A_320, %parallel_loop3A_325 : vector<16xi32>
        %parallel_loop3A_327 = arith.select %parallel_loop3A_323, %parallel_loop3A_326, %parallel_loop3A_320 : vector<16xi1>, vector<16xi32>
        %parallel_loop3A_328 = vector.shape_cast %parallel_loop3A_327 : vector<16xi32> to vector<16x1xi32>
        %parallel_loop3A_329 = vector.shape_cast %parallel_loop3A_328 : vector<16x1xi32> to vector<16xi32>
        %parallel_loop3A_330 = tpu.dynamic_gather %parallel_loop3A_256[%parallel_loop3A_329] in [0] : vector<16xf32>, vector<16xi32> -> vector<16xf32>
        %parallel_loop3A_331 = arith.index_cast %parallel_loop3A_314 : i32 to index
        %parallel_loop3A_332 = arith.constant 0 : index
        %parallel_loop3A_333 = tpu.vector_load %arg10[%parallel_loop3A_331, %parallel_loop3A_332] {strides = array<i32>} : memref<80x32xf32, #tpu.memory_space<vmem>>, vector<16xf32>,
        %parallel_loop3A_334 = arith.mulf %parallel_loop3A_333, %parallel_loop3A_330 : vector<16xf32>
        %parallel_loop3A_335 = arith.index_cast %parallel_loop3A_314 : i32 to index
        %parallel_loop3A_336 = arith.constant 0 : index
        %parallel_loop3A_337 = tpu.vector_load %arg12[%parallel_loop3A_335, %parallel_loop3A_336] {strides = array<i32>} : memref<80x32xf32, #tpu.memory_space<vmem>>, vector<16xf32>,
        tpu.vector_store %arg12[%parallel_loop3A_335, %parallel_loop3A_336], %parallel_loop3A_334 {strides = array<i32>} : memref<80x32xf32, #tpu.memory_space<vmem>>, vector<16xf32>,
        %parallel_loop3A_338 = arith.constant 16 : i32
        %parallel_loop3A_339 = arith.muli %parallel_loop3A_338, %parallel_loop3A_237 : i32
        %parallel_loop3A_340 = arith.constant 3 : i32
        %parallel_loop3A_341 = arith.addi %parallel_loop3A_339, %parallel_loop3A_340 : i32
        %parallel_loop3A_342 = arith.constant 4 : i32
        %parallel_loop3A_343 = vector.broadcast %parallel_loop3A_342 : i32 to vector<16xi32>
        %parallel_loop3A_344 = arith.shrsi %iota3A, %parallel_loop3A_343 : vector<16xi32>
        %parallel_loop3A_345 = arith.constant 3 : i32
        %parallel_loop3A_346 = vector.broadcast %parallel_loop3A_345 : i32 to vector<16xi32>
        %parallel_loop3A_347 = arith.addi %parallel_loop3A_344, %parallel_loop3A_346 : vector<16xi32>
        %parallel_loop3A_348 = arith.constant 0 : i32
        %parallel_loop3A_349 = vector.broadcast %parallel_loop3A_348 : i32 to vector<16xi32>
        %parallel_loop3A_350 = arith.cmpi slt, %parallel_loop3A_347, %parallel_loop3A_349 : vector<16xi32>
        %parallel_loop3A_351 = arith.constant 16 : i32
        %parallel_loop3A_352 = vector.broadcast %parallel_loop3A_351 : i32 to vector<16xi32>
        %parallel_loop3A_353 = arith.addi %parallel_loop3A_347, %parallel_loop3A_352 : vector<16xi32>
        %parallel_loop3A_354 = arith.select %parallel_loop3A_350, %parallel_loop3A_353, %parallel_loop3A_347 : vector<16xi1>, vector<16xi32>
        %parallel_loop3A_355 = vector.shape_cast %parallel_loop3A_354 : vector<16xi32> to vector<16x1xi32>
        %parallel_loop3A_356 = vector.shape_cast %parallel_loop3A_355 : vector<16x1xi32> to vector<16xi32>
        %parallel_loop3A_357 = tpu.dynamic_gather %parallel_loop3A_256[%parallel_loop3A_356] in [0] : vector<16xf32>, vector<16xi32> -> vector<16xf32>
        %parallel_loop3A_358 = arith.index_cast %parallel_loop3A_341 : i32 to index
        %parallel_loop3A_359 = arith.constant 0 : index
        %parallel_loop3A_360 = tpu.vector_load %arg10[%parallel_loop3A_358, %parallel_loop3A_359] {strides = array<i32>} : memref<80x32xf32, #tpu.memory_space<vmem>>, vector<16xf32>,
        %parallel_loop3A_361 = arith.mulf %parallel_loop3A_360, %parallel_loop3A_357 : vector<16xf32>
        %parallel_loop3A_362 = arith.index_cast %parallel_loop3A_341 : i32 to index
        %parallel_loop3A_363 = arith.constant 0 : index
        %parallel_loop3A_364 = tpu.vector_load %arg12[%parallel_loop3A_362, %parallel_loop3A_363] {strides = array<i32>} : memref<80x32xf32, #tpu.memory_space<vmem>>, vector<16xf32>,
        tpu.vector_store %arg12[%parallel_loop3A_362, %parallel_loop3A_363], %parallel_loop3A_361 {strides = array<i32>} : memref<80x32xf32, #tpu.memory_space<vmem>>, vector<16xf32>,
        %parallel_loop3A_365 = arith.constant 16 : i32
        %parallel_loop3A_366 = arith.muli %parallel_loop3A_365, %parallel_loop3A_237 : i32
        %parallel_loop3A_367 = arith.constant 4 : i32
        %parallel_loop3A_368 = arith.addi %parallel_loop3A_366, %parallel_loop3A_367 : i32
        %parallel_loop3A_369 = arith.constant 4 : i32
        %parallel_loop3A_370 = vector.broadcast %parallel_loop3A_369 : i32 to vector<16xi32>
        %parallel_loop3A_371 = arith.shrsi %iota3A, %parallel_loop3A_370 : vector<16xi32>
        %parallel_loop3A_372 = arith.constant 4 : i32
        %parallel_loop3A_373 = vector.broadcast %parallel_loop3A_372 : i32 to vector<16xi32>
        %parallel_loop3A_374 = arith.addi %parallel_loop3A_371, %parallel_loop3A_373 : vector<16xi32>
        %parallel_loop3A_375 = arith.constant 0 : i32
        %parallel_loop3A_376 = vector.broadcast %parallel_loop3A_375 : i32 to vector<16xi32>
        %parallel_loop3A_377 = arith.cmpi slt, %parallel_loop3A_374, %parallel_loop3A_376 : vector<16xi32>
        %parallel_loop3A_378 = arith.constant 16 : i32
        %parallel_loop3A_379 = vector.broadcast %parallel_loop3A_378 : i32 to vector<16xi32>
        %parallel_loop3A_380 = arith.addi %parallel_loop3A_374, %parallel_loop3A_379 : vector<16xi32>
        %parallel_loop3A_381 = arith.select %parallel_loop3A_377, %parallel_loop3A_380, %parallel_loop3A_374 : vector<16xi1>, vector<16xi32>
        %parallel_loop3A_382 = vector.shape_cast %parallel_loop3A_381 : vector<16xi32> to vector<16x1xi32>
        %parallel_loop3A_383 = vector.shape_cast %parallel_loop3A_382 : vector<16x1xi32> to vector<16xi32>
        %parallel_loop3A_384 = tpu.dynamic_gather %parallel_loop3A_256[%parallel_loop3A_383] in [0] : vector<16xf32>, vector<16xi32> -> vector<16xf32>
        %parallel_loop3A_385 = arith.index_cast %parallel_loop3A_368 : i32 to index
        %parallel_loop3A_386 = arith.constant 0 : index
        %parallel_loop3A_387 = tpu.vector_load %arg10[%parallel_loop3A_385, %parallel_loop3A_386] {strides = array<i32>} : memref<80x32xf32, #tpu.memory_space<vmem>>, vector<16xf32>,
        %parallel_loop3A_388 = arith.mulf %parallel_loop3A_387, %parallel_loop3A_384 : vector<16xf32>
        %parallel_loop3A_389 = arith.index_cast %parallel_loop3A_368 : i32 to index
        %parallel_loop3A_390 = arith.constant 0 : index
        %parallel_loop3A_391 = tpu.vector_load %arg12[%parallel_loop3A_389, %parallel_loop3A_390] {strides = array<i32>} : memref<80x32xf32, #tpu.memory_space<vmem>>, vector<16xf32>,
        tpu.vector_store %arg12[%parallel_loop3A_389, %parallel_loop3A_390], %parallel_loop3A_388 {strides = array<i32>} : memref<80x32xf32, #tpu.memory_space<vmem>>, vector<16xf32>,
        %parallel_loop3A_392 = arith.constant 16 : i32
        %parallel_loop3A_393 = arith.muli %parallel_loop3A_392, %parallel_loop3A_237 : i32
        %parallel_loop3A_394 = arith.constant 5 : i32
        %parallel_loop3A_395 = arith.addi %parallel_loop3A_393, %parallel_loop3A_394 : i32
        %parallel_loop3A_396 = arith.constant 4 : i32
        %parallel_loop3A_397 = vector.broadcast %parallel_loop3A_396 : i32 to vector<16xi32>
        %parallel_loop3A_398 = arith.shrsi %iota3A, %parallel_loop3A_397 : vector<16xi32>
        %parallel_loop3A_399 = arith.constant 5 : i32
        %parallel_loop3A_400 = vector.broadcast %parallel_loop3A_399 : i32 to vector<16xi32>
        %parallel_loop3A_401 = arith.addi %parallel_loop3A_398, %parallel_loop3A_400 : vector<16xi32>
        %parallel_loop3A_402 = arith.constant 0 : i32
        %parallel_loop3A_403 = vector.broadcast %parallel_loop3A_402 : i32 to vector<16xi32>
        %parallel_loop3A_404 = arith.cmpi slt, %parallel_loop3A_401, %parallel_loop3A_403 : vector<16xi32>
        %parallel_loop3A_405 = arith.constant 16 : i32
        %parallel_loop3A_406 = vector.broadcast %parallel_loop3A_405 : i32 to vector<16xi32>
        %parallel_loop3A_407 = arith.addi %parallel_loop3A_401, %parallel_loop3A_406 : vector<16xi32>
        %parallel_loop3A_408 = arith.select %parallel_loop3A_404, %parallel_loop3A_407, %parallel_loop3A_401 : vector<16xi1>, vector<16xi32>
        %parallel_loop3A_409 = vector.shape_cast %parallel_loop3A_408 : vector<16xi32> to vector<16x1xi32>
        %parallel_loop3A_410 = vector.shape_cast %parallel_loop3A_409 : vector<16x1xi32> to vector<16xi32>
        %parallel_loop3A_411 = tpu.dynamic_gather %parallel_loop3A_256[%parallel_loop3A_410] in [0] : vector<16xf32>, vector<16xi32> -> vector<16xf32>
        %parallel_loop3A_412 = arith.index_cast %parallel_loop3A_395 : i32 to index
        %parallel_loop3A_413 = arith.constant 0 : index
        %parallel_loop3A_414 = tpu.vector_load %arg10[%parallel_loop3A_412, %parallel_loop3A_413] {strides = array<i32>} : memref<80x32xf32, #tpu.memory_space<vmem>>, vector<16xf32>,
        %parallel_loop3A_415 = arith.mulf %parallel_loop3A_414, %parallel_loop3A_411 : vector<16xf32>
        %parallel_loop3A_416 = arith.index_cast %parallel_loop3A_395 : i32 to index
        %parallel_loop3A_417 = arith.constant 0 : index
        %parallel_loop3A_418 = tpu.vector_load %arg12[%parallel_loop3A_416, %parallel_loop3A_417] {strides = array<i32>} : memref<80x32xf32, #tpu.memory_space<vmem>>, vector<16xf32>,
        tpu.vector_store %arg12[%parallel_loop3A_416, %parallel_loop3A_417], %parallel_loop3A_415 {strides = array<i32>} : memref<80x32xf32, #tpu.memory_space<vmem>>, vector<16xf32>,
        %parallel_loop3A_419 = arith.constant 16 : i32
        %parallel_loop3A_420 = arith.muli %parallel_loop3A_419, %parallel_loop3A_237 : i32
        %parallel_loop3A_421 = arith.constant 6 : i32
        %parallel_loop3A_422 = arith.addi %parallel_loop3A_420, %parallel_loop3A_421 : i32
        %parallel_loop3A_423 = arith.constant 4 : i32
        %parallel_loop3A_424 = vector.broadcast %parallel_loop3A_423 : i32 to vector<16xi32>
        %parallel_loop3A_425 = arith.shrsi %iota3A, %parallel_loop3A_424 : vector<16xi32>
        %parallel_loop3A_426 = arith.constant 6 : i32
        %parallel_loop3A_427 = vector.broadcast %parallel_loop3A_426 : i32 to vector<16xi32>
        %parallel_loop3A_428 = arith.addi %parallel_loop3A_425, %parallel_loop3A_427 : vector<16xi32>
        %parallel_loop3A_429 = arith.constant 0 : i32
        %parallel_loop3A_430 = vector.broadcast %parallel_loop3A_429 : i32 to vector<16xi32>
        %parallel_loop3A_431 = arith.cmpi slt, %parallel_loop3A_428, %parallel_loop3A_430 : vector<16xi32>
        %parallel_loop3A_432 = arith.constant 16 : i32
        %parallel_loop3A_433 = vector.broadcast %parallel_loop3A_432 : i32 to vector<16xi32>
        %parallel_loop3A_434 = arith.addi %parallel_loop3A_428, %parallel_loop3A_433 : vector<16xi32>
        %parallel_loop3A_435 = arith.select %parallel_loop3A_431, %parallel_loop3A_434, %parallel_loop3A_428 : vector<16xi1>, vector<16xi32>
        %parallel_loop3A_436 = vector.shape_cast %parallel_loop3A_435 : vector<16xi32> to vector<16x1xi32>
        %parallel_loop3A_437 = vector.shape_cast %parallel_loop3A_436 : vector<16x1xi32> to vector<16xi32>
        %parallel_loop3A_438 = tpu.dynamic_gather %parallel_loop3A_256[%parallel_loop3A_437] in [0] : vector<16xf32>, vector<16xi32> -> vector<16xf32>
        %parallel_loop3A_439 = arith.index_cast %parallel_loop3A_422 : i32 to index
        %parallel_loop3A_440 = arith.constant 0 : index
        %parallel_loop3A_441 = tpu.vector_load %arg10[%parallel_loop3A_439, %parallel_loop3A_440] {strides = array<i32>} : memref<80x32xf32, #tpu.memory_space<vmem>>, vector<16xf32>,
        %parallel_loop3A_442 = arith.mulf %parallel_loop3A_441, %parallel_loop3A_438 : vector<16xf32>
        %parallel_loop3A_443 = arith.index_cast %parallel_loop3A_422 : i32 to index
        %parallel_loop3A_444 = arith.constant 0 : index
        %parallel_loop3A_445 = tpu.vector_load %arg12[%parallel_loop3A_443, %parallel_loop3A_444] {strides = array<i32>} : memref<80x32xf32, #tpu.memory_space<vmem>>, vector<16xf32>,
        tpu.vector_store %arg12[%parallel_loop3A_443, %parallel_loop3A_444], %parallel_loop3A_442 {strides = array<i32>} : memref<80x32xf32, #tpu.memory_space<vmem>>, vector<16xf32>,
        %parallel_loop3A_446 = arith.constant 16 : i32
        %parallel_loop3A_447 = arith.muli %parallel_loop3A_446, %parallel_loop3A_237 : i32
        %parallel_loop3A_448 = arith.constant 7 : i32
        %parallel_loop3A_449 = arith.addi %parallel_loop3A_447, %parallel_loop3A_448 : i32
        %parallel_loop3A_450 = arith.constant 4 : i32
        %parallel_loop3A_451 = vector.broadcast %parallel_loop3A_450 : i32 to vector<16xi32>
        %parallel_loop3A_452 = arith.shrsi %iota3A, %parallel_loop3A_451 : vector<16xi32>
        %parallel_loop3A_453 = arith.constant 7 : i32
        %parallel_loop3A_454 = vector.broadcast %parallel_loop3A_453 : i32 to vector<16xi32>
        %parallel_loop3A_455 = arith.addi %parallel_loop3A_452, %parallel_loop3A_454 : vector<16xi32>
        %parallel_loop3A_456 = arith.constant 0 : i32
        %parallel_loop3A_457 = vector.broadcast %parallel_loop3A_456 : i32 to vector<16xi32>
        %parallel_loop3A_458 = arith.cmpi slt, %parallel_loop3A_455, %parallel_loop3A_457 : vector<16xi32>
        %parallel_loop3A_459 = arith.constant 16 : i32
        %parallel_loop3A_460 = vector.broadcast %parallel_loop3A_459 : i32 to vector<16xi32>
        %parallel_loop3A_461 = arith.addi %parallel_loop3A_455, %parallel_loop3A_460 : vector<16xi32>
        %parallel_loop3A_462 = arith.select %parallel_loop3A_458, %parallel_loop3A_461, %parallel_loop3A_455 : vector<16xi1>, vector<16xi32>
        %parallel_loop3A_463 = vector.shape_cast %parallel_loop3A_462 : vector<16xi32> to vector<16x1xi32>
        %parallel_loop3A_464 = vector.shape_cast %parallel_loop3A_463 : vector<16x1xi32> to vector<16xi32>
        %parallel_loop3A_465 = tpu.dynamic_gather %parallel_loop3A_256[%parallel_loop3A_464] in [0] : vector<16xf32>, vector<16xi32> -> vector<16xf32>
        %parallel_loop3A_466 = arith.index_cast %parallel_loop3A_449 : i32 to index
        %parallel_loop3A_467 = arith.constant 0 : index
        %parallel_loop3A_468 = tpu.vector_load %arg10[%parallel_loop3A_466, %parallel_loop3A_467] {strides = array<i32>} : memref<80x32xf32, #tpu.memory_space<vmem>>, vector<16xf32>,
        %parallel_loop3A_469 = arith.mulf %parallel_loop3A_468, %parallel_loop3A_465 : vector<16xf32>
        %parallel_loop3A_470 = arith.index_cast %parallel_loop3A_449 : i32 to index
        %parallel_loop3A_471 = arith.constant 0 : index
        %parallel_loop3A_472 = tpu.vector_load %arg12[%parallel_loop3A_470, %parallel_loop3A_471] {strides = array<i32>} : memref<80x32xf32, #tpu.memory_space<vmem>>, vector<16xf32>,
        tpu.vector_store %arg12[%parallel_loop3A_470, %parallel_loop3A_471], %parallel_loop3A_469 {strides = array<i32>} : memref<80x32xf32, #tpu.memory_space<vmem>>, vector<16xf32>,
        %parallel_loop3A_473 = arith.constant 16 : i32
        %parallel_loop3A_474 = arith.muli %parallel_loop3A_473, %parallel_loop3A_237 : i32
        %parallel_loop3A_475 = arith.constant 8 : i32
        %parallel_loop3A_476 = arith.addi %parallel_loop3A_474, %parallel_loop3A_475 : i32
        %parallel_loop3A_477 = arith.constant 4 : i32
        %parallel_loop3A_478 = vector.broadcast %parallel_loop3A_477 : i32 to vector<16xi32>
        %parallel_loop3A_479 = arith.shrsi %iota3A, %parallel_loop3A_478 : vector<16xi32>
        %parallel_loop3A_480 = arith.constant 8 : i32
        %parallel_loop3A_481 = vector.broadcast %parallel_loop3A_480 : i32 to vector<16xi32>
        %parallel_loop3A_482 = arith.addi %parallel_loop3A_479, %parallel_loop3A_481 : vector<16xi32>
        %parallel_loop3A_483 = arith.constant 0 : i32
        %parallel_loop3A_484 = vector.broadcast %parallel_loop3A_483 : i32 to vector<16xi32>
        %parallel_loop3A_485 = arith.cmpi slt, %parallel_loop3A_482, %parallel_loop3A_484 : vector<16xi32>
        %parallel_loop3A_486 = arith.constant 16 : i32
        %parallel_loop3A_487 = vector.broadcast %parallel_loop3A_486 : i32 to vector<16xi32>
        %parallel_loop3A_488 = arith.addi %parallel_loop3A_482, %parallel_loop3A_487 : vector<16xi32>
        %parallel_loop3A_489 = arith.select %parallel_loop3A_485, %parallel_loop3A_488, %parallel_loop3A_482 : vector<16xi1>, vector<16xi32>
        %parallel_loop3A_490 = vector.shape_cast %parallel_loop3A_489 : vector<16xi32> to vector<16x1xi32>
        %parallel_loop3A_491 = vector.shape_cast %parallel_loop3A_490 : vector<16x1xi32> to vector<16xi32>
        %parallel_loop3A_492 = tpu.dynamic_gather %parallel_loop3A_256[%parallel_loop3A_491] in [0] : vector<16xf32>, vector<16xi32> -> vector<16xf32>
        %parallel_loop3A_493 = arith.index_cast %parallel_loop3A_476 : i32 to index
        %parallel_loop3A_494 = arith.constant 0 : index
        %parallel_loop3A_495 = tpu.vector_load %arg10[%parallel_loop3A_493, %parallel_loop3A_494] {strides = array<i32>} : memref<80x32xf32, #tpu.memory_space<vmem>>, vector<16xf32>,
        %parallel_loop3A_496 = arith.mulf %parallel_loop3A_495, %parallel_loop3A_492 : vector<16xf32>
        %parallel_loop3A_497 = arith.index_cast %parallel_loop3A_476 : i32 to index
        %parallel_loop3A_498 = arith.constant 0 : index
        %parallel_loop3A_499 = tpu.vector_load %arg12[%parallel_loop3A_497, %parallel_loop3A_498] {strides = array<i32>} : memref<80x32xf32, #tpu.memory_space<vmem>>, vector<16xf32>,
        tpu.vector_store %arg12[%parallel_loop3A_497, %parallel_loop3A_498], %parallel_loop3A_496 {strides = array<i32>} : memref<80x32xf32, #tpu.memory_space<vmem>>, vector<16xf32>,
        %parallel_loop3A_500 = arith.constant 16 : i32
        %parallel_loop3A_501 = arith.muli %parallel_loop3A_500, %parallel_loop3A_237 : i32
        %parallel_loop3A_502 = arith.constant 9 : i32
        %parallel_loop3A_503 = arith.addi %parallel_loop3A_501, %parallel_loop3A_502 : i32
        %parallel_loop3A_504 = arith.constant 4 : i32
        %parallel_loop3A_505 = vector.broadcast %parallel_loop3A_504 : i32 to vector<16xi32>
        %parallel_loop3A_506 = arith.shrsi %iota3A, %parallel_loop3A_505 : vector<16xi32>
        %parallel_loop3A_507 = arith.constant 9 : i32
        %parallel_loop3A_508 = vector.broadcast %parallel_loop3A_507 : i32 to vector<16xi32>
        %parallel_loop3A_509 = arith.addi %parallel_loop3A_506, %parallel_loop3A_508 : vector<16xi32>
        %parallel_loop3A_510 = arith.constant 0 : i32
        %parallel_loop3A_511 = vector.broadcast %parallel_loop3A_510 : i32 to vector<16xi32>
        %parallel_loop3A_512 = arith.cmpi slt, %parallel_loop3A_509, %parallel_loop3A_511 : vector<16xi32>
        %parallel_loop3A_513 = arith.constant 16 : i32
        %parallel_loop3A_514 = vector.broadcast %parallel_loop3A_513 : i32 to vector<16xi32>
        %parallel_loop3A_515 = arith.addi %parallel_loop3A_509, %parallel_loop3A_514 : vector<16xi32>
        %parallel_loop3A_516 = arith.select %parallel_loop3A_512, %parallel_loop3A_515, %parallel_loop3A_509 : vector<16xi1>, vector<16xi32>
        %parallel_loop3A_517 = vector.shape_cast %parallel_loop3A_516 : vector<16xi32> to vector<16x1xi32>
        %parallel_loop3A_518 = vector.shape_cast %parallel_loop3A_517 : vector<16x1xi32> to vector<16xi32>
        %parallel_loop3A_519 = tpu.dynamic_gather %parallel_loop3A_256[%parallel_loop3A_518] in [0] : vector<16xf32>, vector<16xi32> -> vector<16xf32>
        %parallel_loop3A_520 = arith.index_cast %parallel_loop3A_503 : i32 to index
        %parallel_loop3A_521 = arith.constant 0 : index
        %parallel_loop3A_522 = tpu.vector_load %arg10[%parallel_loop3A_520, %parallel_loop3A_521] {strides = array<i32>} : memref<80x32xf32, #tpu.memory_space<vmem>>, vector<16xf32>,
        %parallel_loop3A_523 = arith.mulf %parallel_loop3A_522, %parallel_loop3A_519 : vector<16xf32>
        %parallel_loop3A_524 = arith.index_cast %parallel_loop3A_503 : i32 to index
        %parallel_loop3A_525 = arith.constant 0 : index
        %parallel_loop3A_526 = tpu.vector_load %arg12[%parallel_loop3A_524, %parallel_loop3A_525] {strides = array<i32>} : memref<80x32xf32, #tpu.memory_space<vmem>>, vector<16xf32>,
        tpu.vector_store %arg12[%parallel_loop3A_524, %parallel_loop3A_525], %parallel_loop3A_523 {strides = array<i32>} : memref<80x32xf32, #tpu.memory_space<vmem>>, vector<16xf32>,
        %parallel_loop3A_527 = arith.constant 16 : i32
        %parallel_loop3A_528 = arith.muli %parallel_loop3A_527, %parallel_loop3A_237 : i32
        %parallel_loop3A_529 = arith.constant 10 : i32
        %parallel_loop3A_530 = arith.addi %parallel_loop3A_528, %parallel_loop3A_529 : i32
        %parallel_loop3A_531 = arith.constant 4 : i32
        %parallel_loop3A_532 = vector.broadcast %parallel_loop3A_531 : i32 to vector<16xi32>
        %parallel_loop3A_533 = arith.shrsi %iota3A, %parallel_loop3A_532 : vector<16xi32>
        %parallel_loop3A_534 = arith.constant 10 : i32
        %parallel_loop3A_535 = vector.broadcast %parallel_loop3A_534 : i32 to vector<16xi32>
        %parallel_loop3A_536 = arith.addi %parallel_loop3A_533, %parallel_loop3A_535 : vector<16xi32>
        %parallel_loop3A_537 = arith.constant 0 : i32
        %parallel_loop3A_538 = vector.broadcast %parallel_loop3A_537 : i32 to vector<16xi32>
        %parallel_loop3A_539 = arith.cmpi slt, %parallel_loop3A_536, %parallel_loop3A_538 : vector<16xi32>
        %parallel_loop3A_540 = arith.constant 16 : i32
        %parallel_loop3A_541 = vector.broadcast %parallel_loop3A_540 : i32 to vector<16xi32>
        %parallel_loop3A_542 = arith.addi %parallel_loop3A_536, %parallel_loop3A_541 : vector<16xi32>
        %parallel_loop3A_543 = arith.select %parallel_loop3A_539, %parallel_loop3A_542, %parallel_loop3A_536 : vector<16xi1>, vector<16xi32>
        %parallel_loop3A_544 = vector.shape_cast %parallel_loop3A_543 : vector<16xi32> to vector<16x1xi32>
        %parallel_loop3A_545 = vector.shape_cast %parallel_loop3A_544 : vector<16x1xi32> to vector<16xi32>
        %parallel_loop3A_546 = tpu.dynamic_gather %parallel_loop3A_256[%parallel_loop3A_545] in [0] : vector<16xf32>, vector<16xi32> -> vector<16xf32>
        %parallel_loop3A_547 = arith.index_cast %parallel_loop3A_530 : i32 to index
        %parallel_loop3A_548 = arith.constant 0 : index
        %parallel_loop3A_549 = tpu.vector_load %arg10[%parallel_loop3A_547, %parallel_loop3A_548] {strides = array<i32>} : memref<80x32xf32, #tpu.memory_space<vmem>>, vector<16xf32>,
        %parallel_loop3A_550 = arith.mulf %parallel_loop3A_549, %parallel_loop3A_546 : vector<16xf32>
        %parallel_loop3A_551 = arith.index_cast %parallel_loop3A_530 : i32 to index
        %parallel_loop3A_552 = arith.constant 0 : index
        %parallel_loop3A_553 = tpu.vector_load %arg12[%parallel_loop3A_551, %parallel_loop3A_552] {strides = array<i32>} : memref<80x32xf32, #tpu.memory_space<vmem>>, vector<16xf32>,
        tpu.vector_store %arg12[%parallel_loop3A_551, %parallel_loop3A_552], %parallel_loop3A_550 {strides = array<i32>} : memref<80x32xf32, #tpu.memory_space<vmem>>, vector<16xf32>,
        %parallel_loop3A_554 = arith.constant 16 : i32
        %parallel_loop3A_555 = arith.muli %parallel_loop3A_554, %parallel_loop3A_237 : i32
        %parallel_loop3A_556 = arith.constant 11 : i32
        %parallel_loop3A_557 = arith.addi %parallel_loop3A_555, %parallel_loop3A_556 : i32
        %parallel_loop3A_558 = arith.constant 4 : i32
        %parallel_loop3A_559 = vector.broadcast %parallel_loop3A_558 : i32 to vector<16xi32>
        %parallel_loop3A_560 = arith.shrsi %iota3A, %parallel_loop3A_559 : vector<16xi32>
        %parallel_loop3A_561 = arith.constant 11 : i32
        %parallel_loop3A_562 = vector.broadcast %parallel_loop3A_561 : i32 to vector<16xi32>
        %parallel_loop3A_563 = arith.addi %parallel_loop3A_560, %parallel_loop3A_562 : vector<16xi32>
        %parallel_loop3A_564 = arith.constant 0 : i32
        %parallel_loop3A_565 = vector.broadcast %parallel_loop3A_564 : i32 to vector<16xi32>
        %parallel_loop3A_566 = arith.cmpi slt, %parallel_loop3A_563, %parallel_loop3A_565 : vector<16xi32>
        %parallel_loop3A_567 = arith.constant 16 : i32
        %parallel_loop3A_568 = vector.broadcast %parallel_loop3A_567 : i32 to vector<16xi32>
        %parallel_loop3A_569 = arith.addi %parallel_loop3A_563, %parallel_loop3A_568 : vector<16xi32>
        %parallel_loop3A_570 = arith.select %parallel_loop3A_566, %parallel_loop3A_569, %parallel_loop3A_563 : vector<16xi1>, vector<16xi32>
        %parallel_loop3A_571 = vector.shape_cast %parallel_loop3A_570 : vector<16xi32> to vector<16x1xi32>
        %parallel_loop3A_572 = vector.shape_cast %parallel_loop3A_571 : vector<16x1xi32> to vector<16xi32>
        %parallel_loop3A_573 = tpu.dynamic_gather %parallel_loop3A_256[%parallel_loop3A_572] in [0] : vector<16xf32>, vector<16xi32> -> vector<16xf32>
        %parallel_loop3A_574 = arith.index_cast %parallel_loop3A_557 : i32 to index
        %parallel_loop3A_575 = arith.constant 0 : index
        %parallel_loop3A_576 = tpu.vector_load %arg10[%parallel_loop3A_574, %parallel_loop3A_575] {strides = array<i32>} : memref<80x32xf32, #tpu.memory_space<vmem>>, vector<16xf32>,
        %parallel_loop3A_577 = arith.mulf %parallel_loop3A_576, %parallel_loop3A_573 : vector<16xf32>
        %parallel_loop3A_578 = arith.index_cast %parallel_loop3A_557 : i32 to index
        %parallel_loop3A_579 = arith.constant 0 : index
        %parallel_loop3A_580 = tpu.vector_load %arg12[%parallel_loop3A_578, %parallel_loop3A_579] {strides = array<i32>} : memref<80x32xf32, #tpu.memory_space<vmem>>, vector<16xf32>,
        tpu.vector_store %arg12[%parallel_loop3A_578, %parallel_loop3A_579], %parallel_loop3A_577 {strides = array<i32>} : memref<80x32xf32, #tpu.memory_space<vmem>>, vector<16xf32>,
        %parallel_loop3A_581 = arith.constant 16 : i32
        %parallel_loop3A_582 = arith.muli %parallel_loop3A_581, %parallel_loop3A_237 : i32
        %parallel_loop3A_583 = arith.constant 12 : i32
        %parallel_loop3A_584 = arith.addi %parallel_loop3A_582, %parallel_loop3A_583 : i32
        %parallel_loop3A_585 = arith.constant 4 : i32
        %parallel_loop3A_586 = vector.broadcast %parallel_loop3A_585 : i32 to vector<16xi32>
        %parallel_loop3A_587 = arith.shrsi %iota3A, %parallel_loop3A_586 : vector<16xi32>
        %parallel_loop3A_588 = arith.constant 12 : i32
        %parallel_loop3A_589 = vector.broadcast %parallel_loop3A_588 : i32 to vector<16xi32>
        %parallel_loop3A_590 = arith.addi %parallel_loop3A_587, %parallel_loop3A_589 : vector<16xi32>
        %parallel_loop3A_591 = arith.constant 0 : i32
        %parallel_loop3A_592 = vector.broadcast %parallel_loop3A_591 : i32 to vector<16xi32>
        %parallel_loop3A_593 = arith.cmpi slt, %parallel_loop3A_590, %parallel_loop3A_592 : vector<16xi32>
        %parallel_loop3A_594 = arith.constant 16 : i32
        %parallel_loop3A_595 = vector.broadcast %parallel_loop3A_594 : i32 to vector<16xi32>
        %parallel_loop3A_596 = arith.addi %parallel_loop3A_590, %parallel_loop3A_595 : vector<16xi32>
        %parallel_loop3A_597 = arith.select %parallel_loop3A_593, %parallel_loop3A_596, %parallel_loop3A_590 : vector<16xi1>, vector<16xi32>
        %parallel_loop3A_598 = vector.shape_cast %parallel_loop3A_597 : vector<16xi32> to vector<16x1xi32>
        %parallel_loop3A_599 = vector.shape_cast %parallel_loop3A_598 : vector<16x1xi32> to vector<16xi32>
        %parallel_loop3A_600 = tpu.dynamic_gather %parallel_loop3A_256[%parallel_loop3A_599] in [0] : vector<16xf32>, vector<16xi32> -> vector<16xf32>
        %parallel_loop3A_601 = arith.index_cast %parallel_loop3A_584 : i32 to index
        %parallel_loop3A_602 = arith.constant 0 : index
        %parallel_loop3A_603 = tpu.vector_load %arg10[%parallel_loop3A_601, %parallel_loop3A_602] {strides = array<i32>} : memref<80x32xf32, #tpu.memory_space<vmem>>, vector<16xf32>,
        %parallel_loop3A_604 = arith.mulf %parallel_loop3A_603, %parallel_loop3A_600 : vector<16xf32>
        %parallel_loop3A_605 = arith.index_cast %parallel_loop3A_584 : i32 to index
        %parallel_loop3A_606 = arith.constant 0 : index
        %parallel_loop3A_607 = tpu.vector_load %arg12[%parallel_loop3A_605, %parallel_loop3A_606] {strides = array<i32>} : memref<80x32xf32, #tpu.memory_space<vmem>>, vector<16xf32>,
        tpu.vector_store %arg12[%parallel_loop3A_605, %parallel_loop3A_606], %parallel_loop3A_604 {strides = array<i32>} : memref<80x32xf32, #tpu.memory_space<vmem>>, vector<16xf32>,
        %parallel_loop3A_608 = arith.constant 16 : i32
        %parallel_loop3A_609 = arith.muli %parallel_loop3A_608, %parallel_loop3A_237 : i32
        %parallel_loop3A_610 = arith.constant 13 : i32
        %parallel_loop3A_611 = arith.addi %parallel_loop3A_609, %parallel_loop3A_610 : i32
        %parallel_loop3A_612 = arith.constant 4 : i32
        %parallel_loop3A_613 = vector.broadcast %parallel_loop3A_612 : i32 to vector<16xi32>
        %parallel_loop3A_614 = arith.shrsi %iota3A, %parallel_loop3A_613 : vector<16xi32>
        %parallel_loop3A_615 = arith.constant 13 : i32
        %parallel_loop3A_616 = vector.broadcast %parallel_loop3A_615 : i32 to vector<16xi32>
        %parallel_loop3A_617 = arith.addi %parallel_loop3A_614, %parallel_loop3A_616 : vector<16xi32>
        %parallel_loop3A_618 = arith.constant 0 : i32
        %parallel_loop3A_619 = vector.broadcast %parallel_loop3A_618 : i32 to vector<16xi32>
        %parallel_loop3A_620 = arith.cmpi slt, %parallel_loop3A_617, %parallel_loop3A_619 : vector<16xi32>
        %parallel_loop3A_621 = arith.constant 16 : i32
        %parallel_loop3A_622 = vector.broadcast %parallel_loop3A_621 : i32 to vector<16xi32>
        %parallel_loop3A_623 = arith.addi %parallel_loop3A_617, %parallel_loop3A_622 : vector<16xi32>
        %parallel_loop3A_624 = arith.select %parallel_loop3A_620, %parallel_loop3A_623, %parallel_loop3A_617 : vector<16xi1>, vector<16xi32>
        %parallel_loop3A_625 = vector.shape_cast %parallel_loop3A_624 : vector<16xi32> to vector<16x1xi32>
        %parallel_loop3A_626 = vector.shape_cast %parallel_loop3A_625 : vector<16x1xi32> to vector<16xi32>
        %parallel_loop3A_627 = tpu.dynamic_gather %parallel_loop3A_256[%parallel_loop3A_626] in [0] : vector<16xf32>, vector<16xi32> -> vector<16xf32>
        %parallel_loop3A_628 = arith.index_cast %parallel_loop3A_611 : i32 to index
        %parallel_loop3A_629 = arith.constant 0 : index
        %parallel_loop3A_630 = tpu.vector_load %arg10[%parallel_loop3A_628, %parallel_loop3A_629] {strides = array<i32>} : memref<80x32xf32, #tpu.memory_space<vmem>>, vector<16xf32>,
        %parallel_loop3A_631 = arith.mulf %parallel_loop3A_630, %parallel_loop3A_627 : vector<16xf32>
        %parallel_loop3A_632 = arith.index_cast %parallel_loop3A_611 : i32 to index
        %parallel_loop3A_633 = arith.constant 0 : index
        %parallel_loop3A_634 = tpu.vector_load %arg12[%parallel_loop3A_632, %parallel_loop3A_633] {strides = array<i32>} : memref<80x32xf32, #tpu.memory_space<vmem>>, vector<16xf32>,
        tpu.vector_store %arg12[%parallel_loop3A_632, %parallel_loop3A_633], %parallel_loop3A_631 {strides = array<i32>} : memref<80x32xf32, #tpu.memory_space<vmem>>, vector<16xf32>,
        %parallel_loop3A_635 = arith.constant 16 : i32
        %parallel_loop3A_636 = arith.muli %parallel_loop3A_635, %parallel_loop3A_237 : i32
        %parallel_loop3A_637 = arith.constant 14 : i32
        %parallel_loop3A_638 = arith.addi %parallel_loop3A_636, %parallel_loop3A_637 : i32
        %parallel_loop3A_639 = arith.constant 4 : i32
        %parallel_loop3A_640 = vector.broadcast %parallel_loop3A_639 : i32 to vector<16xi32>
        %parallel_loop3A_641 = arith.shrsi %iota3A, %parallel_loop3A_640 : vector<16xi32>
        %parallel_loop3A_642 = arith.constant 14 : i32
        %parallel_loop3A_643 = vector.broadcast %parallel_loop3A_642 : i32 to vector<16xi32>
        %parallel_loop3A_644 = arith.addi %parallel_loop3A_641, %parallel_loop3A_643 : vector<16xi32>
        %parallel_loop3A_645 = arith.constant 0 : i32
        %parallel_loop3A_646 = vector.broadcast %parallel_loop3A_645 : i32 to vector<16xi32>
        %parallel_loop3A_647 = arith.cmpi slt, %parallel_loop3A_644, %parallel_loop3A_646 : vector<16xi32>
        %parallel_loop3A_648 = arith.constant 16 : i32
        %parallel_loop3A_649 = vector.broadcast %parallel_loop3A_648 : i32 to vector<16xi32>
        %parallel_loop3A_650 = arith.addi %parallel_loop3A_644, %parallel_loop3A_649 : vector<16xi32>
        %parallel_loop3A_651 = arith.select %parallel_loop3A_647, %parallel_loop3A_650, %parallel_loop3A_644 : vector<16xi1>, vector<16xi32>
        %parallel_loop3A_652 = vector.shape_cast %parallel_loop3A_651 : vector<16xi32> to vector<16x1xi32>
        %parallel_loop3A_653 = vector.shape_cast %parallel_loop3A_652 : vector<16x1xi32> to vector<16xi32>
        %parallel_loop3A_654 = tpu.dynamic_gather %parallel_loop3A_256[%parallel_loop3A_653] in [0] : vector<16xf32>, vector<16xi32> -> vector<16xf32>
        %parallel_loop3A_655 = arith.index_cast %parallel_loop3A_638 : i32 to index
        %parallel_loop3A_656 = arith.constant 0 : index
        %parallel_loop3A_657 = tpu.vector_load %arg10[%parallel_loop3A_655, %parallel_loop3A_656] {strides = array<i32>} : memref<80x32xf32, #tpu.memory_space<vmem>>, vector<16xf32>,
        %parallel_loop3A_658 = arith.mulf %parallel_loop3A_657, %parallel_loop3A_654 : vector<16xf32>
        %parallel_loop3A_659 = arith.index_cast %parallel_loop3A_638 : i32 to index
        %parallel_loop3A_660 = arith.constant 0 : index
        %parallel_loop3A_661 = tpu.vector_load %arg12[%parallel_loop3A_659, %parallel_loop3A_660] {strides = array<i32>} : memref<80x32xf32, #tpu.memory_space<vmem>>, vector<16xf32>,
        tpu.vector_store %arg12[%parallel_loop3A_659, %parallel_loop3A_660], %parallel_loop3A_658 {strides = array<i32>} : memref<80x32xf32, #tpu.memory_space<vmem>>, vector<16xf32>,
        %parallel_loop3A_662 = arith.constant 16 : i32
        %parallel_loop3A_663 = arith.muli %parallel_loop3A_662, %parallel_loop3A_237 : i32
        %parallel_loop3A_664 = arith.constant 15 : i32
        %parallel_loop3A_665 = arith.addi %parallel_loop3A_663, %parallel_loop3A_664 : i32
        %parallel_loop3A_666 = arith.constant 4 : i32
        %parallel_loop3A_667 = vector.broadcast %parallel_loop3A_666 : i32 to vector<16xi32>
        %parallel_loop3A_668 = arith.shrsi %iota3A, %parallel_loop3A_667 : vector<16xi32>
        %parallel_loop3A_669 = arith.constant 15 : i32
        %parallel_loop3A_670 = vector.broadcast %parallel_loop3A_669 : i32 to vector<16xi32>
        %parallel_loop3A_671 = arith.addi %parallel_loop3A_668, %parallel_loop3A_670 : vector<16xi32>
        %parallel_loop3A_672 = arith.constant 0 : i32
        %parallel_loop3A_673 = vector.broadcast %parallel_loop3A_672 : i32 to vector<16xi32>
        %parallel_loop3A_674 = arith.cmpi slt, %parallel_loop3A_671, %parallel_loop3A_673 : vector<16xi32>
        %parallel_loop3A_675 = arith.constant 16 : i32
        %parallel_loop3A_676 = vector.broadcast %parallel_loop3A_675 : i32 to vector<16xi32>
        %parallel_loop3A_677 = arith.addi %parallel_loop3A_671, %parallel_loop3A_676 : vector<16xi32>
        %parallel_loop3A_678 = arith.select %parallel_loop3A_674, %parallel_loop3A_677, %parallel_loop3A_671 : vector<16xi1>, vector<16xi32>
        %parallel_loop3A_679 = vector.shape_cast %parallel_loop3A_678 : vector<16xi32> to vector<16x1xi32>
        %parallel_loop3A_680 = vector.shape_cast %parallel_loop3A_679 : vector<16x1xi32> to vector<16xi32>
        %parallel_loop3A_681 = tpu.dynamic_gather %parallel_loop3A_256[%parallel_loop3A_680] in [0] : vector<16xf32>, vector<16xi32> -> vector<16xf32>
        %parallel_loop3A_682 = arith.index_cast %parallel_loop3A_665 : i32 to index
        %parallel_loop3A_683 = arith.constant 0 : index
        %parallel_loop3A_684 = tpu.vector_load %arg10[%parallel_loop3A_682, %parallel_loop3A_683] {strides = array<i32>} : memref<80x32xf32, #tpu.memory_space<vmem>>, vector<16xf32>,
        %parallel_loop3A_685 = arith.mulf %parallel_loop3A_684, %parallel_loop3A_681 : vector<16xf32>
        %parallel_loop3A_686 = arith.index_cast %parallel_loop3A_665 : i32 to index
        %parallel_loop3A_687 = arith.constant 0 : index
        %parallel_loop3A_688 = tpu.vector_load %arg12[%parallel_loop3A_686, %parallel_loop3A_687] {strides = array<i32>} : memref<80x32xf32, #tpu.memory_space<vmem>>, vector<16xf32>,
        tpu.vector_store %arg12[%parallel_loop3A_686, %parallel_loop3A_687], %parallel_loop3A_685 {strides = array<i32>} : memref<80x32xf32, #tpu.memory_space<vmem>>, vector<16xf32>,
      } {sc.loop_unroll_factor = 5 : i64, sc.parallel_access}
      %dma_start3A_161 = arith.constant 0 : i32
      %dma_start3A_162 = arith.constant 0 : i32
      %dma_start3A_163 = tpu.memref_slice %arg16[%dma_start3A_161, %dma_start3A_162] : memref<10000x32xf32, #tpu.memory_space<vmem_shared>> -> memref<10000x32xf32, #tpu.memory_space<vmem_shared>>
      tpu.enqueue_indirect_dma source(%arg12 : memref<80x32xf32, #tpu.memory_space<vmem>>) target(%dma_start3A_163 : memref<10000x32xf32, #tpu.memory_space<vmem_shared>>) offsets(%arg8 : memref<80xi32, #tpu.memory_space<vmem>>) semaphore(%arg19 : memref<!tpu.dma_semaphore, #tpu.memory_space<semaphore_mem>>) {add = true}
      %add3A_164 = arith.constant 2 : i32
      %add3A_165 = arith.addi %add3A_108, %add3A_164 : i32
      %mul3A_166 = arith.constant 80 : i32
      %mul3A_167 = arith.muli %add3A_165, %mul3A_166 : i32
      %dma_start3A_168 = tpu.memref_slice %arg6[%mul3A_167] : memref<10000xi32, #tpu.memory_space<vmem>> -> memref<80xi32, #tpu.memory_space<vmem>>
      %dma_start3A_169 = arith.constant 0 : i32
      %dma_start3A_170 = arith.constant 0 : i32
      %dma_start3A_171 = tpu.memref_slice %arg2[%dma_start3A_169, %dma_start3A_170] : memref<10000x32xf32, #tpu.memory_space<hbm>> -> memref<10000x32xf32, #tpu.memory_space<hbm>>
      tpu.enqueue_indirect_dma source(%dma_start3A_171 : memref<10000x32xf32, #tpu.memory_space<hbm>>) target(%arg10 : memref<80x32xf32, #tpu.memory_space<vmem>>) offsets(%dma_start3A_168 : memref<80xi32, #tpu.memory_space<vmem>>) semaphore(%arg17 : memref<!tpu.dma_semaphore, #tpu.memory_space<semaphore_mem>>)
      %mul3A_172 = arith.constant 2 : i32
      %mul3A_173 = arith.muli %mul3A_172, %scan3A_103 : i32
      %add3A_174 = arith.constant 1 : i32
      %add3A_175 = arith.addi %mul3A_173, %add3A_174 : i32
      %gt3A_176 = arith.constant 0 : i32
      %gt3A_177 = arith.cmpi sgt, %scan3A_103, %gt3A_176 : i32
      %convert_element_type3A_178 = arith.extui %gt3A_177 : i1 to i32
      %cond3A_179 = arith.constant 0 : i32
      %cond3A_180 = arith.cmpi ne, %convert_element_type3A_178, %cond3A_179 : i32
      scf.if %cond3A_180 {
        %dma_wait3A_237 = arith.constant 0 : i32
        %dma_wait3A_238 = arith.constant 0 : i32
        %dma_wait3A_239 = tpu.memref_slice %arg16[%dma_wait3A_237, %dma_wait3A_238] : memref<10000x32xf32, #tpu.memory_space<vmem_shared>> -> memref<10000x32xf32, #tpu.memory_space<vmem_shared>>
        tpu.wait_indirect_dma semaphore(%arg20 : memref<!tpu.dma_semaphore, #tpu.memory_space<semaphore_mem>>) src(%arg13 : memref<80x32xf32, #tpu.memory_space<vmem>>) dst(%dma_wait3A_239 : memref<10000x32xf32, #tpu.memory_space<vmem_shared>>)
      } else {
      }
      %dma_wait3A_181 = arith.constant 0 : i32
      %dma_wait3A_182 = tpu.memref_slice %arg6[%dma_wait3A_181] : memref<10000xi32, #tpu.memory_space<vmem>> -> memref<80xi32, #tpu.memory_space<vmem>>
      %dma_wait3A_183 = arith.constant 0 : i32
      %dma_wait3A_184 = arith.constant 0 : i32
      %dma_wait3A_185 = tpu.memref_slice %arg2[%dma_wait3A_183, %dma_wait3A_184] : memref<10000x32xf32, #tpu.memory_space<hbm>> -> memref<10000x32xf32, #tpu.memory_space<hbm>>
      tpu.wait_indirect_dma semaphore(%arg18 : memref<!tpu.dma_semaphore, #tpu.memory_space<semaphore_mem>>) src(%dma_wait3A_185 : memref<10000x32xf32, #tpu.memory_space<hbm>>) dst(%arg11 : memref<80x32xf32, #tpu.memory_space<vmem>>)
      %mul3A_186 = arith.constant 80 : i32
      %mul3A_187 = arith.muli %add3A_175, %mul3A_186 : i32
      %add3A_188 = arith.constant 0 : i32
      %add3A_189 = arith.addi %mul3A_187, %add3A_188 : i32
      %get3A_190 = arith.index_cast %add3A_189 : i32 to index
      %get3A_191 = tpu.vector_load %arg7[%get3A_190] {strides = array<i32>} : memref<10000xi32, #tpu.memory_space<vmem>>, vector<16xi32>,
      %swap3A_192 = arith.constant 0 : index
      %swap3A_193 = tpu.vector_load %arg9[%swap3A_192] {strides = array<i32>} : memref<80xi32, #tpu.memory_space<vmem>>, vector<16xi32>,
      tpu.vector_store %arg9[%swap3A_192], %get3A_191 {strides = array<i32>} : memref<80xi32, #tpu.memory_space<vmem>>, vector<16xi32>,
      %mul3A_194 = arith.constant 80 : i32
      %mul3A_195 = arith.muli %add3A_175, %mul3A_194 : i32
      %add3A_196 = arith.constant 16 : i32
      %add3A_197 = arith.addi %mul3A_195, %add3A_196 : i32
      %get3A_198 = arith.index_cast %add3A_197 : i32 to index
      %get3A_199 = tpu.vector_load %arg7[%get3A_198] {strides = array<i32>} : memref<10000xi32, #tpu.memory_space<vmem>>, vector<16xi32>,
      %swap3A_200 = arith.constant 16 : index
      %swap3A_201 = tpu.vector_load %arg9[%swap3A_200] {strides = array<i32>} : memref<80xi32, #tpu.memory_space<vmem>>, vector<16xi32>,
      tpu.vector_store %arg9[%swap3A_200], %get3A_199 {strides = array<i32>} : memref<80xi32, #tpu.memory_space<vmem>>, vector<16xi32>,
      %mul3A_202 = arith.constant 80 : i32
      %mul3A_203 = arith.muli %add3A_175, %mul3A_202 : i32
      %add3A_204 = arith.constant 32 : i32
      %add3A_205 = arith.addi %mul3A_203, %add3A_204 : i32
      %get3A_206 = arith.index_cast %add3A_205 : i32 to index
      %get3A_207 = tpu.vector_load %arg7[%get3A_206] {strides = array<i32>} : memref<10000xi32, #tpu.memory_space<vmem>>, vector<16xi32>,
      %swap3A_208 = arith.constant 32 : index
      %swap3A_209 = tpu.vector_load %arg9[%swap3A_208] {strides = array<i32>} : memref<80xi32, #tpu.memory_space<vmem>>, vector<16xi32>,
      tpu.vector_store %arg9[%swap3A_208], %get3A_207 {strides = array<i32>} : memref<80xi32, #tpu.memory_space<vmem>>, vector<16xi32>,
      %mul3A_210 = arith.constant 80 : i32
      %mul3A_211 = arith.muli %add3A_175, %mul3A_210 : i32
      %add3A_212 = arith.constant 48 : i32
      %add3A_213 = arith.addi %mul3A_211, %add3A_212 : i32
      %get3A_214 = arith.index_cast %add3A_213 : i32 to index
      %get3A_215 = tpu.vector_load %arg7[%get3A_214] {strides = array<i32>} : memref<10000xi32, #tpu.memory_space<vmem>>, vector<16xi32>,
      %swap3A_216 = arith.constant 48 : index
      %swap3A_217 = tpu.vector_load %arg9[%swap3A_216] {strides = array<i32>} : memref<80xi32, #tpu.memory_space<vmem>>, vector<16xi32>,
      tpu.vector_store %arg9[%swap3A_216], %get3A_215 {strides = array<i32>} : memref<80xi32, #tpu.memory_space<vmem>>, vector<16xi32>,
      %mul3A_218 = arith.constant 80 : i32
      %mul3A_219 = arith.muli %add3A_175, %mul3A_218 : i32
      %add3A_220 = arith.constant 64 : i32
      %add3A_221 = arith.addi %mul3A_219, %add3A_220 : i32
      %get3A_222 = arith.index_cast %add3A_221 : i32 to index
      %get3A_223 = tpu.vector_load %arg7[%get3A_222] {strides = array<i32>} : memref<10000xi32, #tpu.memory_space<vmem>>, vector<16xi32>,
      %swap3A_224 = arith.constant 64 : index
      %swap3A_225 = tpu.vector_load %arg9[%swap3A_224] {strides = array<i32>} : memref<80xi32, #tpu.memory_space<vmem>>, vector<16xi32>,
      tpu.vector_store %arg9[%swap3A_224], %get3A_223 {strides = array<i32>} : memref<80xi32, #tpu.memory_space<vmem>>, vector<16xi32>,
      %parallel_loop3A_226 = arith.constant 0 : i32
      %parallel_loop3A_227 = arith.constant 5 : i32
      %parallel_loop3A_228 = arith.constant 1 : i32
      scf.for %parallel_loop3A_237 = %parallel_loop3A_226 to %parallel_loop3A_227 step %parallel_loop3A_228  : i32 {
        %parallel_loop3A_238 = arith.constant 16 : i32
        %parallel_loop3A_239 = arith.muli %parallel_loop3A_238, %parallel_loop3A_237 : i32
        %parallel_loop3A_240 = vector.broadcast %parallel_loop3A_239 : i32 to vector<16xi32>
        %parallel_loop3A_241 = arith.addi %iota3A, %parallel_loop3A_240 : vector<16xi32>
        %parallel_loop3A_242 = arith.constant 80 : i32
        %parallel_loop3A_243 = arith.muli %add3A_175, %parallel_loop3A_242 : i32
        %parallel_loop3A_244 = arith.constant 16 : i32
        %parallel_loop3A_245 = arith.muli %parallel_loop3A_244, %parallel_loop3A_237 : i32
        %parallel_loop3A_246 = arith.addi %parallel_loop3A_243, %parallel_loop3A_245 : i32
        %parallel_loop3A_247 = arith.index_cast %parallel_loop3A_246 : i32 to index
        %parallel_loop3A_248 = tpu.vector_load %arg7[%parallel_loop3A_247] {strides = array<i32>} : memref<10000xi32, #tpu.memory_space<vmem>>, vector<16xi32>,
        %parallel_loop3A_249 = tpu.vector_load_idx %arg14[%parallel_loop3A_248] : memref<10000xf32, #tpu.memory_space<vmem>>[vector<16xi32>], vector<16xf32>,
        %parallel_loop3A_250 = tpu.vector_load_idx %arg11[%parallel_loop3A_241, %add3A_8] : memref<80x32xf32, #tpu.memory_space<vmem>>[vector<16xi32>, vector<16xi32>], vector<16xf32>,
        %parallel_loop3A_251 = arith.addf %parallel_loop3A_250, %parallel_loop3A_249 : vector<16xf32>
        %parallel_loop3A_252 = arith.constant 2.000000e-01 : f32
        %parallel_loop3A_253 = vector.broadcast %parallel_loop3A_252 : f32 to vector<16xf32>
        %parallel_loop3A_254 = arith.mulf %parallel_loop3A_253, %parallel_loop3A_251 : vector<16xf32>
        %parallel_loop3A_255 = arith.maximumf %parallel_loop3A_251, %parallel_loop3A_254 : vector<16xf32>
        %parallel_loop3A_256 = math.exp %parallel_loop3A_255 : vector<16xf32>
        tpu.vector_store_idx %arg13[%parallel_loop3A_241, %add3A_8], %parallel_loop3A_256 : memref<80x32xf32, #tpu.memory_space<vmem>>[vector<16xi32>, vector<16xi32>], vector<16xf32>,
        %parallel_loop3A_257 = arith.constant 16 : i32
        %parallel_loop3A_258 = arith.muli %parallel_loop3A_257, %parallel_loop3A_237 : i32
        %parallel_loop3A_259 = arith.constant 0 : i32
        %parallel_loop3A_260 = arith.addi %parallel_loop3A_258, %parallel_loop3A_259 : i32
        %parallel_loop3A_261 = arith.constant 4 : i32
        %parallel_loop3A_262 = vector.broadcast %parallel_loop3A_261 : i32 to vector<16xi32>
        %parallel_loop3A_263 = arith.shrsi %iota3A, %parallel_loop3A_262 : vector<16xi32>
        %parallel_loop3A_264 = arith.constant 0 : i32
        %parallel_loop3A_265 = vector.broadcast %parallel_loop3A_264 : i32 to vector<16xi32>
        %parallel_loop3A_266 = arith.addi %parallel_loop3A_263, %parallel_loop3A_265 : vector<16xi32>
        %parallel_loop3A_267 = arith.constant 0 : i32
        %parallel_loop3A_268 = vector.broadcast %parallel_loop3A_267 : i32 to vector<16xi32>
        %parallel_loop3A_269 = arith.cmpi slt, %parallel_loop3A_266, %parallel_loop3A_268 : vector<16xi32>
        %parallel_loop3A_270 = arith.constant 16 : i32
        %parallel_loop3A_271 = vector.broadcast %parallel_loop3A_270 : i32 to vector<16xi32>
        %parallel_loop3A_272 = arith.addi %parallel_loop3A_266, %parallel_loop3A_271 : vector<16xi32>
        %parallel_loop3A_273 = arith.select %parallel_loop3A_269, %parallel_loop3A_272, %parallel_loop3A_266 : vector<16xi1>, vector<16xi32>
        %parallel_loop3A_274 = vector.shape_cast %parallel_loop3A_273 : vector<16xi32> to vector<16x1xi32>
        %parallel_loop3A_275 = vector.shape_cast %parallel_loop3A_274 : vector<16x1xi32> to vector<16xi32>
        %parallel_loop3A_276 = tpu.dynamic_gather %parallel_loop3A_256[%parallel_loop3A_275] in [0] : vector<16xf32>, vector<16xi32> -> vector<16xf32>
        %parallel_loop3A_277 = arith.index_cast %parallel_loop3A_260 : i32 to index
        %parallel_loop3A_278 = arith.constant 0 : index
        %parallel_loop3A_279 = tpu.vector_load %arg11[%parallel_loop3A_277, %parallel_loop3A_278] {strides = array<i32>} : memref<80x32xf32, #tpu.memory_space<vmem>>, vector<16xf32>,
        %parallel_loop3A_280 = arith.mulf %parallel_loop3A_279, %parallel_loop3A_276 : vector<16xf32>
        %parallel_loop3A_281 = arith.index_cast %parallel_loop3A_260 : i32 to index
        %parallel_loop3A_282 = arith.constant 0 : index
        %parallel_loop3A_283 = tpu.vector_load %arg13[%parallel_loop3A_281, %parallel_loop3A_282] {strides = array<i32>} : memref<80x32xf32, #tpu.memory_space<vmem>>, vector<16xf32>,
        tpu.vector_store %arg13[%parallel_loop3A_281, %parallel_loop3A_282], %parallel_loop3A_280 {strides = array<i32>} : memref<80x32xf32, #tpu.memory_space<vmem>>, vector<16xf32>,
        %parallel_loop3A_284 = arith.constant 16 : i32
        %parallel_loop3A_285 = arith.muli %parallel_loop3A_284, %parallel_loop3A_237 : i32
        %parallel_loop3A_286 = arith.constant 1 : i32
        %parallel_loop3A_287 = arith.addi %parallel_loop3A_285, %parallel_loop3A_286 : i32
        %parallel_loop3A_288 = arith.constant 4 : i32
        %parallel_loop3A_289 = vector.broadcast %parallel_loop3A_288 : i32 to vector<16xi32>
        %parallel_loop3A_290 = arith.shrsi %iota3A, %parallel_loop3A_289 : vector<16xi32>
        %parallel_loop3A_291 = arith.constant 1 : i32
        %parallel_loop3A_292 = vector.broadcast %parallel_loop3A_291 : i32 to vector<16xi32>
        %parallel_loop3A_293 = arith.addi %parallel_loop3A_290, %parallel_loop3A_292 : vector<16xi32>
        %parallel_loop3A_294 = arith.constant 0 : i32
        %parallel_loop3A_295 = vector.broadcast %parallel_loop3A_294 : i32 to vector<16xi32>
        %parallel_loop3A_296 = arith.cmpi slt, %parallel_loop3A_293, %parallel_loop3A_295 : vector<16xi32>
        %parallel_loop3A_297 = arith.constant 16 : i32
        %parallel_loop3A_298 = vector.broadcast %parallel_loop3A_297 : i32 to vector<16xi32>
        %parallel_loop3A_299 = arith.addi %parallel_loop3A_293, %parallel_loop3A_298 : vector<16xi32>
        %parallel_loop3A_300 = arith.select %parallel_loop3A_296, %parallel_loop3A_299, %parallel_loop3A_293 : vector<16xi1>, vector<16xi32>
        %parallel_loop3A_301 = vector.shape_cast %parallel_loop3A_300 : vector<16xi32> to vector<16x1xi32>
        %parallel_loop3A_302 = vector.shape_cast %parallel_loop3A_301 : vector<16x1xi32> to vector<16xi32>
        %parallel_loop3A_303 = tpu.dynamic_gather %parallel_loop3A_256[%parallel_loop3A_302] in [0] : vector<16xf32>, vector<16xi32> -> vector<16xf32>
        %parallel_loop3A_304 = arith.index_cast %parallel_loop3A_287 : i32 to index
        %parallel_loop3A_305 = arith.constant 0 : index
        %parallel_loop3A_306 = tpu.vector_load %arg11[%parallel_loop3A_304, %parallel_loop3A_305] {strides = array<i32>} : memref<80x32xf32, #tpu.memory_space<vmem>>, vector<16xf32>,
        %parallel_loop3A_307 = arith.mulf %parallel_loop3A_306, %parallel_loop3A_303 : vector<16xf32>
        %parallel_loop3A_308 = arith.index_cast %parallel_loop3A_287 : i32 to index
        %parallel_loop3A_309 = arith.constant 0 : index
        %parallel_loop3A_310 = tpu.vector_load %arg13[%parallel_loop3A_308, %parallel_loop3A_309] {strides = array<i32>} : memref<80x32xf32, #tpu.memory_space<vmem>>, vector<16xf32>,
        tpu.vector_store %arg13[%parallel_loop3A_308, %parallel_loop3A_309], %parallel_loop3A_307 {strides = array<i32>} : memref<80x32xf32, #tpu.memory_space<vmem>>, vector<16xf32>,
        %parallel_loop3A_311 = arith.constant 16 : i32
        %parallel_loop3A_312 = arith.muli %parallel_loop3A_311, %parallel_loop3A_237 : i32
        %parallel_loop3A_313 = arith.constant 2 : i32
        %parallel_loop3A_314 = arith.addi %parallel_loop3A_312, %parallel_loop3A_313 : i32
        %parallel_loop3A_315 = arith.constant 4 : i32
        %parallel_loop3A_316 = vector.broadcast %parallel_loop3A_315 : i32 to vector<16xi32>
        %parallel_loop3A_317 = arith.shrsi %iota3A, %parallel_loop3A_316 : vector<16xi32>
        %parallel_loop3A_318 = arith.constant 2 : i32
        %parallel_loop3A_319 = vector.broadcast %parallel_loop3A_318 : i32 to vector<16xi32>
        %parallel_loop3A_320 = arith.addi %parallel_loop3A_317, %parallel_loop3A_319 : vector<16xi32>
        %parallel_loop3A_321 = arith.constant 0 : i32
        %parallel_loop3A_322 = vector.broadcast %parallel_loop3A_321 : i32 to vector<16xi32>
        %parallel_loop3A_323 = arith.cmpi slt, %parallel_loop3A_320, %parallel_loop3A_322 : vector<16xi32>
        %parallel_loop3A_324 = arith.constant 16 : i32
        %parallel_loop3A_325 = vector.broadcast %parallel_loop3A_324 : i32 to vector<16xi32>
        %parallel_loop3A_326 = arith.addi %parallel_loop3A_320, %parallel_loop3A_325 : vector<16xi32>
        %parallel_loop3A_327 = arith.select %parallel_loop3A_323, %parallel_loop3A_326, %parallel_loop3A_320 : vector<16xi1>, vector<16xi32>
        %parallel_loop3A_328 = vector.shape_cast %parallel_loop3A_327 : vector<16xi32> to vector<16x1xi32>
        %parallel_loop3A_329 = vector.shape_cast %parallel_loop3A_328 : vector<16x1xi32> to vector<16xi32>
        %parallel_loop3A_330 = tpu.dynamic_gather %parallel_loop3A_256[%parallel_loop3A_329] in [0] : vector<16xf32>, vector<16xi32> -> vector<16xf32>
        %parallel_loop3A_331 = arith.index_cast %parallel_loop3A_314 : i32 to index
        %parallel_loop3A_332 = arith.constant 0 : index
        %parallel_loop3A_333 = tpu.vector_load %arg11[%parallel_loop3A_331, %parallel_loop3A_332] {strides = array<i32>} : memref<80x32xf32, #tpu.memory_space<vmem>>, vector<16xf32>,
        %parallel_loop3A_334 = arith.mulf %parallel_loop3A_333, %parallel_loop3A_330 : vector<16xf32>
        %parallel_loop3A_335 = arith.index_cast %parallel_loop3A_314 : i32 to index
        %parallel_loop3A_336 = arith.constant 0 : index
        %parallel_loop3A_337 = tpu.vector_load %arg13[%parallel_loop3A_335, %parallel_loop3A_336] {strides = array<i32>} : memref<80x32xf32, #tpu.memory_space<vmem>>, vector<16xf32>,
        tpu.vector_store %arg13[%parallel_loop3A_335, %parallel_loop3A_336], %parallel_loop3A_334 {strides = array<i32>} : memref<80x32xf32, #tpu.memory_space<vmem>>, vector<16xf32>,
        %parallel_loop3A_338 = arith.constant 16 : i32
        %parallel_loop3A_339 = arith.muli %parallel_loop3A_338, %parallel_loop3A_237 : i32
        %parallel_loop3A_340 = arith.constant 3 : i32
        %parallel_loop3A_341 = arith.addi %parallel_loop3A_339, %parallel_loop3A_340 : i32
        %parallel_loop3A_342 = arith.constant 4 : i32
        %parallel_loop3A_343 = vector.broadcast %parallel_loop3A_342 : i32 to vector<16xi32>
        %parallel_loop3A_344 = arith.shrsi %iota3A, %parallel_loop3A_343 : vector<16xi32>
        %parallel_loop3A_345 = arith.constant 3 : i32
        %parallel_loop3A_346 = vector.broadcast %parallel_loop3A_345 : i32 to vector<16xi32>
        %parallel_loop3A_347 = arith.addi %parallel_loop3A_344, %parallel_loop3A_346 : vector<16xi32>
        %parallel_loop3A_348 = arith.constant 0 : i32
        %parallel_loop3A_349 = vector.broadcast %parallel_loop3A_348 : i32 to vector<16xi32>
        %parallel_loop3A_350 = arith.cmpi slt, %parallel_loop3A_347, %parallel_loop3A_349 : vector<16xi32>
        %parallel_loop3A_351 = arith.constant 16 : i32
        %parallel_loop3A_352 = vector.broadcast %parallel_loop3A_351 : i32 to vector<16xi32>
        %parallel_loop3A_353 = arith.addi %parallel_loop3A_347, %parallel_loop3A_352 : vector<16xi32>
        %parallel_loop3A_354 = arith.select %parallel_loop3A_350, %parallel_loop3A_353, %parallel_loop3A_347 : vector<16xi1>, vector<16xi32>
        %parallel_loop3A_355 = vector.shape_cast %parallel_loop3A_354 : vector<16xi32> to vector<16x1xi32>
        %parallel_loop3A_356 = vector.shape_cast %parallel_loop3A_355 : vector<16x1xi32> to vector<16xi32>
        %parallel_loop3A_357 = tpu.dynamic_gather %parallel_loop3A_256[%parallel_loop3A_356] in [0] : vector<16xf32>, vector<16xi32> -> vector<16xf32>
        %parallel_loop3A_358 = arith.index_cast %parallel_loop3A_341 : i32 to index
        %parallel_loop3A_359 = arith.constant 0 : index
        %parallel_loop3A_360 = tpu.vector_load %arg11[%parallel_loop3A_358, %parallel_loop3A_359] {strides = array<i32>} : memref<80x32xf32, #tpu.memory_space<vmem>>, vector<16xf32>,
        %parallel_loop3A_361 = arith.mulf %parallel_loop3A_360, %parallel_loop3A_357 : vector<16xf32>
        %parallel_loop3A_362 = arith.index_cast %parallel_loop3A_341 : i32 to index
        %parallel_loop3A_363 = arith.constant 0 : index
        %parallel_loop3A_364 = tpu.vector_load %arg13[%parallel_loop3A_362, %parallel_loop3A_363] {strides = array<i32>} : memref<80x32xf32, #tpu.memory_space<vmem>>, vector<16xf32>,
        tpu.vector_store %arg13[%parallel_loop3A_362, %parallel_loop3A_363], %parallel_loop3A_361 {strides = array<i32>} : memref<80x32xf32, #tpu.memory_space<vmem>>, vector<16xf32>,
        %parallel_loop3A_365 = arith.constant 16 : i32
        %parallel_loop3A_366 = arith.muli %parallel_loop3A_365, %parallel_loop3A_237 : i32
        %parallel_loop3A_367 = arith.constant 4 : i32
        %parallel_loop3A_368 = arith.addi %parallel_loop3A_366, %parallel_loop3A_367 : i32
        %parallel_loop3A_369 = arith.constant 4 : i32
        %parallel_loop3A_370 = vector.broadcast %parallel_loop3A_369 : i32 to vector<16xi32>
        %parallel_loop3A_371 = arith.shrsi %iota3A, %parallel_loop3A_370 : vector<16xi32>
        %parallel_loop3A_372 = arith.constant 4 : i32
        %parallel_loop3A_373 = vector.broadcast %parallel_loop3A_372 : i32 to vector<16xi32>
        %parallel_loop3A_374 = arith.addi %parallel_loop3A_371, %parallel_loop3A_373 : vector<16xi32>
        %parallel_loop3A_375 = arith.constant 0 : i32
        %parallel_loop3A_376 = vector.broadcast %parallel_loop3A_375 : i32 to vector<16xi32>
        %parallel_loop3A_377 = arith.cmpi slt, %parallel_loop3A_374, %parallel_loop3A_376 : vector<16xi32>
        %parallel_loop3A_378 = arith.constant 16 : i32
        %parallel_loop3A_379 = vector.broadcast %parallel_loop3A_378 : i32 to vector<16xi32>
        %parallel_loop3A_380 = arith.addi %parallel_loop3A_374, %parallel_loop3A_379 : vector<16xi32>
        %parallel_loop3A_381 = arith.select %parallel_loop3A_377, %parallel_loop3A_380, %parallel_loop3A_374 : vector<16xi1>, vector<16xi32>
        %parallel_loop3A_382 = vector.shape_cast %parallel_loop3A_381 : vector<16xi32> to vector<16x1xi32>
        %parallel_loop3A_383 = vector.shape_cast %parallel_loop3A_382 : vector<16x1xi32> to vector<16xi32>
        %parallel_loop3A_384 = tpu.dynamic_gather %parallel_loop3A_256[%parallel_loop3A_383] in [0] : vector<16xf32>, vector<16xi32> -> vector<16xf32>
        %parallel_loop3A_385 = arith.index_cast %parallel_loop3A_368 : i32 to index
        %parallel_loop3A_386 = arith.constant 0 : index
        %parallel_loop3A_387 = tpu.vector_load %arg11[%parallel_loop3A_385, %parallel_loop3A_386] {strides = array<i32>} : memref<80x32xf32, #tpu.memory_space<vmem>>, vector<16xf32>,
        %parallel_loop3A_388 = arith.mulf %parallel_loop3A_387, %parallel_loop3A_384 : vector<16xf32>
        %parallel_loop3A_389 = arith.index_cast %parallel_loop3A_368 : i32 to index
        %parallel_loop3A_390 = arith.constant 0 : index
        %parallel_loop3A_391 = tpu.vector_load %arg13[%parallel_loop3A_389, %parallel_loop3A_390] {strides = array<i32>} : memref<80x32xf32, #tpu.memory_space<vmem>>, vector<16xf32>,
        tpu.vector_store %arg13[%parallel_loop3A_389, %parallel_loop3A_390], %parallel_loop3A_388 {strides = array<i32>} : memref<80x32xf32, #tpu.memory_space<vmem>>, vector<16xf32>,
        %parallel_loop3A_392 = arith.constant 16 : i32
        %parallel_loop3A_393 = arith.muli %parallel_loop3A_392, %parallel_loop3A_237 : i32
        %parallel_loop3A_394 = arith.constant 5 : i32
        %parallel_loop3A_395 = arith.addi %parallel_loop3A_393, %parallel_loop3A_394 : i32
        %parallel_loop3A_396 = arith.constant 4 : i32
        %parallel_loop3A_397 = vector.broadcast %parallel_loop3A_396 : i32 to vector<16xi32>
        %parallel_loop3A_398 = arith.shrsi %iota3A, %parallel_loop3A_397 : vector<16xi32>
        %parallel_loop3A_399 = arith.constant 5 : i32
        %parallel_loop3A_400 = vector.broadcast %parallel_loop3A_399 : i32 to vector<16xi32>
        %parallel_loop3A_401 = arith.addi %parallel_loop3A_398, %parallel_loop3A_400 : vector<16xi32>
        %parallel_loop3A_402 = arith.constant 0 : i32
        %parallel_loop3A_403 = vector.broadcast %parallel_loop3A_402 : i32 to vector<16xi32>
        %parallel_loop3A_404 = arith.cmpi slt, %parallel_loop3A_401, %parallel_loop3A_403 : vector<16xi32>
        %parallel_loop3A_405 = arith.constant 16 : i32
        %parallel_loop3A_406 = vector.broadcast %parallel_loop3A_405 : i32 to vector<16xi32>
        %parallel_loop3A_407 = arith.addi %parallel_loop3A_401, %parallel_loop3A_406 : vector<16xi32>
        %parallel_loop3A_408 = arith.select %parallel_loop3A_404, %parallel_loop3A_407, %parallel_loop3A_401 : vector<16xi1>, vector<16xi32>
        %parallel_loop3A_409 = vector.shape_cast %parallel_loop3A_408 : vector<16xi32> to vector<16x1xi32>
        %parallel_loop3A_410 = vector.shape_cast %parallel_loop3A_409 : vector<16x1xi32> to vector<16xi32>
        %parallel_loop3A_411 = tpu.dynamic_gather %parallel_loop3A_256[%parallel_loop3A_410] in [0] : vector<16xf32>, vector<16xi32> -> vector<16xf32>
        %parallel_loop3A_412 = arith.index_cast %parallel_loop3A_395 : i32 to index
        %parallel_loop3A_413 = arith.constant 0 : index
        %parallel_loop3A_414 = tpu.vector_load %arg11[%parallel_loop3A_412, %parallel_loop3A_413] {strides = array<i32>} : memref<80x32xf32, #tpu.memory_space<vmem>>, vector<16xf32>,
        %parallel_loop3A_415 = arith.mulf %parallel_loop3A_414, %parallel_loop3A_411 : vector<16xf32>
        %parallel_loop3A_416 = arith.index_cast %parallel_loop3A_395 : i32 to index
        %parallel_loop3A_417 = arith.constant 0 : index
        %parallel_loop3A_418 = tpu.vector_load %arg13[%parallel_loop3A_416, %parallel_loop3A_417] {strides = array<i32>} : memref<80x32xf32, #tpu.memory_space<vmem>>, vector<16xf32>,
        tpu.vector_store %arg13[%parallel_loop3A_416, %parallel_loop3A_417], %parallel_loop3A_415 {strides = array<i32>} : memref<80x32xf32, #tpu.memory_space<vmem>>, vector<16xf32>,
        %parallel_loop3A_419 = arith.constant 16 : i32
        %parallel_loop3A_420 = arith.muli %parallel_loop3A_419, %parallel_loop3A_237 : i32
        %parallel_loop3A_421 = arith.constant 6 : i32
        %parallel_loop3A_422 = arith.addi %parallel_loop3A_420, %parallel_loop3A_421 : i32
        %parallel_loop3A_423 = arith.constant 4 : i32
        %parallel_loop3A_424 = vector.broadcast %parallel_loop3A_423 : i32 to vector<16xi32>
        %parallel_loop3A_425 = arith.shrsi %iota3A, %parallel_loop3A_424 : vector<16xi32>
        %parallel_loop3A_426 = arith.constant 6 : i32
        %parallel_loop3A_427 = vector.broadcast %parallel_loop3A_426 : i32 to vector<16xi32>
        %parallel_loop3A_428 = arith.addi %parallel_loop3A_425, %parallel_loop3A_427 : vector<16xi32>
        %parallel_loop3A_429 = arith.constant 0 : i32
        %parallel_loop3A_430 = vector.broadcast %parallel_loop3A_429 : i32 to vector<16xi32>
        %parallel_loop3A_431 = arith.cmpi slt, %parallel_loop3A_428, %parallel_loop3A_430 : vector<16xi32>
        %parallel_loop3A_432 = arith.constant 16 : i32
        %parallel_loop3A_433 = vector.broadcast %parallel_loop3A_432 : i32 to vector<16xi32>
        %parallel_loop3A_434 = arith.addi %parallel_loop3A_428, %parallel_loop3A_433 : vector<16xi32>
        %parallel_loop3A_435 = arith.select %parallel_loop3A_431, %parallel_loop3A_434, %parallel_loop3A_428 : vector<16xi1>, vector<16xi32>
        %parallel_loop3A_436 = vector.shape_cast %parallel_loop3A_435 : vector<16xi32> to vector<16x1xi32>
        %parallel_loop3A_437 = vector.shape_cast %parallel_loop3A_436 : vector<16x1xi32> to vector<16xi32>
        %parallel_loop3A_438 = tpu.dynamic_gather %parallel_loop3A_256[%parallel_loop3A_437] in [0] : vector<16xf32>, vector<16xi32> -> vector<16xf32>
        %parallel_loop3A_439 = arith.index_cast %parallel_loop3A_422 : i32 to index
        %parallel_loop3A_440 = arith.constant 0 : index
        %parallel_loop3A_441 = tpu.vector_load %arg11[%parallel_loop3A_439, %parallel_loop3A_440] {strides = array<i32>} : memref<80x32xf32, #tpu.memory_space<vmem>>, vector<16xf32>,
        %parallel_loop3A_442 = arith.mulf %parallel_loop3A_441, %parallel_loop3A_438 : vector<16xf32>
        %parallel_loop3A_443 = arith.index_cast %parallel_loop3A_422 : i32 to index
        %parallel_loop3A_444 = arith.constant 0 : index
        %parallel_loop3A_445 = tpu.vector_load %arg13[%parallel_loop3A_443, %parallel_loop3A_444] {strides = array<i32>} : memref<80x32xf32, #tpu.memory_space<vmem>>, vector<16xf32>,
        tpu.vector_store %arg13[%parallel_loop3A_443, %parallel_loop3A_444], %parallel_loop3A_442 {strides = array<i32>} : memref<80x32xf32, #tpu.memory_space<vmem>>, vector<16xf32>,
        %parallel_loop3A_446 = arith.constant 16 : i32
        %parallel_loop3A_447 = arith.muli %parallel_loop3A_446, %parallel_loop3A_237 : i32
        %parallel_loop3A_448 = arith.constant 7 : i32
        %parallel_loop3A_449 = arith.addi %parallel_loop3A_447, %parallel_loop3A_448 : i32
        %parallel_loop3A_450 = arith.constant 4 : i32
        %parallel_loop3A_451 = vector.broadcast %parallel_loop3A_450 : i32 to vector<16xi32>
        %parallel_loop3A_452 = arith.shrsi %iota3A, %parallel_loop3A_451 : vector<16xi32>
        %parallel_loop3A_453 = arith.constant 7 : i32
        %parallel_loop3A_454 = vector.broadcast %parallel_loop3A_453 : i32 to vector<16xi32>
        %parallel_loop3A_455 = arith.addi %parallel_loop3A_452, %parallel_loop3A_454 : vector<16xi32>
        %parallel_loop3A_456 = arith.constant 0 : i32
        %parallel_loop3A_457 = vector.broadcast %parallel_loop3A_456 : i32 to vector<16xi32>
        %parallel_loop3A_458 = arith.cmpi slt, %parallel_loop3A_455, %parallel_loop3A_457 : vector<16xi32>
        %parallel_loop3A_459 = arith.constant 16 : i32
        %parallel_loop3A_460 = vector.broadcast %parallel_loop3A_459 : i32 to vector<16xi32>
        %parallel_loop3A_461 = arith.addi %parallel_loop3A_455, %parallel_loop3A_460 : vector<16xi32>
        %parallel_loop3A_462 = arith.select %parallel_loop3A_458, %parallel_loop3A_461, %parallel_loop3A_455 : vector<16xi1>, vector<16xi32>
        %parallel_loop3A_463 = vector.shape_cast %parallel_loop3A_462 : vector<16xi32> to vector<16x1xi32>
        %parallel_loop3A_464 = vector.shape_cast %parallel_loop3A_463 : vector<16x1xi32> to vector<16xi32>
        %parallel_loop3A_465 = tpu.dynamic_gather %parallel_loop3A_256[%parallel_loop3A_464] in [0] : vector<16xf32>, vector<16xi32> -> vector<16xf32>
        %parallel_loop3A_466 = arith.index_cast %parallel_loop3A_449 : i32 to index
        %parallel_loop3A_467 = arith.constant 0 : index
        %parallel_loop3A_468 = tpu.vector_load %arg11[%parallel_loop3A_466, %parallel_loop3A_467] {strides = array<i32>} : memref<80x32xf32, #tpu.memory_space<vmem>>, vector<16xf32>,
        %parallel_loop3A_469 = arith.mulf %parallel_loop3A_468, %parallel_loop3A_465 : vector<16xf32>
        %parallel_loop3A_470 = arith.index_cast %parallel_loop3A_449 : i32 to index
        %parallel_loop3A_471 = arith.constant 0 : index
        %parallel_loop3A_472 = tpu.vector_load %arg13[%parallel_loop3A_470, %parallel_loop3A_471] {strides = array<i32>} : memref<80x32xf32, #tpu.memory_space<vmem>>, vector<16xf32>,
        tpu.vector_store %arg13[%parallel_loop3A_470, %parallel_loop3A_471], %parallel_loop3A_469 {strides = array<i32>} : memref<80x32xf32, #tpu.memory_space<vmem>>, vector<16xf32>,
        %parallel_loop3A_473 = arith.constant 16 : i32
        %parallel_loop3A_474 = arith.muli %parallel_loop3A_473, %parallel_loop3A_237 : i32
        %parallel_loop3A_475 = arith.constant 8 : i32
        %parallel_loop3A_476 = arith.addi %parallel_loop3A_474, %parallel_loop3A_475 : i32
        %parallel_loop3A_477 = arith.constant 4 : i32
        %parallel_loop3A_478 = vector.broadcast %parallel_loop3A_477 : i32 to vector<16xi32>
        %parallel_loop3A_479 = arith.shrsi %iota3A, %parallel_loop3A_478 : vector<16xi32>
        %parallel_loop3A_480 = arith.constant 8 : i32
        %parallel_loop3A_481 = vector.broadcast %parallel_loop3A_480 : i32 to vector<16xi32>
        %parallel_loop3A_482 = arith.addi %parallel_loop3A_479, %parallel_loop3A_481 : vector<16xi32>
        %parallel_loop3A_483 = arith.constant 0 : i32
        %parallel_loop3A_484 = vector.broadcast %parallel_loop3A_483 : i32 to vector<16xi32>
        %parallel_loop3A_485 = arith.cmpi slt, %parallel_loop3A_482, %parallel_loop3A_484 : vector<16xi32>
        %parallel_loop3A_486 = arith.constant 16 : i32
        %parallel_loop3A_487 = vector.broadcast %parallel_loop3A_486 : i32 to vector<16xi32>
        %parallel_loop3A_488 = arith.addi %parallel_loop3A_482, %parallel_loop3A_487 : vector<16xi32>
        %parallel_loop3A_489 = arith.select %parallel_loop3A_485, %parallel_loop3A_488, %parallel_loop3A_482 : vector<16xi1>, vector<16xi32>
        %parallel_loop3A_490 = vector.shape_cast %parallel_loop3A_489 : vector<16xi32> to vector<16x1xi32>
        %parallel_loop3A_491 = vector.shape_cast %parallel_loop3A_490 : vector<16x1xi32> to vector<16xi32>
        %parallel_loop3A_492 = tpu.dynamic_gather %parallel_loop3A_256[%parallel_loop3A_491] in [0] : vector<16xf32>, vector<16xi32> -> vector<16xf32>
        %parallel_loop3A_493 = arith.index_cast %parallel_loop3A_476 : i32 to index
        %parallel_loop3A_494 = arith.constant 0 : index
        %parallel_loop3A_495 = tpu.vector_load %arg11[%parallel_loop3A_493, %parallel_loop3A_494] {strides = array<i32>} : memref<80x32xf32, #tpu.memory_space<vmem>>, vector<16xf32>,
        %parallel_loop3A_496 = arith.mulf %parallel_loop3A_495, %parallel_loop3A_492 : vector<16xf32>
        %parallel_loop3A_497 = arith.index_cast %parallel_loop3A_476 : i32 to index
        %parallel_loop3A_498 = arith.constant 0 : index
        %parallel_loop3A_499 = tpu.vector_load %arg13[%parallel_loop3A_497, %parallel_loop3A_498] {strides = array<i32>} : memref<80x32xf32, #tpu.memory_space<vmem>>, vector<16xf32>,
        tpu.vector_store %arg13[%parallel_loop3A_497, %parallel_loop3A_498], %parallel_loop3A_496 {strides = array<i32>} : memref<80x32xf32, #tpu.memory_space<vmem>>, vector<16xf32>,
        %parallel_loop3A_500 = arith.constant 16 : i32
        %parallel_loop3A_501 = arith.muli %parallel_loop3A_500, %parallel_loop3A_237 : i32
        %parallel_loop3A_502 = arith.constant 9 : i32
        %parallel_loop3A_503 = arith.addi %parallel_loop3A_501, %parallel_loop3A_502 : i32
        %parallel_loop3A_504 = arith.constant 4 : i32
        %parallel_loop3A_505 = vector.broadcast %parallel_loop3A_504 : i32 to vector<16xi32>
        %parallel_loop3A_506 = arith.shrsi %iota3A, %parallel_loop3A_505 : vector<16xi32>
        %parallel_loop3A_507 = arith.constant 9 : i32
        %parallel_loop3A_508 = vector.broadcast %parallel_loop3A_507 : i32 to vector<16xi32>
        %parallel_loop3A_509 = arith.addi %parallel_loop3A_506, %parallel_loop3A_508 : vector<16xi32>
        %parallel_loop3A_510 = arith.constant 0 : i32
        %parallel_loop3A_511 = vector.broadcast %parallel_loop3A_510 : i32 to vector<16xi32>
        %parallel_loop3A_512 = arith.cmpi slt, %parallel_loop3A_509, %parallel_loop3A_511 : vector<16xi32>
        %parallel_loop3A_513 = arith.constant 16 : i32
        %parallel_loop3A_514 = vector.broadcast %parallel_loop3A_513 : i32 to vector<16xi32>
        %parallel_loop3A_515 = arith.addi %parallel_loop3A_509, %parallel_loop3A_514 : vector<16xi32>
        %parallel_loop3A_516 = arith.select %parallel_loop3A_512, %parallel_loop3A_515, %parallel_loop3A_509 : vector<16xi1>, vector<16xi32>
        %parallel_loop3A_517 = vector.shape_cast %parallel_loop3A_516 : vector<16xi32> to vector<16x1xi32>
        %parallel_loop3A_518 = vector.shape_cast %parallel_loop3A_517 : vector<16x1xi32> to vector<16xi32>
        %parallel_loop3A_519 = tpu.dynamic_gather %parallel_loop3A_256[%parallel_loop3A_518] in [0] : vector<16xf32>, vector<16xi32> -> vector<16xf32>
        %parallel_loop3A_520 = arith.index_cast %parallel_loop3A_503 : i32 to index
        %parallel_loop3A_521 = arith.constant 0 : index
        %parallel_loop3A_522 = tpu.vector_load %arg11[%parallel_loop3A_520, %parallel_loop3A_521] {strides = array<i32>} : memref<80x32xf32, #tpu.memory_space<vmem>>, vector<16xf32>,
        %parallel_loop3A_523 = arith.mulf %parallel_loop3A_522, %parallel_loop3A_519 : vector<16xf32>
        %parallel_loop3A_524 = arith.index_cast %parallel_loop3A_503 : i32 to index
        %parallel_loop3A_525 = arith.constant 0 : index
        %parallel_loop3A_526 = tpu.vector_load %arg13[%parallel_loop3A_524, %parallel_loop3A_525] {strides = array<i32>} : memref<80x32xf32, #tpu.memory_space<vmem>>, vector<16xf32>,
        tpu.vector_store %arg13[%parallel_loop3A_524, %parallel_loop3A_525], %parallel_loop3A_523 {strides = array<i32>} : memref<80x32xf32, #tpu.memory_space<vmem>>, vector<16xf32>,
        %parallel_loop3A_527 = arith.constant 16 : i32
        %parallel_loop3A_528 = arith.muli %parallel_loop3A_527, %parallel_loop3A_237 : i32
        %parallel_loop3A_529 = arith.constant 10 : i32
        %parallel_loop3A_530 = arith.addi %parallel_loop3A_528, %parallel_loop3A_529 : i32
        %parallel_loop3A_531 = arith.constant 4 : i32
        %parallel_loop3A_532 = vector.broadcast %parallel_loop3A_531 : i32 to vector<16xi32>
        %parallel_loop3A_533 = arith.shrsi %iota3A, %parallel_loop3A_532 : vector<16xi32>
        %parallel_loop3A_534 = arith.constant 10 : i32
        %parallel_loop3A_535 = vector.broadcast %parallel_loop3A_534 : i32 to vector<16xi32>
        %parallel_loop3A_536 = arith.addi %parallel_loop3A_533, %parallel_loop3A_535 : vector<16xi32>
        %parallel_loop3A_537 = arith.constant 0 : i32
        %parallel_loop3A_538 = vector.broadcast %parallel_loop3A_537 : i32 to vector<16xi32>
        %parallel_loop3A_539 = arith.cmpi slt, %parallel_loop3A_536, %parallel_loop3A_538 : vector<16xi32>
        %parallel_loop3A_540 = arith.constant 16 : i32
        %parallel_loop3A_541 = vector.broadcast %parallel_loop3A_540 : i32 to vector<16xi32>
        %parallel_loop3A_542 = arith.addi %parallel_loop3A_536, %parallel_loop3A_541 : vector<16xi32>
        %parallel_loop3A_543 = arith.select %parallel_loop3A_539, %parallel_loop3A_542, %parallel_loop3A_536 : vector<16xi1>, vector<16xi32>
        %parallel_loop3A_544 = vector.shape_cast %parallel_loop3A_543 : vector<16xi32> to vector<16x1xi32>
        %parallel_loop3A_545 = vector.shape_cast %parallel_loop3A_544 : vector<16x1xi32> to vector<16xi32>
        %parallel_loop3A_546 = tpu.dynamic_gather %parallel_loop3A_256[%parallel_loop3A_545] in [0] : vector<16xf32>, vector<16xi32> -> vector<16xf32>
        %parallel_loop3A_547 = arith.index_cast %parallel_loop3A_530 : i32 to index
        %parallel_loop3A_548 = arith.constant 0 : index
        %parallel_loop3A_549 = tpu.vector_load %arg11[%parallel_loop3A_547, %parallel_loop3A_548] {strides = array<i32>} : memref<80x32xf32, #tpu.memory_space<vmem>>, vector<16xf32>,
        %parallel_loop3A_550 = arith.mulf %parallel_loop3A_549, %parallel_loop3A_546 : vector<16xf32>
        %parallel_loop3A_551 = arith.index_cast %parallel_loop3A_530 : i32 to index
        %parallel_loop3A_552 = arith.constant 0 : index
        %parallel_loop3A_553 = tpu.vector_load %arg13[%parallel_loop3A_551, %parallel_loop3A_552] {strides = array<i32>} : memref<80x32xf32, #tpu.memory_space<vmem>>, vector<16xf32>,
        tpu.vector_store %arg13[%parallel_loop3A_551, %parallel_loop3A_552], %parallel_loop3A_550 {strides = array<i32>} : memref<80x32xf32, #tpu.memory_space<vmem>>, vector<16xf32>,
        %parallel_loop3A_554 = arith.constant 16 : i32
        %parallel_loop3A_555 = arith.muli %parallel_loop3A_554, %parallel_loop3A_237 : i32
        %parallel_loop3A_556 = arith.constant 11 : i32
        %parallel_loop3A_557 = arith.addi %parallel_loop3A_555, %parallel_loop3A_556 : i32
        %parallel_loop3A_558 = arith.constant 4 : i32
        %parallel_loop3A_559 = vector.broadcast %parallel_loop3A_558 : i32 to vector<16xi32>
        %parallel_loop3A_560 = arith.shrsi %iota3A, %parallel_loop3A_559 : vector<16xi32>
        %parallel_loop3A_561 = arith.constant 11 : i32
        %parallel_loop3A_562 = vector.broadcast %parallel_loop3A_561 : i32 to vector<16xi32>
        %parallel_loop3A_563 = arith.addi %parallel_loop3A_560, %parallel_loop3A_562 : vector<16xi32>
        %parallel_loop3A_564 = arith.constant 0 : i32
        %parallel_loop3A_565 = vector.broadcast %parallel_loop3A_564 : i32 to vector<16xi32>
        %parallel_loop3A_566 = arith.cmpi slt, %parallel_loop3A_563, %parallel_loop3A_565 : vector<16xi32>
        %parallel_loop3A_567 = arith.constant 16 : i32
        %parallel_loop3A_568 = vector.broadcast %parallel_loop3A_567 : i32 to vector<16xi32>
        %parallel_loop3A_569 = arith.addi %parallel_loop3A_563, %parallel_loop3A_568 : vector<16xi32>
        %parallel_loop3A_570 = arith.select %parallel_loop3A_566, %parallel_loop3A_569, %parallel_loop3A_563 : vector<16xi1>, vector<16xi32>
        %parallel_loop3A_571 = vector.shape_cast %parallel_loop3A_570 : vector<16xi32> to vector<16x1xi32>
        %parallel_loop3A_572 = vector.shape_cast %parallel_loop3A_571 : vector<16x1xi32> to vector<16xi32>
        %parallel_loop3A_573 = tpu.dynamic_gather %parallel_loop3A_256[%parallel_loop3A_572] in [0] : vector<16xf32>, vector<16xi32> -> vector<16xf32>
        %parallel_loop3A_574 = arith.index_cast %parallel_loop3A_557 : i32 to index
        %parallel_loop3A_575 = arith.constant 0 : index
        %parallel_loop3A_576 = tpu.vector_load %arg11[%parallel_loop3A_574, %parallel_loop3A_575] {strides = array<i32>} : memref<80x32xf32, #tpu.memory_space<vmem>>, vector<16xf32>,
        %parallel_loop3A_577 = arith.mulf %parallel_loop3A_576, %parallel_loop3A_573 : vector<16xf32>
        %parallel_loop3A_578 = arith.index_cast %parallel_loop3A_557 : i32 to index
        %parallel_loop3A_579 = arith.constant 0 : index
        %parallel_loop3A_580 = tpu.vector_load %arg13[%parallel_loop3A_578, %parallel_loop3A_579] {strides = array<i32>} : memref<80x32xf32, #tpu.memory_space<vmem>>, vector<16xf32>,
        tpu.vector_store %arg13[%parallel_loop3A_578, %parallel_loop3A_579], %parallel_loop3A_577 {strides = array<i32>} : memref<80x32xf32, #tpu.memory_space<vmem>>, vector<16xf32>,
        %parallel_loop3A_581 = arith.constant 16 : i32
        %parallel_loop3A_582 = arith.muli %parallel_loop3A_581, %parallel_loop3A_237 : i32
        %parallel_loop3A_583 = arith.constant 12 : i32
        %parallel_loop3A_584 = arith.addi %parallel_loop3A_582, %parallel_loop3A_583 : i32
        %parallel_loop3A_585 = arith.constant 4 : i32
        %parallel_loop3A_586 = vector.broadcast %parallel_loop3A_585 : i32 to vector<16xi32>
        %parallel_loop3A_587 = arith.shrsi %iota3A, %parallel_loop3A_586 : vector<16xi32>
        %parallel_loop3A_588 = arith.constant 12 : i32
        %parallel_loop3A_589 = vector.broadcast %parallel_loop3A_588 : i32 to vector<16xi32>
        %parallel_loop3A_590 = arith.addi %parallel_loop3A_587, %parallel_loop3A_589 : vector<16xi32>
        %parallel_loop3A_591 = arith.constant 0 : i32
        %parallel_loop3A_592 = vector.broadcast %parallel_loop3A_591 : i32 to vector<16xi32>
        %parallel_loop3A_593 = arith.cmpi slt, %parallel_loop3A_590, %parallel_loop3A_592 : vector<16xi32>
        %parallel_loop3A_594 = arith.constant 16 : i32
        %parallel_loop3A_595 = vector.broadcast %parallel_loop3A_594 : i32 to vector<16xi32>
        %parallel_loop3A_596 = arith.addi %parallel_loop3A_590, %parallel_loop3A_595 : vector<16xi32>
        %parallel_loop3A_597 = arith.select %parallel_loop3A_593, %parallel_loop3A_596, %parallel_loop3A_590 : vector<16xi1>, vector<16xi32>
        %parallel_loop3A_598 = vector.shape_cast %parallel_loop3A_597 : vector<16xi32> to vector<16x1xi32>
        %parallel_loop3A_599 = vector.shape_cast %parallel_loop3A_598 : vector<16x1xi32> to vector<16xi32>
        %parallel_loop3A_600 = tpu.dynamic_gather %parallel_loop3A_256[%parallel_loop3A_599] in [0] : vector<16xf32>, vector<16xi32> -> vector<16xf32>
        %parallel_loop3A_601 = arith.index_cast %parallel_loop3A_584 : i32 to index
        %parallel_loop3A_602 = arith.constant 0 : index
        %parallel_loop3A_603 = tpu.vector_load %arg11[%parallel_loop3A_601, %parallel_loop3A_602] {strides = array<i32>} : memref<80x32xf32, #tpu.memory_space<vmem>>, vector<16xf32>,
        %parallel_loop3A_604 = arith.mulf %parallel_loop3A_603, %parallel_loop3A_600 : vector<16xf32>
        %parallel_loop3A_605 = arith.index_cast %parallel_loop3A_584 : i32 to index
        %parallel_loop3A_606 = arith.constant 0 : index
        %parallel_loop3A_607 = tpu.vector_load %arg13[%parallel_loop3A_605, %parallel_loop3A_606] {strides = array<i32>} : memref<80x32xf32, #tpu.memory_space<vmem>>, vector<16xf32>,
        tpu.vector_store %arg13[%parallel_loop3A_605, %parallel_loop3A_606], %parallel_loop3A_604 {strides = array<i32>} : memref<80x32xf32, #tpu.memory_space<vmem>>, vector<16xf32>,
        %parallel_loop3A_608 = arith.constant 16 : i32
        %parallel_loop3A_609 = arith.muli %parallel_loop3A_608, %parallel_loop3A_237 : i32
        %parallel_loop3A_610 = arith.constant 13 : i32
        %parallel_loop3A_611 = arith.addi %parallel_loop3A_609, %parallel_loop3A_610 : i32
        %parallel_loop3A_612 = arith.constant 4 : i32
        %parallel_loop3A_613 = vector.broadcast %parallel_loop3A_612 : i32 to vector<16xi32>
        %parallel_loop3A_614 = arith.shrsi %iota3A, %parallel_loop3A_613 : vector<16xi32>
        %parallel_loop3A_615 = arith.constant 13 : i32
        %parallel_loop3A_616 = vector.broadcast %parallel_loop3A_615 : i32 to vector<16xi32>
        %parallel_loop3A_617 = arith.addi %parallel_loop3A_614, %parallel_loop3A_616 : vector<16xi32>
        %parallel_loop3A_618 = arith.constant 0 : i32
        %parallel_loop3A_619 = vector.broadcast %parallel_loop3A_618 : i32 to vector<16xi32>
        %parallel_loop3A_620 = arith.cmpi slt, %parallel_loop3A_617, %parallel_loop3A_619 : vector<16xi32>
        %parallel_loop3A_621 = arith.constant 16 : i32
        %parallel_loop3A_622 = vector.broadcast %parallel_loop3A_621 : i32 to vector<16xi32>
        %parallel_loop3A_623 = arith.addi %parallel_loop3A_617, %parallel_loop3A_622 : vector<16xi32>
        %parallel_loop3A_624 = arith.select %parallel_loop3A_620, %parallel_loop3A_623, %parallel_loop3A_617 : vector<16xi1>, vector<16xi32>
        %parallel_loop3A_625 = vector.shape_cast %parallel_loop3A_624 : vector<16xi32> to vector<16x1xi32>
        %parallel_loop3A_626 = vector.shape_cast %parallel_loop3A_625 : vector<16x1xi32> to vector<16xi32>
        %parallel_loop3A_627 = tpu.dynamic_gather %parallel_loop3A_256[%parallel_loop3A_626] in [0] : vector<16xf32>, vector<16xi32> -> vector<16xf32>
        %parallel_loop3A_628 = arith.index_cast %parallel_loop3A_611 : i32 to index
        %parallel_loop3A_629 = arith.constant 0 : index
        %parallel_loop3A_630 = tpu.vector_load %arg11[%parallel_loop3A_628, %parallel_loop3A_629] {strides = array<i32>} : memref<80x32xf32, #tpu.memory_space<vmem>>, vector<16xf32>,
        %parallel_loop3A_631 = arith.mulf %parallel_loop3A_630, %parallel_loop3A_627 : vector<16xf32>
        %parallel_loop3A_632 = arith.index_cast %parallel_loop3A_611 : i32 to index
        %parallel_loop3A_633 = arith.constant 0 : index
        %parallel_loop3A_634 = tpu.vector_load %arg13[%parallel_loop3A_632, %parallel_loop3A_633] {strides = array<i32>} : memref<80x32xf32, #tpu.memory_space<vmem>>, vector<16xf32>,
        tpu.vector_store %arg13[%parallel_loop3A_632, %parallel_loop3A_633], %parallel_loop3A_631 {strides = array<i32>} : memref<80x32xf32, #tpu.memory_space<vmem>>, vector<16xf32>,
        %parallel_loop3A_635 = arith.constant 16 : i32
        %parallel_loop3A_636 = arith.muli %parallel_loop3A_635, %parallel_loop3A_237 : i32
        %parallel_loop3A_637 = arith.constant 14 : i32
        %parallel_loop3A_638 = arith.addi %parallel_loop3A_636, %parallel_loop3A_637 : i32
        %parallel_loop3A_639 = arith.constant 4 : i32
        %parallel_loop3A_640 = vector.broadcast %parallel_loop3A_639 : i32 to vector<16xi32>
        %parallel_loop3A_641 = arith.shrsi %iota3A, %parallel_loop3A_640 : vector<16xi32>
        %parallel_loop3A_642 = arith.constant 14 : i32
        %parallel_loop3A_643 = vector.broadcast %parallel_loop3A_642 : i32 to vector<16xi32>
        %parallel_loop3A_644 = arith.addi %parallel_loop3A_641, %parallel_loop3A_643 : vector<16xi32>
        %parallel_loop3A_645 = arith.constant 0 : i32
        %parallel_loop3A_646 = vector.broadcast %parallel_loop3A_645 : i32 to vector<16xi32>
        %parallel_loop3A_647 = arith.cmpi slt, %parallel_loop3A_644, %parallel_loop3A_646 : vector<16xi32>
        %parallel_loop3A_648 = arith.constant 16 : i32
        %parallel_loop3A_649 = vector.broadcast %parallel_loop3A_648 : i32 to vector<16xi32>
        %parallel_loop3A_650 = arith.addi %parallel_loop3A_644, %parallel_loop3A_649 : vector<16xi32>
        %parallel_loop3A_651 = arith.select %parallel_loop3A_647, %parallel_loop3A_650, %parallel_loop3A_644 : vector<16xi1>, vector<16xi32>
        %parallel_loop3A_652 = vector.shape_cast %parallel_loop3A_651 : vector<16xi32> to vector<16x1xi32>
        %parallel_loop3A_653 = vector.shape_cast %parallel_loop3A_652 : vector<16x1xi32> to vector<16xi32>
        %parallel_loop3A_654 = tpu.dynamic_gather %parallel_loop3A_256[%parallel_loop3A_653] in [0] : vector<16xf32>, vector<16xi32> -> vector<16xf32>
        %parallel_loop3A_655 = arith.index_cast %parallel_loop3A_638 : i32 to index
        %parallel_loop3A_656 = arith.constant 0 : index
        %parallel_loop3A_657 = tpu.vector_load %arg11[%parallel_loop3A_655, %parallel_loop3A_656] {strides = array<i32>} : memref<80x32xf32, #tpu.memory_space<vmem>>, vector<16xf32>,
        %parallel_loop3A_658 = arith.mulf %parallel_loop3A_657, %parallel_loop3A_654 : vector<16xf32>
        %parallel_loop3A_659 = arith.index_cast %parallel_loop3A_638 : i32 to index
        %parallel_loop3A_660 = arith.constant 0 : index
        %parallel_loop3A_661 = tpu.vector_load %arg13[%parallel_loop3A_659, %parallel_loop3A_660] {strides = array<i32>} : memref<80x32xf32, #tpu.memory_space<vmem>>, vector<16xf32>,
        tpu.vector_store %arg13[%parallel_loop3A_659, %parallel_loop3A_660], %parallel_loop3A_658 {strides = array<i32>} : memref<80x32xf32, #tpu.memory_space<vmem>>, vector<16xf32>,
        %parallel_loop3A_662 = arith.constant 16 : i32
        %parallel_loop3A_663 = arith.muli %parallel_loop3A_662, %parallel_loop3A_237 : i32
        %parallel_loop3A_664 = arith.constant 15 : i32
        %parallel_loop3A_665 = arith.addi %parallel_loop3A_663, %parallel_loop3A_664 : i32
        %parallel_loop3A_666 = arith.constant 4 : i32
        %parallel_loop3A_667 = vector.broadcast %parallel_loop3A_666 : i32 to vector<16xi32>
        %parallel_loop3A_668 = arith.shrsi %iota3A, %parallel_loop3A_667 : vector<16xi32>
        %parallel_loop3A_669 = arith.constant 15 : i32
        %parallel_loop3A_670 = vector.broadcast %parallel_loop3A_669 : i32 to vector<16xi32>
        %parallel_loop3A_671 = arith.addi %parallel_loop3A_668, %parallel_loop3A_670 : vector<16xi32>
        %parallel_loop3A_672 = arith.constant 0 : i32
        %parallel_loop3A_673 = vector.broadcast %parallel_loop3A_672 : i32 to vector<16xi32>
        %parallel_loop3A_674 = arith.cmpi slt, %parallel_loop3A_671, %parallel_loop3A_673 : vector<16xi32>
        %parallel_loop3A_675 = arith.constant 16 : i32
        %parallel_loop3A_676 = vector.broadcast %parallel_loop3A_675 : i32 to vector<16xi32>
        %parallel_loop3A_677 = arith.addi %parallel_loop3A_671, %parallel_loop3A_676 : vector<16xi32>
        %parallel_loop3A_678 = arith.select %parallel_loop3A_674, %parallel_loop3A_677, %parallel_loop3A_671 : vector<16xi1>, vector<16xi32>
        %parallel_loop3A_679 = vector.shape_cast %parallel_loop3A_678 : vector<16xi32> to vector<16x1xi32>
        %parallel_loop3A_680 = vector.shape_cast %parallel_loop3A_679 : vector<16x1xi32> to vector<16xi32>
        %parallel_loop3A_681 = tpu.dynamic_gather %parallel_loop3A_256[%parallel_loop3A_680] in [0] : vector<16xf32>, vector<16xi32> -> vector<16xf32>
        %parallel_loop3A_682 = arith.index_cast %parallel_loop3A_665 : i32 to index
        %parallel_loop3A_683 = arith.constant 0 : index
        %parallel_loop3A_684 = tpu.vector_load %arg11[%parallel_loop3A_682, %parallel_loop3A_683] {strides = array<i32>} : memref<80x32xf32, #tpu.memory_space<vmem>>, vector<16xf32>,
        %parallel_loop3A_685 = arith.mulf %parallel_loop3A_684, %parallel_loop3A_681 : vector<16xf32>
        %parallel_loop3A_686 = arith.index_cast %parallel_loop3A_665 : i32 to index
        %parallel_loop3A_687 = arith.constant 0 : index
        %parallel_loop3A_688 = tpu.vector_load %arg13[%parallel_loop3A_686, %parallel_loop3A_687] {strides = array<i32>} : memref<80x32xf32, #tpu.memory_space<vmem>>, vector<16xf32>,
        tpu.vector_store %arg13[%parallel_loop3A_686, %parallel_loop3A_687], %parallel_loop3A_685 {strides = array<i32>} : memref<80x32xf32, #tpu.memory_space<vmem>>, vector<16xf32>,
      } {sc.loop_unroll_factor = 5 : i64, sc.parallel_access}
      %dma_start3A_229 = arith.constant 0 : i32
      %dma_start3A_230 = arith.constant 0 : i32
      %dma_start3A_231 = tpu.memref_slice %arg16[%dma_start3A_229, %dma_start3A_230] : memref<10000x32xf32, #tpu.memory_space<vmem_shared>> -> memref<10000x32xf32, #tpu.memory_space<vmem_shared>>
      tpu.enqueue_indirect_dma source(%arg13 : memref<80x32xf32, #tpu.memory_space<vmem>>) target(%dma_start3A_231 : memref<10000x32xf32, #tpu.memory_space<vmem_shared>>) offsets(%arg9 : memref<80xi32, #tpu.memory_space<vmem>>) semaphore(%arg20 : memref<!tpu.dma_semaphore, #tpu.memory_space<semaphore_mem>>) {add = true}
      %lt3A = arith.constant 61 : i32
      %lt3A_232 = arith.cmpi slt, %scan3A_103, %lt3A : i32
      %convert_element_type3A_233 = arith.extui %lt3A_232 : i1 to i32
      %cond3A_234 = arith.constant 0 : i32
      %cond3A_235 = arith.cmpi ne, %convert_element_type3A_233, %cond3A_234 : i32
      scf.if %cond3A_235 {
        %add3A_237 = arith.constant 2 : i32
        %add3A_238 = arith.addi %add3A_175, %add3A_237 : i32
        %mul3A_239 = arith.constant 80 : i32
        %mul3A_240 = arith.muli %add3A_238, %mul3A_239 : i32
        %dma_start3A_241 = tpu.memref_slice %arg6[%mul3A_240] : memref<10000xi32, #tpu.memory_space<vmem>> -> memref<80xi32, #tpu.memory_space<vmem>>
        %dma_start3A_242 = arith.constant 0 : i32
        %dma_start3A_243 = arith.constant 0 : i32
        %dma_start3A_244 = tpu.memref_slice %arg2[%dma_start3A_242, %dma_start3A_243] : memref<10000x32xf32, #tpu.memory_space<hbm>> -> memref<10000x32xf32, #tpu.memory_space<hbm>>
        tpu.enqueue_indirect_dma source(%dma_start3A_244 : memref<10000x32xf32, #tpu.memory_space<hbm>>) target(%arg11 : memref<80x32xf32, #tpu.memory_space<vmem>>) offsets(%dma_start3A_241 : memref<80xi32, #tpu.memory_space<vmem>>) semaphore(%arg18 : memref<!tpu.dma_semaphore, #tpu.memory_space<semaphore_mem>>)
      } else {
      }
      %scan3A_236 = arith.constant 0 : i32
      scf.yield %scan3A_236 : i32
    }
    %scan3A_55 = arith.constant 62 : i32
    %dma_wait3A_56 = arith.constant 0 : i32
    %dma_wait3A_57 = arith.constant 0 : i32
    %dma_wait3A_58 = tpu.memref_slice %arg16[%dma_wait3A_56, %dma_wait3A_57] : memref<10000x32xf32, #tpu.memory_space<vmem_shared>> -> memref<10000x32xf32, #tpu.memory_space<vmem_shared>>
    tpu.wait_indirect_dma semaphore(%arg19 : memref<!tpu.dma_semaphore, #tpu.memory_space<semaphore_mem>>) src(%arg12 : memref<80x32xf32, #tpu.memory_space<vmem>>) dst(%dma_wait3A_58 : memref<10000x32xf32, #tpu.memory_space<vmem_shared>>)
    %dma_wait3A_59 = arith.constant 0 : i32
    %dma_wait3A_60 = tpu.memref_slice %arg6[%dma_wait3A_59] : memref<10000xi32, #tpu.memory_space<vmem>> -> memref<80xi32, #tpu.memory_space<vmem>>
    %dma_wait3A_61 = arith.constant 0 : i32
    %dma_wait3A_62 = arith.constant 0 : i32
    %dma_wait3A_63 = tpu.memref_slice %arg2[%dma_wait3A_61, %dma_wait3A_62] : memref<10000x32xf32, #tpu.memory_space<hbm>> -> memref<10000x32xf32, #tpu.memory_space<hbm>>
    tpu.wait_indirect_dma semaphore(%arg17 : memref<!tpu.dma_semaphore, #tpu.memory_space<semaphore_mem>>) src(%dma_wait3A_63 : memref<10000x32xf32, #tpu.memory_space<hbm>>) dst(%arg10 : memref<80x32xf32, #tpu.memory_space<vmem>>)
    %get3A = arith.constant 9920 : index
    %get3A_64 = tpu.vector_load %arg7[%get3A] {strides = array<i32>} : memref<10000xi32, #tpu.memory_space<vmem>>, vector<16xi32>,
    %swap3A = arith.constant 0 : index
    %swap3A_65 = tpu.vector_load %arg8[%swap3A] {strides = array<i32>} : memref<80xi32, #tpu.memory_space<vmem>>, vector<16xi32>,
    tpu.vector_store %arg8[%swap3A], %get3A_64 {strides = array<i32>} : memref<80xi32, #tpu.memory_space<vmem>>, vector<16xi32>,
    %get3A_66 = arith.constant 9936 : index
    %get3A_67 = tpu.vector_load %arg7[%get3A_66] {strides = array<i32>} : memref<10000xi32, #tpu.memory_space<vmem>>, vector<16xi32>,
    %swap3A_68 = arith.constant 16 : index
    %swap3A_69 = tpu.vector_load %arg8[%swap3A_68] {strides = array<i32>} : memref<80xi32, #tpu.memory_space<vmem>>, vector<16xi32>,
    tpu.vector_store %arg8[%swap3A_68], %get3A_67 {strides = array<i32>} : memref<80xi32, #tpu.memory_space<vmem>>, vector<16xi32>,
    %get3A_70 = arith.constant 9952 : index
    %get3A_71 = tpu.vector_load %arg7[%get3A_70] {strides = array<i32>} : memref<10000xi32, #tpu.memory_space<vmem>>, vector<16xi32>,
    %swap3A_72 = arith.constant 32 : index
    %swap3A_73 = tpu.vector_load %arg8[%swap3A_72] {strides = array<i32>} : memref<80xi32, #tpu.memory_space<vmem>>, vector<16xi32>,
    tpu.vector_store %arg8[%swap3A_72], %get3A_71 {strides = array<i32>} : memref<80xi32, #tpu.memory_space<vmem>>, vector<16xi32>,
    %get3A_74 = arith.constant 9968 : index
    %get3A_75 = tpu.vector_load %arg7[%get3A_74] {strides = array<i32>} : memref<10000xi32, #tpu.memory_space<vmem>>, vector<16xi32>,
    %swap3A_76 = arith.constant 48 : index
    %swap3A_77 = tpu.vector_load %arg8[%swap3A_76] {strides = array<i32>} : memref<80xi32, #tpu.memory_space<vmem>>, vector<16xi32>,
    tpu.vector_store %arg8[%swap3A_76], %get3A_75 {strides = array<i32>} : memref<80xi32, #tpu.memory_space<vmem>>, vector<16xi32>,
    %get3A_78 = arith.constant 9984 : index
    %get3A_79 = tpu.vector_load %arg7[%get3A_78] {strides = array<i32>} : memref<10000xi32, #tpu.memory_space<vmem>>, vector<16xi32>,
    %swap3A_80 = arith.constant 64 : index
    %swap3A_81 = tpu.vector_load %arg8[%swap3A_80] {strides = array<i32>} : memref<80xi32, #tpu.memory_space<vmem>>, vector<16xi32>,
    tpu.vector_store %arg8[%swap3A_80], %get3A_79 {strides = array<i32>} : memref<80xi32, #tpu.memory_space<vmem>>, vector<16xi32>,
    %parallel_loop3A_82 = arith.constant 0 : i32
    %parallel_loop3A_83 = arith.constant 5 : i32
    %parallel_loop3A_84 = arith.constant 1 : i32
    scf.for %parallel_loop3A_103 = %parallel_loop3A_82 to %parallel_loop3A_83 step %parallel_loop3A_84  : i32 {
      %parallel_loop3A_104 = arith.constant 16 : i32
      %parallel_loop3A_105 = arith.muli %parallel_loop3A_104, %parallel_loop3A_103 : i32
      %parallel_loop3A_106 = vector.broadcast %parallel_loop3A_105 : i32 to vector<16xi32>
      %parallel_loop3A_107 = arith.addi %iota3A, %parallel_loop3A_106 : vector<16xi32>
      %parallel_loop3A_108 = arith.constant 16 : i32
      %parallel_loop3A_109 = arith.muli %parallel_loop3A_108, %parallel_loop3A_103 : i32
      %parallel_loop3A_110 = arith.constant 9920 : i32
      %parallel_loop3A_111 = arith.addi %parallel_loop3A_110, %parallel_loop3A_109 : i32
      %parallel_loop3A_112 = arith.index_cast %parallel_loop3A_111 : i32 to index
      %parallel_loop3A_113 = tpu.vector_load %arg7[%parallel_loop3A_112] {strides = array<i32>} : memref<10000xi32, #tpu.memory_space<vmem>>, vector<16xi32>,
      %parallel_loop3A_114 = tpu.vector_load_idx %arg14[%parallel_loop3A_113] : memref<10000xf32, #tpu.memory_space<vmem>>[vector<16xi32>], vector<16xf32>,
      %parallel_loop3A_115 = tpu.vector_load_idx %arg10[%parallel_loop3A_107, %add3A_8] : memref<80x32xf32, #tpu.memory_space<vmem>>[vector<16xi32>, vector<16xi32>], vector<16xf32>,
      %parallel_loop3A_116 = arith.addf %parallel_loop3A_115, %parallel_loop3A_114 : vector<16xf32>
      %parallel_loop3A_117 = arith.constant 2.000000e-01 : f32
      %parallel_loop3A_118 = vector.broadcast %parallel_loop3A_117 : f32 to vector<16xf32>
      %parallel_loop3A_119 = arith.mulf %parallel_loop3A_118, %parallel_loop3A_116 : vector<16xf32>
      %parallel_loop3A_120 = arith.maximumf %parallel_loop3A_116, %parallel_loop3A_119 : vector<16xf32>
      %parallel_loop3A_121 = math.exp %parallel_loop3A_120 : vector<16xf32>
      tpu.vector_store_idx %arg12[%parallel_loop3A_107, %add3A_8], %parallel_loop3A_121 : memref<80x32xf32, #tpu.memory_space<vmem>>[vector<16xi32>, vector<16xi32>], vector<16xf32>,
      %parallel_loop3A_122 = arith.constant 16 : i32
      %parallel_loop3A_123 = arith.muli %parallel_loop3A_122, %parallel_loop3A_103 : i32
      %parallel_loop3A_124 = arith.constant 0 : i32
      %parallel_loop3A_125 = arith.addi %parallel_loop3A_123, %parallel_loop3A_124 : i32
      %parallel_loop3A_126 = arith.constant 4 : i32
      %parallel_loop3A_127 = vector.broadcast %parallel_loop3A_126 : i32 to vector<16xi32>
      %parallel_loop3A_128 = arith.shrsi %iota3A, %parallel_loop3A_127 : vector<16xi32>
      %parallel_loop3A_129 = arith.constant 0 : i32
      %parallel_loop3A_130 = vector.broadcast %parallel_loop3A_129 : i32 to vector<16xi32>
      %parallel_loop3A_131 = arith.addi %parallel_loop3A_128, %parallel_loop3A_130 : vector<16xi32>
      %parallel_loop3A_132 = arith.constant 0 : i32
      %parallel_loop3A_133 = vector.broadcast %parallel_loop3A_132 : i32 to vector<16xi32>
      %parallel_loop3A_134 = arith.cmpi slt, %parallel_loop3A_131, %parallel_loop3A_133 : vector<16xi32>
      %parallel_loop3A_135 = arith.constant 16 : i32
      %parallel_loop3A_136 = vector.broadcast %parallel_loop3A_135 : i32 to vector<16xi32>
      %parallel_loop3A_137 = arith.addi %parallel_loop3A_131, %parallel_loop3A_136 : vector<16xi32>
      %parallel_loop3A_138 = arith.select %parallel_loop3A_134, %parallel_loop3A_137, %parallel_loop3A_131 : vector<16xi1>, vector<16xi32>
      %parallel_loop3A_139 = vector.shape_cast %parallel_loop3A_138 : vector<16xi32> to vector<16x1xi32>
      %parallel_loop3A_140 = vector.shape_cast %parallel_loop3A_139 : vector<16x1xi32> to vector<16xi32>
      %parallel_loop3A_141 = tpu.dynamic_gather %parallel_loop3A_121[%parallel_loop3A_140] in [0] : vector<16xf32>, vector<16xi32> -> vector<16xf32>
      %parallel_loop3A_142 = arith.index_cast %parallel_loop3A_125 : i32 to index
      %parallel_loop3A_143 = arith.constant 0 : index
      %parallel_loop3A_144 = tpu.vector_load %arg10[%parallel_loop3A_142, %parallel_loop3A_143] {strides = array<i32>} : memref<80x32xf32, #tpu.memory_space<vmem>>, vector<16xf32>,
      %parallel_loop3A_145 = arith.mulf %parallel_loop3A_144, %parallel_loop3A_141 : vector<16xf32>
      %parallel_loop3A_146 = arith.index_cast %parallel_loop3A_125 : i32 to index
      %parallel_loop3A_147 = arith.constant 0 : index
      %parallel_loop3A_148 = tpu.vector_load %arg12[%parallel_loop3A_146, %parallel_loop3A_147] {strides = array<i32>} : memref<80x32xf32, #tpu.memory_space<vmem>>, vector<16xf32>,
      tpu.vector_store %arg12[%parallel_loop3A_146, %parallel_loop3A_147], %parallel_loop3A_145 {strides = array<i32>} : memref<80x32xf32, #tpu.memory_space<vmem>>, vector<16xf32>,
      %parallel_loop3A_149 = arith.constant 16 : i32
      %parallel_loop3A_150 = arith.muli %parallel_loop3A_149, %parallel_loop3A_103 : i32
      %parallel_loop3A_151 = arith.constant 1 : i32
      %parallel_loop3A_152 = arith.addi %parallel_loop3A_150, %parallel_loop3A_151 : i32
      %parallel_loop3A_153 = arith.constant 4 : i32
      %parallel_loop3A_154 = vector.broadcast %parallel_loop3A_153 : i32 to vector<16xi32>
      %parallel_loop3A_155 = arith.shrsi %iota3A, %parallel_loop3A_154 : vector<16xi32>
      %parallel_loop3A_156 = arith.constant 1 : i32
      %parallel_loop3A_157 = vector.broadcast %parallel_loop3A_156 : i32 to vector<16xi32>
      %parallel_loop3A_158 = arith.addi %parallel_loop3A_155, %parallel_loop3A_157 : vector<16xi32>
      %parallel_loop3A_159 = arith.constant 0 : i32
      %parallel_loop3A_160 = vector.broadcast %parallel_loop3A_159 : i32 to vector<16xi32>
      %parallel_loop3A_161 = arith.cmpi slt, %parallel_loop3A_158, %parallel_loop3A_160 : vector<16xi32>
      %parallel_loop3A_162 = arith.constant 16 : i32
      %parallel_loop3A_163 = vector.broadcast %parallel_loop3A_162 : i32 to vector<16xi32>
      %parallel_loop3A_164 = arith.addi %parallel_loop3A_158, %parallel_loop3A_163 : vector<16xi32>
      %parallel_loop3A_165 = arith.select %parallel_loop3A_161, %parallel_loop3A_164, %parallel_loop3A_158 : vector<16xi1>, vector<16xi32>
      %parallel_loop3A_166 = vector.shape_cast %parallel_loop3A_165 : vector<16xi32> to vector<16x1xi32>
      %parallel_loop3A_167 = vector.shape_cast %parallel_loop3A_166 : vector<16x1xi32> to vector<16xi32>
      %parallel_loop3A_168 = tpu.dynamic_gather %parallel_loop3A_121[%parallel_loop3A_167] in [0] : vector<16xf32>, vector<16xi32> -> vector<16xf32>
      %parallel_loop3A_169 = arith.index_cast %parallel_loop3A_152 : i32 to index
      %parallel_loop3A_170 = arith.constant 0 : index
      %parallel_loop3A_171 = tpu.vector_load %arg10[%parallel_loop3A_169, %parallel_loop3A_170] {strides = array<i32>} : memref<80x32xf32, #tpu.memory_space<vmem>>, vector<16xf32>,
      %parallel_loop3A_172 = arith.mulf %parallel_loop3A_171, %parallel_loop3A_168 : vector<16xf32>
      %parallel_loop3A_173 = arith.index_cast %parallel_loop3A_152 : i32 to index
      %parallel_loop3A_174 = arith.constant 0 : index
      %parallel_loop3A_175 = tpu.vector_load %arg12[%parallel_loop3A_173, %parallel_loop3A_174] {strides = array<i32>} : memref<80x32xf32, #tpu.memory_space<vmem>>, vector<16xf32>,
      tpu.vector_store %arg12[%parallel_loop3A_173, %parallel_loop3A_174], %parallel_loop3A_172 {strides = array<i32>} : memref<80x32xf32, #tpu.memory_space<vmem>>, vector<16xf32>,
      %parallel_loop3A_176 = arith.constant 16 : i32
      %parallel_loop3A_177 = arith.muli %parallel_loop3A_176, %parallel_loop3A_103 : i32
      %parallel_loop3A_178 = arith.constant 2 : i32
      %parallel_loop3A_179 = arith.addi %parallel_loop3A_177, %parallel_loop3A_178 : i32
      %parallel_loop3A_180 = arith.constant 4 : i32
      %parallel_loop3A_181 = vector.broadcast %parallel_loop3A_180 : i32 to vector<16xi32>
      %parallel_loop3A_182 = arith.shrsi %iota3A, %parallel_loop3A_181 : vector<16xi32>
      %parallel_loop3A_183 = arith.constant 2 : i32
      %parallel_loop3A_184 = vector.broadcast %parallel_loop3A_183 : i32 to vector<16xi32>
      %parallel_loop3A_185 = arith.addi %parallel_loop3A_182, %parallel_loop3A_184 : vector<16xi32>
      %parallel_loop3A_186 = arith.constant 0 : i32
      %parallel_loop3A_187 = vector.broadcast %parallel_loop3A_186 : i32 to vector<16xi32>
      %parallel_loop3A_188 = arith.cmpi slt, %parallel_loop3A_185, %parallel_loop3A_187 : vector<16xi32>
      %parallel_loop3A_189 = arith.constant 16 : i32
      %parallel_loop3A_190 = vector.broadcast %parallel_loop3A_189 : i32 to vector<16xi32>
      %parallel_loop3A_191 = arith.addi %parallel_loop3A_185, %parallel_loop3A_190 : vector<16xi32>
      %parallel_loop3A_192 = arith.select %parallel_loop3A_188, %parallel_loop3A_191, %parallel_loop3A_185 : vector<16xi1>, vector<16xi32>
      %parallel_loop3A_193 = vector.shape_cast %parallel_loop3A_192 : vector<16xi32> to vector<16x1xi32>
      %parallel_loop3A_194 = vector.shape_cast %parallel_loop3A_193 : vector<16x1xi32> to vector<16xi32>
      %parallel_loop3A_195 = tpu.dynamic_gather %parallel_loop3A_121[%parallel_loop3A_194] in [0] : vector<16xf32>, vector<16xi32> -> vector<16xf32>
      %parallel_loop3A_196 = arith.index_cast %parallel_loop3A_179 : i32 to index
      %parallel_loop3A_197 = arith.constant 0 : index
      %parallel_loop3A_198 = tpu.vector_load %arg10[%parallel_loop3A_196, %parallel_loop3A_197] {strides = array<i32>} : memref<80x32xf32, #tpu.memory_space<vmem>>, vector<16xf32>,
      %parallel_loop3A_199 = arith.mulf %parallel_loop3A_198, %parallel_loop3A_195 : vector<16xf32>
      %parallel_loop3A_200 = arith.index_cast %parallel_loop3A_179 : i32 to index
      %parallel_loop3A_201 = arith.constant 0 : index
      %parallel_loop3A_202 = tpu.vector_load %arg12[%parallel_loop3A_200, %parallel_loop3A_201] {strides = array<i32>} : memref<80x32xf32, #tpu.memory_space<vmem>>, vector<16xf32>,
      tpu.vector_store %arg12[%parallel_loop3A_200, %parallel_loop3A_201], %parallel_loop3A_199 {strides = array<i32>} : memref<80x32xf32, #tpu.memory_space<vmem>>, vector<16xf32>,
      %parallel_loop3A_203 = arith.constant 16 : i32
      %parallel_loop3A_204 = arith.muli %parallel_loop3A_203, %parallel_loop3A_103 : i32
      %parallel_loop3A_205 = arith.constant 3 : i32
      %parallel_loop3A_206 = arith.addi %parallel_loop3A_204, %parallel_loop3A_205 : i32
      %parallel_loop3A_207 = arith.constant 4 : i32
      %parallel_loop3A_208 = vector.broadcast %parallel_loop3A_207 : i32 to vector<16xi32>
      %parallel_loop3A_209 = arith.shrsi %iota3A, %parallel_loop3A_208 : vector<16xi32>
      %parallel_loop3A_210 = arith.constant 3 : i32
      %parallel_loop3A_211 = vector.broadcast %parallel_loop3A_210 : i32 to vector<16xi32>
      %parallel_loop3A_212 = arith.addi %parallel_loop3A_209, %parallel_loop3A_211 : vector<16xi32>
      %parallel_loop3A_213 = arith.constant 0 : i32
      %parallel_loop3A_214 = vector.broadcast %parallel_loop3A_213 : i32 to vector<16xi32>
      %parallel_loop3A_215 = arith.cmpi slt, %parallel_loop3A_212, %parallel_loop3A_214 : vector<16xi32>
      %parallel_loop3A_216 = arith.constant 16 : i32
      %parallel_loop3A_217 = vector.broadcast %parallel_loop3A_216 : i32 to vector<16xi32>
      %parallel_loop3A_218 = arith.addi %parallel_loop3A_212, %parallel_loop3A_217 : vector<16xi32>
      %parallel_loop3A_219 = arith.select %parallel_loop3A_215, %parallel_loop3A_218, %parallel_loop3A_212 : vector<16xi1>, vector<16xi32>
      %parallel_loop3A_220 = vector.shape_cast %parallel_loop3A_219 : vector<16xi32> to vector<16x1xi32>
      %parallel_loop3A_221 = vector.shape_cast %parallel_loop3A_220 : vector<16x1xi32> to vector<16xi32>
      %parallel_loop3A_222 = tpu.dynamic_gather %parallel_loop3A_121[%parallel_loop3A_221] in [0] : vector<16xf32>, vector<16xi32> -> vector<16xf32>
      %parallel_loop3A_223 = arith.index_cast %parallel_loop3A_206 : i32 to index
      %parallel_loop3A_224 = arith.constant 0 : index
      %parallel_loop3A_225 = tpu.vector_load %arg10[%parallel_loop3A_223, %parallel_loop3A_224] {strides = array<i32>} : memref<80x32xf32, #tpu.memory_space<vmem>>, vector<16xf32>,
      %parallel_loop3A_226 = arith.mulf %parallel_loop3A_225, %parallel_loop3A_222 : vector<16xf32>
      %parallel_loop3A_227 = arith.index_cast %parallel_loop3A_206 : i32 to index
      %parallel_loop3A_228 = arith.constant 0 : index
      %parallel_loop3A_229 = tpu.vector_load %arg12[%parallel_loop3A_227, %parallel_loop3A_228] {strides = array<i32>} : memref<80x32xf32, #tpu.memory_space<vmem>>, vector<16xf32>,
      tpu.vector_store %arg12[%parallel_loop3A_227, %parallel_loop3A_228], %parallel_loop3A_226 {strides = array<i32>} : memref<80x32xf32, #tpu.memory_space<vmem>>, vector<16xf32>,
      %parallel_loop3A_230 = arith.constant 16 : i32
      %parallel_loop3A_231 = arith.muli %parallel_loop3A_230, %parallel_loop3A_103 : i32
      %parallel_loop3A_232 = arith.constant 4 : i32
      %parallel_loop3A_233 = arith.addi %parallel_loop3A_231, %parallel_loop3A_232 : i32
      %parallel_loop3A_234 = arith.constant 4 : i32
      %parallel_loop3A_235 = vector.broadcast %parallel_loop3A_234 : i32 to vector<16xi32>
      %parallel_loop3A_236 = arith.shrsi %iota3A, %parallel_loop3A_235 : vector<16xi32>
      %parallel_loop3A_237 = arith.constant 4 : i32
      %parallel_loop3A_238 = vector.broadcast %parallel_loop3A_237 : i32 to vector<16xi32>
      %parallel_loop3A_239 = arith.addi %parallel_loop3A_236, %parallel_loop3A_238 : vector<16xi32>
      %parallel_loop3A_240 = arith.constant 0 : i32
      %parallel_loop3A_241 = vector.broadcast %parallel_loop3A_240 : i32 to vector<16xi32>
      %parallel_loop3A_242 = arith.cmpi slt, %parallel_loop3A_239, %parallel_loop3A_241 : vector<16xi32>
      %parallel_loop3A_243 = arith.constant 16 : i32
      %parallel_loop3A_244 = vector.broadcast %parallel_loop3A_243 : i32 to vector<16xi32>
      %parallel_loop3A_245 = arith.addi %parallel_loop3A_239, %parallel_loop3A_244 : vector<16xi32>
      %parallel_loop3A_246 = arith.select %parallel_loop3A_242, %parallel_loop3A_245, %parallel_loop3A_239 : vector<16xi1>, vector<16xi32>
      %parallel_loop3A_247 = vector.shape_cast %parallel_loop3A_246 : vector<16xi32> to vector<16x1xi32>
      %parallel_loop3A_248 = vector.shape_cast %parallel_loop3A_247 : vector<16x1xi32> to vector<16xi32>
      %parallel_loop3A_249 = tpu.dynamic_gather %parallel_loop3A_121[%parallel_loop3A_248] in [0] : vector<16xf32>, vector<16xi32> -> vector<16xf32>
      %parallel_loop3A_250 = arith.index_cast %parallel_loop3A_233 : i32 to index
      %parallel_loop3A_251 = arith.constant 0 : index
      %parallel_loop3A_252 = tpu.vector_load %arg10[%parallel_loop3A_250, %parallel_loop3A_251] {strides = array<i32>} : memref<80x32xf32, #tpu.memory_space<vmem>>, vector<16xf32>,
      %parallel_loop3A_253 = arith.mulf %parallel_loop3A_252, %parallel_loop3A_249 : vector<16xf32>
      %parallel_loop3A_254 = arith.index_cast %parallel_loop3A_233 : i32 to index
      %parallel_loop3A_255 = arith.constant 0 : index
      %parallel_loop3A_256 = tpu.vector_load %arg12[%parallel_loop3A_254, %parallel_loop3A_255] {strides = array<i32>} : memref<80x32xf32, #tpu.memory_space<vmem>>, vector<16xf32>,
      tpu.vector_store %arg12[%parallel_loop3A_254, %parallel_loop3A_255], %parallel_loop3A_253 {strides = array<i32>} : memref<80x32xf32, #tpu.memory_space<vmem>>, vector<16xf32>,
      %parallel_loop3A_257 = arith.constant 16 : i32
      %parallel_loop3A_258 = arith.muli %parallel_loop3A_257, %parallel_loop3A_103 : i32
      %parallel_loop3A_259 = arith.constant 5 : i32
      %parallel_loop3A_260 = arith.addi %parallel_loop3A_258, %parallel_loop3A_259 : i32
      %parallel_loop3A_261 = arith.constant 4 : i32
      %parallel_loop3A_262 = vector.broadcast %parallel_loop3A_261 : i32 to vector<16xi32>
      %parallel_loop3A_263 = arith.shrsi %iota3A, %parallel_loop3A_262 : vector<16xi32>
      %parallel_loop3A_264 = arith.constant 5 : i32
      %parallel_loop3A_265 = vector.broadcast %parallel_loop3A_264 : i32 to vector<16xi32>
      %parallel_loop3A_266 = arith.addi %parallel_loop3A_263, %parallel_loop3A_265 : vector<16xi32>
      %parallel_loop3A_267 = arith.constant 0 : i32
      %parallel_loop3A_268 = vector.broadcast %parallel_loop3A_267 : i32 to vector<16xi32>
      %parallel_loop3A_269 = arith.cmpi slt, %parallel_loop3A_266, %parallel_loop3A_268 : vector<16xi32>
      %parallel_loop3A_270 = arith.constant 16 : i32
      %parallel_loop3A_271 = vector.broadcast %parallel_loop3A_270 : i32 to vector<16xi32>
      %parallel_loop3A_272 = arith.addi %parallel_loop3A_266, %parallel_loop3A_271 : vector<16xi32>
      %parallel_loop3A_273 = arith.select %parallel_loop3A_269, %parallel_loop3A_272, %parallel_loop3A_266 : vector<16xi1>, vector<16xi32>
      %parallel_loop3A_274 = vector.shape_cast %parallel_loop3A_273 : vector<16xi32> to vector<16x1xi32>
      %parallel_loop3A_275 = vector.shape_cast %parallel_loop3A_274 : vector<16x1xi32> to vector<16xi32>
      %parallel_loop3A_276 = tpu.dynamic_gather %parallel_loop3A_121[%parallel_loop3A_275] in [0] : vector<16xf32>, vector<16xi32> -> vector<16xf32>
      %parallel_loop3A_277 = arith.index_cast %parallel_loop3A_260 : i32 to index
      %parallel_loop3A_278 = arith.constant 0 : index
      %parallel_loop3A_279 = tpu.vector_load %arg10[%parallel_loop3A_277, %parallel_loop3A_278] {strides = array<i32>} : memref<80x32xf32, #tpu.memory_space<vmem>>, vector<16xf32>,
      %parallel_loop3A_280 = arith.mulf %parallel_loop3A_279, %parallel_loop3A_276 : vector<16xf32>
      %parallel_loop3A_281 = arith.index_cast %parallel_loop3A_260 : i32 to index
      %parallel_loop3A_282 = arith.constant 0 : index
      %parallel_loop3A_283 = tpu.vector_load %arg12[%parallel_loop3A_281, %parallel_loop3A_282] {strides = array<i32>} : memref<80x32xf32, #tpu.memory_space<vmem>>, vector<16xf32>,
      tpu.vector_store %arg12[%parallel_loop3A_281, %parallel_loop3A_282], %parallel_loop3A_280 {strides = array<i32>} : memref<80x32xf32, #tpu.memory_space<vmem>>, vector<16xf32>,
      %parallel_loop3A_284 = arith.constant 16 : i32
      %parallel_loop3A_285 = arith.muli %parallel_loop3A_284, %parallel_loop3A_103 : i32
      %parallel_loop3A_286 = arith.constant 6 : i32
      %parallel_loop3A_287 = arith.addi %parallel_loop3A_285, %parallel_loop3A_286 : i32
      %parallel_loop3A_288 = arith.constant 4 : i32
      %parallel_loop3A_289 = vector.broadcast %parallel_loop3A_288 : i32 to vector<16xi32>
      %parallel_loop3A_290 = arith.shrsi %iota3A, %parallel_loop3A_289 : vector<16xi32>
      %parallel_loop3A_291 = arith.constant 6 : i32
      %parallel_loop3A_292 = vector.broadcast %parallel_loop3A_291 : i32 to vector<16xi32>
      %parallel_loop3A_293 = arith.addi %parallel_loop3A_290, %parallel_loop3A_292 : vector<16xi32>
      %parallel_loop3A_294 = arith.constant 0 : i32
      %parallel_loop3A_295 = vector.broadcast %parallel_loop3A_294 : i32 to vector<16xi32>
      %parallel_loop3A_296 = arith.cmpi slt, %parallel_loop3A_293, %parallel_loop3A_295 : vector<16xi32>
      %parallel_loop3A_297 = arith.constant 16 : i32
      %parallel_loop3A_298 = vector.broadcast %parallel_loop3A_297 : i32 to vector<16xi32>
      %parallel_loop3A_299 = arith.addi %parallel_loop3A_293, %parallel_loop3A_298 : vector<16xi32>
      %parallel_loop3A_300 = arith.select %parallel_loop3A_296, %parallel_loop3A_299, %parallel_loop3A_293 : vector<16xi1>, vector<16xi32>
      %parallel_loop3A_301 = vector.shape_cast %parallel_loop3A_300 : vector<16xi32> to vector<16x1xi32>
      %parallel_loop3A_302 = vector.shape_cast %parallel_loop3A_301 : vector<16x1xi32> to vector<16xi32>
      %parallel_loop3A_303 = tpu.dynamic_gather %parallel_loop3A_121[%parallel_loop3A_302] in [0] : vector<16xf32>, vector<16xi32> -> vector<16xf32>
      %parallel_loop3A_304 = arith.index_cast %parallel_loop3A_287 : i32 to index
      %parallel_loop3A_305 = arith.constant 0 : index
      %parallel_loop3A_306 = tpu.vector_load %arg10[%parallel_loop3A_304, %parallel_loop3A_305] {strides = array<i32>} : memref<80x32xf32, #tpu.memory_space<vmem>>, vector<16xf32>,
      %parallel_loop3A_307 = arith.mulf %parallel_loop3A_306, %parallel_loop3A_303 : vector<16xf32>
      %parallel_loop3A_308 = arith.index_cast %parallel_loop3A_287 : i32 to index
      %parallel_loop3A_309 = arith.constant 0 : index
      %parallel_loop3A_310 = tpu.vector_load %arg12[%parallel_loop3A_308, %parallel_loop3A_309] {strides = array<i32>} : memref<80x32xf32, #tpu.memory_space<vmem>>, vector<16xf32>,
      tpu.vector_store %arg12[%parallel_loop3A_308, %parallel_loop3A_309], %parallel_loop3A_307 {strides = array<i32>} : memref<80x32xf32, #tpu.memory_space<vmem>>, vector<16xf32>,
      %parallel_loop3A_311 = arith.constant 16 : i32
      %parallel_loop3A_312 = arith.muli %parallel_loop3A_311, %parallel_loop3A_103 : i32
      %parallel_loop3A_313 = arith.constant 7 : i32
      %parallel_loop3A_314 = arith.addi %parallel_loop3A_312, %parallel_loop3A_313 : i32
      %parallel_loop3A_315 = arith.constant 4 : i32
      %parallel_loop3A_316 = vector.broadcast %parallel_loop3A_315 : i32 to vector<16xi32>
      %parallel_loop3A_317 = arith.shrsi %iota3A, %parallel_loop3A_316 : vector<16xi32>
      %parallel_loop3A_318 = arith.constant 7 : i32
      %parallel_loop3A_319 = vector.broadcast %parallel_loop3A_318 : i32 to vector<16xi32>
      %parallel_loop3A_320 = arith.addi %parallel_loop3A_317, %parallel_loop3A_319 : vector<16xi32>
      %parallel_loop3A_321 = arith.constant 0 : i32
      %parallel_loop3A_322 = vector.broadcast %parallel_loop3A_321 : i32 to vector<16xi32>
      %parallel_loop3A_323 = arith.cmpi slt, %parallel_loop3A_320, %parallel_loop3A_322 : vector<16xi32>
      %parallel_loop3A_324 = arith.constant 16 : i32
      %parallel_loop3A_325 = vector.broadcast %parallel_loop3A_324 : i32 to vector<16xi32>
      %parallel_loop3A_326 = arith.addi %parallel_loop3A_320, %parallel_loop3A_325 : vector<16xi32>
      %parallel_loop3A_327 = arith.select %parallel_loop3A_323, %parallel_loop3A_326, %parallel_loop3A_320 : vector<16xi1>, vector<16xi32>
      %parallel_loop3A_328 = vector.shape_cast %parallel_loop3A_327 : vector<16xi32> to vector<16x1xi32>
      %parallel_loop3A_329 = vector.shape_cast %parallel_loop3A_328 : vector<16x1xi32> to vector<16xi32>
      %parallel_loop3A_330 = tpu.dynamic_gather %parallel_loop3A_121[%parallel_loop3A_329] in [0] : vector<16xf32>, vector<16xi32> -> vector<16xf32>
      %parallel_loop3A_331 = arith.index_cast %parallel_loop3A_314 : i32 to index
      %parallel_loop3A_332 = arith.constant 0 : index
      %parallel_loop3A_333 = tpu.vector_load %arg10[%parallel_loop3A_331, %parallel_loop3A_332] {strides = array<i32>} : memref<80x32xf32, #tpu.memory_space<vmem>>, vector<16xf32>,
      %parallel_loop3A_334 = arith.mulf %parallel_loop3A_333, %parallel_loop3A_330 : vector<16xf32>
      %parallel_loop3A_335 = arith.index_cast %parallel_loop3A_314 : i32 to index
      %parallel_loop3A_336 = arith.constant 0 : index
      %parallel_loop3A_337 = tpu.vector_load %arg12[%parallel_loop3A_335, %parallel_loop3A_336] {strides = array<i32>} : memref<80x32xf32, #tpu.memory_space<vmem>>, vector<16xf32>,
      tpu.vector_store %arg12[%parallel_loop3A_335, %parallel_loop3A_336], %parallel_loop3A_334 {strides = array<i32>} : memref<80x32xf32, #tpu.memory_space<vmem>>, vector<16xf32>,
      %parallel_loop3A_338 = arith.constant 16 : i32
      %parallel_loop3A_339 = arith.muli %parallel_loop3A_338, %parallel_loop3A_103 : i32
      %parallel_loop3A_340 = arith.constant 8 : i32
      %parallel_loop3A_341 = arith.addi %parallel_loop3A_339, %parallel_loop3A_340 : i32
      %parallel_loop3A_342 = arith.constant 4 : i32
      %parallel_loop3A_343 = vector.broadcast %parallel_loop3A_342 : i32 to vector<16xi32>
      %parallel_loop3A_344 = arith.shrsi %iota3A, %parallel_loop3A_343 : vector<16xi32>
      %parallel_loop3A_345 = arith.constant 8 : i32
      %parallel_loop3A_346 = vector.broadcast %parallel_loop3A_345 : i32 to vector<16xi32>
      %parallel_loop3A_347 = arith.addi %parallel_loop3A_344, %parallel_loop3A_346 : vector<16xi32>
      %parallel_loop3A_348 = arith.constant 0 : i32
      %parallel_loop3A_349 = vector.broadcast %parallel_loop3A_348 : i32 to vector<16xi32>
      %parallel_loop3A_350 = arith.cmpi slt, %parallel_loop3A_347, %parallel_loop3A_349 : vector<16xi32>
      %parallel_loop3A_351 = arith.constant 16 : i32
      %parallel_loop3A_352 = vector.broadcast %parallel_loop3A_351 : i32 to vector<16xi32>
      %parallel_loop3A_353 = arith.addi %parallel_loop3A_347, %parallel_loop3A_352 : vector<16xi32>
      %parallel_loop3A_354 = arith.select %parallel_loop3A_350, %parallel_loop3A_353, %parallel_loop3A_347 : vector<16xi1>, vector<16xi32>
      %parallel_loop3A_355 = vector.shape_cast %parallel_loop3A_354 : vector<16xi32> to vector<16x1xi32>
      %parallel_loop3A_356 = vector.shape_cast %parallel_loop3A_355 : vector<16x1xi32> to vector<16xi32>
      %parallel_loop3A_357 = tpu.dynamic_gather %parallel_loop3A_121[%parallel_loop3A_356] in [0] : vector<16xf32>, vector<16xi32> -> vector<16xf32>
      %parallel_loop3A_358 = arith.index_cast %parallel_loop3A_341 : i32 to index
      %parallel_loop3A_359 = arith.constant 0 : index
      %parallel_loop3A_360 = tpu.vector_load %arg10[%parallel_loop3A_358, %parallel_loop3A_359] {strides = array<i32>} : memref<80x32xf32, #tpu.memory_space<vmem>>, vector<16xf32>,
      %parallel_loop3A_361 = arith.mulf %parallel_loop3A_360, %parallel_loop3A_357 : vector<16xf32>
      %parallel_loop3A_362 = arith.index_cast %parallel_loop3A_341 : i32 to index
      %parallel_loop3A_363 = arith.constant 0 : index
      %parallel_loop3A_364 = tpu.vector_load %arg12[%parallel_loop3A_362, %parallel_loop3A_363] {strides = array<i32>} : memref<80x32xf32, #tpu.memory_space<vmem>>, vector<16xf32>,
      tpu.vector_store %arg12[%parallel_loop3A_362, %parallel_loop3A_363], %parallel_loop3A_361 {strides = array<i32>} : memref<80x32xf32, #tpu.memory_space<vmem>>, vector<16xf32>,
      %parallel_loop3A_365 = arith.constant 16 : i32
      %parallel_loop3A_366 = arith.muli %parallel_loop3A_365, %parallel_loop3A_103 : i32
      %parallel_loop3A_367 = arith.constant 9 : i32
      %parallel_loop3A_368 = arith.addi %parallel_loop3A_366, %parallel_loop3A_367 : i32
      %parallel_loop3A_369 = arith.constant 4 : i32
      %parallel_loop3A_370 = vector.broadcast %parallel_loop3A_369 : i32 to vector<16xi32>
      %parallel_loop3A_371 = arith.shrsi %iota3A, %parallel_loop3A_370 : vector<16xi32>
      %parallel_loop3A_372 = arith.constant 9 : i32
      %parallel_loop3A_373 = vector.broadcast %parallel_loop3A_372 : i32 to vector<16xi32>
      %parallel_loop3A_374 = arith.addi %parallel_loop3A_371, %parallel_loop3A_373 : vector<16xi32>
      %parallel_loop3A_375 = arith.constant 0 : i32
      %parallel_loop3A_376 = vector.broadcast %parallel_loop3A_375 : i32 to vector<16xi32>
      %parallel_loop3A_377 = arith.cmpi slt, %parallel_loop3A_374, %parallel_loop3A_376 : vector<16xi32>
      %parallel_loop3A_378 = arith.constant 16 : i32
      %parallel_loop3A_379 = vector.broadcast %parallel_loop3A_378 : i32 to vector<16xi32>
      %parallel_loop3A_380 = arith.addi %parallel_loop3A_374, %parallel_loop3A_379 : vector<16xi32>
      %parallel_loop3A_381 = arith.select %parallel_loop3A_377, %parallel_loop3A_380, %parallel_loop3A_374 : vector<16xi1>, vector<16xi32>
      %parallel_loop3A_382 = vector.shape_cast %parallel_loop3A_381 : vector<16xi32> to vector<16x1xi32>
      %parallel_loop3A_383 = vector.shape_cast %parallel_loop3A_382 : vector<16x1xi32> to vector<16xi32>
      %parallel_loop3A_384 = tpu.dynamic_gather %parallel_loop3A_121[%parallel_loop3A_383] in [0] : vector<16xf32>, vector<16xi32> -> vector<16xf32>
      %parallel_loop3A_385 = arith.index_cast %parallel_loop3A_368 : i32 to index
      %parallel_loop3A_386 = arith.constant 0 : index
      %parallel_loop3A_387 = tpu.vector_load %arg10[%parallel_loop3A_385, %parallel_loop3A_386] {strides = array<i32>} : memref<80x32xf32, #tpu.memory_space<vmem>>, vector<16xf32>,
      %parallel_loop3A_388 = arith.mulf %parallel_loop3A_387, %parallel_loop3A_384 : vector<16xf32>
      %parallel_loop3A_389 = arith.index_cast %parallel_loop3A_368 : i32 to index
      %parallel_loop3A_390 = arith.constant 0 : index
      %parallel_loop3A_391 = tpu.vector_load %arg12[%parallel_loop3A_389, %parallel_loop3A_390] {strides = array<i32>} : memref<80x32xf32, #tpu.memory_space<vmem>>, vector<16xf32>,
      tpu.vector_store %arg12[%parallel_loop3A_389, %parallel_loop3A_390], %parallel_loop3A_388 {strides = array<i32>} : memref<80x32xf32, #tpu.memory_space<vmem>>, vector<16xf32>,
      %parallel_loop3A_392 = arith.constant 16 : i32
      %parallel_loop3A_393 = arith.muli %parallel_loop3A_392, %parallel_loop3A_103 : i32
      %parallel_loop3A_394 = arith.constant 10 : i32
      %parallel_loop3A_395 = arith.addi %parallel_loop3A_393, %parallel_loop3A_394 : i32
      %parallel_loop3A_396 = arith.constant 4 : i32
      %parallel_loop3A_397 = vector.broadcast %parallel_loop3A_396 : i32 to vector<16xi32>
      %parallel_loop3A_398 = arith.shrsi %iota3A, %parallel_loop3A_397 : vector<16xi32>
      %parallel_loop3A_399 = arith.constant 10 : i32
      %parallel_loop3A_400 = vector.broadcast %parallel_loop3A_399 : i32 to vector<16xi32>
      %parallel_loop3A_401 = arith.addi %parallel_loop3A_398, %parallel_loop3A_400 : vector<16xi32>
      %parallel_loop3A_402 = arith.constant 0 : i32
      %parallel_loop3A_403 = vector.broadcast %parallel_loop3A_402 : i32 to vector<16xi32>
      %parallel_loop3A_404 = arith.cmpi slt, %parallel_loop3A_401, %parallel_loop3A_403 : vector<16xi32>
      %parallel_loop3A_405 = arith.constant 16 : i32
      %parallel_loop3A_406 = vector.broadcast %parallel_loop3A_405 : i32 to vector<16xi32>
      %parallel_loop3A_407 = arith.addi %parallel_loop3A_401, %parallel_loop3A_406 : vector<16xi32>
      %parallel_loop3A_408 = arith.select %parallel_loop3A_404, %parallel_loop3A_407, %parallel_loop3A_401 : vector<16xi1>, vector<16xi32>
      %parallel_loop3A_409 = vector.shape_cast %parallel_loop3A_408 : vector<16xi32> to vector<16x1xi32>
      %parallel_loop3A_410 = vector.shape_cast %parallel_loop3A_409 : vector<16x1xi32> to vector<16xi32>
      %parallel_loop3A_411 = tpu.dynamic_gather %parallel_loop3A_121[%parallel_loop3A_410] in [0] : vector<16xf32>, vector<16xi32> -> vector<16xf32>
      %parallel_loop3A_412 = arith.index_cast %parallel_loop3A_395 : i32 to index
      %parallel_loop3A_413 = arith.constant 0 : index
      %parallel_loop3A_414 = tpu.vector_load %arg10[%parallel_loop3A_412, %parallel_loop3A_413] {strides = array<i32>} : memref<80x32xf32, #tpu.memory_space<vmem>>, vector<16xf32>,
      %parallel_loop3A_415 = arith.mulf %parallel_loop3A_414, %parallel_loop3A_411 : vector<16xf32>
      %parallel_loop3A_416 = arith.index_cast %parallel_loop3A_395 : i32 to index
      %parallel_loop3A_417 = arith.constant 0 : index
      %parallel_loop3A_418 = tpu.vector_load %arg12[%parallel_loop3A_416, %parallel_loop3A_417] {strides = array<i32>} : memref<80x32xf32, #tpu.memory_space<vmem>>, vector<16xf32>,
      tpu.vector_store %arg12[%parallel_loop3A_416, %parallel_loop3A_417], %parallel_loop3A_415 {strides = array<i32>} : memref<80x32xf32, #tpu.memory_space<vmem>>, vector<16xf32>,
      %parallel_loop3A_419 = arith.constant 16 : i32
      %parallel_loop3A_420 = arith.muli %parallel_loop3A_419, %parallel_loop3A_103 : i32
      %parallel_loop3A_421 = arith.constant 11 : i32
      %parallel_loop3A_422 = arith.addi %parallel_loop3A_420, %parallel_loop3A_421 : i32
      %parallel_loop3A_423 = arith.constant 4 : i32
      %parallel_loop3A_424 = vector.broadcast %parallel_loop3A_423 : i32 to vector<16xi32>
      %parallel_loop3A_425 = arith.shrsi %iota3A, %parallel_loop3A_424 : vector<16xi32>
      %parallel_loop3A_426 = arith.constant 11 : i32
      %parallel_loop3A_427 = vector.broadcast %parallel_loop3A_426 : i32 to vector<16xi32>
      %parallel_loop3A_428 = arith.addi %parallel_loop3A_425, %parallel_loop3A_427 : vector<16xi32>
      %parallel_loop3A_429 = arith.constant 0 : i32
      %parallel_loop3A_430 = vector.broadcast %parallel_loop3A_429 : i32 to vector<16xi32>
      %parallel_loop3A_431 = arith.cmpi slt, %parallel_loop3A_428, %parallel_loop3A_430 : vector<16xi32>
      %parallel_loop3A_432 = arith.constant 16 : i32
      %parallel_loop3A_433 = vector.broadcast %parallel_loop3A_432 : i32 to vector<16xi32>
      %parallel_loop3A_434 = arith.addi %parallel_loop3A_428, %parallel_loop3A_433 : vector<16xi32>
      %parallel_loop3A_435 = arith.select %parallel_loop3A_431, %parallel_loop3A_434, %parallel_loop3A_428 : vector<16xi1>, vector<16xi32>
      %parallel_loop3A_436 = vector.shape_cast %parallel_loop3A_435 : vector<16xi32> to vector<16x1xi32>
      %parallel_loop3A_437 = vector.shape_cast %parallel_loop3A_436 : vector<16x1xi32> to vector<16xi32>
      %parallel_loop3A_438 = tpu.dynamic_gather %parallel_loop3A_121[%parallel_loop3A_437] in [0] : vector<16xf32>, vector<16xi32> -> vector<16xf32>
      %parallel_loop3A_439 = arith.index_cast %parallel_loop3A_422 : i32 to index
      %parallel_loop3A_440 = arith.constant 0 : index
      %parallel_loop3A_441 = tpu.vector_load %arg10[%parallel_loop3A_439, %parallel_loop3A_440] {strides = array<i32>} : memref<80x32xf32, #tpu.memory_space<vmem>>, vector<16xf32>,
      %parallel_loop3A_442 = arith.mulf %parallel_loop3A_441, %parallel_loop3A_438 : vector<16xf32>
      %parallel_loop3A_443 = arith.index_cast %parallel_loop3A_422 : i32 to index
      %parallel_loop3A_444 = arith.constant 0 : index
      %parallel_loop3A_445 = tpu.vector_load %arg12[%parallel_loop3A_443, %parallel_loop3A_444] {strides = array<i32>} : memref<80x32xf32, #tpu.memory_space<vmem>>, vector<16xf32>,
      tpu.vector_store %arg12[%parallel_loop3A_443, %parallel_loop3A_444], %parallel_loop3A_442 {strides = array<i32>} : memref<80x32xf32, #tpu.memory_space<vmem>>, vector<16xf32>,
      %parallel_loop3A_446 = arith.constant 16 : i32
      %parallel_loop3A_447 = arith.muli %parallel_loop3A_446, %parallel_loop3A_103 : i32
      %parallel_loop3A_448 = arith.constant 12 : i32
      %parallel_loop3A_449 = arith.addi %parallel_loop3A_447, %parallel_loop3A_448 : i32
      %parallel_loop3A_450 = arith.constant 4 : i32
      %parallel_loop3A_451 = vector.broadcast %parallel_loop3A_450 : i32 to vector<16xi32>
      %parallel_loop3A_452 = arith.shrsi %iota3A, %parallel_loop3A_451 : vector<16xi32>
      %parallel_loop3A_453 = arith.constant 12 : i32
      %parallel_loop3A_454 = vector.broadcast %parallel_loop3A_453 : i32 to vector<16xi32>
      %parallel_loop3A_455 = arith.addi %parallel_loop3A_452, %parallel_loop3A_454 : vector<16xi32>
      %parallel_loop3A_456 = arith.constant 0 : i32
      %parallel_loop3A_457 = vector.broadcast %parallel_loop3A_456 : i32 to vector<16xi32>
      %parallel_loop3A_458 = arith.cmpi slt, %parallel_loop3A_455, %parallel_loop3A_457 : vector<16xi32>
      %parallel_loop3A_459 = arith.constant 16 : i32
      %parallel_loop3A_460 = vector.broadcast %parallel_loop3A_459 : i32 to vector<16xi32>
      %parallel_loop3A_461 = arith.addi %parallel_loop3A_455, %parallel_loop3A_460 : vector<16xi32>
      %parallel_loop3A_462 = arith.select %parallel_loop3A_458, %parallel_loop3A_461, %parallel_loop3A_455 : vector<16xi1>, vector<16xi32>
      %parallel_loop3A_463 = vector.shape_cast %parallel_loop3A_462 : vector<16xi32> to vector<16x1xi32>
      %parallel_loop3A_464 = vector.shape_cast %parallel_loop3A_463 : vector<16x1xi32> to vector<16xi32>
      %parallel_loop3A_465 = tpu.dynamic_gather %parallel_loop3A_121[%parallel_loop3A_464] in [0] : vector<16xf32>, vector<16xi32> -> vector<16xf32>
      %parallel_loop3A_466 = arith.index_cast %parallel_loop3A_449 : i32 to index
      %parallel_loop3A_467 = arith.constant 0 : index
      %parallel_loop3A_468 = tpu.vector_load %arg10[%parallel_loop3A_466, %parallel_loop3A_467] {strides = array<i32>} : memref<80x32xf32, #tpu.memory_space<vmem>>, vector<16xf32>,
      %parallel_loop3A_469 = arith.mulf %parallel_loop3A_468, %parallel_loop3A_465 : vector<16xf32>
      %parallel_loop3A_470 = arith.index_cast %parallel_loop3A_449 : i32 to index
      %parallel_loop3A_471 = arith.constant 0 : index
      %parallel_loop3A_472 = tpu.vector_load %arg12[%parallel_loop3A_470, %parallel_loop3A_471] {strides = array<i32>} : memref<80x32xf32, #tpu.memory_space<vmem>>, vector<16xf32>,
      tpu.vector_store %arg12[%parallel_loop3A_470, %parallel_loop3A_471], %parallel_loop3A_469 {strides = array<i32>} : memref<80x32xf32, #tpu.memory_space<vmem>>, vector<16xf32>,
      %parallel_loop3A_473 = arith.constant 16 : i32
      %parallel_loop3A_474 = arith.muli %parallel_loop3A_473, %parallel_loop3A_103 : i32
      %parallel_loop3A_475 = arith.constant 13 : i32
      %parallel_loop3A_476 = arith.addi %parallel_loop3A_474, %parallel_loop3A_475 : i32
      %parallel_loop3A_477 = arith.constant 4 : i32
      %parallel_loop3A_478 = vector.broadcast %parallel_loop3A_477 : i32 to vector<16xi32>
      %parallel_loop3A_479 = arith.shrsi %iota3A, %parallel_loop3A_478 : vector<16xi32>
      %parallel_loop3A_480 = arith.constant 13 : i32
      %parallel_loop3A_481 = vector.broadcast %parallel_loop3A_480 : i32 to vector<16xi32>
      %parallel_loop3A_482 = arith.addi %parallel_loop3A_479, %parallel_loop3A_481 : vector<16xi32>
      %parallel_loop3A_483 = arith.constant 0 : i32
      %parallel_loop3A_484 = vector.broadcast %parallel_loop3A_483 : i32 to vector<16xi32>
      %parallel_loop3A_485 = arith.cmpi slt, %parallel_loop3A_482, %parallel_loop3A_484 : vector<16xi32>
      %parallel_loop3A_486 = arith.constant 16 : i32
      %parallel_loop3A_487 = vector.broadcast %parallel_loop3A_486 : i32 to vector<16xi32>
      %parallel_loop3A_488 = arith.addi %parallel_loop3A_482, %parallel_loop3A_487 : vector<16xi32>
      %parallel_loop3A_489 = arith.select %parallel_loop3A_485, %parallel_loop3A_488, %parallel_loop3A_482 : vector<16xi1>, vector<16xi32>
      %parallel_loop3A_490 = vector.shape_cast %parallel_loop3A_489 : vector<16xi32> to vector<16x1xi32>
      %parallel_loop3A_491 = vector.shape_cast %parallel_loop3A_490 : vector<16x1xi32> to vector<16xi32>
      %parallel_loop3A_492 = tpu.dynamic_gather %parallel_loop3A_121[%parallel_loop3A_491] in [0] : vector<16xf32>, vector<16xi32> -> vector<16xf32>
      %parallel_loop3A_493 = arith.index_cast %parallel_loop3A_476 : i32 to index
      %parallel_loop3A_494 = arith.constant 0 : index
      %parallel_loop3A_495 = tpu.vector_load %arg10[%parallel_loop3A_493, %parallel_loop3A_494] {strides = array<i32>} : memref<80x32xf32, #tpu.memory_space<vmem>>, vector<16xf32>,
      %parallel_loop3A_496 = arith.mulf %parallel_loop3A_495, %parallel_loop3A_492 : vector<16xf32>
      %parallel_loop3A_497 = arith.index_cast %parallel_loop3A_476 : i32 to index
      %parallel_loop3A_498 = arith.constant 0 : index
      %parallel_loop3A_499 = tpu.vector_load %arg12[%parallel_loop3A_497, %parallel_loop3A_498] {strides = array<i32>} : memref<80x32xf32, #tpu.memory_space<vmem>>, vector<16xf32>,
      tpu.vector_store %arg12[%parallel_loop3A_497, %parallel_loop3A_498], %parallel_loop3A_496 {strides = array<i32>} : memref<80x32xf32, #tpu.memory_space<vmem>>, vector<16xf32>,
      %parallel_loop3A_500 = arith.constant 16 : i32
      %parallel_loop3A_501 = arith.muli %parallel_loop3A_500, %parallel_loop3A_103 : i32
      %parallel_loop3A_502 = arith.constant 14 : i32
      %parallel_loop3A_503 = arith.addi %parallel_loop3A_501, %parallel_loop3A_502 : i32
      %parallel_loop3A_504 = arith.constant 4 : i32
      %parallel_loop3A_505 = vector.broadcast %parallel_loop3A_504 : i32 to vector<16xi32>
      %parallel_loop3A_506 = arith.shrsi %iota3A, %parallel_loop3A_505 : vector<16xi32>
      %parallel_loop3A_507 = arith.constant 14 : i32
      %parallel_loop3A_508 = vector.broadcast %parallel_loop3A_507 : i32 to vector<16xi32>
      %parallel_loop3A_509 = arith.addi %parallel_loop3A_506, %parallel_loop3A_508 : vector<16xi32>
      %parallel_loop3A_510 = arith.constant 0 : i32
      %parallel_loop3A_511 = vector.broadcast %parallel_loop3A_510 : i32 to vector<16xi32>
      %parallel_loop3A_512 = arith.cmpi slt, %parallel_loop3A_509, %parallel_loop3A_511 : vector<16xi32>
      %parallel_loop3A_513 = arith.constant 16 : i32
      %parallel_loop3A_514 = vector.broadcast %parallel_loop3A_513 : i32 to vector<16xi32>
      %parallel_loop3A_515 = arith.addi %parallel_loop3A_509, %parallel_loop3A_514 : vector<16xi32>
      %parallel_loop3A_516 = arith.select %parallel_loop3A_512, %parallel_loop3A_515, %parallel_loop3A_509 : vector<16xi1>, vector<16xi32>
      %parallel_loop3A_517 = vector.shape_cast %parallel_loop3A_516 : vector<16xi32> to vector<16x1xi32>
      %parallel_loop3A_518 = vector.shape_cast %parallel_loop3A_517 : vector<16x1xi32> to vector<16xi32>
      %parallel_loop3A_519 = tpu.dynamic_gather %parallel_loop3A_121[%parallel_loop3A_518] in [0] : vector<16xf32>, vector<16xi32> -> vector<16xf32>
      %parallel_loop3A_520 = arith.index_cast %parallel_loop3A_503 : i32 to index
      %parallel_loop3A_521 = arith.constant 0 : index
      %parallel_loop3A_522 = tpu.vector_load %arg10[%parallel_loop3A_520, %parallel_loop3A_521] {strides = array<i32>} : memref<80x32xf32, #tpu.memory_space<vmem>>, vector<16xf32>,
      %parallel_loop3A_523 = arith.mulf %parallel_loop3A_522, %parallel_loop3A_519 : vector<16xf32>
      %parallel_loop3A_524 = arith.index_cast %parallel_loop3A_503 : i32 to index
      %parallel_loop3A_525 = arith.constant 0 : index
      %parallel_loop3A_526 = tpu.vector_load %arg12[%parallel_loop3A_524, %parallel_loop3A_525] {strides = array<i32>} : memref<80x32xf32, #tpu.memory_space<vmem>>, vector<16xf32>,
      tpu.vector_store %arg12[%parallel_loop3A_524, %parallel_loop3A_525], %parallel_loop3A_523 {strides = array<i32>} : memref<80x32xf32, #tpu.memory_space<vmem>>, vector<16xf32>,
      %parallel_loop3A_527 = arith.constant 16 : i32
      %parallel_loop3A_528 = arith.muli %parallel_loop3A_527, %parallel_loop3A_103 : i32
      %parallel_loop3A_529 = arith.constant 15 : i32
      %parallel_loop3A_530 = arith.addi %parallel_loop3A_528, %parallel_loop3A_529 : i32
      %parallel_loop3A_531 = arith.constant 4 : i32
      %parallel_loop3A_532 = vector.broadcast %parallel_loop3A_531 : i32 to vector<16xi32>
      %parallel_loop3A_533 = arith.shrsi %iota3A, %parallel_loop3A_532 : vector<16xi32>
      %parallel_loop3A_534 = arith.constant 15 : i32
      %parallel_loop3A_535 = vector.broadcast %parallel_loop3A_534 : i32 to vector<16xi32>
      %parallel_loop3A_536 = arith.addi %parallel_loop3A_533, %parallel_loop3A_535 : vector<16xi32>
      %parallel_loop3A_537 = arith.constant 0 : i32
      %parallel_loop3A_538 = vector.broadcast %parallel_loop3A_537 : i32 to vector<16xi32>
      %parallel_loop3A_539 = arith.cmpi slt, %parallel_loop3A_536, %parallel_loop3A_538 : vector<16xi32>
      %parallel_loop3A_540 = arith.constant 16 : i32
      %parallel_loop3A_541 = vector.broadcast %parallel_loop3A_540 : i32 to vector<16xi32>
      %parallel_loop3A_542 = arith.addi %parallel_loop3A_536, %parallel_loop3A_541 : vector<16xi32>
      %parallel_loop3A_543 = arith.select %parallel_loop3A_539, %parallel_loop3A_542, %parallel_loop3A_536 : vector<16xi1>, vector<16xi32>
      %parallel_loop3A_544 = vector.shape_cast %parallel_loop3A_543 : vector<16xi32> to vector<16x1xi32>
      %parallel_loop3A_545 = vector.shape_cast %parallel_loop3A_544 : vector<16x1xi32> to vector<16xi32>
      %parallel_loop3A_546 = tpu.dynamic_gather %parallel_loop3A_121[%parallel_loop3A_545] in [0] : vector<16xf32>, vector<16xi32> -> vector<16xf32>
      %parallel_loop3A_547 = arith.index_cast %parallel_loop3A_530 : i32 to index
      %parallel_loop3A_548 = arith.constant 0 : index
      %parallel_loop3A_549 = tpu.vector_load %arg10[%parallel_loop3A_547, %parallel_loop3A_548] {strides = array<i32>} : memref<80x32xf32, #tpu.memory_space<vmem>>, vector<16xf32>,
      %parallel_loop3A_550 = arith.mulf %parallel_loop3A_549, %parallel_loop3A_546 : vector<16xf32>
      %parallel_loop3A_551 = arith.index_cast %parallel_loop3A_530 : i32 to index
      %parallel_loop3A_552 = arith.constant 0 : index
      %parallel_loop3A_553 = tpu.vector_load %arg12[%parallel_loop3A_551, %parallel_loop3A_552] {strides = array<i32>} : memref<80x32xf32, #tpu.memory_space<vmem>>, vector<16xf32>,
      tpu.vector_store %arg12[%parallel_loop3A_551, %parallel_loop3A_552], %parallel_loop3A_550 {strides = array<i32>} : memref<80x32xf32, #tpu.memory_space<vmem>>, vector<16xf32>,
    } {sc.loop_unroll_factor = 5 : i64, sc.parallel_access}
    %dma_start3A_85 = arith.constant 0 : i32
    %dma_start3A_86 = arith.constant 0 : i32
    %dma_start3A_87 = tpu.memref_slice %arg16[%dma_start3A_85, %dma_start3A_86] : memref<10000x32xf32, #tpu.memory_space<vmem_shared>> -> memref<10000x32xf32, #tpu.memory_space<vmem_shared>>
    tpu.enqueue_indirect_dma source(%arg12 : memref<80x32xf32, #tpu.memory_space<vmem>>) target(%dma_start3A_87 : memref<10000x32xf32, #tpu.memory_space<vmem_shared>>) offsets(%arg8 : memref<80xi32, #tpu.memory_space<vmem>>) semaphore(%arg19 : memref<!tpu.dma_semaphore, #tpu.memory_space<semaphore_mem>>) {add = true}
    %dma_wait3A_88 = arith.constant 0 : i32
    %dma_wait3A_89 = arith.constant 0 : i32
    %dma_wait3A_90 = tpu.memref_slice %arg16[%dma_wait3A_88, %dma_wait3A_89] : memref<10000x32xf32, #tpu.memory_space<vmem_shared>> -> memref<10000x32xf32, #tpu.memory_space<vmem_shared>>
    tpu.wait_indirect_dma semaphore(%arg19 : memref<!tpu.dma_semaphore, #tpu.memory_space<semaphore_mem>>) src(%arg12 : memref<80x32xf32, #tpu.memory_space<vmem>>) dst(%dma_wait3A_90 : memref<10000x32xf32, #tpu.memory_space<vmem_shared>>)
    %dma_wait3A_91 = arith.constant 0 : i32
    %dma_wait3A_92 = arith.constant 0 : i32
    %dma_wait3A_93 = tpu.memref_slice %arg16[%dma_wait3A_91, %dma_wait3A_92] : memref<10000x32xf32, #tpu.memory_space<vmem_shared>> -> memref<10000x32xf32, #tpu.memory_space<vmem_shared>>
    tpu.wait_indirect_dma semaphore(%arg20 : memref<!tpu.dma_semaphore, #tpu.memory_space<semaphore_mem>>) src(%arg13 : memref<80x32xf32, #tpu.memory_space<vmem>>) dst(%dma_wait3A_93 : memref<10000x32xf32, #tpu.memory_space<vmem_shared>>)
    %barrier3A = arith.constant 0 : index
    tpu.barrier barrier_id(%barrier3A)
    %mul3A_94 = arith.constant 624 : i32
    %mul3A_95 = arith.muli %arg1, %mul3A_94 : i32
    %mul3A_96 = arith.constant 624 : i32
    %mul3A_97 = arith.muli %arg1, %mul3A_96 : i32
    "tpu.region"() ({
      %run_scoped3A = tpu.sem_alloc : memref<!tpu.dma_semaphore, #tpu.memory_space<semaphore_mem>>
      %dma_start3A_103 = arith.constant 0 : i32
      %dma_start3A_104 = tpu.memref_slice %arg5[%arg0, %mul3A_97, %dma_start3A_103] : memref<2x10000x32xf32, #tpu.memory_space<hbm>> -> memref<1x624x32xf32, #tpu.memory_space<hbm>>
      %dma_start3A_105 = tpu.memref_squeeze %dma_start3A_104 : memref<1x624x32xf32, #tpu.memory_space<hbm>> -> memref<624x32xf32, #tpu.memory_space<hbm>>
      %dma_start3A_106 = arith.constant 0 : i32
      %dma_start3A_107 = tpu.memref_slice %arg16[%mul3A_95, %dma_start3A_106] : memref<10000x32xf32, #tpu.memory_space<vmem_shared>> -> memref<624x32xf32, #tpu.memory_space<vmem_shared>>
      tpu.enqueue_dma source(%dma_start3A_107 : memref<624x32xf32, #tpu.memory_space<vmem_shared>>) target(%dma_start3A_105 : memref<624x32xf32, #tpu.memory_space<hbm>>) target_semaphore(%run_scoped3A : memref<!tpu.dma_semaphore, #tpu.memory_space<semaphore_mem>>)
      %dma_wait3A_108 = arith.constant 0 : i32
      %dma_wait3A_109 = tpu.memref_slice %arg5[%arg0, %mul3A_97, %dma_wait3A_108] : memref<2x10000x32xf32, #tpu.memory_space<hbm>> -> memref<1x624x32xf32, #tpu.memory_space<hbm>>
      %dma_wait3A_110 = tpu.memref_squeeze %dma_wait3A_109 : memref<1x624x32xf32, #tpu.memory_space<hbm>> -> memref<624x32xf32, #tpu.memory_space<hbm>>
      %dma_wait3A_111 = arith.constant 0 : i32
      %dma_wait3A_112 = tpu.memref_slice %arg16[%mul3A_95, %dma_wait3A_111] : memref<10000x32xf32, #tpu.memory_space<vmem_shared>> -> memref<624x32xf32, #tpu.memory_space<vmem_shared>>
      tpu.wait_dma2 semaphore(%run_scoped3A : memref<!tpu.dma_semaphore, #tpu.memory_space<semaphore_mem>>) src(%dma_wait3A_112 : memref<624x32xf32, #tpu.memory_space<vmem_shared>>) dst(%dma_wait3A_110 : memref<624x32xf32, #tpu.memory_space<hbm>>)
      tpu.yield
    }) : () -> ()
    %eq3A_98 = arith.constant 0 : i32
    %eq3A_99 = arith.cmpi eq, %arg1, %eq3A_98 : i32
    %convert_element_type3A_100 = arith.extui %eq3A_99 : i1 to i32
    %cond3A_101 = arith.constant 0 : i32
    %cond3A_102 = arith.cmpi ne, %convert_element_type3A_100, %cond3A_101 : i32
    scf.if %cond3A_102 {
      "tpu.region"() ({
        %run_scoped3A = tpu.sem_alloc : memref<!tpu.dma_semaphore, #tpu.memory_space<semaphore_mem>>
        %dma_start3A_103 = arith.constant 9984 : i32
        %dma_start3A_104 = arith.constant 0 : i32
        %dma_start3A_105 = tpu.memref_slice %arg5[%arg0, %dma_start3A_103, %dma_start3A_104] : memref<2x10000x32xf32, #tpu.memory_space<hbm>> -> memref<1x16x32xf32, #tpu.memory_space<hbm>>
        %dma_start3A_106 = tpu.memref_squeeze %dma_start3A_105 : memref<1x16x32xf32, #tpu.memory_space<hbm>> -> memref<16x32xf32, #tpu.memory_space<hbm>>
        %dma_start3A_107 = arith.constant 9984 : i32
        %dma_start3A_108 = arith.constant 0 : i32
        %dma_start3A_109 = tpu.memref_slice %arg16[%dma_start3A_107, %dma_start3A_108] : memref<10000x32xf32, #tpu.memory_space<vmem_shared>> -> memref<16x32xf32, #tpu.memory_space<vmem_shared>>
        tpu.enqueue_dma source(%dma_start3A_109 : memref<16x32xf32, #tpu.memory_space<vmem_shared>>) target(%dma_start3A_106 : memref<16x32xf32, #tpu.memory_space<hbm>>) target_semaphore(%run_scoped3A : memref<!tpu.dma_semaphore, #tpu.memory_space<semaphore_mem>>)
        %dma_wait3A_110 = arith.constant 9984 : i32
        %dma_wait3A_111 = arith.constant 0 : i32
        %dma_wait3A_112 = tpu.memref_slice %arg5[%arg0, %dma_wait3A_110, %dma_wait3A_111] : memref<2x10000x32xf32, #tpu.memory_space<hbm>> -> memref<1x16x32xf32, #tpu.memory_space<hbm>>
        %dma_wait3A_113 = tpu.memref_squeeze %dma_wait3A_112 : memref<1x16x32xf32, #tpu.memory_space<hbm>> -> memref<16x32xf32, #tpu.memory_space<hbm>>
        %dma_wait3A_114 = arith.constant 9984 : i32
        %dma_wait3A_115 = arith.constant 0 : i32
        %dma_wait3A_116 = tpu.memref_slice %arg16[%dma_wait3A_114, %dma_wait3A_115] : memref<10000x32xf32, #tpu.memory_space<vmem_shared>> -> memref<16x32xf32, #tpu.memory_space<vmem_shared>>
        tpu.wait_dma2 semaphore(%run_scoped3A : memref<!tpu.dma_semaphore, #tpu.memory_space<semaphore_mem>>) src(%dma_wait3A_116 : memref<16x32xf32, #tpu.memory_space<vmem_shared>>) dst(%dma_wait3A_113 : memref<16x32xf32, #tpu.memory_space<hbm>>)
        tpu.yield
      }) : () -> ()
    } else {
    }
    return
  }
}

module attributes {stable_mosaic.version = 14 : i64} {
  func.func @_tc1_body(%arg0: i32, %arg1: memref<1000x128xf32, #tpu.memory_space<vmem>>, %arg2: memref<128x80xf32, #tpu.memory_space<vmem>>, %arg3: memref<128x16xf32, #tpu.memory_space<vmem>>, %arg4: memref<1000x80xf32, #tpu.memory_space<vmem>>, %arg5: memref<1000x16xf32, #tpu.memory_space<vmem>>) attributes {dimension_semantics = [#tpu.dimension_semantics<arbitrary>], iteration_bounds = array<i64: 10>, scalar_prefetch = 0 : i64, scratch_operands = 0 : i64, tpu.core_type = #tpu.core_type<tc>, window_params = [{transform_indices = @transform_0, window_bounds = array<i64: 1000, 128>}, {pipeline_mode = #tpu.pipeline_mode<synchronous>, transform_indices = @transform_1, window_bounds = array<i64: 128, 80>}, {pipeline_mode = #tpu.pipeline_mode<synchronous>, transform_indices = @transform_2, window_bounds = array<i64: 128, 16>}, {transform_indices = @transform_3, window_bounds = array<i64: 1000, 80>}, {transform_indices = @transform_4, window_bounds = array<i64: 1000, 16>}]} {
    %get3A = arith.constant 0 : index
    %get3A_0 = arith.constant 0 : index
    %get3A_1 = vector.load %arg1[%get3A, %get3A_0] : memref<1000x128xf32, #tpu.memory_space<vmem>>, vector<1000x128xf32>
    %get3A_2 = arith.constant 0 : index
    %get3A_3 = arith.constant 0 : index
    %get3A_4 = vector.load %arg2[%get3A_2, %get3A_3] : memref<128x80xf32, #tpu.memory_space<vmem>>, vector<128x80xf32>
    %dot_general3A = arith.constant dense<0.000000e+00> : vector<1000x80xf32>
    %dot_general3A_5 = tpu.matmul %get3A_1, %get3A_4, %dot_general3A {dimension_numbers = #tpu.dot_dimension_numbers<[1], [0], [0], [1], [0, 0, 1, 1], [], []>, transpose_lhs_hint = false} : vector<1000x128xf32>, vector<128x80xf32>, vector<1000x80xf32> -> vector<1000x80xf32>
    %swap3A = arith.constant 0 : index
    %swap3A_6 = arith.constant 0 : index
    %swap3A_7 = vector.load %arg4[%swap3A, %swap3A_6] : memref<1000x80xf32, #tpu.memory_space<vmem>>, vector<1000x80xf32>
    tpu.vector_store %arg4[%swap3A, %swap3A_6], %dot_general3A_5 {strides = array<i32>} : memref<1000x80xf32, #tpu.memory_space<vmem>>, vector<1000x80xf32>,
    %get3A_8 = arith.constant 0 : index
    %get3A_9 = arith.constant 0 : index
    %get3A_10 = vector.load %arg3[%get3A_8, %get3A_9] : memref<128x16xf32, #tpu.memory_space<vmem>>, vector<128x16xf32>
    %dot_general3A_11 = arith.constant dense<0.000000e+00> : vector<1000x16xf32>
    %dot_general3A_12 = tpu.matmul %get3A_1, %get3A_10, %dot_general3A_11 {dimension_numbers = #tpu.dot_dimension_numbers<[1], [0], [0], [1], [0, 0, 1, 1], [], []>, transpose_lhs_hint = false} : vector<1000x128xf32>, vector<128x16xf32>, vector<1000x16xf32> -> vector<1000x16xf32>
    %swap3A_13 = arith.constant 0 : index
    %swap3A_14 = arith.constant 0 : index
    %swap3A_15 = vector.load %arg5[%swap3A_13, %swap3A_14] : memref<1000x16xf32, #tpu.memory_space<vmem>>, vector<1000x16xf32>
    tpu.vector_store %arg5[%swap3A_13, %swap3A_14], %dot_general3A_12 {strides = array<i32>} : memref<1000x16xf32, #tpu.memory_space<vmem>>, vector<1000x16xf32>,
    return
  }
  func.func @transform_0(%arg0: i32) -> (i32, i32) {
    %c0_i32 = arith.constant 0 : i32
    %c0_i32_0 = arith.constant 0 : i32
    return %arg0, %c0_i32 : i32, i32
  }
  func.func @transform_1(%arg0: i32) -> (i32, i32) {
    %c0_i32 = arith.constant 0 : i32
    %c0_i32_0 = arith.constant 0 : i32
    %c0_i32_1 = arith.constant 0 : i32
    return %c0_i32, %c0_i32_0 : i32, i32
  }
  func.func @transform_2(%arg0: i32) -> (i32, i32) {
    %c0_i32 = arith.constant 0 : i32
    %c0_i32_0 = arith.constant 0 : i32
    %c0_i32_1 = arith.constant 0 : i32
    return %c0_i32, %c0_i32_0 : i32, i32
  }
  func.func @transform_3(%arg0: i32) -> (i32, i32) {
    %c0_i32 = arith.constant 0 : i32
    %c0_i32_0 = arith.constant 0 : i32
    return %arg0, %c0_i32 : i32, i32
  }
  func.func @transform_4(%arg0: i32) -> (i32, i32) {
    %c0_i32 = arith.constant 0 : i32
    %c0_i32_0 = arith.constant 0 : i32
    return %arg0, %c0_i32 : i32, i32
  }
}

module attributes {stable_mosaic.version = 14 : i64} {
  func.func @_tc2_body(%arg0: i32, %arg1: memref<1000x80xf32, #tpu.memory_space<vmem>>, %arg2: memref<1000x80xf32, #tpu.memory_space<vmem>>, %arg3: memref<8x64xf32, #tpu.memory_space<vmem>>, %arg4: memref<1x64xf32, #tpu.memory_space<vmem>>, %arg5: memref<64x32xf32, #tpu.memory_space<vmem>>, %arg6: memref<64x16xf32, #tpu.memory_space<vmem>>, %arg7: memref<1000x32xf32, #tpu.memory_space<vmem>>, %arg8: memref<1000x16xf32, #tpu.memory_space<vmem>>) attributes {dimension_semantics = [#tpu.dimension_semantics<arbitrary>], iteration_bounds = array<i64: 10>, scalar_prefetch = 0 : i64, scratch_operands = 0 : i64, tpu.core_type = #tpu.core_type<tc>, window_params = [{transform_indices = @transform_0, window_bounds = array<i64: 1000, 80>}, {transform_indices = @transform_1, window_bounds = array<i64: 1000, 80>}, {pipeline_mode = #tpu.pipeline_mode<synchronous>, transform_indices = @transform_2, window_bounds = array<i64: 8, 64>}, {pipeline_mode = #tpu.pipeline_mode<synchronous>, transform_indices = @transform_3, window_bounds = array<i64: 1, 64>}, {pipeline_mode = #tpu.pipeline_mode<synchronous>, transform_indices = @transform_4, window_bounds = array<i64: 64, 32>}, {pipeline_mode = #tpu.pipeline_mode<synchronous>, transform_indices = @transform_5, window_bounds = array<i64: 64, 16>}, {transform_indices = @transform_6, window_bounds = array<i64: 1000, 32>}, {transform_indices = @transform_7, window_bounds = array<i64: 1000, 16>}]} {
    %get3A = arith.constant 0 : index
    %get3A_0 = arith.constant 0 : index
    %get3A_1 = vector.load %arg1[%get3A, %get3A_0] : memref<1000x80xf32, #tpu.memory_space<vmem>>, vector<1000x80xf32>
    %get3A_2 = arith.constant 0 : index
    %get3A_3 = arith.constant 0 : index
    %get3A_4 = vector.load %arg2[%get3A_2, %get3A_3] : memref<1000x80xf32, #tpu.memory_space<vmem>>, vector<1000x80xf32>
    %add3A = arith.addf %get3A_1, %get3A_4 : vector<1000x80xf32>
    %slice3A = vector.extract_strided_slice %add3A {offsets = [0, 0], sizes = [1000, 64], strides = [1, 1]} : vector<1000x80xf32> to vector<1000x64xf32>
    %slice3A_5 = vector.extract_strided_slice %add3A {offsets = [0, 64], sizes = [1000, 8], strides = [1, 1]} : vector<1000x80xf32> to vector<1000x8xf32>
    %slice3A_6 = vector.extract_strided_slice %add3A {offsets = [0, 72], sizes = [1000, 8], strides = [1, 1]} : vector<1000x80xf32> to vector<1000x8xf32>
    %add3A_7 = arith.addf %slice3A_5, %slice3A_6 : vector<1000x8xf32>
    %get3A_8 = arith.constant 0 : index
    %get3A_9 = arith.constant 0 : index
    %get3A_10 = vector.load %arg3[%get3A_8, %get3A_9] : memref<8x64xf32, #tpu.memory_space<vmem>>, vector<8x64xf32>
    %dot_general3A = arith.constant dense<0.000000e+00> : vector<1000x64xf32>
    %dot_general3A_11 = tpu.matmul %add3A_7, %get3A_10, %dot_general3A {dimension_numbers = #tpu.dot_dimension_numbers<[1], [0], [0], [1], [0, 0, 1, 1], [], []>, transpose_lhs_hint = false} : vector<1000x8xf32>, vector<8x64xf32>, vector<1000x64xf32> -> vector<1000x64xf32>
    %add3A_12 = arith.constant 1.000000e-16 : f32
    %add3A_13 = vector.broadcast %add3A_12 : f32 to vector<1000x64xf32>
    %add3A_14 = arith.addf %dot_general3A_11, %add3A_13 : vector<1000x64xf32>
    %div3A = arith.divf %slice3A, %add3A_14 : vector<1000x64xf32>
    %get3A_15 = arith.constant 0 : index
    %get3A_16 = arith.constant 0 : index
    %get3A_17 = vector.load %arg4[%get3A_15, %get3A_16] : memref<1x64xf32, #tpu.memory_space<vmem>>, vector<1x64xf32>
    %add3A_18 = vector.broadcast %get3A_17 : vector<1x64xf32> to vector<1000x64xf32>
    %add3A_19 = arith.addf %div3A, %add3A_18 : vector<1000x64xf32>
    %gt3A = arith.constant 0.000000e+00 : f32
    %gt3A_20 = vector.broadcast %gt3A : f32 to vector<1000x64xf32>
    %gt3A_21 = arith.cmpf ogt, %add3A_19, %gt3A_20 : vector<1000x64xf32>
    %exp3A = math.exp %add3A_19 : vector<1000x64xf32>
    %sub3A = arith.constant 1.000000e+00 : f32
    %sub3A_22 = vector.broadcast %sub3A : f32 to vector<1000x64xf32>
    %sub3A_23 = arith.subf %exp3A, %sub3A_22 : vector<1000x64xf32>
    %select_n3A = arith.select %gt3A_21, %add3A_19, %sub3A_23 : vector<1000x64xi1>, vector<1000x64xf32>
    %get3A_24 = arith.constant 0 : index
    %get3A_25 = arith.constant 0 : index
    %get3A_26 = vector.load %arg5[%get3A_24, %get3A_25] : memref<64x32xf32, #tpu.memory_space<vmem>>, vector<64x32xf32>
    %dot_general3A_27 = arith.constant dense<0.000000e+00> : vector<1000x32xf32>
    %dot_general3A_28 = tpu.matmul %select_n3A, %get3A_26, %dot_general3A_27 {dimension_numbers = #tpu.dot_dimension_numbers<[1], [0], [0], [1], [0, 0, 1, 1], [], []>, transpose_lhs_hint = false} : vector<1000x64xf32>, vector<64x32xf32>, vector<1000x32xf32> -> vector<1000x32xf32>
    %swap3A = arith.constant 0 : index
    %swap3A_29 = arith.constant 0 : index
    %swap3A_30 = vector.load %arg7[%swap3A, %swap3A_29] : memref<1000x32xf32, #tpu.memory_space<vmem>>, vector<1000x32xf32>
    tpu.vector_store %arg7[%swap3A, %swap3A_29], %dot_general3A_28 {strides = array<i32>} : memref<1000x32xf32, #tpu.memory_space<vmem>>, vector<1000x32xf32>,
    %get3A_31 = arith.constant 0 : index
    %get3A_32 = arith.constant 0 : index
    %get3A_33 = vector.load %arg6[%get3A_31, %get3A_32] : memref<64x16xf32, #tpu.memory_space<vmem>>, vector<64x16xf32>
    %dot_general3A_34 = arith.constant dense<0.000000e+00> : vector<1000x16xf32>
    %dot_general3A_35 = tpu.matmul %select_n3A, %get3A_33, %dot_general3A_34 {dimension_numbers = #tpu.dot_dimension_numbers<[1], [0], [0], [1], [0, 0, 1, 1], [], []>, transpose_lhs_hint = false} : vector<1000x64xf32>, vector<64x16xf32>, vector<1000x16xf32> -> vector<1000x16xf32>
    %swap3A_36 = arith.constant 0 : index
    %swap3A_37 = arith.constant 0 : index
    %swap3A_38 = vector.load %arg8[%swap3A_36, %swap3A_37] : memref<1000x16xf32, #tpu.memory_space<vmem>>, vector<1000x16xf32>
    tpu.vector_store %arg8[%swap3A_36, %swap3A_37], %dot_general3A_35 {strides = array<i32>} : memref<1000x16xf32, #tpu.memory_space<vmem>>, vector<1000x16xf32>,
    return
  }
  func.func @transform_0(%arg0: i32) -> (i32, i32) {
    %c0_i32 = arith.constant 0 : i32
    %c0_i32_0 = arith.constant 0 : i32
    return %arg0, %c0_i32 : i32, i32
  }
  func.func @transform_1(%arg0: i32) -> (i32, i32) {
    %c0_i32 = arith.constant 0 : i32
    %c0_i32_0 = arith.constant 0 : i32
    return %arg0, %c0_i32 : i32, i32
  }
  func.func @transform_2(%arg0: i32) -> (i32, i32) {
    %c0_i32 = arith.constant 0 : i32
    %c0_i32_0 = arith.constant 0 : i32
    %c0_i32_1 = arith.constant 0 : i32
    return %c0_i32, %c0_i32_0 : i32, i32
  }
  func.func @transform_3(%arg0: i32) -> (i32, i32) {
    %c0_i32 = arith.constant 0 : i32
    %c0_i32_0 = arith.constant 0 : i32
    %c0_i32_1 = arith.constant 0 : i32
    return %c0_i32, %c0_i32_0 : i32, i32
  }
  func.func @transform_4(%arg0: i32) -> (i32, i32) {
    %c0_i32 = arith.constant 0 : i32
    %c0_i32_0 = arith.constant 0 : i32
    %c0_i32_1 = arith.constant 0 : i32
    return %c0_i32, %c0_i32_0 : i32, i32
  }
  func.func @transform_5(%arg0: i32) -> (i32, i32) {
    %c0_i32 = arith.constant 0 : i32
    %c0_i32_0 = arith.constant 0 : i32
    %c0_i32_1 = arith.constant 0 : i32
    return %c0_i32, %c0_i32_0 : i32, i32
  }
  func.func @transform_6(%arg0: i32) -> (i32, i32) {
    %c0_i32 = arith.constant 0 : i32
    %c0_i32_0 = arith.constant 0 : i32
    return %arg0, %c0_i32 : i32, i32
  }
  func.func @transform_7(%arg0: i32) -> (i32, i32) {
    %c0_i32 = arith.constant 0 : i32
    %c0_i32_0 = arith.constant 0 : i32
    return %arg0, %c0_i32 : i32, i32
  }
}

module attributes {stable_mosaic.version = 14 : i64} {
  func.func @_tc3_body(%arg0: i32, %arg1: memref<1000x32xf32, #tpu.memory_space<vmem>>, %arg2: memref<1000x32xf32, #tpu.memory_space<vmem>>, %arg3: memref<1x16xf32, #tpu.memory_space<vmem>>, %arg4: memref<1000x16xf32, #tpu.memory_space<vmem>>) attributes {dimension_semantics = [#tpu.dimension_semantics<arbitrary>], iteration_bounds = array<i64: 10>, scalar_prefetch = 0 : i64, scratch_operands = 0 : i64, tpu.core_type = #tpu.core_type<tc>, window_params = [{transform_indices = @transform_0, window_bounds = array<i64: 1000, 32>}, {transform_indices = @transform_1, window_bounds = array<i64: 1000, 32>}, {pipeline_mode = #tpu.pipeline_mode<synchronous>, transform_indices = @transform_2, window_bounds = array<i64: 1, 16>}, {transform_indices = @transform_3, window_bounds = array<i64: 1000, 16>}]} {
    %get3A = arith.constant 0 : index
    %get3A_0 = arith.constant 0 : index
    %get3A_1 = vector.load %arg1[%get3A, %get3A_0] : memref<1000x32xf32, #tpu.memory_space<vmem>>, vector<1000x32xf32>
    %get3A_2 = arith.constant 0 : index
    %get3A_3 = arith.constant 0 : index
    %get3A_4 = vector.load %arg2[%get3A_2, %get3A_3] : memref<1000x32xf32, #tpu.memory_space<vmem>>, vector<1000x32xf32>
    %add3A = arith.addf %get3A_1, %get3A_4 : vector<1000x32xf32>
    %slice3A = vector.extract_strided_slice %add3A {offsets = [0, 0], sizes = [1000, 16], strides = [1, 1]} : vector<1000x32xf32> to vector<1000x16xf32>
    %slice3A_5 = vector.extract_strided_slice %add3A {offsets = [0, 16], sizes = [1000, 1], strides = [1, 1]} : vector<1000x32xf32> to vector<1000x1xf32>
    %add3A_6 = arith.constant 1.000000e-16 : f32
    %add3A_7 = vector.broadcast %add3A_6 : f32 to vector<1000x1xf32>
    %add3A_8 = arith.addf %slice3A_5, %add3A_7 : vector<1000x1xf32>
    %div3A = vector.broadcast %add3A_8 : vector<1000x1xf32> to vector<1000x16xf32>
    %div3A_9 = arith.divf %slice3A, %div3A : vector<1000x16xf32>
    %get3A_10 = arith.constant 0 : index
    %get3A_11 = arith.constant 0 : index
    %get3A_12 = vector.load %arg3[%get3A_10, %get3A_11] : memref<1x16xf32, #tpu.memory_space<vmem>>, vector<1x16xf32>
    %add3A_13 = vector.broadcast %get3A_12 : vector<1x16xf32> to vector<1000x16xf32>
    %add3A_14 = arith.addf %div3A_9, %add3A_13 : vector<1000x16xf32>
    %swap3A = arith.constant 0 : index
    %swap3A_15 = arith.constant 0 : index
    %swap3A_16 = vector.load %arg4[%swap3A, %swap3A_15] : memref<1000x16xf32, #tpu.memory_space<vmem>>, vector<1000x16xf32>
    tpu.vector_store %arg4[%swap3A, %swap3A_15], %add3A_14 {strides = array<i32>} : memref<1000x16xf32, #tpu.memory_space<vmem>>, vector<1000x16xf32>,
    return
  }
  func.func @transform_0(%arg0: i32) -> (i32, i32) {
    %c0_i32 = arith.constant 0 : i32
    %c0_i32_0 = arith.constant 0 : i32
    return %arg0, %c0_i32 : i32, i32
  }
  func.func @transform_1(%arg0: i32) -> (i32, i32) {
    %c0_i32 = arith.constant 0 : i32
    %c0_i32_0 = arith.constant 0 : i32
    return %arg0, %c0_i32 : i32, i32
  }
  func.func @transform_2(%arg0: i32) -> (i32, i32) {
    %c0_i32 = arith.constant 0 : i32
    %c0_i32_0 = arith.constant 0 : i32
    %c0_i32_1 = arith.constant 0 : i32
    return %c0_i32, %c0_i32_0 : i32, i32
  }
  func.func @transform_3(%arg0: i32) -> (i32, i32) {
    %c0_i32 = arith.constant 0 : i32
    %c0_i32_0 = arith.constant 0 : i32
    return %arg0, %c0_i32 : i32, i32
  }
}

</mosaic_0001>

<sc_bundles>
// kernel: kernel.10.cloned.1.call-start
scs
__scs_entry_jumppad:
0x0: {  	(pc) =	sbr.rel $0x88, $3  }
0x1: {  	(tag) =	ssettag $0x0;
	lr =	simm.s32 $0x1  }
0x2: {  	[smem:$0x3F97] =	sst lr;
	_ =	strace $0xD0000000  }
0x3: {  	_ = 	snop  }
0x4: {  	_ = 	snop  }
0x5: {  	_ = 	snop  }
0x6: {  	_ = 	snop  }
0x7: {  	_ = 	snop  }
__scs_overlays_trampoline_lowered:
0x8: {  	[smem:$0x3FA6] =	sst s0  }
0x9: {  	[smem:$0x3FA7] =	sst s1  }
0xa: {  	[smem:$0x3FA8] =	sst s2  }
0xb: {  	[smem:$0x3FA9] =	sst s3  }
0xc: {  	[smem:$0x3FAA] =	sst s4  }
0xd: {  	[smem:$0x3FAB] =	sst s5  }
0xe: {  	[smem:$0x3FAC] =	sst s6  }
0xf: {  	[smem:$0x3FAD] =	sst s7  }
0x10: {  	[smem:$0x3FAE] =	sst s8  }
0x11: {  	[smem:$0x3FAF] =	sst s9;
	s0 =	simm.s32 @!p0 $0x0  }
0x12: {  	s1 =	sld [smem:$0x3F95];
	s0 =	simm.s32 @p0 $0x1  }
0x13: {  	[smem:$0x3FB0] =	sst s0;
	s0 =	simm.s32 @!p1 $0x0  }
0x14: {  	s2 =	sld [smem:$0x3F94];
	s0 =	simm.s32 @p1 $0x1  }
0x15: {  	[smem:$0x3FB1] =	sst s0;
	s0 =	simm.s32 @!p2 $0x0  }
0x16: {  	s3 =	sld [smem:$0x3FDB];
	s0 =	simm.s32 @p2 $0x1  }
0x17: {  	s4 =	simm.s32 $0x1BF5;
	[smem:$0x3FB3] =	sst s0  }
0x18: {  	s0 =	sld [smem:$0x3F96];
	_ =	swait.ge [sflag:s4], $0x0  }
0x19: {  	s7 =	sld [smem:$0x3F97]  }
0x1a: {  	s8 =	sadd.s32 $0xFFFFE003, lr  }
0x1b: {  	s9 =	sadd.s32 $0xFFFFFEF7, lr;
	s5 =	simm.s32 $0xFFFFFFFF;
	p2 =	slt.u32 s8, $0xFFFFF086  }
0x1c: {  	p1 =	slt.u32 s9, $0xF7A;
	s5 =	simm.s32 @!p2 $0x0  }
0x1d: {  	s5 =	simm.s32 @p1 $0x1;
	p0 =	seq.s32 s7, s2  }
0x1e: {  	s7 =	smul.u32 @!p0 $0xF7A, s2;
	p2 =	seq.s32 @!p0 s5, $0x0  }
0x1f: {  	s9 =	smul.u32 $0xF7A, s1;
	s8 =	simm.s32 @!p0 $0x1BF5;
	p2 =	por !p2, p0  }
0x20: {  	[sflag:s8] =	ssyncset.s32 @!p0 $0xFFFFF086;
	s6 =	sadd.s32 @!p0 s3, s7;
	s7 =	simm.s32 @!p0 $0x108  }
0x21: {  	s3 =	sadd.s32 s3, s9;
	s6 =	sadd.s32 @!p0 $0x88, s6;
	s7 =	simm.s32 @p2 $0x1082  }
0x22: {  	[simem:s7], [sflag:s8] =	dma.local @!p0 [hbm:s6], $0xF7A  }
0x23: {  	s9 =	sor.u32 $0xD0000000, s2;
	s6 =	simm.s32 $0x108;
	_ =	swait.ge @!p0 [sflag:s8], $0x0  }
0x24: {  	s3 =	sadd.s32 $0x88, s3;
	s6 =	simm.s32 @!p1 $0x1082;
	[sflag:s4] =	ssyncset.s32 $0xFFFFF086  }
0x25: {  	[simem:s6], [sflag:s4] =	dma.local [hbm:s3], $0xF7A  }
0x26: {  	[smem:$0x3F97] =	sst s1;
	(tag) =	ssettag s2;
	_ =	strace s9  }
0x27: {  	s1 =	sld [smem:$0x3FA7]  }
0x28: {  	s2 =	sld [smem:$0x3FA8]  }
0x29: {  	s4 =	sld [smem:$0x3FAA]  }
0x2a: {  	p0 =	seq.s32 s5, $0x0;
	s5 =	sld [smem:$0x3FAB]  }
0x2b: {  	s6 =	sld [smem:$0x3FAC]  }
0x2c: {  	s7 =	sld [smem:$0x3FAD]  }
0x2d: {  	s3 =	simm.s32 $0x108;
	s8 =	sld [smem:$0x3FAE]  }
0x2e: {  	s3 =	simm.s32 @!p0 $0x1082;
	s9 =	sld [smem:$0x3FAF]  }
0x2f: {  	lr =	sadd.s32 s0, s3;
	s0 =	sld [smem:$0x3FA6]  }
0x30: {  	s3 =	sld [smem:$0x3FA9]  }
0x31: {  	[smem:$0x3FB2] =	sst s10  }
0x32: {  	s10 =	sld [smem:$0x3FB0];
	_ =	sdelay $0x3  }
0x33: {  	p0 =	seq.s32 s10, $0x1;
	s10 =	sld [smem:$0x3FB2];
	_ =	sdelay $0x3  }
0x34: {  	[smem:$0x3FB2] =	sst s10  }
0x35: {  	s10 =	sld [smem:$0x3FB1];
	_ =	sdelay $0x3  }
0x36: {  	p1 =	seq.s32 s10, $0x1;
	s10 =	sld [smem:$0x3FB2];
	_ =	sdelay $0x3  }
0x37: {  	[smem:$0x3FB2] =	sst s10  }
0x38: {  	s10 =	sld [smem:$0x3FB3]  }
0x39: {  	_ = 	snop;
	(pc) =	sbr.ind lr, $3  }
0x3a: {  	_ = 	snop  }
0x3b: {  	_ = 	snop  }
0x3c: {  	p2 =	seq.s32 s10, $0x1;
	s10 =	sld [smem:$0x3FB2]  }
0x3d: {  	_ =	shalt  }
0x3e: {  	_ =	shalt  }
0x3f: {  	_ =	shalt  }
0x40: {  	_ =	shalt  }
0x41: {  	_ =	shalt  }
0x42: {  	_ =	shalt  }
0x43: {  	_ =	shalt  }
0x44: {  	_ =	shalt  }
0x45: {  	_ =	shalt  }
0x46: {  	_ =	shalt  }
0x47: {  	_ =	shalt  }
0x48: {  	_ =	shalt  }
0x49: {  	_ =	shalt  }
0x4a: {  	_ =	shalt  }
0x4b: {  	_ =	shalt  }
0x4c: {  	_ =	shalt  }
0x4d: {  	_ =	shalt  }
0x4e: {  	_ =	shalt  }
0x4f: {  	_ =	shalt  }
0x50: {  	_ =	shalt  }
0x51: {  	_ =	shalt  }
0x52: {  	_ =	shalt  }
0x53: {  	_ =	shalt  }
0x54: {  	_ =	shalt  }
0x55: {  	_ =	shalt  }
0x56: {  	_ =	shalt  }
0x57: {  	_ =	shalt  }
0x58: {  	_ =	shalt  }
0x59: {  	_ =	shalt  }
0x5a: {  	_ =	shalt  }
0x5b: {  	_ =	shalt  }
0x5c: {  	_ =	shalt  }
0x5d: {  	_ =	shalt  }
0x5e: {  	_ =	shalt  }
0x5f: {  	_ =	shalt  }
0x60: {  	_ =	shalt  }
0x61: {  	_ =	shalt  }
0x62: {  	_ =	shalt  }
0x63: {  	_ =	shalt  }
0x64: {  	_ =	shalt  }
0x65: {  	_ =	shalt  }
0x66: {  	_ =	shalt  }
0x67: {  	_ =	shalt  }
0x68: {  	_ =	shalt  }
0x69: {  	_ =	shalt  }
0x6a: {  	_ =	shalt  }
0x6b: {  	_ =	shalt  }
0x6c: {  	_ =	shalt  }
0x6d: {  	_ =	shalt  }
0x6e: {  	_ =	shalt  }
0x6f: {  	_ =	shalt  }
0x70: {  	_ =	shalt  }
0x71: {  	_ =	shalt  }
0x72: {  	_ =	shalt  }
0x73: {  	_ =	shalt  }
0x74: {  	_ =	shalt  }
0x75: {  	_ =	shalt  }
0x76: {  	_ =	shalt  }
0x77: {  	_ =	shalt  }
0x78: {  	_ =	shalt  }
0x79: {  	_ =	shalt  }
0x7a: {  	_ =	shalt  }
0x7b: {  	_ =	shalt  }
0x7c: {  	_ =	shalt  }
0x7d: {  	_ =	shalt  }
0x7e: {  	_ =	shalt  }
0x7f: {  	_ =	shalt  }
0x80: {  	_ =	shalt  }
0x81: {  	_ =	shalt  }
0x82: {  	_ =	shalt  }
0x83: {  	_ =	shalt  }
0x84: {  	_ =	shalt  }
0x85: {  	_ =	shalt  }
0x86: {  	_ =	shalt  }
0x87: {  	_ =	shalt  }
.Lfunc_end0:
.L_simem_size_0:
called_computation.1_lowered:
.L_overlay_start_0:
0x88: {  	s2 =	sld [smem:$0x3FD9]  }
0x89: {  	s3 =	sld [smem:$0x3FFE];
	_ =	sdelay $0x1  }
0x8a: {  	s1 =	srdreg.scid  }
0x8b: {  	s0 =	sand.u32 $0x1, s1  }
0x8c: {  	s17 =	sshll.u32 s0, $0xA;
	s2 =	sadd.s32 s3, s2  }
0x8d: {  	s2 =	sadd.s32 s2, s17  }
0x8e: {  	[smem:$0x3FBE] =	sst s2  }
0x8f: {  	_ = 	snop  }
0x90: {  	s2 =	sld [smem:$0x3FD0];
	(tm) =	ssettm $0x1  }
0x91: {  	s18 =	sld [smem:$0x3FFB];
	_ =	sdelay $0x3  }
0x92: {  	_ =	strace s18  }
0x93: {  	s3 =	sld [smem:$0x3FFC];
	_ =	sdelay $0x3  }
0x94: {  	_ =	strace s3  }
0x95: {  	s3 =	sld [smem:$0x3FFD];
	_ =	sdelay $0x3  }
0x96: {  	_ =	strace s3  }
0x97: {  	_ =	strace $0x8FFFFFFF  }
0x98: {  	s19 =	sld [smem:$0x3FDB];
	_ =	sdelay $0x1  }
0x99: {  	s4 =	simm.s32 $_scs_section_size  }
0x9a: {  	s5 =	simm.s32 $_size__tile_overlayer_lowered;
	s6 =	simm.s32 $_tile_overlayer_lowered  }
0x9b: {  	s22 =	simm.s32 $0x1BFF;
	s21 =	sshll.u32 s6, $0x1;
	s3 =	sadd.s32 s4, s19  }
0x9c: {  	s7 =	simm.s32 $0x0;
	s20 =	sshll.u32 s5, $0x1;
	s5 =	sadd.s32 s21, s3  }
0x9d: {  	[timem:s7], [sflag:s22] =	dma.local [hbm:s5], s20  }
0x9e: {  	_ =	swait.ge [sflag:s22], s20  }
0x9f: {  	s4 =	ssub.s32 $0x0, s20;
	[sflag:s22] =	ssyncset.done $0x0  }
0xa0: {  	[sflag:s22] =	ssyncadd.s32 s4;
	_ =	sdelay $0x1  }
0xa1: {  	s23 =	simm.s32 $0x1B8B  }
0xa2: {  	_ =	swait.ge [sflag:s23], $0x1  }
0xa3: {  	[sflag:s23] =	ssyncset.done $0x0  }
0xa4: {  	s25 =	simm.s32 $0x1B8E;
	s24 =	sld [smem:$0x3FFE];
	[sflag:s23] =	ssyncadd.s32 $0xFFFFFFFF  }
0xa5: {  	s26 =	simm.s32 $execute0_lowered;
	[smem:$0x3FD2] =	sst s25  }
0xa6: {  	s5 =	sshll.u32 s26, $0x1;
	_ =	strace $0x80000049;
	[dreg:$0x1] =	wrdreg $0xFFFFFFFF  }
0xa7: {  	s28 =	simm.s32 $_size_execute0_lowered;
	s3 =	sadd.s32 s3, s5;
	[dreg:$0x0] =	wrdreg $0x0  }
0xa8: {  	s5 =	sshll.u32 s28, $0x1;
	[dreg:$0x2] =	wrdreg s3  }
0xa9: {  	[dreg:$0x3] =	wrdreg s5  }
0xaa: {  	[dreg:$0x4] =	wrdreg $0xC0  }
0xab: {  	_ =	task [dreg:s7], $0x5FFFF  }
0xac: {  	[dreg:$0x1] =	wrdreg $0xFFFFFFFF  }
0xad: {  	[dreg:$0x0] =	wrdreg $0x60  }
0xae: {  	[dreg:$0x2] =	wrdreg s24  }
0xaf: {  	[dreg:$0x3] =	wrdreg s2  }
0xb0: {  	[dreg:$0x4] =	wrdreg $0xB7D00  }
0xb1: {  	[dreg:$0x5] =	wrdreg $0x9  }
0xb2: {  	_ =	task.clear_ibuf [dreg:s7], $0x6FFFF;
	_ =	strace $0x90000049  }
0xb3: {  	s29 =	simm.s32 $0x9;
	_ =	strace $0x8000004B  }
0xb4: {  	_ =	swait.ge [sflag:s29], $0x1  }
0xb5: {  	[sflag:s29] =	ssyncadd.s32 $0xFFFFFFFF  }
0xb6: {  	_ =	strace $0x9000004B  }
0xb7: {  	_ =	sfence  }
0xb8: {  	s30 =	sld [smem:$0x0];
	_ =	sdelay $0x2  }
0xb9: {  	s31 =	sshll.u32 s1, $0xD;
	s1 =	sshrl.u32 s1, $0x2  }
0xba: {  	s3 =	sand.u32 $0x4000, s31;
	s1 =	sadd.s32 s1, s30  }
0xbb: {  	s0 =	sor.u32 s3, s0;
	s1 =	sshll.u32 s1, $0x11  }
0xbc: {  	s0 =	sor.u32 s1, s0  }
0xbd: {  	s0 =	sadd.s32 $0x8F2B, s0  }
0xbe: {  	[sflag:s0] =	ssyncadd.remote.s32 $0x1  }
0xbf: {  	_ =	sfence.sel $0xFFFF  }
0xc0: {  	[dreg:$0x0] =	wrdreg $0xFFFFFFFF;
	(pc) =	sbr.abs _section_cstart, $3  }
0xc1: {  	[dreg:$0x1] =	wrdreg $0xFFFFFFFF  }
0xc2: {  	_ =	task.clear_ibuf [dreg:s7], $0x2FFFF;
	_ =	strace $0x9FFFFFFF  }
0xc3: {  	(tm) =	ssettm $0x7FFFFFFF  }
tec
execute0_lowered:
.L_overlay_start_1:
0x0: {  	(tag) =	ssettag $0x1  }
0x1: {  	s0 =	rddreg [dreg:$0x0];
	s1 =	srdreg.scid  }
0x2: {  	s2 =	stileid.u32;
	s3 =	rddreg [dreg:$0x2];
	s4 =	simm.s32 $0x0  }
0x3: {  	s16 =	simm.s32 $0x76C0;
	s17 =	simm.s32 $0x9DD0;
	s18 =	simm.s32 $0x5  }
0x4: {  	s19 =	simm.s32 $0x1;
	s20 =	simm.s32 $0x2;
	s21 =	simm.s32 $0x3  }
0x5: {  	s22 =	simm.s32 $0x50;
	s23 =	simm.s32 $0x4EC0;
	s24 =	simm.s32 $0x58C0  }
0x6: {  	s25 =	simm.s32 $0x62C0;
	s28 =	simm.s32 $0x6CC0;
	s29 =	simm.s32 $0x4E70  }
0x7: {  	s30 =	simm.s32 $0x4;
	s31 =	simm.s32 $0x0;
	s1 =	sand.u32 $0x1, s1  }
0x8: {  	s5 =	sshll.u32 s2, $0x1;
	[smem:$0x7FF] =	sst s4;
	s9 =	smul.u32 $0x13800, s2  }
0x9: {  	s10 =	smul.u32 $0x4E00, s2;
	p0 =	sne.s32 s2, $0x0;
	s5 =	sor.u32 s1, s5  }
0xa: {  	_ =	strace $0x8000004A;
	s7 =	ssub.s32 $0x2, s1;
	s1 =	smul.u32 $0x4E200, s1  }
0xb: {  	v0 =	vlaneseq.u32;
	v2 =	vimm.s32 $0x0;
	v3 =	vimm.s32 $0x1;
	s6 =	smul.u32 $0x2710, s5;
	s26 =	sshrl.u32 s7, $0x1;
	s9 =	sshrl.u32 s9, $0x2  }
0xc: {  	v4 =	vimm.s32 $0x2;
	v5 =	vimm.s32 $0x3;
	v6 =	vimm.s32 $0x4;
	s5 =	sadd.s32 $0x15600, s0;
	s14 =	ssub.s32 s7, s26;
	s11 =	sadd.s32 s9, s3  }
0xd: {  	v7 =	vimm.s32 $0x5;
	v8 =	vimm.s32 $0x6;
	v9 =	vimm.s32 $0x7;
	s12 =	sadd.s32 s10, s1;
	s1 =	sshrl.u32 s1, $0x3;
	s26 =	simm.s32 $0x4E20  }
.Ltmp0:
0xe: {  	v10 =	vimm.s32 $0x8;
	v11 =	vimm.s32 $0x9;
	v12 =	vimm.s32 $0xA;
	s6 =	sshrl.u32 s6, $0x3;
	s9 =	sadd.s32 $0x1A00, s11;
	(pc) =	sbr.rel .LBB2_1-.Ltmp0, $4  }
0xf: {  	v13 =	vimm.s32 $0xB;
	v14 =	vimm.s32 $0xC;
	v21 =	vmul.u32 $0x20, v0;
	s12 =	sshrl.u32 s12, $0x3;
	s14 =	smax.u32 s14, $0x1;
	s8 =	sadd.s32 s6, s0  }
0x10: {  	v15 =	vimm.s32 $0xD;
	v16 =	vimm.s32 $0xE;
	v17 =	vimm.s32 $0xF;
	s0 =	sadd.s32 $0x1F400, s0;
	s6 =	sadd.s32 $0x1C00, s8;
	s7 =	sadd.s32 $0xB840, s8  }
0x11: {  	v0 =	vimm.f32 $0.0e+00;
	v1 =	vor.u32 $0x10, v21;
	v18 =	vor.u32 $0x210, v21;
	s8 =	sadd.s32 s10, s3;
	s10 =	sadd.s32 $0x3400, s11;
	s1 =	sadd.s32 s0, s1  }
0x12: {  	v19 =	vor.u32 $0x410, v21;
	v20 =	vor.u32 $0x610, v21;
	v21 =	vor.u32 $0x810, v21;
	s11 =	sadd.s32 $0x4E000, s3;
	s12 =	sadd.s32 s0, s12;
	s13 =	sadd.s32 $0x9C00, s1  }
.LBB2_8:
0x13: {  	_ =	swait.ge [sflag:s21], $0xA00  }
0x14: {  	[sflag:s21] =	ssyncset.done $0x0  }
0x15: {  	[sflag:s21] =	ssyncadd.s32 $0xFFFFF600  }
0x16: {  	_ =	swait.ge [sflag:s19], $0xA00  }
0x17: {  	[sflag:s19] =	ssyncset.done $0x0  }
0x18: {  	[sflag:s19] =	ssyncadd.s32 $0xFFFFF600  }
0x19: {  	v22 =	vld [tilespmem:$0x4DD0]  }
0x1a: {  	v23 =	vld [tilespmem:$0x4DE0]  }
0x1b: {  	v24 =	vld [tilespmem:$0x4DF0]  }
0x1c: {  	v25 =	vld [tilespmem:$0x4DD0]  }
0x1d: {  	v26 =	vld [tilespmem:$0x4E00]  }
0x1e: {  	v27 =	vld [tilespmem:$0x4E10]  }
0x1f: {  	[tilespmem:$0x4E20] =	vst v22  }
0x20: {  	[tilespmem:$0x4E30] =	vst v23  }
0x21: {  	[tilespmem:$0x4E40] =	vst v24  }
0x22: {  	[tilespmem:$0x4E50] =	vst v26  }
0x23: {  	[tilespmem:$0x4E60] =	vst v27  }
0x24: {  	v23 =	vld.idx.msk [tilespmem:v1+s23+$0x0], $0xffff  }
0x25: {  	v22 =	vld.idx.msk [tilespmem:v25+s16+$0x0], $0xffff;
	_ =	sdelay $0x4  }
0x26: {  	v22 =	vadd.f32 v23, v22;
	_ =	sdelay $0x1  }
0x27: {  	v23 =	vmul.f32 $2.000000030e-01, v22;
	_ =	sdelay $0x1  }
0x28: {  	v22 =	vmax.f32 v22, v23  }
0x29: {  	v22 =	vmul.f32 $1.442695020e+00, v22  }
0x2a: {  	v23 =	vld [tilespmem:$0x4DE0]  }
0x2b: {  	(erf) = vpow2.f32 v22;
	_ =	sdelay $0x6  }
0x2c: {  	v22 =	vld.idx.msk [tilespmem:v23+s16+$0x0], $0xffff  }
0x2d: {  	v23 =	vld.idx.msk [tilespmem:v18+s23+$0x0], $0xffff  }
0x2e: {  	v60 =	vld [tilespmem:$0x4DF0];
	v24 =	vpop (erf)  }
0x2f: {  	v44 =	vld.idx.msk [tilespmem:v19+s23+$0x0], $0xffff;
	[tilespmem:v1+s25+$0x0] =	vst.idx.msk $0xffff, v24  }
0x30: {  	v57 =	vld [tilespmem:$0x4EC0]  }
0x31: {  	v58 =	vld [tilespmem:$0x4EE0]  }
0x32: {  	v22 =	vadd.f32 v23, v22;
	v23 =	vld [tilespmem:$0x4F00]  }
0x33: {  	v59 =	vld [tilespmem:$0x4F20]  }
0x34: {  	v29 =	vld [tilespmem:$0x4F40];
	v28 =	vmul.f32 $2.000000030e-01, v22  }
0x35: {  	v33 =	vperm.xlane v24, v2;
	v34 =	vperm.xlane v24, v3;
	v30 =	vld [tilespmem:$0x4F60]  }
0x36: {  	v36 =	vperm.xlane v24, v4;
	v62 =	vperm.xlane v24, v5;
	v31 =	vld [tilespmem:$0x4F80];
	v22 =	vmax.f32 v22, v28  }
0x37: {  	v38 =	vperm.xlane v24, v6;
	v35 =	vld [tilespmem:$0x4FE0];
	v22 =	vmul.f32 $1.442695020e+00, v22  }
0x38: {  	v39 =	vperm.xlane v24, v7;
	v43 =	vperm.xlane v24, v8;
	v37 =	vld [tilespmem:$0x5000]  }
0x39: {  	v61 =	vld [tilespmem:$0x5020];
	v23 =	vmul.f32 v23, v36;
	(erf) = vpow2.f32 v22  }
0x3a: {  	v48 =	vperm.xlane v24, v9;
	v50 =	vperm.xlane v24, v10;
	v28 =	vld.idx.msk [tilespmem:v60+s16+$0x0], $0xffff  }
0x3b: {  	v25 =	vmul.f32 v57, v33;
	[tilespmem:$0x6300] =	vst v23;
	v23 =	vmul.f32 v31, v43;
	v43 =	vld [tilespmem:$0x4E00]  }
0x3c: {  	v40 =	vperm.xlane v24, v11;
	v47 =	vld [tilespmem:$0x5060];
	v26 =	vmul.f32 v58, v34  }
0x3d: {  	v56 =	vperm.xlane v24, v13;
	v63 =	vmul.f32 v59, v62;
	v22 =	vld [tilespmem:$0x4FC0];
	[tilespmem:$0x62C0] =	vst v25  }
0x3e: {  	v52 =	vperm.xlane v24, v12;
	v32 =	vld [tilespmem:$0x4FA0];
	v45 =	vmul.f32 v29, v38;
	[tilespmem:$0x62E0] =	vst v26  }
0x3f: {  	v36 =	vld [tilespmem:$0x5040];
	v60 =	vmul.f32 v61, v56;
	v61 =	vperm.xlane v24, v15;
	[tilespmem:$0x6320] =	vst v63  }
0x40: {  	v49 =	vld [tilespmem:$0x5080];
	v54 =	vmul.f32 v35, v40;
	v27 =	vmul.f32 v37, v52;
	[tilespmem:$0x6340] =	vst v45;
	v28 =	vadd.f32 v44, v28  }
0x41: {  	v41 =	vld [tilespmem:$0x50A0];
	v40 =	vmul.f32 v47, v61;
	[tilespmem:$0x6380] =	vst v23;
	v23 =	vperm.xlane v24, v14  }
0x42: {  	[tilespmem:$0x6400] =	vst v27;
	v61 =	vld.idx.msk [tilespmem:v20+s23+$0x0], $0xffff;
	v59 =	vmul.f32 $2.000000030e-01, v28;
	v22 =	vmul.f32 v22, v50;
	v38 =	vpop (erf)  }
0x43: {  	v46 =	vmul.f32 v30, v39;
	v27 =	vld.idx.msk [tilespmem:v43+s16+$0x0], $0xffff;
	[tilespmem:v18+s25+$0x0] =	vst.idx.msk $0xffff, v38  }
0x44: {  	v51 =	vmul.f32 v32, v48;
	v28 =	vmax.f32 v28, v59;
	[tilespmem:$0x63C0] =	vst v22;
	v22 =	vmul.f32 v36, v23;
	v53 =	vld [tilespmem:$0x50C0]  }
0x45: {  	[tilespmem:$0x6360] =	vst v46;
	v23 =	vperm.xlane v24, v16;
	v28 =	vmul.f32 $1.442695020e+00, v28;
	v55 =	vld [tilespmem:$0x50E0]  }
0x46: {  	[tilespmem:$0x63A0] =	vst v51;
	v24 =	vperm.xlane v24, v17;
	v57 =	vld [tilespmem:$0x5100]  }
0x47: {  	[tilespmem:$0x63E0] =	vst v54;
	v23 =	vmul.f32 v49, v23;
	(erf) = vpow2.f32 v28;
	v58 =	vld [tilespmem:$0x5120]  }
0x48: {  	[tilespmem:$0x6440] =	vst v22;
	v22 =	vmul.f32 v41, v24;
	v44 =	vperm.xlane v38, v2;
	v62 =	vld [tilespmem:$0x5140]  }
0x49: {  	[tilespmem:$0x6420] =	vst v60;
	v46 =	vperm.xlane v38, v3;
	v48 =	vperm.xlane v38, v4;
	v63 =	vld [tilespmem:$0x5160]  }
0x4a: {  	[tilespmem:$0x6460] =	vst v40;
	v50 =	vperm.xlane v38, v5;
	v52 =	vperm.xlane v38, v6;
	v42 =	vld [tilespmem:$0x5180]  }
0x4b: {  	v54 =	vperm.xlane v38, v7;
	v47 =	vld [tilespmem:$0x51C0];
	[tilespmem:$0x6480] =	vst v23;
	v25 =	vmul.f32 v53, v44  }
0x4c: {  	v56 =	vperm.xlane v38, v8;
	v51 =	vld [tilespmem:$0x5200];
	[tilespmem:$0x64A0] =	vst v22;
	v23 =	vmul.f32 v55, v46  }
0x4d: {  	v60 =	vperm.xlane v38, v10;
	v45 =	vld [tilespmem:$0x51A0];
	v22 =	vmul.f32 v57, v48;
	[tilespmem:$0x64C0] =	vst v25  }
0x4e: {  	v40 =	vperm.xlane v38, v12;
	v49 =	vld [tilespmem:$0x51E0];
	v24 =	vmul.f32 v58, v50;
	[tilespmem:$0x64E0] =	vst v23  }
0x4f: {  	v41 =	vld [tilespmem:$0x52A0];
	v58 =	vperm.xlane v38, v9;
	v59 =	vmul.f32 v42, v56;
	[tilespmem:$0x6500] =	vst v22  }
0x50: {  	v53 =	vld [tilespmem:$0x5220];
	v26 =	vmul.f32 v47, v60;
	v42 =	vperm.xlane v38, v13;
	[tilespmem:$0x6520] =	vst v24  }
0x51: {  	v55 =	vld [tilespmem:$0x5240];
	v44 =	vmul.f32 v51, v40;
	v47 =	vperm.xlane v38, v15;
	[tilespmem:$0x6580] =	vst v59  }
0x52: {  	v57 =	vld [tilespmem:$0x5260];
	v50 =	vperm.xlane v38, v16;
	v23 =	vmul.f32 v62, v52;
	v36 =	vpop (erf);
	[tilespmem:$0x65C0] =	vst v26  }
0x53: {  	v22 =	vmul.f32 v63, v54;
	v62 =	vperm.xlane v38, v11;
	v63 =	vld [tilespmem:$0x5280];
	[tilespmem:v19+s25+$0x0] =	vst.idx.msk $0xffff, v36  }
0x54: {  	[tilespmem:$0x6600] =	vst v44;
	v37 =	vperm.xlane v36, v5;
	v40 =	vperm.xlane v36, v7;
	v43 =	vld [tilespmem:$0x52C0]  }
0x55: {  	[tilespmem:$0x6540] =	vst v23;
	v23 =	vmul.f32 v45, v58;
	v45 =	vperm.xlane v38, v14;
	v46 =	vld [tilespmem:$0x52E0]  }
0x56: {  	v27 =	vadd.f32 v61, v27;
	[tilespmem:$0x6560] =	vst v22;
	v22 =	vmul.f32 v49, v62;
	v48 =	vld [tilespmem:$0x5300];
	v62 =	vperm.xlane v36, v4  }
0x57: {  	v52 =	vld [tilespmem:$0x5340];
	[tilespmem:$0x65A0] =	vst v23;
	v23 =	vmul.f32 v53, v42;
	v49 =	vmul.f32 v55, v45  }
0x58: {  	v51 =	vld [tilespmem:$0x5320];
	[tilespmem:$0x65E0] =	vst v22;
	v22 =	vmul.f32 v57, v47;
	v53 =	vmul.f32 $2.000000030e-01, v27  }
0x59: {  	v56 =	vld [tilespmem:$0x5360];
	v55 =	vperm.xlane v38, v17;
	v38 =	vperm.xlane v36, v6;
	[tilespmem:$0x6620] =	vst v23  }
0x5a: {  	v58 =	vld [tilespmem:$0x4E10];
	v54 =	vmul.f32 v63, v50;
	v23 =	vperm.xlane v36, v2;
	v27 =	vmax.f32 v27, v53;
	[tilespmem:$0x6640] =	vst v49  }
0x5b: {  	v60 =	vld [tilespmem:$0x5380];
	v59 =	vmul.f32 v41, v55;
	[tilespmem:$0x6660] =	vst v22;
	v27 =	vmul.f32 $1.442695020e+00, v27  }
0x5c: {  	v61 =	vld [tilespmem:$0x53A0];
	v57 =	vperm.xlane v36, v3;
	[tilespmem:$0x6680] =	vst v54;
	v25 =	vmul.f32 v52, v38  }
0x5d: {  	v39 =	vld [tilespmem:$0x53E0];
	v22 =	vmul.f32 v43, v23;
	[tilespmem:$0x66A0] =	vst v59;
	(erf) = vpow2.f32 v27  }
0x5e: {  	v44 =	vld [tilespmem:$0x5440];
	v45 =	vperm.xlane v36, v10;
	v23 =	vmul.f32 v46, v57;
	[tilespmem:$0x6740] =	vst v25  }
0x5f: {  	v47 =	vld.idx.msk [tilespmem:v21+s23+$0x0], $0xffff;
	v43 =	vperm.xlane v36, v8;
	[tilespmem:$0x66C0] =	vst v22;
	v22 =	vmul.f32 v48, v62  }
0x60: {  	v63 =	vld [tilespmem:$0x53C0];
	v50 =	vperm.xlane v36, v12;
	[tilespmem:$0x66E0] =	vst v23;
	v23 =	vmul.f32 v51, v37  }
0x61: {  	v41 =	vld [tilespmem:$0x5400];
	v46 =	vperm.xlane v36, v11;
	v24 =	vmul.f32 v60, v43;
	[tilespmem:$0x6700] =	vst v22  }
0x62: {  	v33 =	vld.idx.msk [tilespmem:v58+s16+$0x0], $0xffff;
	v22 =	vmul.f32 v56, v40;
	[tilespmem:$0x6720] =	vst v23;
	v23 =	vperm.xlane v36, v9  }
0x63: {  	v53 =	vperm.xlane v36, v15;
	v48 =	vld [tilespmem:$0x5460];
	v49 =	vmul.f32 v39, v46;
	[tilespmem:$0x6780] =	vst v24  }
0x64: {  	v42 =	vld [tilespmem:$0x5420];
	v51 =	vperm.xlane v36, v14;
	[tilespmem:$0x6760] =	vst v22;
	v22 =	vmul.f32 v61, v23  }
0x65: {  	v54 =	vld [tilespmem:$0x54A0];
	v58 =	vperm.xlane v36, v16;
	v60 =	vperm.xlane v36, v17;
	[tilespmem:$0x67E0] =	vst v49  }
0x66: {  	v25 =	vmul.f32 v41, v50;
	v23 =	vmul.f32 v63, v45;
	[tilespmem:$0x67A0] =	vst v22;
	v34 =	vpop (erf)  }
0x67: {  	v52 =	vld [tilespmem:$0x5480];
	v55 =	vadd.f32 v47, v33;
	v22 =	vperm.xlane v36, v13;
	[tilespmem:v20+s25+$0x0] =	vst.idx.msk $0xffff, v34  }
0x68: {  	v57 =	vmul.f32 v48, v53;
	[tilespmem:$0x67C0] =	vst v23;
	v23 =	vmul.f32 v44, v51;
	v56 =	vld [tilespmem:$0x54C0]  }
0x69: {  	[tilespmem:$0x6800] =	vst v25;
	v61 =	vmul.f32 $2.000000030e-01, v55;
	v22 =	vmul.f32 v42, v22;
	v59 =	vld [tilespmem:$0x54E0]  }
0x6a: {  	[tilespmem:$0x6840] =	vst v23;
	v23 =	vmul.f32 v54, v60;
	v62 =	vperm.xlane v34, v2;
	v63 =	vld [tilespmem:$0x5500]  }
0x6b: {  	[tilespmem:$0x6860] =	vst v57;
	v33 =	vperm.xlane v34, v3;
	v26 =	vmax.f32 v55, v61;
	v38 =	vperm.xlane v34, v4;
	v35 =	vld [tilespmem:$0x5520]  }
0x6c: {  	[tilespmem:$0x6820] =	vst v22;
	v22 =	vmul.f32 v52, v58;
	v37 =	vld [tilespmem:$0x5540];
	v26 =	vmul.f32 $1.442695020e+00, v26  }
0x6d: {  	v39 =	vld [tilespmem:$0x5560];
	[tilespmem:$0x68A0] =	vst v23;
	v23 =	vperm.xlane v34, v5;
	v36 =	vmul.f32 v56, v62  }
0x6e: {  	v40 =	vld [tilespmem:$0x5580];
	[tilespmem:$0x6880] =	vst v22;
	(erf) = vpow2.f32 v26;
	v22 =	vmul.f32 v59, v33  }
0x6f: {  	v42 =	vperm.xlane v34, v6;
	v43 =	vld [tilespmem:$0x55A0];
	v41 =	vmul.f32 v63, v38;
	[tilespmem:$0x68C0] =	vst v36  }
0x70: {  	v44 =	vld [tilespmem:$0x55C0];
	[tilespmem:$0x68E0] =	vst v22;
	v22 =	vmul.f32 v35, v23;
	v23 =	vperm.xlane v34, v7  }
0x71: {  	v46 =	vperm.xlane v34, v8;
	v45 =	vmul.f32 v37, v42;
	[tilespmem:$0x6900] =	vst v41  }
0x72: {  	v47 =	vld [tilespmem:$0x55E0];
	[tilespmem:$0x6920] =	vst v22;
	v22 =	vmul.f32 v39, v23;
	v23 =	vperm.xlane v34, v9  }
0x73: {  	v49 =	vperm.xlane v34, v10;
	v50 =	vld [tilespmem:$0x5600];
	v48 =	vmul.f32 v40, v46;
	[tilespmem:$0x6940] =	vst v45  }
0x74: {  	[tilespmem:$0x6960] =	vst v22;
	v22 =	vmul.f32 v43, v23;
	v23 =	vld [tilespmem:$0x5620]  }
0x75: {  	v52 =	vperm.xlane v34, v11;
	v53 =	vld [tilespmem:$0x5640];
	v51 =	vmul.f32 v44, v49;
	[tilespmem:$0x6980] =	vst v48  }
0x76: {  	v54 =	vld [tilespmem:$0x5660];
	[tilespmem:$0x69A0] =	vst v22;
	v22 =	vperm.xlane v34, v12  }
0x77: {  	v57 =	vld [tilespmem:$0x5680];
	v55 =	vmul.f32 v47, v52;
	v56 =	vperm.xlane v34, v13;
	[tilespmem:$0x69C0] =	vst v51;
	v30 =	vpop (erf)  }
0x78: {  	v58 =	vperm.xlane v34, v14;
	v59 =	vld [tilespmem:$0x56A0];
	[tilespmem:v21+s25+$0x0] =	vst.idx.msk $0xffff, v30;
	v22 =	vmul.f32 v50, v22  }
0x79: {  	v60 =	vperm.xlane v34, v15;
	[tilespmem:$0x69E0] =	vst v55;
	v61 =	vld [tilespmem:$0x56C0];
	v23 =	vmul.f32 v23, v56  }
0x7a: {  	v62 =	vperm.xlane v34, v16;
	v63 =	vld [tilespmem:$0x56E0];
	[tilespmem:$0x6A00] =	vst v22;
	v22 =	vmul.f32 v53, v58  }
0x7b: {  	v33 =	vperm.xlane v34, v17;
	v34 =	vld [tilespmem:$0x5700];
	[tilespmem:$0x6A20] =	vst v23;
	v23 =	vmul.f32 v54, v60  }
0x7c: {  	v35 =	vperm.xlane v30, v2;
	v36 =	vld [tilespmem:$0x5720];
	[tilespmem:$0x6A40] =	vst v22;
	v22 =	vmul.f32 v57, v62  }
0x7d: {  	v37 =	vperm.xlane v30, v3;
	v38 =	vld [tilespmem:$0x5740];
	[tilespmem:$0x6A60] =	vst v23;
	v23 =	vmul.f32 v59, v33  }
0x7e: {  	v39 =	vperm.xlane v30, v4;
	v40 =	vld [tilespmem:$0x5760];
	[tilespmem:$0x6A80] =	vst v22;
	v22 =	vmul.f32 v61, v35  }
0x7f: {  	v41 =	vperm.xlane v30, v5;
	v42 =	vld [tilespmem:$0x5780];
	[tilespmem:$0x6AA0] =	vst v23;
	v23 =	vmul.f32 v63, v37  }
0x80: {  	v43 =	vperm.xlane v30, v6;
	v44 =	vld [tilespmem:$0x57A0];
	[tilespmem:$0x6AC0] =	vst v22;
	v22 =	vmul.f32 v34, v39  }
0x81: {  	v45 =	vperm.xlane v30, v7;
	v46 =	vld [tilespmem:$0x57C0];
	[tilespmem:$0x6AE0] =	vst v23;
	v23 =	vmul.f32 v36, v41  }
0x82: {  	v47 =	vperm.xlane v30, v8;
	v48 =	vld [tilespmem:$0x57E0];
	[tilespmem:$0x6B00] =	vst v22;
	v22 =	vmul.f32 v38, v43  }
0x83: {  	v49 =	vperm.xlane v30, v9;
	v50 =	vld [tilespmem:$0x5800];
	[tilespmem:$0x6B20] =	vst v23;
	v23 =	vmul.f32 v40, v45  }
0x84: {  	v51 =	vperm.xlane v30, v10;
	v52 =	vld [tilespmem:$0x5820];
	[tilespmem:$0x6B40] =	vst v22;
	v22 =	vmul.f32 v42, v47  }
0x85: {  	v53 =	vperm.xlane v30, v11;
	v54 =	vld [tilespmem:$0x5840];
	[tilespmem:$0x6B60] =	vst v23;
	v23 =	vmul.f32 v44, v49  }
0x86: {  	v55 =	vperm.xlane v30, v12;
	v56 =	vld [tilespmem:$0x5860];
	[tilespmem:$0x6B80] =	vst v22;
	v22 =	vmul.f32 v46, v51  }
0x87: {  	v58 =	vld [tilespmem:$0x5880];
	v57 =	vperm.xlane v30, v13;
	[tilespmem:$0x6BA0] =	vst v23;
	v23 =	vmul.f32 v48, v53  }
0x88: {  	v60 =	vld [tilespmem:$0x58A0];
	v59 =	vperm.xlane v30, v14;
	[tilespmem:$0x6BC0] =	vst v22;
	v22 =	vmul.f32 v50, v55  }
0x89: {  	v61 =	vperm.xlane v30, v15;
	[tilespmem:$0x6BE0] =	vst v23;
	v23 =	vmul.f32 v52, v57  }
0x8a: {  	v62 =	vperm.xlane v30, v16;
	[tilespmem:$0x6C00] =	vst v22;
	v22 =	vmul.f32 v54, v59  }
0x8b: {  	v63 =	vperm.xlane v30, v17;
	[tilespmem:$0x6C20] =	vst v23;
	v23 =	vmul.f32 v56, v61  }
0x8c: {  	[tilespmem:$0x6C40] =	vst v22;
	v22 =	vmul.f32 v58, v62  }
0x8d: {  	[tilespmem:$0x6C60] =	vst v23;
	v23 =	vmul.f32 v60, v63  }
0x8e: {  	[tilespmem:$0x6C80] =	vst v22  }
0x8f: {  	[tilespmem:$0x6CA0] =	vst v23  }
0x90: {  	[spmem:s3] =	stream.indirect.scatter.add.f32 [tilespmem:s25], [sflag:$0x3], $0x20, s26, s22, $0xb8;
	[tilespmem:$0x105F0] =	vst v63  }
0x91: {  	_ =	swait.ge [sflag:s21], $0xA00  }
0x92: {  	[sflag:s21] =	ssyncset.done $0x0  }
0x93: {  	[sflag:s21] =	ssyncadd.s32 $0xFFFFF600  }
0x94: {  	_ =	swait.ge [sflag:s30], $0xA00  }
0x95: {  	[sflag:s30] =	ssyncset.done $0x0  }
0x96: {  	s0 =	sshll.u32 s2, $0x6;
	[sflag:s30] =	ssyncadd.s32 $0xFFFFF600  }
0x97: {  	s1 =	sshrl.u32 s8, $0x3;
	s0 =	sor.u32 $0x1C05, s0;
	[bflag:$0x0] =	sbarrier.arrive $0xFFFF  }
0x98: {  	[hbm:s12], [sflag:s0] =	dma.local [spmem:s1], $0x9C0  }
0x99: {  	_ =	swait.ge [sflag:s18], $0x9C0  }
0x9a: {  	s31 =	sadd.s32 $0x1, s31;
	[sflag:s18] =	ssyncset.done $0x0  }
0x9b: {  	p1 =	sne.s32 s31, s14;
	s1 =	sshrl.u32 @!p0 s11, $0x3;
	[sflag:s18] =	ssyncadd.s32 $0xFFFFF640  }
0x9c: {  	[hbm:s13], [sflag:s0] =	dma.local @!p0 [spmem:s1], $0x40  }
.Ltmp1:
0x9d: {  	_ = 	snop;
	(pc) =	sbr.rel @!p1 .LBB2_9-.Ltmp1, $4  }
0x9e: {  	s0 =	simm.s32 @!p0 $0x5  }
0x9f: {  	_ =	swait.ge @!p0 [sflag:s0], $0x40  }
0xa0: {  	[sflag:s0] =	ssyncset.done @!p0 $0x0  }
0xa1: {  	[sflag:s0] =	ssyncadd.s32 @!p0 $0xFFFFFFC0  }
.LBB2_1:
0xa2: {  	[tilespmem:s4], [sflag:$0x1] =	stream.linear.gather [hbm4b:s6+s4], $0x2710, $0x38;
	[tilespmem:$0x105F0] =	vst v63  }
0xa3: {  	s0 =	simm.s32 $0x2710  }
0xa4: {  	[tilespmem:s0], [sflag:$0x2] =	stream.linear.gather [hbm4b:s7+s4], $0x2710, $0x38;
	[tilespmem:$0x105F0] =	vst v63  }
0xa5: {  	s15 =	rddreg [dreg:$0x1];
	s1 =	simm.s32 $0x0;
	s0 =	simm.s32 $0x80  }
0xa6: {  	[tilespmem:s16], [sflag:$0x3] =	stream.linear.gather [hbm4b:s15+s4], $0x2710, $0x38;
	[tilespmem:$0x105F0] =	vst v63  }
.LBB2_2:
0xa7: {  	p1 =	sne.s32 s0, $0x6780;
	[tilespmem:s1+$0x9DD0] =	vst v0;
	s15 =	smov.u32 s0;
	s0 =	sadd.s32 $0x80, s0  }
.Ltmp2:
0xa8: {  	[tilespmem:s1+$0x9DE0] =	vst v0;
	(pc) =	sbr.rel @p1 .LBB2_2-.Ltmp2, $2  }
0xa9: {  	_ =	sdelay $0x2  }
0xaa: {  	s1 =	sshra.s32 s15, $0x2  }
0xab: {  	[tilespmem:s1+$0x9DD0] =	vst v0  }
0xac: {  	[tilespmem:s1+$0x9DE0] =	vst v0  }
0xad: {  	[spmem:s8] =	stream.linear.scatter [tilespmem:s17], [sflag:$0x5], $0x1A00, $0x38;
	[tilespmem:$0x105F0] =	vst v63  }
0xae: {  	_ =	swait.ge [sflag:s18], $0x1A00  }
0xaf: {  	[sflag:s18] =	ssyncset.done $0x0  }
0xb0: {  	[sflag:s18] =	ssyncadd.s32 $0xFFFFE600  }
0xb1: {  	[spmem:s9] =	stream.linear.scatter [tilespmem:s17], [sflag:$0x5], $0x1A00, $0x38;
	[tilespmem:$0x105F0] =	vst v63  }
0xb2: {  	_ =	swait.ge [sflag:s18], $0x1A00  }
0xb3: {  	[sflag:s18] =	ssyncset.done $0x0  }
0xb4: {  	[sflag:s18] =	ssyncadd.s32 $0xFFFFE600  }
0xb5: {  	[spmem:s10] =	stream.linear.scatter [tilespmem:s17], [sflag:$0x5], $0x1A00, $0x38;
	[tilespmem:$0x105F0] =	vst v63  }
0xb6: {  	_ =	swait.ge [sflag:s18], $0x1A00  }
0xb7: {  	[sflag:s18] =	ssyncset.done $0x0  }
0xb8: {  	s0 =	simm.s32 @!p0 $0x9DD0;
	[sflag:s18] =	ssyncadd.s32 $0xFFFFE600  }
0xb9: {  	[spmem:s11] =	stream.linear.scatter @!p0 [tilespmem:s0], [sflag:$0x5], $0x200, $0x38;
	[tilespmem:$0x105F0] =	vst v63  }
0xba: {  	s0 =	simm.s32 @!p0 $0x5  }
0xbb: {  	_ =	swait.ge @!p0 [sflag:s0], $0x200  }
0xbc: {  	[sflag:s0] =	ssyncset.done @!p0 $0x0  }
0xbd: {  	[sflag:s0] =	ssyncadd.s32 @!p0 $0xFFFFFE00  }
0xbe: {  	_ =	swait.ge [sflag:s19], $0x2710  }
0xbf: {  	[sflag:s19] =	ssyncset.done $0x0  }
0xc0: {  	[sflag:s19] =	ssyncadd.s32 $0xFFFFD8F0  }
0xc1: {  	_ =	swait.ge [sflag:s20], $0x2710  }
0xc2: {  	[sflag:s20] =	ssyncset.done $0x0  }
0xc3: {  	[sflag:s20] =	ssyncadd.s32 $0xFFFFD8F0  }
0xc4: {  	_ =	swait.ge [sflag:s21], $0x2710  }
0xc5: {  	[sflag:s21] =	ssyncset.done $0x0  }
0xc6: {  	s15 =	simm.s32 $0x6310;
	[sflag:s21] =	ssyncadd.s32 $0xFFFFD8F0  }
0xc7: {  	[tilespmem:s15+$0xFFFFFFE0] =	vst v0  }
0xc8: {  	[tilespmem:s15+$0x0] =	vst v0  }
0xc9: {  	[tilespmem:s15+$0x20] =	vst v0  }
0xca: {  	s0 =	simm.s32 $0x6D10;
	[tilespmem:s15+$0xFFFFFFC0] =	vst v0  }
0xcb: {  	[tilespmem:s0+$0xFFFFFFE0] =	vst v0  }
0xcc: {  	[tilespmem:s0+$0x0] =	vst v0  }
0xcd: {  	[tilespmem:s0+$0x20] =	vst v0  }
0xce: {  	s1 =	simm.s32 $0x0;
	s15 =	simm.s32 $0x6390;
	[tilespmem:s0+$0xFFFFFFC0] =	vst v0  }
.LBB2_4:
0xcf: {  	[tilespmem:s15+$0xFFFFFFE0] =	vst v0;
	s0 =	sadd.s32 $0x80, s0  }
0xd0: {  	s1 =	sadd.s32 $0x4, s1;
	[tilespmem:s0+$0xFFFFFFE0] =	vst v0  }
0xd1: {  	p1 =	slt.u32 s1, $0x4C;
	[tilespmem:s15+$0x0] =	vst v0  }
.Ltmp3:
0xd2: {  	[tilespmem:s0+$0x0] =	vst v0;
	(pc) =	sbr.rel @p1 .LBB2_4-.Ltmp3, $4  }
0xd3: {  	[tilespmem:s15+$0x20] =	vst v0  }
0xd4: {  	[tilespmem:s0+$0x20] =	vst v0  }
0xd5: {  	[tilespmem:s15+$0xFFFFFFC0] =	vst v0  }
0xd6: {  	s15 =	sadd.s32 $0x80, s15;
	[tilespmem:s0+$0xFFFFFFC0] =	vst v0  }
0xd7: {  	s1 =	simm.s32 $0x0  }
0xd8: {  	[tilespmem:s23], [sflag:$0x1] =	stream.indirect.gather [hbm4b:s5+s22], $0x20, s1, s22, $0xb8;
	[tilespmem:$0x105F0] =	vst v63  }
0xd9: {  	_ = 	snop  }
0xda: {  	[tilespmem:s24], [sflag:$0x2] =	stream.indirect.gather [hbm4b:s5+s22], $0x20, s22, s22, $0xb8;
	[tilespmem:$0x105F0] =	vst v63  }
.LBB2_6:
0xdb: {  	p1 =	seq.s32 s1, $0x0  }
0xdc: {  	s0 =	simm.s32 @!p1 $0x3  }
0xdd: {  	_ =	swait.ge @!p1 [sflag:s0], $0xA00  }
0xde: {  	[sflag:s0] =	ssyncset.done @!p1 $0x0  }
0xdf: {  	[sflag:s0] =	ssyncadd.s32 @!p1 $0xFFFFF600  }
0xe0: {  	_ =	swait.ge [sflag:s19], $0xA00  }
0xe1: {  	[sflag:s19] =	ssyncset.done $0x0  }
0xe2: {  	s0 =	sshra.s32 s1, $0x2;
	[sflag:s19] =	ssyncadd.s32 $0xFFFFF600  }
0xe3: {  	v22 =	vld [tilespmem:s0+$0x2710];
	_ =	sdelay $0x4  }
0xe4: {  	[tilespmem:$0x4E20] =	vst v22  }
0xe5: {  	v22 =	vld [tilespmem:s0+$0x2720];
	_ =	sdelay $0x4  }
0xe6: {  	[tilespmem:$0x4E30] =	vst v22  }
0xe7: {  	v22 =	vld [tilespmem:s0+$0x2730];
	_ =	sdelay $0x4  }
0xe8: {  	[tilespmem:$0x4E40] =	vst v22  }
0xe9: {  	v22 =	vld [tilespmem:s0+$0x2740];
	_ =	sdelay $0x4  }
0xea: {  	[tilespmem:$0x4E50] =	vst v22  }
0xeb: {  	v22 =	vld [tilespmem:s0+$0x2750];
	_ =	sdelay $0x4  }
0xec: {  	[tilespmem:$0x4E60] =	vst v22  }
0xed: {  	v22 =	vld [tilespmem:s0+$0x2710];
	_ =	sdelay $0x6  }
0xee: {  	v23 =	vld.idx.msk [tilespmem:v1+s23+$0x0], $0xffff  }
0xef: {  	v22 =	vld.idx.msk [tilespmem:v22+s16+$0x0], $0xffff;
	_ =	sdelay $0x4  }
0xf0: {  	v22 =	vadd.f32 v23, v22;
	_ =	sdelay $0x1  }
0xf1: {  	v23 =	vmul.f32 $2.000000030e-01, v22;
	_ =	sdelay $0x1  }
0xf2: {  	v22 =	vmax.f32 v22, v23  }
0xf3: {  	v22 =	vmul.f32 $1.442695020e+00, v22  }
0xf4: {  	v23 =	vld [tilespmem:s0+$0x2720]  }
0xf5: {  	(erf) = vpow2.f32 v22;
	_ =	sdelay $0x6  }
0xf6: {  	v22 =	vld.idx.msk [tilespmem:v23+s16+$0x0], $0xffff  }
0xf7: {  	v23 =	vld.idx.msk [tilespmem:v18+s23+$0x0], $0xffff  }
0xf8: {  	v43 =	vld [tilespmem:s0+$0x2730];
	v24 =	vpop (erf)  }
0xf9: {  	v49 =	vld.idx.msk [tilespmem:v19+s23+$0x0], $0xffff;
	[tilespmem:v1+s25+$0x0] =	vst.idx.msk $0xffff, v24  }
0xfa: {  	v25 =	vld [tilespmem:$0x4EC0]  }
0xfb: {  	v26 =	vld [tilespmem:$0x4EE0]  }
0xfc: {  	v22 =	vadd.f32 v23, v22;
	v23 =	vld [tilespmem:$0x4F00]  }
0xfd: {  	v27 =	vld [tilespmem:$0x4F20]  }
0xfe: {  	v29 =	vld [tilespmem:$0x4F40];
	v28 =	vmul.f32 $2.000000030e-01, v22  }
0xff: {  	v30 =	vld [tilespmem:$0x4F60]  }
0x100: {  	v33 =	vperm.xlane v24, v2;
	v34 =	vperm.xlane v24, v3;
	v22 =	vmax.f32 v22, v28;
	v28 =	vld.idx.msk [tilespmem:v43+s16+$0x0], $0xffff  }
0x101: {  	v36 =	vperm.xlane v24, v4;
	v31 =	vld [tilespmem:$0x4F80];
	v22 =	vmul.f32 $1.442695020e+00, v22  }
0x102: {  	v45 =	vperm.xlane v24, v5;
	v38 =	vperm.xlane v24, v6;
	v32 =	vld [tilespmem:$0x4FA0]  }
0x103: {  	v39 =	vperm.xlane v24, v7;
	v37 =	vld [tilespmem:$0x5000];
	(erf) = vpow2.f32 v22  }
0x104: {  	v48 =	vperm.xlane v24, v8;
	v44 =	vld [tilespmem:$0x5020];
	v25 =	vmul.f32 v25, v33  }
0x105: {  	v53 =	vperm.xlane v24, v9;
	v26 =	vmul.f32 v26, v34;
	v28 =	vadd.f32 v49, v28;
	v49 =	vld [tilespmem:s0+$0x2740]  }
0x106: {  	v57 =	vperm.xlane v24, v12;
	v35 =	vld [tilespmem:$0x4FE0];
	v23 =	vmul.f32 v23, v36;
	[tilespmem:$0x62C0] =	vst v25  }
0x107: {  	v55 =	vperm.xlane v24, v10;
	v47 =	vmul.f32 v27, v45;
	v22 =	vld [tilespmem:$0x4FC0];
	[tilespmem:$0x62E0] =	vst v26  }
0x108: {  	v61 =	vperm.xlane v24, v13;
	v46 =	vld [tilespmem:$0x5040];
	v27 =	vmul.f32 v37, v57;
	[tilespmem:$0x6300] =	vst v23  }
0x109: {  	v40 =	vperm.xlane v24, v11;
	v52 =	vld [tilespmem:$0x5060];
	v23 =	vmul.f32 v31, v48;
	[tilespmem:$0x6320] =	vst v47  }
0x10a: {  	v54 =	vld [tilespmem:$0x5080];
	v50 =	vmul.f32 v29, v38;
	v43 =	vmul.f32 v44, v61;
	[tilespmem:$0x6400] =	vst v27  }
0x10b: {  	v41 =	vld [tilespmem:$0x50A0];
	v51 =	vmul.f32 v30, v39;
	[tilespmem:$0x6380] =	vst v23;
	v23 =	vperm.xlane v24, v14  }
0x10c: {  	[tilespmem:$0x6420] =	vst v43;
	v43 =	vld.idx.msk [tilespmem:v20+s23+$0x0], $0xffff;
	v42 =	vmul.f32 $2.000000030e-01, v28;
	v22 =	vmul.f32 v22, v55;
	v38 =	vpop (erf)  }
0x10d: {  	v56 =	vmul.f32 v32, v53;
	v59 =	vmul.f32 v35, v40;
	[tilespmem:v18+s25+$0x0] =	vst.idx.msk $0xffff, v38;
	v27 =	vld.idx.msk [tilespmem:v49+s16+$0x0], $0xffff  }
0x10e: {  	v44 =	vperm.xlane v24, v15;
	v28 =	vmax.f32 v28, v42;
	[tilespmem:$0x63C0] =	vst v22;
	v22 =	vmul.f32 v46, v23;
	v58 =	vld [tilespmem:$0x50C0]  }
0x10f: {  	[tilespmem:$0x6340] =	vst v50;
	v23 =	vperm.xlane v24, v16;
	v28 =	vmul.f32 $1.442695020e+00, v28;
	v60 =	vld [tilespmem:$0x50E0]  }
0x110: {  	[tilespmem:$0x6360] =	vst v51;
	v47 =	vmul.f32 v52, v44;
	v24 =	vperm.xlane v24, v17;
	v62 =	vld [tilespmem:$0x5100]  }
0x111: {  	[tilespmem:$0x63A0] =	vst v56;
	v23 =	vmul.f32 v54, v23;
	(erf) = vpow2.f32 v28;
	v63 =	vld [tilespmem:$0x5120]  }
0x112: {  	[tilespmem:$0x6440] =	vst v22;
	v22 =	vmul.f32 v41, v24;
	v50 =	vperm.xlane v38, v2;
	v45 =	vld [tilespmem:$0x5140]  }
0x113: {  	[tilespmem:$0x63E0] =	vst v59;
	v52 =	vperm.xlane v38, v3;
	v54 =	vperm.xlane v38, v4;
	v46 =	vld [tilespmem:$0x5160]  }
0x114: {  	[tilespmem:$0x6460] =	vst v47;
	v56 =	vperm.xlane v38, v5;
	v40 =	vperm.xlane v38, v9;
	v53 =	vld [tilespmem:$0x51C0]  }
0x115: {  	v42 =	vperm.xlane v38, v10;
	v48 =	vld [tilespmem:$0x5180];
	[tilespmem:$0x6480] =	vst v23;
	v25 =	vmul.f32 v58, v50  }
0x116: {  	v44 =	vperm.xlane v38, v11;
	v51 =	vld [tilespmem:$0x51A0];
	[tilespmem:$0x64A0] =	vst v22;
	v23 =	vmul.f32 v60, v52  }
0x117: {  	v55 =	vld [tilespmem:$0x51E0];
	v22 =	vmul.f32 v62, v54;
	v58 =	vperm.xlane v38, v6;
	[tilespmem:$0x64C0] =	vst v25  }
0x118: {  	v57 =	vld [tilespmem:$0x5200];
	v24 =	vmul.f32 v63, v56;
	v60 =	vperm.xlane v38, v7;
	[tilespmem:$0x64E0] =	vst v23  }
0x119: {  	v59 =	vld [tilespmem:$0x5220];
	v62 =	vperm.xlane v38, v8;
	v26 =	vmul.f32 v53, v42;
	[tilespmem:$0x6500] =	vst v22  }
0x11a: {  	v61 =	vld [tilespmem:$0x5240];
	v53 =	vperm.xlane v38, v15;
	v56 =	vperm.xlane v38, v16;
	[tilespmem:$0x6520] =	vst v24  }
0x11b: {  	v47 =	vld [tilespmem:$0x52A0];
	v23 =	vmul.f32 v45, v58;
	v22 =	vmul.f32 v46, v60;
	v36 =	vpop (erf);
	[tilespmem:$0x65C0] =	vst v26  }
0x11c: {  	v63 =	vld [tilespmem:$0x5260];
	v41 =	vmul.f32 v48, v62;
	v46 =	vperm.xlane v38, v12;
	[tilespmem:v19+s25+$0x0] =	vst.idx.msk $0xffff, v36  }
0x11d: {  	v45 =	vld [tilespmem:$0x5280];
	v48 =	vperm.xlane v38, v13;
	v42 =	vperm.xlane v36, v4;
	[tilespmem:$0x6540] =	vst v23  }
0x11e: {  	v23 =	vmul.f32 v51, v40;
	[tilespmem:$0x6560] =	vst v22;
	v22 =	vmul.f32 v55, v44;
	v49 =	vld [tilespmem:$0x52C0]  }
0x11f: {  	[tilespmem:$0x6580] =	vst v41;
	v50 =	vmul.f32 v57, v46;
	v51 =	vperm.xlane v38, v14;
	v52 =	vld [tilespmem:$0x52E0]  }
0x120: {  	v27 =	vadd.f32 v43, v27;
	v54 =	vld [tilespmem:$0x5300];
	v44 =	vperm.xlane v36, v5;
	[tilespmem:$0x65A0] =	vst v23;
	v23 =	vmul.f32 v59, v48  }
0x121: {  	v58 =	vld [tilespmem:$0x5340];
	v55 =	vmul.f32 v61, v51;
	[tilespmem:$0x65E0] =	vst v22;
	v22 =	vmul.f32 v63, v53  }
0x122: {  	v57 =	vld [tilespmem:$0x5320];
	v59 =	vmul.f32 $2.000000030e-01, v27;
	[tilespmem:$0x6600] =	vst v50;
	v61 =	vperm.xlane v38, v17  }
0x123: {  	v62 =	vld [tilespmem:$0x5360];
	v63 =	vperm.xlane v36, v3;
	v60 =	vmul.f32 v45, v56;
	[tilespmem:$0x6620] =	vst v23  }
0x124: {  	v38 =	vld [tilespmem:s0+$0x2750];
	v45 =	vperm.xlane v36, v6;
	v23 =	vperm.xlane v36, v2;
	v27 =	vmax.f32 v27, v59;
	[tilespmem:$0x6640] =	vst v55  }
0x125: {  	v40 =	vld [tilespmem:$0x5380];
	v39 =	vmul.f32 v47, v61;
	[tilespmem:$0x6660] =	vst v22;
	v27 =	vmul.f32 $1.442695020e+00, v27  }
0x126: {  	v41 =	vld [tilespmem:$0x53A0];
	v50 =	vperm.xlane v36, v8;
	[tilespmem:$0x6680] =	vst v60;
	v25 =	vmul.f32 v58, v45  }
0x127: {  	v43 =	vld [tilespmem:$0x53C0];
	v22 =	vmul.f32 v49, v23;
	[tilespmem:$0x66A0] =	vst v39;
	(erf) = vpow2.f32 v27  }
0x128: {  	v48 =	vld [tilespmem:$0x5400];
	v47 =	vperm.xlane v36, v7;
	v23 =	vmul.f32 v52, v63;
	[tilespmem:$0x6740] =	vst v25  }
0x129: {  	v46 =	vld [tilespmem:$0x53E0];
	v59 =	vperm.xlane v36, v14;
	[tilespmem:$0x66C0] =	vst v22;
	v22 =	vmul.f32 v54, v42  }
0x12a: {  	v56 =	vld [tilespmem:$0x5460];
	v61 =	vperm.xlane v36, v15;
	[tilespmem:$0x66E0] =	vst v23;
	v23 =	vmul.f32 v57, v44  }
0x12b: {  	v55 =	vld.idx.msk [tilespmem:v21+s23+$0x0], $0xffff;
	v24 =	vmul.f32 v40, v50;
	v58 =	vperm.xlane v36, v12;
	[tilespmem:$0x6700] =	vst v22  }
0x12c: {  	v22 =	vmul.f32 v62, v47;
	[tilespmem:$0x6720] =	vst v23;
	v23 =	vperm.xlane v36, v9;
	v53 =	vld.idx.msk [tilespmem:v38+s16+$0x0], $0xffff  }
0x12d: {  	v51 =	vld [tilespmem:$0x5440];
	[tilespmem:$0x6780] =	vst v24;
	v25 =	vmul.f32 v48, v58;
	v54 =	vperm.xlane v36, v11  }
0x12e: {  	v49 =	vld [tilespmem:$0x5420];
	v52 =	vperm.xlane v36, v10;
	[tilespmem:$0x6760] =	vst v22;
	v22 =	vmul.f32 v41, v23  }
0x12f: {  	v39 =	vperm.xlane v36, v16;
	[tilespmem:$0x6800] =	vst v25;
	v57 =	vmul.f32 v46, v54;
	v62 =	vld [tilespmem:$0x54A0]  }
0x130: {  	v38 =	vmul.f32 v56, v61;
	v23 =	vmul.f32 v43, v52;
	[tilespmem:$0x67A0] =	vst v22;
	v33 =	vpop (erf)  }
0x131: {  	v60 =	vld [tilespmem:$0x5480];
	v22 =	vperm.xlane v36, v13;
	v37 =	vadd.f32 v55, v53;
	[tilespmem:v20+s25+$0x0] =	vst.idx.msk $0xffff, v33  }
0x132: {  	v41 =	vperm.xlane v36, v17;
	[tilespmem:$0x67C0] =	vst v23;
	v23 =	vmul.f32 v51, v59;
	v63 =	vld [tilespmem:$0x54C0]  }
0x133: {  	[tilespmem:$0x67E0] =	vst v57;
	v22 =	vmul.f32 v49, v22;
	v30 =	vmul.f32 $2.000000030e-01, v37;
	v40 =	vld [tilespmem:$0x54E0]  }
0x134: {  	[tilespmem:$0x6840] =	vst v23;
	v23 =	vmul.f32 v62, v41;
	v42 =	vperm.xlane v33, v2;
	v43 =	vld [tilespmem:$0x5500]  }
0x135: {  	[tilespmem:$0x6860] =	vst v38;
	v44 =	vperm.xlane v33, v3;
	v48 =	vperm.xlane v33, v4;
	v45 =	vld [tilespmem:$0x5520];
	v27 =	vmax.f32 v37, v30  }
0x136: {  	[tilespmem:$0x6820] =	vst v22;
	v22 =	vmul.f32 v60, v39;
	v47 =	vld [tilespmem:$0x5540];
	v27 =	vmul.f32 $1.442695020e+00, v27  }
0x137: {  	v49 =	vld [tilespmem:$0x5560];
	[tilespmem:$0x68A0] =	vst v23;
	v23 =	vperm.xlane v33, v5;
	v46 =	vmul.f32 v63, v42  }
0x138: {  	v50 =	vld [tilespmem:$0x5580];
	[tilespmem:$0x6880] =	vst v22;
	(erf) = vpow2.f32 v27;
	v22 =	vmul.f32 v40, v44  }
0x139: {  	v52 =	vperm.xlane v33, v6;
	v53 =	vld [tilespmem:$0x55A0];
	v51 =	vmul.f32 v43, v48;
	[tilespmem:$0x68C0] =	vst v46  }
0x13a: {  	v54 =	vld [tilespmem:$0x55C0];
	[tilespmem:$0x68E0] =	vst v22;
	v22 =	vmul.f32 v45, v23;
	v23 =	vperm.xlane v33, v7  }
0x13b: {  	v56 =	vperm.xlane v33, v8;
	v55 =	vmul.f32 v47, v52;
	[tilespmem:$0x6900] =	vst v51  }
0x13c: {  	v57 =	vld [tilespmem:$0x55E0];
	[tilespmem:$0x6920] =	vst v22;
	v22 =	vmul.f32 v49, v23;
	v23 =	vperm.xlane v33, v9  }
0x13d: {  	v59 =	vperm.xlane v33, v10;
	v60 =	vld [tilespmem:$0x5600];
	v58 =	vmul.f32 v50, v56;
	[tilespmem:$0x6940] =	vst v55  }
0x13e: {  	[tilespmem:$0x6960] =	vst v22;
	v22 =	vmul.f32 v53, v23;
	v23 =	vld [tilespmem:$0x5620]  }
0x13f: {  	v62 =	vperm.xlane v33, v11;
	v61 =	vmul.f32 v54, v59;
	v63 =	vld [tilespmem:$0x5640];
	[tilespmem:$0x6980] =	vst v58  }
0x140: {  	v34 =	vld [tilespmem:$0x5660];
	[tilespmem:$0x69A0] =	vst v22;
	v22 =	vperm.xlane v33, v12  }
0x141: {  	v36 =	vperm.xlane v33, v13;
	v37 =	vld [tilespmem:$0x5680];
	v35 =	vmul.f32 v57, v62;
	[tilespmem:$0x69C0] =	vst v61;
	v30 =	vpop (erf)  }
0x142: {  	v38 =	vperm.xlane v33, v14;
	v39 =	vld [tilespmem:$0x56A0];
	[tilespmem:v21+s25+$0x0] =	vst.idx.msk $0xffff, v30;
	v22 =	vmul.f32 v60, v22  }
0x143: {  	v40 =	vperm.xlane v33, v15;
	[tilespmem:$0x69E0] =	vst v35;
	v41 =	vld [tilespmem:$0x56C0];
	v23 =	vmul.f32 v23, v36  }
0x144: {  	v42 =	vperm.xlane v33, v16;
	v43 =	vld [tilespmem:$0x56E0];
	[tilespmem:$0x6A00] =	vst v22;
	v22 =	vmul.f32 v63, v38  }
0x145: {  	v44 =	vperm.xlane v33, v17;
	v45 =	vld [tilespmem:$0x5700];
	[tilespmem:$0x6A20] =	vst v23;
	v23 =	vmul.f32 v34, v40  }
0x146: {  	v46 =	vperm.xlane v30, v2;
	v47 =	vld [tilespmem:$0x5720];
	[tilespmem:$0x6A40] =	vst v22;
	v22 =	vmul.f32 v37, v42  }
0x147: {  	v48 =	vperm.xlane v30, v3;
	v49 =	vld [tilespmem:$0x5740];
	[tilespmem:$0x6A60] =	vst v23;
	v23 =	vmul.f32 v39, v44  }
0x148: {  	v50 =	vperm.xlane v30, v4;
	v51 =	vld [tilespmem:$0x5760];
	[tilespmem:$0x6A80] =	vst v22;
	v22 =	vmul.f32 v41, v46  }
0x149: {  	v52 =	vperm.xlane v30, v5;
	v53 =	vld [tilespmem:$0x5780];
	[tilespmem:$0x6AA0] =	vst v23;
	v23 =	vmul.f32 v43, v48  }
0x14a: {  	v54 =	vperm.xlane v30, v6;
	v55 =	vld [tilespmem:$0x57A0];
	[tilespmem:$0x6AC0] =	vst v22;
	v22 =	vmul.f32 v45, v50  }
0x14b: {  	v56 =	vperm.xlane v30, v7;
	v57 =	vld [tilespmem:$0x57C0];
	[tilespmem:$0x6AE0] =	vst v23;
	v23 =	vmul.f32 v47, v52  }
0x14c: {  	v58 =	vperm.xlane v30, v8;
	v59 =	vld [tilespmem:$0x57E0];
	[tilespmem:$0x6B00] =	vst v22;
	v22 =	vmul.f32 v49, v54  }
0x14d: {  	v60 =	vperm.xlane v30, v9;
	v61 =	vld [tilespmem:$0x5800];
	[tilespmem:$0x6B20] =	vst v23;
	v23 =	vmul.f32 v51, v56  }
0x14e: {  	v62 =	vperm.xlane v30, v10;
	v63 =	vld [tilespmem:$0x5820];
	[tilespmem:$0x6B40] =	vst v22;
	v22 =	vmul.f32 v53, v58  }
0x14f: {  	v32 =	vperm.xlane v30, v11;
	v33 =	vld [tilespmem:$0x5840];
	[tilespmem:$0x6B60] =	vst v23;
	v23 =	vmul.f32 v55, v60  }
0x150: {  	v35 =	vld [tilespmem:$0x5860];
	v34 =	vperm.xlane v30, v12;
	[tilespmem:$0x6B80] =	vst v22;
	v22 =	vmul.f32 v57, v62  }
0x151: {  	v36 =	vperm.xlane v30, v13;
	v37 =	vld [tilespmem:$0x5880];
	[tilespmem:$0x6BA0] =	vst v23;
	v23 =	vmul.f32 v59, v32  }
0x152: {  	v38 =	vperm.xlane v30, v14;
	v39 =	vld [tilespmem:$0x58A0];
	[tilespmem:$0x6BC0] =	vst v22;
	v22 =	vmul.f32 v61, v34  }
0x153: {  	v40 =	vperm.xlane v30, v15;
	[tilespmem:$0x6BE0] =	vst v23;
	v23 =	vmul.f32 v63, v36  }
0x154: {  	v41 =	vperm.xlane v30, v16;
	[tilespmem:$0x6C00] =	vst v22;
	v22 =	vmul.f32 v33, v38  }
0x155: {  	v42 =	vperm.xlane v30, v17;
	[tilespmem:$0x6C20] =	vst v23;
	v23 =	vmul.f32 v35, v40  }
0x156: {  	[tilespmem:$0x6C40] =	vst v22;
	v22 =	vmul.f32 v37, v41  }
0x157: {  	[tilespmem:$0x6C60] =	vst v23;
	v23 =	vmul.f32 v39, v42  }
0x158: {  	[tilespmem:$0x6C80] =	vst v22  }
0x159: {  	[tilespmem:$0x6CA0] =	vst v23  }
0x15a: {  	[spmem:s3] =	stream.indirect.scatter.add.f32 [tilespmem:s25], [sflag:$0x3], $0x20, s26, s22, $0xb8;
	[tilespmem:$0x105F0] =	vst v63  }
0x15b: {  	s15 =	sadd.s32 $0xA0, s0  }
0x15c: {  	[tilespmem:s23], [sflag:$0x1] =	stream.indirect.gather [hbm4b:s5+s22], $0x20, s15, s22, $0xb8;
	[tilespmem:$0x105F0] =	vst v63  }
0x15d: {  	s15 =	simm.s32 @!p1 $0x4  }
0x15e: {  	_ =	swait.ge @!p1 [sflag:s15], $0xA00  }
0x15f: {  	[sflag:s15] =	ssyncset.done @!p1 $0x0  }
0x160: {  	[sflag:s15] =	ssyncadd.s32 @!p1 $0xFFFFF600  }
0x161: {  	_ =	swait.ge [sflag:s20], $0xA00  }
0x162: {  	[sflag:s20] =	ssyncset.done $0x0  }
0x163: {  	[sflag:s20] =	ssyncadd.s32 $0xFFFFF600  }
0x164: {  	v22 =	vld [tilespmem:s0+$0x2760];
	_ =	sdelay $0x4  }
0x165: {  	[tilespmem:$0x4E70] =	vst v22  }
0x166: {  	v22 =	vld [tilespmem:s0+$0x2770];
	_ =	sdelay $0x4  }
0x167: {  	[tilespmem:$0x4E80] =	vst v22  }
0x168: {  	v22 =	vld [tilespmem:s0+$0x2780];
	_ =	sdelay $0x4  }
0x169: {  	[tilespmem:$0x4E90] =	vst v22  }
0x16a: {  	v22 =	vld [tilespmem:s0+$0x2790];
	_ =	sdelay $0x4  }
0x16b: {  	[tilespmem:$0x4EA0] =	vst v22  }
0x16c: {  	v22 =	vld [tilespmem:s0+$0x27A0];
	_ =	sdelay $0x4  }
0x16d: {  	[tilespmem:$0x4EB0] =	vst v22  }
0x16e: {  	v22 =	vld [tilespmem:s0+$0x2760];
	_ =	sdelay $0x6  }
0x16f: {  	v23 =	vld.idx.msk [tilespmem:v1+s24+$0x0], $0xffff  }
0x170: {  	v22 =	vld.idx.msk [tilespmem:v22+s16+$0x0], $0xffff;
	_ =	sdelay $0x4  }
0x171: {  	v22 =	vadd.f32 v23, v22;
	_ =	sdelay $0x1  }
0x172: {  	v23 =	vmul.f32 $2.000000030e-01, v22;
	_ =	sdelay $0x1  }
0x173: {  	v22 =	vmax.f32 v22, v23  }
0x174: {  	v23 =	vld [tilespmem:s0+$0x2770];
	v22 =	vmul.f32 $1.442695020e+00, v22;
	_ =	sdelay $0x1  }
0x175: {  	(erf) = vpow2.f32 v22;
	_ =	sdelay $0x1  }
0x176: {  	v49 =	vld [tilespmem:s0+$0x2780];
	_ =	sdelay $0x3  }
0x177: {  	v22 =	vld.idx.msk [tilespmem:v23+s16+$0x0], $0xffff  }
0x178: {  	v23 =	vld.idx.msk [tilespmem:v18+s24+$0x0], $0xffff;
	_ =	sdelay $0x1  }
0x179: {  	v62 =	vld.idx.msk [tilespmem:v19+s24+$0x0], $0xffff;
	v24 =	vpop (erf)  }
0x17a: {  	v28 =	vld.idx.msk [tilespmem:v49+s16+$0x0], $0xffff;
	[tilespmem:v1+s28+$0x0] =	vst.idx.msk $0xffff, v24  }
0x17b: {  	v43 =	vld [tilespmem:$0x58C0]  }
0x17c: {  	v22 =	vadd.f32 v23, v22;
	v44 =	vld [tilespmem:$0x58E0]  }
0x17d: {  	v23 =	vld [tilespmem:$0x5900]  }
0x17e: {  	v45 =	vld [tilespmem:$0x5920];
	v46 =	vmul.f32 $2.000000030e-01, v22  }
0x17f: {  	v52 =	vperm.xlane v24, v2;
	v47 =	vld [tilespmem:$0x5940]  }
0x180: {  	v53 =	vperm.xlane v24, v3;
	v55 =	vperm.xlane v24, v4;
	v48 =	vld [tilespmem:$0x5960];
	v22 =	vmax.f32 v22, v46  }
0x181: {  	v57 =	vperm.xlane v24, v5;
	v50 =	vld [tilespmem:$0x5980];
	v22 =	vmul.f32 $1.442695020e+00, v22  }
0x182: {  	v58 =	vperm.xlane v24, v6;
	v59 =	vperm.xlane v24, v7;
	v51 =	vld [tilespmem:$0x59A0]  }
0x183: {  	v61 =	vperm.xlane v24, v8;
	v54 =	vld [tilespmem:$0x59E0];
	(erf) = vpow2.f32 v22  }
0x184: {  	v49 =	vperm.xlane v24, v11;
	v56 =	vld [tilespmem:$0x5A00];
	v25 =	vmul.f32 v43, v52  }
0x185: {  	v46 =	vperm.xlane v24, v9;
	v26 =	vmul.f32 v44, v53;
	v43 =	vld [tilespmem:s0+$0x2790]  }
0x186: {  	v33 =	vld [tilespmem:$0x5A20];
	v23 =	vmul.f32 v23, v55;
	v60 =	vmul.f32 v45, v57;
	[tilespmem:$0x6CC0] =	vst v25  }
0x187: {  	v28 =	vadd.f32 v62, v28;
	v63 =	vmul.f32 v47, v58;
	v44 =	vmul.f32 v48, v59;
	v45 =	vld [tilespmem:$0x5A60];
	[tilespmem:$0x6CE0] =	vst v26  }
0x188: {  	v48 =	vperm.xlane v24, v10;
	v52 =	vperm.xlane v24, v12;
	v22 =	vld [tilespmem:$0x59C0];
	[tilespmem:$0x6D00] =	vst v23  }
0x189: {  	v36 =	vld [tilespmem:$0x5A40];
	v59 =	vmul.f32 $2.000000030e-01, v28;
	v23 =	vmul.f32 v50, v61;
	[tilespmem:$0x6D20] =	vst v60  }
0x18a: {  	v47 =	vld [tilespmem:$0x5A80];
	[tilespmem:$0x6D40] =	vst v63;
	v27 =	vmul.f32 v56, v52;
	v61 =	vperm.xlane v24, v15  }
0x18b: {  	v51 =	vmul.f32 v51, v46;
	v54 =	vmul.f32 v54, v49;
	v50 =	vld [tilespmem:$0x5AA0];
	[tilespmem:$0x6D80] =	vst v23  }
0x18c: {  	v28 =	vmax.f32 v28, v59;
	[tilespmem:$0x6E00] =	vst v27;
	v40 =	vmul.f32 v45, v61;
	v61 =	vld.idx.msk [tilespmem:v20+s24+$0x0], $0xffff;
	v38 =	vpop (erf)  }
0x18d: {  	v23 =	vperm.xlane v24, v14;
	v22 =	vmul.f32 v22, v48;
	v27 =	vld.idx.msk [tilespmem:v43+s16+$0x0], $0xffff;
	[tilespmem:v18+s28+$0x0] =	vst.idx.msk $0xffff, v38  }
0x18e: {  	[tilespmem:$0x6D60] =	vst v44;
	v56 =	vperm.xlane v24, v13;
	v28 =	vmul.f32 $1.442695020e+00, v28;
	v53 =	vld [tilespmem:$0x5AC0]  }
0x18f: {  	[tilespmem:$0x6DC0] =	vst v22;
	v22 =	vmul.f32 v36, v23;
	v23 =	vperm.xlane v24, v16;
	v55 =	vld [tilespmem:$0x5AE0]  }
0x190: {  	[tilespmem:$0x6DA0] =	vst v51;
	v60 =	vmul.f32 v33, v56;
	v24 =	vperm.xlane v24, v17;
	v57 =	vld [tilespmem:$0x5B00]  }
0x191: {  	[tilespmem:$0x6DE0] =	vst v54;
	v23 =	vmul.f32 v47, v23;
	(erf) = vpow2.f32 v28;
	v58 =	vld [tilespmem:$0x5B20]  }
0x192: {  	[tilespmem:$0x6E40] =	vst v22;
	v22 =	vmul.f32 v50, v24;
	v44 =	vperm.xlane v38, v2;
	v62 =	vld [tilespmem:$0x5B40]  }
0x193: {  	[tilespmem:$0x6E20] =	vst v60;
	v46 =	vperm.xlane v38, v3;
	v48 =	vperm.xlane v38, v4;
	v63 =	vld [tilespmem:$0x5B60]  }
0x194: {  	[tilespmem:$0x6E60] =	vst v40;
	v50 =	vperm.xlane v38, v5;
	v52 =	vperm.xlane v38, v6;
	v42 =	vld [tilespmem:$0x5B80]  }
0x195: {  	v54 =	vperm.xlane v38, v7;
	v47 =	vld [tilespmem:$0x5BC0];
	[tilespmem:$0x6E80] =	vst v23;
	v25 =	vmul.f32 v53, v44  }
0x196: {  	v56 =	vperm.xlane v38, v8;
	v51 =	vld [tilespmem:$0x5C00];
	[tilespmem:$0x6EA0] =	vst v22;
	v23 =	vmul.f32 v55, v46  }
0x197: {  	v60 =	vperm.xlane v38, v10;
	v45 =	vld [tilespmem:$0x5BA0];
	v22 =	vmul.f32 v57, v48;
	[tilespmem:$0x6EC0] =	vst v25  }
0x198: {  	v40 =	vperm.xlane v38, v12;
	v49 =	vld [tilespmem:$0x5BE0];
	v24 =	vmul.f32 v58, v50;
	[tilespmem:$0x6EE0] =	vst v23  }
0x199: {  	v41 =	vld [tilespmem:$0x5CA0];
	v58 =	vperm.xlane v38, v9;
	v59 =	vmul.f32 v42, v56;
	[tilespmem:$0x6F00] =	vst v22  }
0x19a: {  	v53 =	vld [tilespmem:$0x5C20];
	v26 =	vmul.f32 v47, v60;
	v42 =	vperm.xlane v38, v13;
	[tilespmem:$0x6F20] =	vst v24  }
0x19b: {  	v55 =	vld [tilespmem:$0x5C40];
	v44 =	vmul.f32 v51, v40;
	v47 =	vperm.xlane v38, v15;
	[tilespmem:$0x6F80] =	vst v59  }
0x19c: {  	v57 =	vld [tilespmem:$0x5C60];
	v50 =	vperm.xlane v38, v16;
	v23 =	vmul.f32 v62, v52;
	v36 =	vpop (erf);
	[tilespmem:$0x6FC0] =	vst v26  }
0x19d: {  	v22 =	vmul.f32 v63, v54;
	v62 =	vperm.xlane v38, v11;
	v63 =	vld [tilespmem:$0x5C80];
	[tilespmem:v19+s28+$0x0] =	vst.idx.msk $0xffff, v36  }
0x19e: {  	[tilespmem:$0x7000] =	vst v44;
	v37 =	vperm.xlane v36, v5;
	v40 =	vperm.xlane v36, v7;
	v43 =	vld [tilespmem:$0x5CC0]  }
0x19f: {  	[tilespmem:$0x6F40] =	vst v23;
	v23 =	vmul.f32 v45, v58;
	v45 =	vperm.xlane v38, v14;
	v46 =	vld [tilespmem:$0x5CE0]  }
0x1a0: {  	v27 =	vadd.f32 v61, v27;
	[tilespmem:$0x6F60] =	vst v22;
	v22 =	vmul.f32 v49, v62;
	v48 =	vld [tilespmem:$0x5D00];
	v62 =	vperm.xlane v36, v4  }
0x1a1: {  	v52 =	vld [tilespmem:$0x5D40];
	[tilespmem:$0x6FA0] =	vst v23;
	v23 =	vmul.f32 v53, v42;
	v49 =	vmul.f32 v55, v45  }
0x1a2: {  	v51 =	vld [tilespmem:$0x5D20];
	[tilespmem:$0x6FE0] =	vst v22;
	v22 =	vmul.f32 v57, v47;
	v53 =	vmul.f32 $2.000000030e-01, v27  }
0x1a3: {  	v56 =	vld [tilespmem:$0x5D60];
	v55 =	vperm.xlane v38, v17;
	v38 =	vperm.xlane v36, v6;
	[tilespmem:$0x7020] =	vst v23  }
0x1a4: {  	v58 =	vld [tilespmem:s0+$0x27A0];
	v54 =	vmul.f32 v63, v50;
	v23 =	vperm.xlane v36, v2;
	v27 =	vmax.f32 v27, v53;
	[tilespmem:$0x7040] =	vst v49  }
0x1a5: {  	v60 =	vld [tilespmem:$0x5D80];
	v59 =	vmul.f32 v41, v55;
	[tilespmem:$0x7060] =	vst v22;
	v27 =	vmul.f32 $1.442695020e+00, v27  }
0x1a6: {  	v61 =	vld [tilespmem:$0x5DA0];
	v57 =	vperm.xlane v36, v3;
	[tilespmem:$0x7080] =	vst v54;
	v25 =	vmul.f32 v52, v38  }
0x1a7: {  	v39 =	vld [tilespmem:$0x5DE0];
	v22 =	vmul.f32 v43, v23;
	[tilespmem:$0x70A0] =	vst v59;
	(erf) = vpow2.f32 v27  }
0x1a8: {  	v44 =	vld [tilespmem:$0x5E40];
	v45 =	vperm.xlane v36, v10;
	v23 =	vmul.f32 v46, v57;
	[tilespmem:$0x7140] =	vst v25  }
0x1a9: {  	v47 =	vld.idx.msk [tilespmem:v21+s24+$0x0], $0xffff;
	v43 =	vperm.xlane v36, v8;
	[tilespmem:$0x70C0] =	vst v22;
	v22 =	vmul.f32 v48, v62  }
0x1aa: {  	v63 =	vld [tilespmem:$0x5DC0];
	v50 =	vperm.xlane v36, v12;
	[tilespmem:$0x70E0] =	vst v23;
	v23 =	vmul.f32 v51, v37  }
0x1ab: {  	v41 =	vld [tilespmem:$0x5E00];
	v46 =	vperm.xlane v36, v11;
	v24 =	vmul.f32 v60, v43;
	[tilespmem:$0x7100] =	vst v22  }
0x1ac: {  	v33 =	vld.idx.msk [tilespmem:v58+s16+$0x0], $0xffff;
	v22 =	vmul.f32 v56, v40;
	[tilespmem:$0x7120] =	vst v23;
	v23 =	vperm.xlane v36, v9  }
0x1ad: {  	v53 =	vperm.xlane v36, v15;
	v48 =	vld [tilespmem:$0x5E60];
	v49 =	vmul.f32 v39, v46;
	[tilespmem:$0x7180] =	vst v24  }
0x1ae: {  	v42 =	vld [tilespmem:$0x5E20];
	v51 =	vperm.xlane v36, v14;
	[tilespmem:$0x7160] =	vst v22;
	v22 =	vmul.f32 v61, v23  }
0x1af: {  	v54 =	vld [tilespmem:$0x5EA0];
	v58 =	vperm.xlane v36, v16;
	v60 =	vperm.xlane v36, v17;
	[tilespmem:$0x71E0] =	vst v49  }
0x1b0: {  	v25 =	vmul.f32 v41, v50;
	v23 =	vmul.f32 v63, v45;
	[tilespmem:$0x71A0] =	vst v22;
	v34 =	vpop (erf)  }
0x1b1: {  	v52 =	vld [tilespmem:$0x5E80];
	v55 =	vadd.f32 v47, v33;
	v22 =	vperm.xlane v36, v13;
	[tilespmem:v20+s28+$0x0] =	vst.idx.msk $0xffff, v34  }
0x1b2: {  	v57 =	vmul.f32 v48, v53;
	[tilespmem:$0x71C0] =	vst v23;
	v23 =	vmul.f32 v44, v51;
	v56 =	vld [tilespmem:$0x5EC0]  }
0x1b3: {  	[tilespmem:$0x7200] =	vst v25;
	v61 =	vmul.f32 $2.000000030e-01, v55;
	v22 =	vmul.f32 v42, v22;
	v59 =	vld [tilespmem:$0x5EE0]  }
0x1b4: {  	[tilespmem:$0x7240] =	vst v23;
	v23 =	vmul.f32 v54, v60;
	v62 =	vperm.xlane v34, v2;
	v63 =	vld [tilespmem:$0x5F00]  }
0x1b5: {  	[tilespmem:$0x7260] =	vst v57;
	v33 =	vperm.xlane v34, v3;
	v26 =	vmax.f32 v55, v61;
	v38 =	vperm.xlane v34, v4;
	v35 =	vld [tilespmem:$0x5F20]  }
0x1b6: {  	[tilespmem:$0x7220] =	vst v22;
	v22 =	vmul.f32 v52, v58;
	v37 =	vld [tilespmem:$0x5F40];
	v26 =	vmul.f32 $1.442695020e+00, v26  }
0x1b7: {  	v39 =	vld [tilespmem:$0x5F60];
	[tilespmem:$0x72A0] =	vst v23;
	v23 =	vperm.xlane v34, v5;
	v36 =	vmul.f32 v56, v62  }
0x1b8: {  	v40 =	vld [tilespmem:$0x5F80];
	[tilespmem:$0x7280] =	vst v22;
	(erf) = vpow2.f32 v26;
	v22 =	vmul.f32 v59, v33  }
0x1b9: {  	v42 =	vperm.xlane v34, v6;
	v43 =	vld [tilespmem:$0x5FA0];
	v41 =	vmul.f32 v63, v38;
	[tilespmem:$0x72C0] =	vst v36  }
0x1ba: {  	v44 =	vld [tilespmem:$0x5FC0];
	[tilespmem:$0x72E0] =	vst v22;
	v22 =	vmul.f32 v35, v23;
	v23 =	vperm.xlane v34, v7  }
0x1bb: {  	v46 =	vperm.xlane v34, v8;
	v45 =	vmul.f32 v37, v42;
	[tilespmem:$0x7300] =	vst v41  }
0x1bc: {  	v47 =	vld [tilespmem:$0x5FE0];
	[tilespmem:$0x7320] =	vst v22;
	v22 =	vmul.f32 v39, v23;
	v23 =	vperm.xlane v34, v9  }
0x1bd: {  	v49 =	vperm.xlane v34, v10;
	v50 =	vld [tilespmem:$0x6000];
	v48 =	vmul.f32 v40, v46;
	[tilespmem:$0x7340] =	vst v45  }
0x1be: {  	[tilespmem:$0x7360] =	vst v22;
	v22 =	vmul.f32 v43, v23;
	v23 =	vld [tilespmem:$0x6020]  }
0x1bf: {  	v52 =	vperm.xlane v34, v11;
	v53 =	vld [tilespmem:$0x6040];
	v51 =	vmul.f32 v44, v49;
	[tilespmem:$0x7380] =	vst v48  }
0x1c0: {  	v54 =	vld [tilespmem:$0x6060];
	[tilespmem:$0x73A0] =	vst v22;
	v22 =	vperm.xlane v34, v12  }
0x1c1: {  	v57 =	vld [tilespmem:$0x6080];
	v55 =	vmul.f32 v47, v52;
	v56 =	vperm.xlane v34, v13;
	[tilespmem:$0x73C0] =	vst v51;
	v30 =	vpop (erf)  }
0x1c2: {  	v58 =	vperm.xlane v34, v14;
	v59 =	vld [tilespmem:$0x60A0];
	[tilespmem:v21+s28+$0x0] =	vst.idx.msk $0xffff, v30;
	v22 =	vmul.f32 v50, v22  }
0x1c3: {  	v60 =	vperm.xlane v34, v15;
	[tilespmem:$0x73E0] =	vst v55;
	v61 =	vld [tilespmem:$0x60C0];
	v23 =	vmul.f32 v23, v56  }
0x1c4: {  	v62 =	vperm.xlane v34, v16;
	v63 =	vld [tilespmem:$0x60E0];
	[tilespmem:$0x7400] =	vst v22;
	v22 =	vmul.f32 v53, v58  }
0x1c5: {  	v33 =	vperm.xlane v34, v17;
	v34 =	vld [tilespmem:$0x6100];
	[tilespmem:$0x7420] =	vst v23;
	v23 =	vmul.f32 v54, v60  }
0x1c6: {  	v35 =	vperm.xlane v30, v2;
	v36 =	vld [tilespmem:$0x6120];
	[tilespmem:$0x7440] =	vst v22;
	v22 =	vmul.f32 v57, v62  }
0x1c7: {  	v37 =	vperm.xlane v30, v3;
	v38 =	vld [tilespmem:$0x6140];
	[tilespmem:$0x7460] =	vst v23;
	v23 =	vmul.f32 v59, v33  }
0x1c8: {  	v39 =	vperm.xlane v30, v4;
	v40 =	vld [tilespmem:$0x6160];
	[tilespmem:$0x7480] =	vst v22;
	v22 =	vmul.f32 v61, v35  }
0x1c9: {  	v41 =	vperm.xlane v30, v5;
	v42 =	vld [tilespmem:$0x6180];
	[tilespmem:$0x74A0] =	vst v23;
	v23 =	vmul.f32 v63, v37  }
0x1ca: {  	v43 =	vperm.xlane v30, v6;
	v44 =	vld [tilespmem:$0x61A0];
	[tilespmem:$0x74C0] =	vst v22;
	v22 =	vmul.f32 v34, v39  }
0x1cb: {  	v45 =	vperm.xlane v30, v7;
	v46 =	vld [tilespmem:$0x61C0];
	[tilespmem:$0x74E0] =	vst v23;
	v23 =	vmul.f32 v36, v41  }
0x1cc: {  	v47 =	vperm.xlane v30, v8;
	v48 =	vld [tilespmem:$0x61E0];
	[tilespmem:$0x7500] =	vst v22;
	v22 =	vmul.f32 v38, v43  }
0x1cd: {  	v49 =	vperm.xlane v30, v9;
	v50 =	vld [tilespmem:$0x6200];
	[tilespmem:$0x7520] =	vst v23;
	v23 =	vmul.f32 v40, v45  }
0x1ce: {  	v51 =	vperm.xlane v30, v10;
	v52 =	vld [tilespmem:$0x6220];
	[tilespmem:$0x7540] =	vst v22;
	v22 =	vmul.f32 v42, v47  }
0x1cf: {  	v53 =	vperm.xlane v30, v11;
	v54 =	vld [tilespmem:$0x6240];
	[tilespmem:$0x7560] =	vst v23;
	v23 =	vmul.f32 v44, v49  }
0x1d0: {  	v55 =	vperm.xlane v30, v12;
	v56 =	vld [tilespmem:$0x6260];
	[tilespmem:$0x7580] =	vst v22;
	v22 =	vmul.f32 v46, v51  }
0x1d1: {  	v58 =	vld [tilespmem:$0x6280];
	v57 =	vperm.xlane v30, v13;
	[tilespmem:$0x75A0] =	vst v23;
	v23 =	vmul.f32 v48, v53  }
0x1d2: {  	v60 =	vld [tilespmem:$0x62A0];
	v59 =	vperm.xlane v30, v14;
	[tilespmem:$0x75C0] =	vst v22;
	v22 =	vmul.f32 v50, v55  }
0x1d3: {  	v61 =	vperm.xlane v30, v15;
	[tilespmem:$0x75E0] =	vst v23;
	v23 =	vmul.f32 v52, v57  }
0x1d4: {  	v62 =	vperm.xlane v30, v16;
	[tilespmem:$0x7600] =	vst v22;
	v22 =	vmul.f32 v54, v59  }
0x1d5: {  	p1 =	seq.s32 s1, $0x9880;
	v63 =	vperm.xlane v30, v17;
	[tilespmem:$0x7620] =	vst v23;
	v23 =	vmul.f32 v56, v61  }
.Ltmp4:
0x1d6: {  	[tilespmem:$0x7640] =	vst v22;
	v22 =	vmul.f32 v58, v62;
	(pc) =	sbr.rel @p1 .LBB2_8-.Ltmp4, $4  }
0x1d7: {  	[tilespmem:$0x7660] =	vst v23;
	v23 =	vmul.f32 v60, v63  }
0x1d8: {  	[tilespmem:$0x7680] =	vst v22  }
0x1d9: {  	[tilespmem:$0x76A0] =	vst v23  }
0x1da: {  	[spmem:s3] =	stream.indirect.scatter.add.f32 [tilespmem:s28], [sflag:$0x4], $0x20, s29, s22, $0xb8;
	[tilespmem:$0x105F0] =	vst v63  }
.Ltmp5:
0x1db: {  	(pc) =	sbr.rel .LBB2_6-.Ltmp5, $3  }
0x1dc: {  	_ =	sdelay $0x1  }
0x1dd: {  	s0 =	sadd.s32 $0xF0, s0;
	s1 =	sadd.s32 $0x280, s1  }
0x1de: {  	[tilespmem:s24], [sflag:$0x2] =	stream.indirect.gather [hbm4b:s5+s22], $0x20, s0, s22, $0xb8;
	[tilespmem:$0x105F0] =	vst v63  }
.LBB2_9:
0x1df: {  	_ =	sfence.sel $0x180000  }
0x1e0: {  	[bflag:$0x0] =	sbarrier.arrive $0xFFFF  }
0x1e1: {  	_ =	strace $0x9000004A  }
0x1e2: {  	[bflag:$0x2] =	sbarrier.arrive $0xFFFF  }
0x1e3: {  	s0 =	rddreg [dreg:$0x3]  }
0x1e4: {  	s0 =	sadd.s32 @!p0 $0x100000, s0  }
0x1e5: {  	[sflag:s0] =	ssyncadd.tile.s32 @!p0 $0x1;
	_ =	shalt  }
.Lfunc_end2:
_tile_overlayer_lowered:
.L_overlay_start_2:
0x1e6: {  	(tag) =	ssettag $0x2  }
0x1e7: {  	s0 =	rddreg [dreg:$0x0];
	s2 =	stileid.u32  }
0x1e8: {  	s1 =	rddreg [dreg:$0x1];
	p0 =	sne.s32 s2, $0x0  }
0x1e9: {  	s3 =	rddreg [dreg:$0x2];
	[bflag:$0x3] =	sbarrier.arrive $0xFFFF;
	s2 =	simm.s32 @!p0 $0x1C05  }
0x1ea: {  	[timem:s3], [sflag:s2] =	dma.local @!p0 [hbm:s0], s1  }
0x1eb: {  	s0 =	simm.s32 @!p0 $0x5  }
0x1ec: {  	_ =	swait.ge @!p0 [sflag:s0], s1  }
0x1ed: {  	s1 =	ssub.s32 @!p0 $0x0, s1;
	[sflag:s0] =	ssyncset.done @!p0 $0x0  }
0x1ee: {  	[sflag:s0] =	ssyncadd.s32 @!p0 s1  }
0x1ef: {  	[bflag:$0x3] =	sbarrier.arrive $0xFFFF  }
0x1f0: {  	_ =	shalt  }

// kernel: kernel.7.cloned.1.call-start
scs
__scs_entry_jumppad:
0x0: {  	(pc) =	sbr.rel $0x88, $3  }
0x1: {  	(tag) =	ssettag $0x0;
	lr =	simm.s32 $0x1  }
0x2: {  	[smem:$0x3F97] =	sst lr;
	_ =	strace $0xD0000000  }
0x3: {  	_ = 	snop  }
0x4: {  	_ = 	snop  }
0x5: {  	_ = 	snop  }
0x6: {  	_ = 	snop  }
0x7: {  	_ = 	snop  }
__scs_overlays_trampoline_lowered:
0x8: {  	[smem:$0x3FA6] =	sst s0  }
0x9: {  	[smem:$0x3FA7] =	sst s1  }
0xa: {  	[smem:$0x3FA8] =	sst s2  }
0xb: {  	[smem:$0x3FA9] =	sst s3  }
0xc: {  	[smem:$0x3FAA] =	sst s4  }
0xd: {  	[smem:$0x3FAB] =	sst s5  }
0xe: {  	[smem:$0x3FAC] =	sst s6  }
0xf: {  	[smem:$0x3FAD] =	sst s7  }
0x10: {  	[smem:$0x3FAE] =	sst s8  }
0x11: {  	[smem:$0x3FAF] =	sst s9;
	s0 =	simm.s32 @!p0 $0x0  }
0x12: {  	s1 =	sld [smem:$0x3F95];
	s0 =	simm.s32 @p0 $0x1  }
0x13: {  	[smem:$0x3FB0] =	sst s0;
	s0 =	simm.s32 @!p1 $0x0  }
0x14: {  	s2 =	sld [smem:$0x3F94];
	s0 =	simm.s32 @p1 $0x1  }
0x15: {  	[smem:$0x3FB1] =	sst s0;
	s0 =	simm.s32 @!p2 $0x0  }
0x16: {  	s3 =	sld [smem:$0x3FDB];
	s0 =	simm.s32 @p2 $0x1  }
0x17: {  	s4 =	simm.s32 $0x1BF5;
	[smem:$0x3FB3] =	sst s0  }
0x18: {  	s0 =	sld [smem:$0x3F96];
	_ =	swait.ge [sflag:s4], $0x0  }
0x19: {  	s7 =	sld [smem:$0x3F97]  }
0x1a: {  	s8 =	sadd.s32 $0xFFFFE003, lr  }
0x1b: {  	s9 =	sadd.s32 $0xFFFFFEF7, lr;
	s5 =	simm.s32 $0xFFFFFFFF;
	p2 =	slt.u32 s8, $0xFFFFF086  }
0x1c: {  	p1 =	slt.u32 s9, $0xF7A;
	s5 =	simm.s32 @!p2 $0x0  }
0x1d: {  	s5 =	simm.s32 @p1 $0x1;
	p0 =	seq.s32 s7, s2  }
0x1e: {  	s7 =	smul.u32 @!p0 $0xF7A, s2;
	p2 =	seq.s32 @!p0 s5, $0x0  }
0x1f: {  	s9 =	smul.u32 $0xF7A, s1;
	s8 =	simm.s32 @!p0 $0x1BF5;
	p2 =	por !p2, p0  }
0x20: {  	[sflag:s8] =	ssyncset.s32 @!p0 $0xFFFFF086;
	s6 =	sadd.s32 @!p0 s3, s7;
	s7 =	simm.s32 @!p0 $0x108  }
0x21: {  	s3 =	sadd.s32 s3, s9;
	s6 =	sadd.s32 @!p0 $0x88, s6;
	s7 =	simm.s32 @p2 $0x1082  }
0x22: {  	[simem:s7], [sflag:s8] =	dma.local @!p0 [hbm:s6], $0xF7A  }
0x23: {  	s9 =	sor.u32 $0xD0000000, s2;
	s6 =	simm.s32 $0x108;
	_ =	swait.ge @!p0 [sflag:s8], $0x0  }
0x24: {  	s3 =	sadd.s32 $0x88, s3;
	s6 =	simm.s32 @!p1 $0x1082;
	[sflag:s4] =	ssyncset.s32 $0xFFFFF086  }
0x25: {  	[simem:s6], [sflag:s4] =	dma.local [hbm:s3], $0xF7A  }
0x26: {  	[smem:$0x3F97] =	sst s1;
	(tag) =	ssettag s2;
	_ =	strace s9  }
0x27: {  	s1 =	sld [smem:$0x3FA7]  }
0x28: {  	s2 =	sld [smem:$0x3FA8]  }
0x29: {  	s4 =	sld [smem:$0x3FAA]  }
0x2a: {  	p0 =	seq.s32 s5, $0x0;
	s5 =	sld [smem:$0x3FAB]  }
0x2b: {  	s6 =	sld [smem:$0x3FAC]  }
0x2c: {  	s7 =	sld [smem:$0x3FAD]  }
0x2d: {  	s3 =	simm.s32 $0x108;
	s8 =	sld [smem:$0x3FAE]  }
0x2e: {  	s3 =	simm.s32 @!p0 $0x1082;
	s9 =	sld [smem:$0x3FAF]  }
0x2f: {  	lr =	sadd.s32 s0, s3;
	s0 =	sld [smem:$0x3FA6]  }
0x30: {  	s3 =	sld [smem:$0x3FA9]  }
0x31: {  	[smem:$0x3FB2] =	sst s10  }
0x32: {  	s10 =	sld [smem:$0x3FB0];
	_ =	sdelay $0x3  }
0x33: {  	p0 =	seq.s32 s10, $0x1;
	s10 =	sld [smem:$0x3FB2];
	_ =	sdelay $0x3  }
0x34: {  	[smem:$0x3FB2] =	sst s10  }
0x35: {  	s10 =	sld [smem:$0x3FB1];
	_ =	sdelay $0x3  }
0x36: {  	p1 =	seq.s32 s10, $0x1;
	s10 =	sld [smem:$0x3FB2];
	_ =	sdelay $0x3  }
0x37: {  	[smem:$0x3FB2] =	sst s10  }
0x38: {  	s10 =	sld [smem:$0x3FB3]  }
0x39: {  	_ = 	snop;
	(pc) =	sbr.ind lr, $3  }
0x3a: {  	_ = 	snop  }
0x3b: {  	_ = 	snop  }
0x3c: {  	p2 =	seq.s32 s10, $0x1;
	s10 =	sld [smem:$0x3FB2]  }
0x3d: {  	_ =	shalt  }
0x3e: {  	_ =	shalt  }
0x3f: {  	_ =	shalt  }
0x40: {  	_ =	shalt  }
0x41: {  	_ =	shalt  }
0x42: {  	_ =	shalt  }
0x43: {  	_ =	shalt  }
0x44: {  	_ =	shalt  }
0x45: {  	_ =	shalt  }
0x46: {  	_ =	shalt  }
0x47: {  	_ =	shalt  }
0x48: {  	_ =	shalt  }
0x49: {  	_ =	shalt  }
0x4a: {  	_ =	shalt  }
0x4b: {  	_ =	shalt  }
0x4c: {  	_ =	shalt  }
0x4d: {  	_ =	shalt  }
0x4e: {  	_ =	shalt  }
0x4f: {  	_ =	shalt  }
0x50: {  	_ =	shalt  }
0x51: {  	_ =	shalt  }
0x52: {  	_ =	shalt  }
0x53: {  	_ =	shalt  }
0x54: {  	_ =	shalt  }
0x55: {  	_ =	shalt  }
0x56: {  	_ =	shalt  }
0x57: {  	_ =	shalt  }
0x58: {  	_ =	shalt  }
0x59: {  	_ =	shalt  }
0x5a: {  	_ =	shalt  }
0x5b: {  	_ =	shalt  }
0x5c: {  	_ =	shalt  }
0x5d: {  	_ =	shalt  }
0x5e: {  	_ =	shalt  }
0x5f: {  	_ =	shalt  }
0x60: {  	_ =	shalt  }
0x61: {  	_ =	shalt  }
0x62: {  	_ =	shalt  }
0x63: {  	_ =	shalt  }
0x64: {  	_ =	shalt  }
0x65: {  	_ =	shalt  }
0x66: {  	_ =	shalt  }
0x67: {  	_ =	shalt  }
0x68: {  	_ =	shalt  }
0x69: {  	_ =	shalt  }
0x6a: {  	_ =	shalt  }
0x6b: {  	_ =	shalt  }
0x6c: {  	_ =	shalt  }
0x6d: {  	_ =	shalt  }
0x6e: {  	_ =	shalt  }
0x6f: {  	_ =	shalt  }
0x70: {  	_ =	shalt  }
0x71: {  	_ =	shalt  }
0x72: {  	_ =	shalt  }
0x73: {  	_ =	shalt  }
0x74: {  	_ =	shalt  }
0x75: {  	_ =	shalt  }
0x76: {  	_ =	shalt  }
0x77: {  	_ =	shalt  }
0x78: {  	_ =	shalt  }
0x79: {  	_ =	shalt  }
0x7a: {  	_ =	shalt  }
0x7b: {  	_ =	shalt  }
0x7c: {  	_ =	shalt  }
0x7d: {  	_ =	shalt  }
0x7e: {  	_ =	shalt  }
0x7f: {  	_ =	shalt  }
0x80: {  	_ =	shalt  }
0x81: {  	_ =	shalt  }
0x82: {  	_ =	shalt  }
0x83: {  	_ =	shalt  }
0x84: {  	_ =	shalt  }
0x85: {  	_ =	shalt  }
0x86: {  	_ =	shalt  }
0x87: {  	_ =	shalt  }
.Lfunc_end0:
.L_simem_size_0:
called_computation_lowered:
.L_overlay_start_0:
0x88: {  	s2 =	sld [smem:$0x3FD9]  }
0x89: {  	s3 =	sld [smem:$0x3FFE];
	_ =	sdelay $0x1  }
0x8a: {  	s1 =	srdreg.scid  }
0x8b: {  	s0 =	sand.u32 $0x1, s1  }
0x8c: {  	s16 =	sshll.u32 s0, $0xA;
	s2 =	sadd.s32 s3, s2  }
0x8d: {  	s2 =	sadd.s32 s2, s16  }
0x8e: {  	[smem:$0x3FBE] =	sst s2  }
0x8f: {  	_ = 	snop  }
0x90: {  	(tm) =	ssettm $0x1  }
0x91: {  	s17 =	sld [smem:$0x3FFB];
	_ =	sdelay $0x3  }
0x92: {  	_ =	strace s17  }
0x93: {  	s2 =	sld [smem:$0x3FFC];
	_ =	sdelay $0x3  }
0x94: {  	_ =	strace s2  }
0x95: {  	s2 =	sld [smem:$0x3FFD];
	_ =	sdelay $0x3  }
0x96: {  	_ =	strace s2  }
0x97: {  	_ =	strace $0x8FFFFFFF  }
0x98: {  	s18 =	sld [smem:$0x3FDB];
	_ =	sdelay $0x1  }
0x99: {  	s19 =	simm.s32 $_scs_section_size  }
0x9a: {  	s4 =	simm.s32 $_size__tile_overlayer_lowered;
	s5 =	simm.s32 $_tile_overlayer_lowered  }
0x9b: {  	s22 =	simm.s32 $0x1BFF;
	s21 =	sshll.u32 s5, $0x1;
	s2 =	sadd.s32 s19, s18  }
0x9c: {  	s6 =	simm.s32 $0x0;
	s20 =	sshll.u32 s4, $0x1;
	s4 =	sadd.s32 s21, s2  }
0x9d: {  	[timem:s6], [sflag:s22] =	dma.local [hbm:s4], s20  }
0x9e: {  	_ =	swait.ge [sflag:s22], s20  }
0x9f: {  	s3 =	ssub.s32 $0x0, s20;
	[sflag:s22] =	ssyncset.done $0x0  }
0xa0: {  	[sflag:s22] =	ssyncadd.s32 s3;
	_ =	sdelay $0x1  }
0xa1: {  	s23 =	simm.s32 $0x1B8B  }
0xa2: {  	_ =	swait.ge [sflag:s23], $0x1  }
0xa3: {  	[sflag:s23] =	ssyncset.done $0x0  }
0xa4: {  	s25 =	simm.s32 $0x1B8E;
	s24 =	sld [smem:$0x3FFE];
	[sflag:s23] =	ssyncadd.s32 $0xFFFFFFFF  }
0xa5: {  	s26 =	simm.s32 $execute0_lowered;
	[smem:$0x3FD2] =	sst s25  }
0xa6: {  	s4 =	sshll.u32 s26, $0x1;
	_ =	strace $0x80000046;
	[dreg:$0x1] =	wrdreg $0xFFFFFFFF  }
0xa7: {  	s28 =	simm.s32 $_size_execute0_lowered;
	s2 =	sadd.s32 s2, s4;
	[dreg:$0x0] =	wrdreg $0x0  }
0xa8: {  	s4 =	sshll.u32 s28, $0x1;
	[dreg:$0x2] =	wrdreg s2  }
0xa9: {  	[dreg:$0x3] =	wrdreg s4  }
0xaa: {  	[dreg:$0x4] =	wrdreg $0xC0  }
0xab: {  	_ =	task [dreg:s6], $0x5FFFF  }
0xac: {  	[dreg:$0x1] =	wrdreg $0xFFFFFFFF  }
0xad: {  	[dreg:$0x0] =	wrdreg $0x60  }
0xae: {  	[dreg:$0x2] =	wrdreg s24  }
0xaf: {  	[dreg:$0x3] =	wrdreg $0xFDC00  }
0xb0: {  	[dreg:$0x4] =	wrdreg $0x9  }
0xb1: {  	_ =	task.clear_ibuf [dreg:s6], $0x5FFFF;
	_ =	strace $0x90000046  }
0xb2: {  	s29 =	simm.s32 $0x9;
	_ =	strace $0x80000048  }
0xb3: {  	_ =	swait.ge [sflag:s29], $0x1  }
0xb4: {  	[sflag:s29] =	ssyncadd.s32 $0xFFFFFFFF  }
0xb5: {  	_ =	strace $0x90000048  }
0xb6: {  	_ =	sfence  }
0xb7: {  	s30 =	sld [smem:$0x0];
	_ =	sdelay $0x2  }
0xb8: {  	s31 =	sshll.u32 s1, $0xD;
	s1 =	sshrl.u32 s1, $0x2  }
0xb9: {  	s3 =	sand.u32 $0x4000, s31;
	s1 =	sadd.s32 s1, s30  }
0xba: {  	s0 =	sor.u32 s3, s0;
	s1 =	sshll.u32 s1, $0x11  }
0xbb: {  	s0 =	sor.u32 s1, s0  }
0xbc: {  	s0 =	sadd.s32 $0x8F2B, s0  }
0xbd: {  	[sflag:s0] =	ssyncadd.remote.s32 $0x1  }
0xbe: {  	_ =	sfence.sel $0xFFFF  }
0xbf: {  	[dreg:$0x0] =	wrdreg $0xFFFFFFFF;
	(pc) =	sbr.abs _section_cstart, $3  }
0xc0: {  	[dreg:$0x1] =	wrdreg $0xFFFFFFFF  }
0xc1: {  	_ =	task.clear_ibuf [dreg:s6], $0x2FFFF;
	_ =	strace $0x9FFFFFFF  }
0xc2: {  	(tm) =	ssettm $0x7FFFFFFF  }
0xc3: {  	_ =	shalt  }
tec
execute0_lowered:
.L_overlay_start_1:
0x0: {  	(tag) =	ssettag $0x1  }
0x1: {  	s1 =	srdreg.scid  }
0x2: {  	s0 =	stileid.u32;
	s3 =	rddreg [dreg:$0x0]  }
0x3: {  	s8 =	rddreg [dreg:$0x1];
	s25 =	simm.s32 $0x0;
	s14 =	simm.s32 $0x3  }
0x4: {  	s15 =	simm.s32 $0x1;
	s16 =	simm.s32 $0x2;
	s17 =	simm.s32 $0x4EC0  }
0x5: {  	s18 =	simm.s32 $0x80C0;
	s19 =	simm.s32 $0x67C0;
	s20 =	simm.s32 $0x85C0  }
0x6: {  	s21 =	simm.s32 $0x0;
	s4 =	sand.u32 $0x1, s1;
	s24 =	sshll.u32 s0, $0x1  }
0x7: {  	[smem:$0x7FF] =	sst s25;
	s9 =	smul.u32 $0x30C00, s0;
	s10 =	sadd.s32 $0x2DE00, s3  }
0x8: {  	s26 =	smul.u32 $0xC300, s0;
	p0 =	sne.s32 s0, $0x0;
	s5 =	sor.u32 s4, s24  }
0x9: {  	_ =	strace $0x80000047;
	s6 =	ssub.s32 $0x2, s4;
	s29 =	smul.u32 $0xC3500, s4  }
0xa: {  	s5 =	smul.u32 $0x2710, s5;
	s7 =	sshrl.u32 s6, $0x1;
	s28 =	sshrl.u32 s9, $0x2  }
0xb: {  	s11 =	ssub.s32 s6, s7;
	s12 =	sadd.s32 s28, s8;
	s13 =	sadd.s32 s26, s29  }
0xc: {  	v2 =	vlaneseq.u32;
	s9 =	sshrl.u32 s29, $0x3;
	s5 =	sshrl.u32 s5, $0x3;
	s6 =	sadd.s32 $0x4100, s12  }
0xd: {  	v0 =	vimm.f32 $0.0e+00;
	v1 =	vshrl.u32 v2, $0x3;
	v2 =	vand.u32 $0x7, v2;
	s7 =	sadd.s32 $0x8200, s12;
	s30 =	sshrl.u32 s13, $0x3;
	s31 =	sadd.s32 s10, s9  }
0xe: {  	vm0 =	vmmov $0xff;
	v3 =	vor.u32 $0x40, v2;
	v4 =	vor.u32 $0x8, v1;
	s11 =	smax.u32 s11, $0x1;
	s13 =	simm.s32 $0xBCC0;
	s5 =	sadd.s32 s5, s3  }
0xf: {  	v5 =	vor.u32 $0x2, v1;
	v6 =	vor.u32 $0xA, v1;
	v7 =	vor.u32 $0x4, v1;
	s9 =	sadd.s32 s10, s30;
	s10 =	sadd.s32 $0x18600, s31;
	s3 =	sadd.s32 $0x1C00, s5  }
0x10: {  	v8 =	vor.u32 $0xC, v1;
	v9 =	vor.u32 $0x6, v1;
	v10 =	vor.u32 $0xE, v1;
	s4 =	sadd.s32 $0xB840, s5;
	s5 =	sadd.s32 s26, s8;
	s8 =	sadd.s32 $0xC3000, s8  }
.LBB2_1:
0x11: {  	s0 =	simm.s32 $0x0  }
0x12: {  	[tilespmem:s0], [sflag:$0x1] =	stream.linear.gather [hbm4b:s3+s0], $0x2710, $0x38;
	[tilespmem:$0x1C110] =	vst v63  }
0x13: {  	s1 =	simm.s32 $0x2710;
	s23 =	simm.s32 $0x140;
	s22 =	simm.s32 $0x0  }
0x14: {  	[tilespmem:s1], [sflag:$0x2] =	stream.linear.gather [hbm4b:s4+s0], $0x2710, $0x38;
	[tilespmem:$0x1C110] =	vst v63  }
.LBB2_2:
0x15: {  	p1 =	sne.s32 s23, $0x102C0;
	[tilespmem:s22+$0xBD00] =	vst v0;
	s24 =	smov.u32 s23;
	s23 =	sadd.s32 $0x140, s23  }
.Ltmp0:
0x16: {  	[tilespmem:s22+$0xBCF0] =	vst v0;
	(pc) =	sbr.rel @p1 .LBB2_2-.Ltmp0, $4  }
0x17: {  	[tilespmem:s22+$0xBCE0] =	vst v0  }
0x18: {  	[tilespmem:s22+$0xBCC0] =	vst v0  }
0x19: {  	[tilespmem:s22+$0xBCD0] =	vst v0  }
0x1a: {  	s22 =	sshra.s32 s24, $0x2  }
0x1b: {  	[tilespmem:s22+$0xBD00] =	vst v0  }
0x1c: {  	[tilespmem:s22+$0xBCF0] =	vst v0  }
0x1d: {  	[tilespmem:s22+$0xBCE0] =	vst v0  }
0x1e: {  	[tilespmem:s22+$0xBCC0] =	vst v0  }
0x1f: {  	[tilespmem:s22+$0xBCD0] =	vst v0  }
0x20: {  	[spmem:s5] =	stream.linear.scatter [tilespmem:s13], [sflag:$0x3], $0x4100, $0x38;
	[tilespmem:$0x1C110] =	vst v63  }
0x21: {  	_ =	swait.ge [sflag:s14], $0x4100  }
0x22: {  	[sflag:s14] =	ssyncset.done $0x0  }
0x23: {  	[sflag:s14] =	ssyncadd.s32 $0xFFFFBF00  }
0x24: {  	[spmem:s6] =	stream.linear.scatter [tilespmem:s13], [sflag:$0x3], $0x4100, $0x38;
	[tilespmem:$0x1C110] =	vst v63  }
0x25: {  	_ =	swait.ge [sflag:s14], $0x4100  }
0x26: {  	[sflag:s14] =	ssyncset.done $0x0  }
0x27: {  	[sflag:s14] =	ssyncadd.s32 $0xFFFFBF00  }
0x28: {  	[spmem:s7] =	stream.linear.scatter [tilespmem:s13], [sflag:$0x3], $0x4100, $0x38;
	[tilespmem:$0x1C110] =	vst v63  }
0x29: {  	_ =	swait.ge [sflag:s14], $0x4100  }
0x2a: {  	[sflag:s14] =	ssyncset.done $0x0  }
0x2b: {  	s22 =	simm.s32 @!p0 $0xBCC0;
	[sflag:s14] =	ssyncadd.s32 $0xFFFFBF00  }
0x2c: {  	[spmem:s8] =	stream.linear.scatter @!p0 [tilespmem:s22], [sflag:$0x3], $0x500, $0x38;
	[tilespmem:$0x1C110] =	vst v63  }
0x2d: {  	s22 =	simm.s32 @!p0 $0x3  }
0x2e: {  	_ =	swait.ge @!p0 [sflag:s22], $0x500  }
0x2f: {  	[sflag:s22] =	ssyncset.done @!p0 $0x0  }
0x30: {  	[sflag:s22] =	ssyncadd.s32 @!p0 $0xFFFFFB00  }
0x31: {  	_ =	swait.ge [sflag:s15], $0x2710  }
0x32: {  	[sflag:s15] =	ssyncset.done $0x0  }
0x33: {  	[sflag:s15] =	ssyncadd.s32 $0xFFFFD8F0  }
0x34: {  	_ =	swait.ge [sflag:s16], $0x2710  }
0x35: {  	[sflag:s16] =	ssyncset.done $0x0  }
0x36: {  	s22 =	simm.s32 $0x0;
	[sflag:s16] =	ssyncadd.s32 $0xFFFFD8F0  }
.LBB2_4:
0x37: {  	s23 =	smul.u32 $0x280, s22;
	_ =	sdelay $0x1  }
0x38: {  	s23 =	sshra.s32 s23, $0x2  }
0x39: {  	v11 =	vld [tilespmem:s23+$0x2710];
	_ =	sdelay $0x4  }
0x3a: {  	[tilespmem:$0x4E20] =	vst v11  }
0x3b: {  	v11 =	vld [tilespmem:s23+$0x2720];
	_ =	sdelay $0x4  }
0x3c: {  	[tilespmem:$0x4E30] =	vst v11  }
0x3d: {  	v11 =	vld [tilespmem:s23+$0x2730];
	_ =	sdelay $0x4  }
0x3e: {  	[tilespmem:$0x4E40] =	vst v11  }
0x3f: {  	v11 =	vld [tilespmem:s23+$0x2740];
	_ =	sdelay $0x3  }
0x40: {  	s24 =	simm.s32 $0xC  }
0x41: {  	[tilespmem:$0x4E50] =	vst v11;
	v11 =	vor.u32 s24, v1  }
0x42: {  	v12 =	vld [tilespmem:s23+$0x2750];
	v13 =	vmul.u32 $0x50, v11;
	v11 =	vshll.u32 v11, $0x4  }
0x43: {  	v11 =	vor.u32 v2, v11  }
0x44: {  	v13 =	vadd.s32 v3, v13;
	_ =	sdelay $0x2  }
0x45: {  	[tilespmem:$0x4E60] =	vst v12  }
0x46: {  	v11 =	vld.idx.msk [tilespmem:v11+s18+$0x0], $0xffff  }
0x47: {  	v12 =	vld.idx.msk [tilespmem:v13+s17+$0x0], $0xffff;
	_ =	sdelay $0x3  }
0x48: {  	s1 =	simm.s32 $0x4  }
0x49: {  	s2 =	simm.s32 $0x6;
	s26 =	simm.s32 $0xE;
	v16 =	vor.u32 s1, v1;
	v11 =	vadd.f32 v11, v12  }
0x4a: {  	v17 =	vor.u32 s2, v1;
	v24 =	vor.u32 s26, v1;
	v19 =	vmul.u32 $0x50, v16  }
0x4b: {  	v20 =	vmul.u32 $0x50, v17;
	v16 =	vshll.u32 v16, $0x4;
	v15 =	vmul.f32 $2.000000030e-01, v11  }
0x4c: {  	s0 =	simm.s32 $0x0;
	v17 =	vshll.u32 v17, $0x4;
	v16 =	vor.u32 v2, v16;
	v19 =	vadd.s32 v3, v19  }
0x4d: {  	v23 =	vor.u32 v2, v17;
	v12 =	vor.u32 s0, v1;
	v11 =	vmax.f32 v11, v15  }
0x4e: {  	v14 =	vmul.u32 $0x50, v12;
	v12 =	vshll.u32 v12, $0x4;
	v11 =	vmul.f32 $1.442695020e+00, v11  }
0x4f: {  	s25 =	simm.s32 $0x2;
	v25 =	vmul.u32 $0x50, v24;
	v12 =	vor.u32 v2, v12  }
0x50: {  	v13 =	vor.u32 s25, v1;
	v14 =	vadd.s32 v3, v14;
	(erf) = vpow2.f32 v11  }
0x51: {  	v25 =	vadd.s32 v3, v25;
	v19 =	vld.idx.msk [tilespmem:v19+s17+$0x0], $0xffff;
	v18 =	vmul.u32 $0x50, v13;
	v13 =	vshll.u32 v13, $0x4  }
0x52: {  	s12 =	simm.s32 $0x8;
	v16 =	vld.idx.msk [tilespmem:v16+s18+$0x0], $0xffff;
	v13 =	vor.u32 v2, v13  }
0x53: {  	v24 =	vshll.u32 v24, $0x4;
	v23 =	vld.idx.msk [tilespmem:v23+s18+$0x0], $0xffff;
	v18 =	vadd.s32 v3, v18;
	v15 =	vor.u32 s12, v1  }
0x54: {  	v24 =	vor.u32 v2, v24;
	v21 =	vmul.u32 $0x50, v15;
	v15 =	vshll.u32 v15, $0x4;
	v12 =	vld.idx.msk [tilespmem:v12+s18+$0x0], $0xffff  }
0x55: {  	v15 =	vor.u32 v2, v15;
	v14 =	vld.idx.msk [tilespmem:v14+s17+$0x0], $0xffff  }
0x56: {  	v25 =	vld.idx.msk [tilespmem:v25+s17+$0x0], $0xffff;
	v11 =	vadd.s32 v3, v20  }
0x57: {  	s25 =	simm.s32 $0xA;
	v13 =	vld.idx.msk [tilespmem:v13+s18+$0x0], $0xffff;
	v21 =	vadd.s32 v3, v21  }
0x58: {  	v18 =	vld.idx.msk [tilespmem:v18+s17+$0x0], $0xffff;
	v20 =	vor.u32 s25, v1  }
0x59: {  	v24 =	vld.idx.msk [tilespmem:v24+s18+$0x0], $0xffff;
	v22 =	vmul.u32 $0x50, v20;
	v20 =	vshll.u32 v20, $0x4;
	v17 =	vpop (erf)  }
0x5a: {  	s24 =	simm.s32 $0x8D40;
	v20 =	vor.u32 v2, v20;
	v15 =	vld.idx.msk [tilespmem:v15+s18+$0x0], $0xffff;
	v12 =	vadd.f32 v12, v14;
	v14 =	vnsel vm0, $0x0, v17  }
0x5b: {  	v11 =	vld.idx.msk [tilespmem:v11+s17+$0x0], $0xffff;
	[tilespmem:s24+$0x180] =	vst v14;
	v14 =	vsel vm0, $0x0, v17  }
0x5c: {  	s28 =	simm.s32 $0x5140;
	v22 =	vadd.s32 v3, v22;
	v21 =	vld.idx.msk [tilespmem:v21+s17+$0x0], $0xffff;
	v26 =	vmul.f32 $2.000000030e-01, v12;
	[tilespmem:s24+$0x1D0] =	vst v14  }
0x5d: {  	v13 =	vadd.f32 v13, v18;
	v14 =	vld [tilespmem:s28+$0x140]  }
0x5e: {  	v16 =	vadd.f32 v16, v19;
	v12 =	vmax.f32 v12, v26;
	v18 =	vld [tilespmem:s28+$0x190]  }
0x5f: {  	v19 =	vld.idx.msk [tilespmem:v20+s18+$0x0], $0xffff;
	v20 =	vmul.f32 $2.000000030e-01, v13;
	v12 =	vmul.f32 $1.442695020e+00, v12  }
0x60: {  	v11 =	vadd.f32 v23, v11;
	v23 =	vmul.f32 $2.000000030e-01, v16;
	v26 =	vperm.xlane v17, v1  }
0x61: {  	v22 =	vld.idx.msk [tilespmem:v22+s17+$0x0], $0xffff;
	v15 =	vadd.f32 v15, v21;
	v21 =	vperm.xlane v17, v4;
	(erf) = vpow2.f32 v12  }
0x62: {  	v12 =	vmax.f32 v13, v20;
	v14 =	vmul.f32 v26, v14  }
0x63: {  	v16 =	vmax.f32 v16, v23;
	v12 =	vmul.f32 $1.442695020e+00, v12;
	v18 =	vmul.f32 v21, v18  }
0x64: {  	v13 =	vmul.f32 $2.000000030e-01, v11;
	[tilespmem:s24+$0x140] =	vst v14;
	v14 =	vmul.f32 $1.442695020e+00, v16;
	v16 =	vadd.f32 v24, v25  }
0x65: {  	(erf) = vpow2.f32 v12;
	[tilespmem:s24+$0x190] =	vst v18  }
0x66: {  	v19 =	vadd.f32 v19, v22;
	v11 =	vmax.f32 v11, v13;
	v13 =	vld [tilespmem:s28+$0x150];
	v18 =	vmul.f32 $2.000000030e-01, v16  }
0x67: {  	v11 =	vmul.f32 $1.442695020e+00, v11;
	(erf) = vpow2.f32 v14;
	v14 =	vld [tilespmem:s28+$0x1A0]  }
0x68: {  	v20 =	vmul.f32 $2.000000030e-01, v15;
	v12 =	vmul.f32 $2.000000030e-01, v19  }
0x69: {  	(erf) = vpow2.f32 v11;
	v11 =	vperm.xlane v17, v5  }
0x6a: {  	v12 =	vmax.f32 v19, v12;
	v19 =	vperm.xlane v17, v6;
	v16 =	vmax.f32 v16, v18;
	v18 =	vpop (erf)  }
0x6b: {  	v15 =	vmax.f32 v15, v20;
	v11 =	vmul.f32 v11, v13;
	v20 =	vnsel vm0, $0x0, v18  }
0x6c: {  	v15 =	vmul.f32 $1.442695020e+00, v15;
	v13 =	vmul.f32 v19, v14;
	[tilespmem:s24+$0xFFFFFDC0] =	vst v20  }
0x6d: {  	v12 =	vmul.f32 $1.442695020e+00, v12;
	[tilespmem:s24+$0x150] =	vst v11  }
0x6e: {  	(erf) = vpow2.f32 v15;
	v16 =	vmul.f32 $1.442695020e+00, v16;
	v19 =	vpop (erf);
	v11 =	vsel vm0, $0x0, v18;
	[tilespmem:s24+$0x1A0] =	vst v13  }
0x6f: {  	(erf) = vpow2.f32 v12;
	v14 =	vnsel vm0, $0x0, v19;
	[tilespmem:s24+$0xFFFFFE10] =	vst v11;
	v11 =	vld [tilespmem:s28+$0x160]  }
0x70: {  	(erf) = vpow2.f32 v16;
	v15 =	vsel vm0, $0x0, v19;
	[tilespmem:s24+$0xFFFFFE60] =	vst v14;
	v16 =	vld [tilespmem:s28+$0x1B0];
	v13 =	vpop (erf)  }
0x71: {  	[tilespmem:s24+$0xFFFFFEB0] =	vst v15;
	v24 =	vld [tilespmem:s28+$0xFFFFFD80];
	v21 =	vnsel vm0, $0x0, v13  }
0x72: {  	v26 =	vld [tilespmem:s28+$0xFFFFFDD0];
	v15 =	vsel vm0, $0x0, v13;
	v14 =	vpop (erf);
	[tilespmem:s24+$0xFFFFFF00] =	vst v21;
	v21 =	vperm.xlane v17, v7  }
0x73: {  	v30 =	vperm.xlane v17, v8;
	v29 =	vld [tilespmem:s28+$0xFFFFFE20];
	v27 =	vnsel vm0, $0x0, v14;
	[tilespmem:s24+$0xFFFFFF50] =	vst v15  }
0x74: {  	v20 =	vperm.xlane v18, v1;
	v33 =	vld [tilespmem:s28+$0xFFFFFE70];
	v31 =	vsel vm0, $0x0, v14;
	[tilespmem:s24+$0xFFFFFFA0] =	vst v27;
	v11 =	vmul.f32 v21, v11  }
0x75: {  	v22 =	vperm.xlane v18, v4;
	v27 =	vld [tilespmem:s28+$0xFFFFFEC0];
	[tilespmem:s24+$0xFFFFFFF0] =	vst v31;
	v30 =	vmul.f32 v30, v16  }
0x76: {  	v23 =	vperm.xlane v19, v1;
	v35 =	vld [tilespmem:s28+$0xFFFFFF10];
	v24 =	vmul.f32 v20, v24;
	[tilespmem:s24+$0x160] =	vst v11  }
0x77: {  	v25 =	vperm.xlane v19, v4;
	v39 =	vld [tilespmem:s28+$0xFFFFFF60];
	v22 =	vmul.f32 v22, v26;
	[tilespmem:s24+$0x1B0] =	vst v30  }
0x78: {  	v12 =	vperm.xlane v17, v9;
	v44 =	vld [tilespmem:s28+$0xFFFFFFB0];
	v23 =	vmul.f32 v23, v29;
	[tilespmem:s24+$0xFFFFFD80] =	vst v24  }
0x79: {  	v49 =	vperm.xlane v18, v6;
	v25 =	vmul.f32 v25, v33;
	[tilespmem:s24+$0xFFFFFDD0] =	vst v22;
	v63 =	vld [tilespmem:s28+$0x1C0]  }
0x7a: {  	v62 =	vperm.xlane v18, v7;
	v51 =	vperm.xlane v19, v6;
	v15 =	vpop (erf);
	[tilespmem:s24+$0xFFFFFE20] =	vst v23;
	v53 =	vld [tilespmem:s28+$0xFFFFFD90]  }
0x7b: {  	v28 =	vperm.xlane v13, v1;
	v32 =	vperm.xlane v13, v4;
	v36 =	vnsel vm0, $0x0, v15;
	[tilespmem:s24+$0xFFFFFE70] =	vst v25;
	v54 =	vld [tilespmem:s28+$0xFFFFFDE0]  }
0x7c: {  	v52 =	vperm.xlane v13, v5;
	v17 =	vperm.xlane v17, v10;
	v16 =	vpop (erf);
	v30 =	vsel vm0, $0x0, v15;
	[tilespmem:s24+$0x40] =	vst v36;
	v55 =	vld [tilespmem:s28+$0xFFFFFE30]  }
0x7d: {  	v31 =	vperm.xlane v14, v4;
	v21 =	vperm.xlane v14, v1;
	v42 =	vnsel vm0, $0x0, v16;
	[tilespmem:s24+$0x90] =	vst v30;
	v56 =	vld [tilespmem:s28+$0xFFFFFE80]  }
0x7e: {  	v34 =	vperm.xlane v15, v1;
	v37 =	vperm.xlane v15, v4;
	v20 =	vsel vm0, $0x0, v16;
	[tilespmem:s24+$0xE0] =	vst v42;
	v11 =	vpop (erf);
	v26 =	vld [tilespmem:s28+$0x0]  }
0x7f: {  	v57 =	vperm.xlane v15, v6;
	[tilespmem:s24+$0x130] =	vst v20;
	v27 =	vmul.f32 v28, v27;
	v28 =	vld [tilespmem:s28+$0x50];
	v29 =	vnsel vm0, $0x0, v11  }
0x80: {  	v38 =	vperm.xlane v16, v1;
	v40 =	vperm.xlane v16, v4;
	v47 =	vld [tilespmem:s28+$0xA0];
	v20 =	vsel vm0, $0x0, v11;
	[tilespmem:s24+$0x220] =	vst v29  }
0x81: {  	v24 =	vperm.xlane v19, v5;
	v30 =	vmul.f32 v32, v35;
	v48 =	vld [tilespmem:s28+$0xF0];
	[tilespmem:s24+$0x270] =	vst v20  }
0x82: {  	v23 =	vperm.xlane v13, v6;
	v21 =	vmul.f32 v21, v39;
	[tilespmem:s24+$0xFFFFFEC0] =	vst v27;
	v50 =	vld [tilespmem:s28+$0x1E0]  }
0x83: {  	v25 =	vperm.xlane v14, v5;
	v31 =	vmul.f32 v31, v44;
	[tilespmem:s24+$0xFFFFFF10] =	vst v30;
	v22 =	vld [tilespmem:s28+$0x230]  }
0x84: {  	v41 =	vperm.xlane v11, v1;
	v58 =	vld [tilespmem:s28+$0xFFFFFED0];
	[tilespmem:s24+$0xFFFFFF60] =	vst v21;
	v24 =	vmul.f32 v24, v55  }
0x85: {  	v59 =	vld [tilespmem:s28+$0xFFFFFF20];
	[tilespmem:s24+$0xFFFFFFB0] =	vst v31;
	v20 =	vmul.f32 v17, v63;
	v63 =	vmul.f32 v51, v56  }
0x86: {  	v43 =	vperm.xlane v11, v4;
	v17 =	vld [tilespmem:s28+$0x170];
	v26 =	vmul.f32 v34, v26;
	[tilespmem:s24+$0xFFFFFE30] =	vst v24  }
0x87: {  	v45 =	vperm.xlane v11, v5;
	v46 =	vld [tilespmem:s28+$0xFFFFFF70];
	v28 =	vmul.f32 v37, v28;
	[tilespmem:s24+$0xFFFFFE80] =	vst v63  }
0x88: {  	v29 =	vperm.xlane v18, v5;
	v60 =	vld [tilespmem:s28+$0xFFFFFFC0];
	v32 =	vmul.f32 v38, v47;
	[tilespmem:s24+$0x0] =	vst v26  }
0x89: {  	v27 =	vperm.xlane v14, v6;
	v33 =	vmul.f32 v40, v48;
	[tilespmem:s24+$0x50] =	vst v28;
	v56 =	vld [tilespmem:s28+$0xFFFFFE40]  }
0x8a: {  	v30 =	vperm.xlane v15, v5;
	v26 =	vmul.f32 v29, v53;
	[tilespmem:s24+$0xA0] =	vst v32;
	v61 =	vld [tilespmem:s28+$0x10]  }
0x8b: {  	v21 =	vperm.xlane v16, v5;
	v28 =	vmul.f32 v49, v54;
	[tilespmem:s24+$0xF0] =	vst v33;
	v47 =	vld [tilespmem:s28+$0x60]  }
0x8c: {  	v31 =	vperm.xlane v16, v6;
	v36 =	vmul.f32 v41, v50;
	v49 =	vld [tilespmem:s28+$0xB0];
	[tilespmem:s24+$0xFFFFFD90] =	vst v26  }
0x8d: {  	v48 =	vperm.xlane v18, v8;
	v22 =	vmul.f32 v43, v22;
	v51 =	vld [tilespmem:s28+$0x100];
	[tilespmem:s24+$0xFFFFFDE0] =	vst v28  }
0x8e: {  	v38 =	vperm.xlane v14, v8;
	v34 =	vmul.f32 v52, v58;
	[tilespmem:s24+$0x1E0] =	vst v36;
	v54 =	vld [tilespmem:s28+$0xFFFFFDA0]  }
0x8f: {  	v24 =	vperm.xlane v14, v7;
	v23 =	vmul.f32 v23, v59;
	[tilespmem:s24+$0x230] =	vst v22;
	v55 =	vld [tilespmem:s28+$0xFFFFFDF0]  }
0x90: {  	v29 =	vperm.xlane v11, v6;
	v25 =	vmul.f32 v25, v46;
	[tilespmem:s24+$0xFFFFFED0] =	vst v34;
	v26 =	vld [tilespmem:s28+$0x1F0]  }
0x91: {  	v53 =	vperm.xlane v13, v8;
	v27 =	vmul.f32 v27, v60;
	[tilespmem:s24+$0xFFFFFF20] =	vst v23;
	v28 =	vld [tilespmem:s28+$0x240]  }
0x92: {  	s0 =	simm.s32 $0x1C;
	v50 =	vperm.xlane v19, v7;
	v52 =	vperm.xlane v13, v7;
	v58 =	vld [tilespmem:s28+$0xFFFFFEE0];
	[tilespmem:s24+$0xFFFFFF70] =	vst v25  }
0x93: {  	v43 =	vperm.xlane v19, v9;
	v25 =	vor.u32 s0, v1;
	v59 =	vld [tilespmem:s28+$0xFFFFFF30];
	[tilespmem:s24+$0xFFFFFFC0] =	vst v27;
	v30 =	vmul.f32 v30, v61  }
0x94: {  	[tilespmem:s24+$0x1C0] =	vst v20;
	v27 =	vmul.u32 $0x50, v25;
	v25 =	vshll.u32 v25, $0x4;
	v35 =	vld [tilespmem:s28+$0xFFFFFFD0];
	v39 =	vmul.f32 v57, v47  }
0x95: {  	v12 =	vmul.f32 v12, v17;
	v21 =	vmul.f32 v21, v49;
	v57 =	vld [tilespmem:s28+$0xFFFFFE90];
	v25 =	vor.u32 v2, v25;
	[tilespmem:s24+$0x10] =	vst v30  }
0x96: {  	s1 =	simm.s32 $0x1E;
	v22 =	vperm.xlane v19, v8;
	v31 =	vmul.f32 v31, v51;
	v47 =	vld [tilespmem:s28+$0xFFFFFF80];
	v27 =	vadd.s32 v3, v27;
	[tilespmem:s24+$0x60] =	vst v39  }
0x97: {  	v44 =	vor.u32 s1, v1;
	v34 =	vperm.xlane v15, v7;
	v23 =	vperm.xlane v15, v8;
	[tilespmem:s24+$0xB0] =	vst v21;
	v42 =	vld [tilespmem:s28+$0x20]  }
0x98: {  	v20 =	vshll.u32 v44, $0x4;
	v36 =	vperm.xlane v18, v9;
	v32 =	vmul.f32 v62, v54;
	[tilespmem:s24+$0x100] =	vst v31;
	v40 =	vld [tilespmem:s28+$0x70]  }
0x99: {  	s26 =	simm.s32 $0x12;
	v20 =	vor.u32 v2, v20;
	v18 =	vperm.xlane v18, v10;
	v33 =	vmul.f32 v48, v55;
	v31 =	vld [tilespmem:s28+$0xC0]  }
0x9a: {  	s29 =	simm.s32 $0x14;
	v60 =	vor.u32 s26, v1;
	v19 =	vperm.xlane v19, v10;
	v26 =	vmul.f32 v45, v26;
	[tilespmem:s24+$0xFFFFFDA0] =	vst v32;
	v25 =	vld.idx.msk [tilespmem:v25+s18+$0x0], $0xffff  }
0x9b: {  	v46 =	vshll.u32 v60, $0x4;
	v61 =	vor.u32 s29, v1;
	v28 =	vmul.f32 v29, v28;
	[tilespmem:s24+$0xFFFFFDF0] =	vst v33;
	v27 =	vld.idx.msk [tilespmem:v27+s17+$0x0], $0xffff  }
0x9c: {  	v46 =	vor.u32 v2, v46;
	s29 =	simm.s32 $0x10;
	v63 =	vmul.u32 $0x50, v61;
	v41 =	vmul.f32 v52, v58;
	[tilespmem:s24+$0x1F0] =	vst v26;
	v26 =	vld [tilespmem:s28+$0x110]  }
0x9d: {  	s12 =	simm.s32 $0x18;
	v21 =	vmul.f32 v50, v56;
	v48 =	vor.u32 s29, v1;
	v37 =	vmul.f32 v53, v59;
	[tilespmem:s24+$0x240] =	vst v28;
	v56 =	vld [tilespmem:s28+$0xFFFFFDB0]  }
0x9e: {  	v49 =	vor.u32 s12, v1;
	v62 =	vmul.u32 $0x50, v48;
	v52 =	vmul.u32 $0x50, v60;
	[tilespmem:s24+$0xFFFFFEE0] =	vst v41;
	v50 =	vld [tilespmem:s28+$0x200]  }
0x9f: {  	v55 =	vmul.u32 $0x50, v49;
	v33 =	vadd.s32 v3, v63;
	v22 =	vmul.f32 v22, v57;
	[tilespmem:s24+$0xFFFFFF30] =	vst v37;
	v53 =	vld [tilespmem:s28+$0x250]  }
0xa0: {  	s30 =	simm.s32 $0x1A;
	[tilespmem:s24+$0xFFFFFE40] =	vst v21;
	v32 =	vadd.s32 v3, v62;
	v60 =	vadd.s32 v3, v52;
	v52 =	vld [tilespmem:s28+$0xFFFFFEF0];
	v25 =	vadd.f32 v25, v27  }
0xa1: {  	v51 =	vor.u32 s30, v1;
	v49 =	vshll.u32 v49, $0x4;
	v63 =	vadd.s32 v3, v55;
	v55 =	vld [tilespmem:s28+$0xFFFFFF40];
	[tilespmem:s24+$0xFFFFFE90] =	vst v22  }
0xa2: {  	v59 =	vshll.u32 v61, $0x4;
	v22 =	vshll.u32 v48, $0x4;
	v48 =	vld [tilespmem:s28+$0xFFFFFE50];
	v61 =	vmul.f32 $2.000000030e-01, v25  }
0xa3: {  	v30 =	vperm.xlane v11, v7;
	v39 =	vperm.xlane v11, v8;
	v49 =	vor.u32 v2, v49;
	v62 =	vld [tilespmem:s28+$0xFFFFFEA0]  }
0xa4: {  	v45 =	vperm.xlane v16, v7;
	v21 =	vmul.u32 $0x50, v51;
	v33 =	vld.idx.msk [tilespmem:v33+s17+$0x0], $0xffff;
	v25 =	vmax.f32 v25, v61  }
0xa5: {  	s2 =	simm.s32 $0x16;
	v24 =	vmul.f32 v24, v47;
	v22 =	vor.u32 v2, v22;
	v32 =	vld.idx.msk [tilespmem:v32+s17+$0x0], $0xffff;
	v25 =	vmul.f32 $1.442695020e+00, v25  }
0xa6: {  	v35 =	vmul.f32 v38, v35;
	v28 =	vor.u32 s2, v1;
	v31 =	vmul.f32 v45, v31;
	v38 =	vld.idx.msk [tilespmem:v60+s17+$0x0], $0xffff  }
0xa7: {  	v54 =	vmul.u32 $0x50, v28;
	v21 =	vadd.s32 v3, v21;
	[tilespmem:s24+$0xFFFFFF80] =	vst v24;
	v60 =	vld.idx.msk [tilespmem:v46+s18+$0x0], $0xffff;
	(erf) = vpow2.f32 v25  }
0xa8: {  	v29 =	vperm.xlane v16, v8;
	v24 =	vor.u32 v2, v59;
	[tilespmem:s24+$0xC0] =	vst v31;
	v31 =	vld.idx.msk [tilespmem:v49+s18+$0x0], $0xffff  }
0xa9: {  	v58 =	vperm.xlane v13, v10;
	v28 =	vshll.u32 v28, $0x4;
	v54 =	vadd.s32 v3, v54;
	v27 =	vld [tilespmem:s28+$0xFFFFFE00]  }
0xaa: {  	[tilespmem:s24+$0x170] =	vst v12;
	v51 =	vshll.u32 v51, $0x4;
	v59 =	vperm.xlane v14, v9;
	v22 =	vld.idx.msk [tilespmem:v22+s18+$0x0], $0xffff;
	v25 =	vor.u32 v2, v28  }
0xab: {  	v51 =	vor.u32 v2, v51;
	v23 =	vmul.f32 v23, v40;
	v39 =	vmul.f32 v39, v53;
	v53 =	vld.idx.msk [tilespmem:v63+s17+$0x0], $0xffff  }
0xac: {  	v57 =	vmul.u32 $0x50, v44;
	[tilespmem:s24+$0xFFFFFFD0] =	vst v35;
	v14 =	vperm.xlane v14, v10;
	v26 =	vmul.f32 v29, v26;
	v21 =	vld.idx.msk [tilespmem:v21+s17+$0x0], $0xffff  }
0xad: {  	[tilespmem:s24+$0x70] =	vst v23;
	v36 =	vmul.f32 v36, v56;
	v30 =	vmul.f32 v30, v50;
	v24 =	vld.idx.msk [tilespmem:v24+s18+$0x0], $0xffff  }
0xae: {  	v50 =	vmul.f32 v58, v55;
	[tilespmem:s24+$0x110] =	vst v26;
	v29 =	vld.idx.msk [tilespmem:v54+s17+$0x0], $0xffff;
	v54 =	vadd.s32 v3, v57  }
0xaf: {  	v57 =	vperm.xlane v13, v9;
	v19 =	vmul.f32 v19, v62;
	v22 =	vadd.f32 v22, v32;
	v23 =	vld.idx.msk [tilespmem:v25+s18+$0x0], $0xffff  }
0xb0: {  	v26 =	vld.idx.msk [tilespmem:v51+s18+$0x0], $0xffff;
	v61 =	vperm.xlane v15, v9;
	v15 =	vperm.xlane v15, v10;
	v35 =	vadd.f32 v60, v38;
	v13 =	vpop (erf)  }
0xb1: {  	s25 =	simm.s32 $0x9240;
	[tilespmem:s24+$0xFFFFFDB0] =	vst v36;
	v18 =	vmul.f32 v18, v27;
	v51 =	vmul.f32 $2.000000030e-01, v22;
	v62 =	vnsel vm0, $0x0, v13  }
0xb2: {  	v20 =	vld.idx.msk [tilespmem:v20+s18+$0x0], $0xffff;
	v27 =	vmul.f32 v43, v48;
	v48 =	vmul.f32 v57, v52;
	v49 =	vsel vm0, $0x0, v13;
	[tilespmem:s25+$0x180] =	vst v62  }
0xb3: {  	s26 =	simm.s32 $0x5640;
	v31 =	vadd.f32 v31, v53;
	v24 =	vadd.f32 v24, v33;
	v22 =	vmax.f32 v22, v51;
	[tilespmem:s25+$0x1D0] =	vst v49  }
0xb4: {  	[tilespmem:s24+$0x200] =	vst v30;
	v17 =	vmul.f32 $2.000000030e-01, v35;
	v22 =	vmul.f32 $1.442695020e+00, v22;
	v23 =	vadd.f32 v23, v29;
	v29 =	vld [tilespmem:s26+$0x140]  }
0xb5: {  	v28 =	vmul.f32 v34, v42;
	[tilespmem:s24+$0xFFFFFE00] =	vst v18;
	v18 =	vadd.f32 v26, v21;
	v21 =	vmul.f32 $2.000000030e-01, v31;
	v32 =	vld [tilespmem:s26+$0x190]  }
0xb6: {  	[tilespmem:s24+$0xFFFFFEA0] =	vst v19;
	v30 =	vmul.f32 $2.000000030e-01, v24;
	(erf) = vpow2.f32 v22;
	v22 =	vld [tilespmem:s28+$0xFFFFFFE0]  }
0xb7: {  	v53 =	vld [tilespmem:s28+$0xFFFFFF90];
	[tilespmem:s24+$0x20] =	vst v28;
	v28 =	vperm.xlane v16, v9;
	v26 =	vperm.xlane v13, v1  }
0xb8: {  	v63 =	vld.idx.msk [tilespmem:v54+s17+$0x0], $0xffff;
	[tilespmem:s24+$0xFFFFFE50] =	vst v27;
	v17 =	vmax.f32 v35, v17;
	v19 =	vmul.f32 $2.000000030e-01, v18;
	v27 =	vperm.xlane v13, v4  }
0xb9: {  	[tilespmem:s24+$0x250] =	vst v39;
	v17 =	vmul.f32 $1.442695020e+00, v17;
	v24 =	vmax.f32 v24, v30;
	v30 =	vld [tilespmem:s28+$0x80];
	v26 =	vmul.f32 v26, v29  }
0xba: {  	[tilespmem:s24+$0xFFFFFF40] =	vst v50;
	v52 =	vmul.f32 $2.000000030e-01, v23;
	v29 =	vld [tilespmem:s28+$0x30];
	v27 =	vmul.f32 v27, v32  }
0xbb: {  	v21 =	vmax.f32 v31, v21;
	v24 =	vmul.f32 $1.442695020e+00, v24;
	v12 =	vmul.f32 v14, v22;
	v22 =	vld [tilespmem:s28+$0xD0];
	[tilespmem:s25+$0x140] =	vst v26  }
0xbc: {  	(erf) = vpow2.f32 v17;
	v17 =	vmul.f32 $1.442695020e+00, v21;
	v23 =	vmax.f32 v23, v52;
	[tilespmem:s25+$0x190] =	vst v27  }
0xbd: {  	[tilespmem:s24+$0xFFFFFEF0] =	vst v48;
	v21 =	vmul.f32 v59, v53;
	v23 =	vmul.f32 $1.442695020e+00, v23;
	v26 =	vld [tilespmem:s26+$0x150]  }
0xbe: {  	(erf) = vpow2.f32 v24;
	[tilespmem:s24+$0xFFFFFFE0] =	vst v12;
	v12 =	vmul.f32 v15, v30;
	v14 =	vld [tilespmem:s26+$0x1A0]  }
0xbf: {  	[tilespmem:s24+$0xFFFFFF90] =	vst v21;
	v15 =	vperm.xlane v13, v5;
	v21 =	vmul.f32 v61, v29  }
0xc0: {  	v20 =	vadd.f32 v20, v63;
	(erf) = vpow2.f32 v23;
	[tilespmem:s24+$0x80] =	vst v12;
	v22 =	vmul.f32 v28, v22  }
0xc1: {  	v18 =	vmax.f32 v18, v19;
	v19 =	vld [tilespmem:s28+$0x120];
	v23 =	vpop (erf);
	[tilespmem:s24+$0x30] =	vst v21;
	v21 =	vperm.xlane v13, v6  }
0xc2: {  	v54 =	vmul.f32 $2.000000030e-01, v20;
	v24 =	vld [tilespmem:s28+$0x210];
	[tilespmem:s24+$0xD0] =	vst v22;
	v12 =	vnsel vm0, $0x0, v23;
	v15 =	vmul.f32 v15, v26  }
0xc3: {  	v16 =	vperm.xlane v16, v10;
	[tilespmem:s25+$0xFFFFFDC0] =	vst v12;
	v14 =	vmul.f32 v21, v14  }
0xc4: {  	v25 =	vperm.xlane v11, v9;
	v18 =	vmul.f32 $1.442695020e+00, v18;
	v20 =	vmax.f32 v20, v54;
	[tilespmem:s25+$0x150] =	vst v15  }
0xc5: {  	v20 =	vmul.f32 $1.442695020e+00, v20;
	(erf) = vpow2.f32 v17;
	v15 =	vsel vm0, $0x0, v23;
	v21 =	vpop (erf);
	[tilespmem:s25+$0x1A0] =	vst v14  }
0xc6: {  	v19 =	vmul.f32 v16, v19;
	(erf) = vpow2.f32 v18;
	[tilespmem:s25+$0xFFFFFE10] =	vst v15;
	v14 =	vnsel vm0, $0x0, v21;
	v15 =	vld [tilespmem:s26+$0x160]  }
0xc7: {  	(erf) = vpow2.f32 v20;
	v20 =	vmul.f32 v25, v24;
	v16 =	vsel vm0, $0x0, v21;
	v17 =	vpop (erf);
	v25 =	vld [tilespmem:s26+$0x1B0];
	[tilespmem:s25+$0xFFFFFE60] =	vst v14  }
0xc8: {  	v11 =	vperm.xlane v11, v10;
	v28 =	vld [tilespmem:s26+$0xFFFFFD80];
	v18 =	vnsel vm0, $0x0, v17;
	[tilespmem:s25+$0xFFFFFEB0] =	vst v16  }
0xc9: {  	v24 =	vperm.xlane v23, v1;
	v30 =	vld [tilespmem:s26+$0xFFFFFDD0];
	v16 =	vsel vm0, $0x0, v17;
	[tilespmem:s25+$0xFFFFFF00] =	vst v18;
	v18 =	vperm.xlane v13, v7;
	v14 =	vpop (erf)  }
0xca: {  	v33 =	vperm.xlane v23, v5;
	[tilespmem:s25+$0xFFFFFF50] =	vst v16;
	v16 =	vperm.xlane v13, v8;
	v31 =	vnsel vm0, $0x0, v14  }
0xcb: {  	v12 =	vperm.xlane v13, v9;
	v56 =	vsel vm0, $0x0, v14;
	[tilespmem:s25+$0xFFFFFFA0] =	vst v31;
	v31 =	vmul.f32 v18, v15  }
0xcc: {  	v26 =	vperm.xlane v23, v4;
	v55 =	vld [tilespmem:s26+$0xFFFFFE20];
	[tilespmem:s25+$0xFFFFFFF0] =	vst v56;
	v25 =	vmul.f32 v16, v25  }
0xcd: {  	v27 =	vperm.xlane v21, v1;
	v58 =	vld [tilespmem:s26+$0xFFFFFE70];
	v24 =	vmul.f32 v24, v28;
	[tilespmem:s25+$0x160] =	vst v31  }
0xce: {  	v29 =	vperm.xlane v21, v4;
	v60 =	vld [tilespmem:s26+$0xFFFFFEC0];
	v26 =	vmul.f32 v26, v30;
	[tilespmem:s25+$0x1B0] =	vst v25  }
0xcf: {  	v46 =	vperm.xlane v21, v8;
	v32 =	vperm.xlane v17, v1;
	v63 =	vld [tilespmem:s26+$0xFFFFFF10];
	v18 =	vpop (erf);
	[tilespmem:s25+$0xFFFFFD80] =	vst v24  }
0xd0: {  	v57 =	vperm.xlane v17, v4;
	v47 =	vperm.xlane v17, v7;
	v50 =	vld [tilespmem:s26+$0xFFFFFF60];
	v31 =	vnsel vm0, $0x0, v18;
	[tilespmem:s25+$0xFFFFFDD0] =	vst v26  }
0xd1: {  	v13 =	vperm.xlane v13, v10;
	v59 =	vperm.xlane v14, v1;
	v54 =	vld [tilespmem:s26+$0xFFFFFFB0];
	v15 =	vpop (erf);
	v25 =	vsel vm0, $0x0, v18;
	[tilespmem:s25+$0x40] =	vst v31  }
0xd2: {  	v61 =	vperm.xlane v14, v4;
	v62 =	vperm.xlane v18, v1;
	v31 =	vld [tilespmem:s26+$0x1C0];
	v53 =	vnsel vm0, $0x0, v15;
	[tilespmem:s25+$0x90] =	vst v25  }
0xd3: {  	v48 =	vperm.xlane v18, v4;
	v27 =	vmul.f32 v27, v55;
	v25 =	vsel vm0, $0x0, v15;
	v22 =	vld [tilespmem:s26+$0x170];
	[tilespmem:s25+$0xE0] =	vst v53  }
0xd4: {  	v29 =	vmul.f32 v29, v58;
	v24 =	vperm.xlane v21, v5;
	v30 =	vld [tilespmem:s26+$0x0];
	[tilespmem:s25+$0x130] =	vst v25  }
0xd5: {  	v26 =	vperm.xlane v17, v5;
	v16 =	vpop (erf);
	v49 =	vperm.xlane v15, v1;
	v56 =	vld [tilespmem:s26+$0x50];
	[tilespmem:s25+$0xFFFFFE20] =	vst v27  }
0xd6: {  	v51 =	vperm.xlane v15, v4;
	v35 =	vmul.f32 v57, v63;
	v55 =	vnsel vm0, $0x0, v16;
	[tilespmem:s25+$0xFFFFFE70] =	vst v29;
	v57 =	vld [tilespmem:s26+$0xA0]  }
0xd7: {  	v32 =	vmul.f32 v32, v60;
	v60 =	vperm.xlane v21, v6;
	v25 =	vsel vm0, $0x0, v16;
	[tilespmem:s25+$0x220] =	vst v55;
	v58 =	vld [tilespmem:s26+$0xF0]  }
0xd8: {  	v52 =	vperm.xlane v16, v1;
	v28 =	vperm.xlane v16, v4;
	[tilespmem:s25+$0x270] =	vst v25;
	v55 =	vld [tilespmem:s26+$0xFFFFFE30]  }
0xd9: {  	v27 =	vperm.xlane v17, v6;
	[tilespmem:s25+$0xFFFFFEC0] =	vst v32;
	v37 =	vmul.f32 v59, v50;
	v59 =	vld [tilespmem:s26+$0x1E0]  }
0xda: {  	v29 =	vperm.xlane v14, v5;
	[tilespmem:s25+$0xFFFFFF10] =	vst v35;
	v34 =	vmul.f32 v61, v54;
	v61 =	vld [tilespmem:s26+$0x230]  }
0xdb: {  	v25 =	vperm.xlane v23, v6;
	v54 =	vld [tilespmem:s26+$0xFFFFFDE0];
	v31 =	vmul.f32 v13, v31;
	[tilespmem:s25+$0xFFFFFF60] =	vst v37  }
0xdc: {  	v63 =	vld [tilespmem:s26+$0xFFFFFED0];
	[tilespmem:s25+$0xFFFFFFB0] =	vst v34;
	v34 =	vperm.xlane v15, v6;
	v30 =	vmul.f32 v62, v30  }
0xdd: {  	v53 =	vld [tilespmem:s26+$0xFFFFFF20];
	[tilespmem:s25+$0x1C0] =	vst v31;
	v31 =	vmul.f32 v48, v56;
	v38 =	vmul.f32 v49, v57  }
0xde: {  	v13 =	vld [tilespmem:s28+$0x260];
	v40 =	vmul.f32 v51, v58;
	v56 =	vperm.xlane v14, v6;
	[tilespmem:s25+$0x0] =	vst v30  }
0xdf: {  	v62 =	vld [tilespmem:s26+$0xFFFFFD90];
	v58 =	vperm.xlane v18, v5;
	v49 =	vperm.xlane v16, v5;
	[tilespmem:s25+$0x50] =	vst v31  }
0xe0: {  	v37 =	vld [tilespmem:s26+$0xFFFFFF70];
	v24 =	vmul.f32 v24, v55;
	v43 =	vmul.f32 v52, v59;
	[tilespmem:s25+$0xA0] =	vst v38  }
0xe1: {  	v57 =	vld [tilespmem:s26+$0xFFFFFE80];
	v59 =	vperm.xlane v18, v6;
	v52 =	vperm.xlane v15, v5;
	[tilespmem:s25+$0xF0] =	vst v40  }
0xe2: {  	v28 =	vmul.f32 v28, v61;
	v25 =	vmul.f32 v25, v54;
	v54 =	vld [tilespmem:s26+$0xFFFFFFC0];
	[tilespmem:s25+$0xFFFFFE30] =	vst v24  }
0xe3: {  	v30 =	vperm.xlane v16, v6;
	v61 =	vmul.f32 v26, v63;
	v26 =	vld [tilespmem:s26+$0x60];
	[tilespmem:s25+$0x1E0] =	vst v43  }
0xe4: {  	v36 =	vmul.f32 v27, v53;
	v31 =	vperm.xlane v23, v7;
	v27 =	vld [tilespmem:s26+$0xB0];
	[tilespmem:s25+$0x230] =	vst v28  }
0xe5: {  	v38 =	vperm.xlane v23, v8;
	[tilespmem:s25+$0xFFFFFED0] =	vst v61;
	v33 =	vmul.f32 v33, v62;
	v62 =	vld [tilespmem:s26+$0x100]  }
0xe6: {  	v40 =	vperm.xlane v21, v7;
	[tilespmem:s25+$0xFFFFFF20] =	vst v36;
	v28 =	vperm.xlane v18, v8;
	v63 =	vld [tilespmem:s26+$0x1F0]  }
0xe7: {  	[tilespmem:s25+$0xFFFFFDE0] =	vst v25;
	v29 =	vmul.f32 v29, v37;
	v37 =	vperm.xlane v14, v7;
	v36 =	vld [tilespmem:s26+$0xFFFFFEE0]  }
0xe8: {  	v55 =	vmul.f32 v60, v57;
	v60 =	vld [tilespmem:s26+$0x10];
	[tilespmem:s25+$0xFFFFFD90] =	vst v33;
	v32 =	vmul.f32 v56, v54  }
0xe9: {  	v57 =	vld [tilespmem:s26+$0x240];
	v56 =	vperm.xlane v17, v8;
	[tilespmem:s25+$0xFFFFFF70] =	vst v29;
	v29 =	vperm.xlane v15, v7  }
0xea: {  	[tilespmem:s25+$0xFFFFFE80] =	vst v55;
	v24 =	vmul.f32 v59, v26;
	v59 =	vld [tilespmem:s26+$0xFFFFFDF0];
	v26 =	vperm.xlane v14, v8  }
0xeb: {  	v48 =	vmul.f32 v52, v27;
	v61 =	vmul.f32 v34, v62;
	v62 =	vld [tilespmem:s26+$0xFFFFFE90]  }
0xec: {  	v27 =	vperm.xlane v18, v7;
	v49 =	vmul.f32 v49, v63;
	v63 =	vld [tilespmem:s26+$0xFFFFFF30]  }
0xed: {  	[tilespmem:s25+$0xFFFFFFC0] =	vst v32;
	v32 =	vperm.xlane v15, v8;
	v25 =	vmul.f32 v58, v60;
	v58 =	vld [tilespmem:s26+$0xFFFFFDA0]  }
0xee: {  	v60 =	vld [tilespmem:s26+$0xFFFFFE40];
	v44 =	vmul.f32 v30, v57;
	v30 =	vperm.xlane v16, v7  }
0xef: {  	v45 =	vld [tilespmem:s26+$0xFFFFFF80];
	[tilespmem:s25+$0x60] =	vst v24;
	v24 =	vperm.xlane v23, v9;
	v23 =	vperm.xlane v23, v10  }
0xf0: {  	v33 =	vld [tilespmem:s26+$0xFFFFFFD0];
	[tilespmem:s25+$0x10] =	vst v25;
	v25 =	vperm.xlane v21, v9;
	v43 =	vmul.f32 v38, v59  }
0xf1: {  	[tilespmem:s25+$0xB0] =	vst v48;
	v34 =	vld [tilespmem:s26+$0x20];
	v39 =	vmul.f32 v46, v62;
	v42 =	vmul.f32 v56, v63  }
0xf2: {  	s31 =	simm.s32 $0x2E;
	[tilespmem:s25+$0x100] =	vst v61;
	v35 =	vld [tilespmem:s26+$0x70];
	v41 =	vmul.f32 v31, v58;
	v31 =	vperm.xlane v16, v8  }
0xf3: {  	s30 =	simm.s32 $0x8;
	s29 =	simm.s32 $0x5640;
	s28 =	simm.s32 $0x9240;
	[tilespmem:s25+$0x1F0] =	vst v49;
	v38 =	vmul.f32 v40, v60;
	v40 =	vmul.f32 v47, v36;
	v36 =	vld [tilespmem:s26+$0xC0]  }
.LBB2_5:
0xf4: {  	s1 =	sadd.s32 $0xFFFFFFF4, s31;
	s12 =	sadd.s32 $0xFFFFFFF6, s31;
	s0 =	sadd.s32 $0xFFFFFFFE, s31;
	v46 =	vor.u32 s31, v1;
	v21 =	vperm.xlane v21, v10;
	v37 =	vmul.f32 v37, v45;
	v45 =	vld [tilespmem:s26+$0x110];
	[tilespmem:s25+$0x240] =	vst v44  }
0xf5: {  	s2 =	sadd.s32 $0xFFFFFFFC, s31;
	v44 =	vor.u32 s1, v1;
	v47 =	vor.u32 s12, v1;
	s1 =	sadd.s32 $0xFFFFFFF8, s31;
	s12 =	sadd.s32 $0xFFFFFFFA, s31;
	v48 =	vor.u32 s0, v1;
	v49 =	vld [tilespmem:s26+$0x200]  }
0xf6: {  	s0 =	sadd.s32 $0xFFFFFFF2, s31;
	v50 =	vor.u32 s1, v1;
	v51 =	vmul.u32 $0x50, v48;
	v48 =	vshll.u32 v48, $0x4;
	[tilespmem:s25+$0xFFFFFDA0] =	vst v41;
	v41 =	vld [tilespmem:s26+$0x250]  }
0xf7: {  	v52 =	vor.u32 s0, v1;
	v53 =	vor.u32 s12, v1;
	v48 =	vor.u32 v2, v48;
	[tilespmem:s25+$0xFFFFFDF0] =	vst v43  }
0xf8: {  	s30 =	sadd.s32 $0x8, s30;
	v54 =	vor.u32 s2, v1;
	v43 =	vmul.u32 $0x50, v52;
	v51 =	vadd.s32 v3, v51;
	v55 =	vld [tilespmem:s26+$0xFFFFFDB0];
	[tilespmem:s25+$0xFFFFFE40] =	vst v38  }
0xf9: {  	p1 =	slt.u32 s30, $0x20;
	v56 =	vmul.u32 $0x50, v47;
	v57 =	vmul.u32 $0x50, v50;
	v38 =	vmul.u32 $0x50, v44;
	v58 =	vld [tilespmem:s26+$0xFFFFFE00];
	[tilespmem:s25+$0xFFFFFE90] =	vst v39  }
0xfa: {  	v60 =	vmul.u32 $0x50, v46;
	v59 =	vmul.u32 $0x50, v54;
	v39 =	vmul.u32 $0x50, v53;
	v61 =	vld [tilespmem:s26+$0xFFFFFE50];
	[tilespmem:s25+$0xFFFFFEE0] =	vst v40  }
0xfb: {  	v47 =	vshll.u32 v47, $0x4;
	v44 =	vshll.u32 v44, $0x4;
	v40 =	vshll.u32 v52, $0x4;
	v52 =	vld [tilespmem:s26+$0xFFFFFEA0];
	[tilespmem:s25+$0xFFFFFF30] =	vst v42  }
0xfc: {  	v42 =	vshll.u32 v50, $0x4;
	v50 =	vshll.u32 v53, $0x4;
	v53 =	vshll.u32 v54, $0x4;
	v48 =	vld.idx.msk [tilespmem:v48+s18+$0x0], $0xffff;
	[tilespmem:s25+$0xFFFFFF80] =	vst v37  }
0xfd: {  	v46 =	vshll.u32 v46, $0x4;
	v38 =	vadd.s32 v3, v38;
	v37 =	vadd.s32 v3, v43;
	v43 =	vld.idx.msk [tilespmem:v51+s17+$0x0], $0xffff;
	[tilespmem:s24+$0x120] =	vst v19  }
0xfe: {  	v39 =	vadd.s32 v3, v39;
	v19 =	vadd.s32 v3, v56;
	v51 =	vadd.s32 v3, v57;
	v54 =	vld [tilespmem:s26+$0xFFFFFEF0];
	[tilespmem:s24+$0x210] =	vst v20  }
0xff: {  	v20 =	vor.u32 v2, v40;
	v40 =	vor.u32 v2, v44;
	v44 =	vadd.s32 v3, v59;
	v56 =	vld [tilespmem:s26+$0xFFFFFF40]  }
0x100: {  	v47 =	vor.u32 v2, v47;
	v42 =	vor.u32 v2, v42;
	v50 =	vor.u32 v2, v50  }
0x101: {  	v46 =	vor.u32 v2, v46;
	v53 =	vor.u32 v2, v53;
	v57 =	vadd.s32 v3, v60  }
0x102: {  	v26 =	vmul.f32 v26, v33;
	v27 =	vmul.f32 v27, v34;
	v37 =	vld.idx.msk [tilespmem:v37+s17+$0x0], $0xffff  }
0x103: {  	v28 =	vmul.f32 v28, v35;
	v29 =	vmul.f32 v29, v36;
	v34 =	vadd.f32 v48, v43;
	v33 =	vld.idx.msk [tilespmem:v38+s17+$0x0], $0xffff  }
0x104: {  	v30 =	vmul.f32 v30, v49;
	v19 =	vld.idx.msk [tilespmem:v19+s17+$0x0], $0xffff;
	[tilespmem:s25+$0xFFFFFFD0] =	vst v26;
	v26 =	vmul.f32 v32, v45  }
0x105: {  	v35 =	vmul.f32 $2.000000030e-01, v34;
	v32 =	vld.idx.msk [tilespmem:v51+s17+$0x0], $0xffff;
	[tilespmem:s25+$0x20] =	vst v27;
	v27 =	vmul.f32 v31, v41  }
0x106: {  	v36 =	vperm.xlane v17, v9;
	v17 =	vperm.xlane v17, v10;
	v31 =	vld.idx.msk [tilespmem:v39+s17+$0x0], $0xffff;
	[tilespmem:s25+$0x70] =	vst v28  }
0x107: {  	v34 =	vmax.f32 v34, v35;
	v35 =	vperm.xlane v14, v9;
	v28 =	vld.idx.msk [tilespmem:v44+s17+$0x0], $0xffff;
	[tilespmem:s25+$0xC0] =	vst v29  }
0x108: {  	v14 =	vperm.xlane v14, v10;
	v29 =	vmul.f32 $1.442695020e+00, v34;
	v20 =	vld.idx.msk [tilespmem:v20+s18+$0x0], $0xffff;
	[tilespmem:s25+$0x110] =	vst v26  }
0x109: {  	v34 =	vperm.xlane v18, v9;
	v18 =	vperm.xlane v18, v10;
	v26 =	vld.idx.msk [tilespmem:v40+s18+$0x0], $0xffff;
	[tilespmem:s25+$0x200] =	vst v30  }
0x10a: {  	v30 =	vld.idx.msk [tilespmem:v47+s18+$0x0], $0xffff;
	(erf) = vpow2.f32 v29;
	v29 =	vperm.xlane v15, v9;
	[tilespmem:s25+$0x250] =	vst v27  }
0x10b: {  	v38 =	vperm.xlane v16, v9;
	v15 =	vperm.xlane v15, v10;
	v27 =	vld.idx.msk [tilespmem:v42+s18+$0x0], $0xffff  }
0x10c: {  	v24 =	vmul.f32 v24, v55;
	v16 =	vperm.xlane v16, v10;
	v39 =	vld.idx.msk [tilespmem:v50+s18+$0x0], $0xffff  }
0x10d: {  	v23 =	vmul.f32 v23, v58;
	v25 =	vmul.f32 v25, v61;
	v40 =	vld.idx.msk [tilespmem:v53+s18+$0x0], $0xffff  }
0x10e: {  	v21 =	vmul.f32 v21, v52;
	v36 =	vmul.f32 v36, v54;
	v20 =	vadd.f32 v20, v37;
	v37 =	vld.idx.msk [tilespmem:v57+s17+$0x0], $0xffff  }
0x10f: {  	v12 =	vmul.f32 v12, v22;
	v17 =	vmul.f32 v17, v56;
	v26 =	vadd.f32 v26, v33;
	v33 =	vld.idx.msk [tilespmem:v46+s18+$0x0], $0xffff  }
0x110: {  	v41 =	vmul.f32 $2.000000030e-01, v20;
	v19 =	vadd.f32 v30, v19;
	v30 =	vmul.f32 v11, v13;
	v11 =	vmovc v16;
	[tilespmem:s25+$0xFFFFFDB0] =	vst v24;
	v24 =	vld [tilespmem:s26+$0xFFFFFF90]  }
0x111: {  	v13 =	vmul.f32 $2.000000030e-01, v26;
	v16 =	vadd.f32 v27, v32;
	[tilespmem:s25+$0xFFFFFE00] =	vst v23;
	v23 =	vld [tilespmem:s26+$0xFFFFFFE0]  }
0x112: {  	v20 =	vmax.f32 v20, v41;
	v27 =	vmul.f32 $2.000000030e-01, v19;
	v31 =	vadd.f32 v39, v31;
	[tilespmem:s25+$0xFFFFFE50] =	vst v25;
	v25 =	vld [tilespmem:s26+$0x30]  }
0x113: {  	v13 =	vmax.f32 v26, v13;
	v26 =	vmul.f32 $2.000000030e-01, v16;
	v28 =	vadd.f32 v40, v28;
	v22 =	vpop (erf);
	[tilespmem:s25+$0xFFFFFEA0] =	vst v21;
	v21 =	vld [tilespmem:s26+$0x80]  }
0x114: {  	v19 =	vmax.f32 v19, v27;
	v27 =	vmul.f32 $2.000000030e-01, v31;
	s25 =	sadd.s32 $0x500, s25;
	v32 =	vnsel vm0, $0x0, v22;
	[tilespmem:s28+$0xFFFFFEF0] =	vst v36;
	v36 =	vld [tilespmem:s26+$0xD0]  }
0x115: {  	v39 =	vmul.f32 $2.000000030e-01, v28;
	v33 =	vadd.f32 v33, v37;
	[tilespmem:s25+$0x180] =	vst v32;
	v32 =	vsel vm0, $0x0, v22;
	v37 =	vld [tilespmem:s26+$0x120]  }
0x116: {  	v20 =	vmul.f32 $1.442695020e+00, v20;
	v16 =	vmax.f32 v16, v26;
	v26 =	vmax.f32 v31, v27;
	s26 =	sadd.s32 $0x500, s26;
	[tilespmem:s25+$0x1D0] =	vst v32;
	v27 =	vld [tilespmem:s29+$0x210]  }
0x117: {  	v31 =	vmul.f32 $1.442695020e+00, v13;
	v13 =	vmax.f32 v28, v39;
	v32 =	vmul.f32 $2.000000030e-01, v33;
	v28 =	vld [tilespmem:s26+$0x140];
	[tilespmem:s28+$0xFFFFFF40] =	vst v17  }
0x118: {  	v16 =	vmul.f32 $1.442695020e+00, v16;
	v17 =	vmul.f32 $1.442695020e+00, v19;
	v19 =	vld [tilespmem:s26+$0x190];
	[tilespmem:s28+$0x170] =	vst v12  }
0x119: {  	v26 =	vmul.f32 $1.442695020e+00, v26;
	v39 =	vmul.f32 $1.442695020e+00, v13;
	v12 =	vmax.f32 v33, v32;
	v13 =	vld [tilespmem:s29+$0x260];
	[tilespmem:s24+$0x260] =	vst v30;
	s24 =	smov.u32 s28;
	s28 =	smov.u32 s25;
	s29 =	smov.u32 s26  }
0x11a: {  	v30 =	vperm.xlane v22, v1;
	v32 =	vmul.f32 $1.442695020e+00, v12  }
0x11b: {  	v12 =	vperm.xlane v22, v4;
	(erf) = vpow2.f32 v20  }
0x11c: {  	v20 =	vmul.f32 v30, v28;
	(erf) = vpow2.f32 v31  }
0x11d: {  	v19 =	vmul.f32 v12, v19;
	(erf) = vpow2.f32 v17  }
0x11e: {  	v12 =	vperm.xlane v22, v9;
	[tilespmem:s25+$0x140] =	vst v20;
	(erf) = vpow2.f32 v16  }
0x11f: {  	v16 =	vmul.f32 v35, v24;
	[tilespmem:s25+$0x190] =	vst v19;
	(erf) = vpow2.f32 v26  }
0x120: {  	v14 =	vmul.f32 v14, v23;
	v17 =	vld [tilespmem:s26+$0x150];
	(erf) = vpow2.f32 v39  }
0x121: {  	v24 =	vld [tilespmem:s26+$0x1A0];
	(erf) = vpow2.f32 v32;
	[tilespmem:s24+$0xFFFFFF90] =	vst v16;
	v16 =	vmul.f32 v34, v25  }
0x122: {  	[tilespmem:s24+$0xFFFFFFE0] =	vst v14;
	v14 =	vmul.f32 v18, v21;
	v18 =	vmul.f32 v29, v36  }
0x123: {  	v26 =	vperm.xlane v22, v5;
	v19 =	vmul.f32 v15, v37;
	[tilespmem:s24+$0x30] =	vst v16  }
0x124: {  	v20 =	vmul.f32 v38, v27;
	v15 =	vperm.xlane v22, v6;
	v23 =	vpop (erf);
	[tilespmem:s24+$0x80] =	vst v14  }
0x125: {  	v30 =	vnsel vm0, $0x0, v23;
	v16 =	vsel vm0, $0x0, v23;
	v25 =	vmul.f32 v26, v17;
	v21 =	vpop (erf);
	[tilespmem:s24+$0xD0] =	vst v18  }
0x126: {  	[tilespmem:s25+$0xFFFFFDC0] =	vst v30;
	v26 =	vnsel vm0, $0x0, v21;
	v27 =	vsel vm0, $0x0, v21;
	v36 =	vmul.f32 v15, v24;
	v17 =	vpop (erf)  }
0x127: {  	v24 =	vperm.xlane v23, v1;
	v28 =	vnsel vm0, $0x0, v17;
	v29 =	vsel vm0, $0x0, v17;
	[tilespmem:s25+$0x150] =	vst v25;
	v14 =	vpop (erf)  }
0x128: {  	v25 =	vperm.xlane v23, v4;
	v30 =	vnsel vm0, $0x0, v14;
	v31 =	vsel vm0, $0x0, v14;
	[tilespmem:s25+$0x1A0] =	vst v36;
	v18 =	vpop (erf)  }
0x129: {  	v32 =	vperm.xlane v21, v1;
	[tilespmem:s25+$0xFFFFFE10] =	vst v16;
	v33 =	vnsel vm0, $0x0, v18;
	v34 =	vsel vm0, $0x0, v18;
	v35 =	vld [tilespmem:s26+$0x160];
	v15 =	vpop (erf)  }
0x12a: {  	[tilespmem:s25+$0xFFFFFE60] =	vst v26;
	v26 =	vperm.xlane v21, v4;
	v36 =	vnsel vm0, $0x0, v15;
	v37 =	vsel vm0, $0x0, v15;
	v38 =	vld [tilespmem:s26+$0x1B0];
	v16 =	vpop (erf)  }
0x12b: {  	v39 =	vld [tilespmem:s26+$0xFFFFFD80];
	[tilespmem:s25+$0xFFFFFEB0] =	vst v27;
	v27 =	vperm.xlane v17, v1;
	v40 =	vnsel vm0, $0x0, v16;
	v41 =	vsel vm0, $0x0, v16  }
0x12c: {  	v43 =	vperm.xlane v22, v7;
	v42 =	vld [tilespmem:s26+$0xFFFFFDD0];
	[tilespmem:s25+$0xFFFFFF00] =	vst v28;
	v28 =	vperm.xlane v17, v4  }
0x12d: {  	v45 =	vperm.xlane v22, v8;
	v44 =	vld [tilespmem:s26+$0xFFFFFE20];
	[tilespmem:s25+$0xFFFFFF50] =	vst v29;
	v29 =	vperm.xlane v14, v1  }
0x12e: {  	v46 =	vld [tilespmem:s26+$0xFFFFFE70];
	[tilespmem:s25+$0xFFFFFFA0] =	vst v30;
	v30 =	vperm.xlane v14, v4;
	v35 =	vmul.f32 v43, v35  }
0x12f: {  	v43 =	vld [tilespmem:s26+$0xFFFFFEC0];
	[tilespmem:s25+$0xFFFFFFF0] =	vst v31;
	v31 =	vperm.xlane v18, v1;
	v38 =	vmul.f32 v45, v38  }
0x130: {  	v47 =	vperm.xlane v18, v4;
	v48 =	vperm.xlane v15, v1;
	v45 =	vld [tilespmem:s26+$0xFFFFFF10];
	[tilespmem:s25+$0x160] =	vst v35  }
0x131: {  	v49 =	vperm.xlane v15, v4;
	v35 =	vld [tilespmem:s26+$0xFFFFFF60];
	[tilespmem:s25+$0x1B0] =	vst v38;
	v38 =	vperm.xlane v16, v1  }
0x132: {  	v24 =	vmul.f32 v24, v39;
	v39 =	vperm.xlane v16, v4;
	[tilespmem:s25+$0x40] =	vst v33;
	v33 =	vld [tilespmem:s26+$0x1C0]  }
0x133: {  	v25 =	vmul.f32 v25, v42;
	v32 =	vmul.f32 v32, v44;
	v42 =	vld [tilespmem:s26+$0xFFFFFFB0];
	[tilespmem:s25+$0x90] =	vst v34  }
0x134: {  	v26 =	vmul.f32 v26, v46;
	v27 =	vmul.f32 v27, v43;
	v34 =	vld [tilespmem:s26+$0x0];
	[tilespmem:s25+$0xE0] =	vst v36  }
0x135: {  	v22 =	vperm.xlane v22, v10;
	v28 =	vmul.f32 v28, v45;
	v36 =	vld [tilespmem:s26+$0x50];
	[tilespmem:s25+$0x130] =	vst v37  }
0x136: {  	v37 =	vperm.xlane v23, v5;
	v29 =	vmul.f32 v29, v35;
	v35 =	vld [tilespmem:s26+$0xA0];
	[tilespmem:s25+$0x220] =	vst v40  }
0x137: {  	v40 =	vperm.xlane v23, v6;
	v43 =	vld [tilespmem:s26+$0xF0];
	v33 =	vmul.f32 v22, v33;
	[tilespmem:s25+$0x270] =	vst v41  }
0x138: {  	[tilespmem:s25+$0xFFFFFD80] =	vst v24;
	v24 =	vperm.xlane v21, v5;
	v30 =	vmul.f32 v30, v42;
	v41 =	vld [tilespmem:s26+$0x1E0]  }
0x139: {  	v42 =	vperm.xlane v21, v6;
	v31 =	vmul.f32 v31, v34;
	v22 =	vld [tilespmem:s26+$0x170];
	[tilespmem:s25+$0x1C0] =	vst v33  }
0x13a: {  	[tilespmem:s25+$0xFFFFFDD0] =	vst v25;
	v25 =	vperm.xlane v17, v5;
	v33 =	vmul.f32 v47, v36;
	v34 =	vld [tilespmem:s26+$0x230]  }
0x13b: {  	v36 =	vld [tilespmem:s26+$0xFFFFFD90];
	[tilespmem:s25+$0xFFFFFE20] =	vst v32;
	v32 =	vperm.xlane v17, v6;
	v35 =	vmul.f32 v48, v35  }
0x13c: {  	v44 =	vld [tilespmem:s26+$0xFFFFFDE0];
	[tilespmem:s25+$0xFFFFFE70] =	vst v26;
	v26 =	vperm.xlane v14, v5;
	v43 =	vmul.f32 v49, v43  }
0x13d: {  	v45 =	vld [tilespmem:s26+$0xFFFFFE30];
	[tilespmem:s25+$0xFFFFFEC0] =	vst v27;
	v27 =	vperm.xlane v14, v6;
	v38 =	vmul.f32 v38, v41  }
0x13e: {  	v46 =	vperm.xlane v18, v6;
	v41 =	vld [tilespmem:s26+$0xFFFFFE80];
	[tilespmem:s25+$0xFFFFFF10] =	vst v28;
	v28 =	vperm.xlane v18, v5  }
0x13f: {  	v47 =	vld [tilespmem:s26+$0xFFFFFED0];
	[tilespmem:s25+$0xFFFFFF60] =	vst v29;
	v29 =	vperm.xlane v15, v5;
	v34 =	vmul.f32 v39, v34  }
0x140: {  	v48 =	vperm.xlane v16, v5;
	v39 =	vld [tilespmem:s26+$0xFFFFFF20];
	[tilespmem:s25+$0xFFFFFFB0] =	vst v30;
	v30 =	vperm.xlane v15, v6  }
0x141: {  	v36 =	vmul.f32 v37, v36;
	v37 =	vld [tilespmem:s26+$0xFFFFFF70];
	[tilespmem:s25+$0x0] =	vst v31;
	v31 =	vperm.xlane v16, v6  }
0x142: {  	v40 =	vmul.f32 v40, v44;
	v24 =	vmul.f32 v24, v45;
	v44 =	vld [tilespmem:s26+$0xFFFFFFC0];
	[tilespmem:s25+$0x50] =	vst v33  }
0x143: {  	v33 =	vperm.xlane v23, v7;
	v41 =	vmul.f32 v42, v41;
	v42 =	vld [tilespmem:s26+$0x10];
	[tilespmem:s25+$0xA0] =	vst v35  }
0x144: {  	v35 =	vperm.xlane v23, v8;
	v25 =	vmul.f32 v25, v47;
	v45 =	vld [tilespmem:s26+$0x60];
	[tilespmem:s25+$0xF0] =	vst v43  }
0x145: {  	v47 =	vperm.xlane v21, v7;
	v32 =	vmul.f32 v32, v39;
	v39 =	vld [tilespmem:s26+$0xB0];
	[tilespmem:s25+$0x1E0] =	vst v38  }
0x146: {  	v49 =	vperm.xlane v21, v8;
	v38 =	vmul.f32 v26, v37;
	v43 =	vld [tilespmem:s26+$0x100];
	[tilespmem:s25+$0x230] =	vst v34  }
0x147: {  	[tilespmem:s25+$0xFFFFFD90] =	vst v36;
	v36 =	vperm.xlane v17, v7;
	v34 =	vmul.f32 v27, v44;
	v44 =	vld [tilespmem:s26+$0x1F0]  }
0x148: {  	v50 =	vperm.xlane v17, v8;
	[tilespmem:s25+$0xFFFFFDE0] =	vst v40;
	v40 =	vmul.f32 v28, v42;
	v42 =	vld [tilespmem:s26+$0x240]  }
0x149: {  	v37 =	vperm.xlane v14, v7;
	v51 =	vld [tilespmem:s26+$0xFFFFFDA0];
	[tilespmem:s25+$0xFFFFFE30] =	vst v24;
	v24 =	vmul.f32 v46, v45  }
0x14a: {  	v26 =	vperm.xlane v14, v8;
	v46 =	vld [tilespmem:s26+$0xFFFFFDF0];
	[tilespmem:s25+$0xFFFFFE80] =	vst v41;
	v52 =	vmul.f32 v29, v39  }
0x14b: {  	v27 =	vperm.xlane v18, v7;
	v39 =	vld [tilespmem:s26+$0xFFFFFE40];
	[tilespmem:s25+$0xFFFFFED0] =	vst v25;
	v25 =	vmul.f32 v30, v43  }
0x14c: {  	v28 =	vperm.xlane v18, v8;
	v53 =	vld [tilespmem:s26+$0xFFFFFE90];
	[tilespmem:s25+$0xFFFFFF20] =	vst v32;
	v48 =	vmul.f32 v48, v44  }
0x14d: {  	v29 =	vperm.xlane v15, v7;
	v54 =	vld [tilespmem:s26+$0xFFFFFEE0];
	[tilespmem:s25+$0xFFFFFF70] =	vst v38;
	v44 =	vmul.f32 v31, v42  }
0x14e: {  	v30 =	vperm.xlane v16, v7;
	v32 =	vperm.xlane v15, v8;
	v42 =	vld [tilespmem:s26+$0xFFFFFF30];
	[tilespmem:s25+$0xFFFFFFC0] =	vst v34  }
.Ltmp1:
0x14f: {  	v31 =	vperm.xlane v16, v8;
	v41 =	vmul.f32 v33, v51;
	v45 =	vld [tilespmem:s26+$0xFFFFFF80];
	[tilespmem:s25+$0x10] =	vst v40;
	(pc) =	sbr.rel @p1 .LBB2_5-.Ltmp1, $4  }
0x150: {  	v43 =	vmul.f32 v35, v46;
	v38 =	vmul.f32 v47, v39;
	v33 =	vld [tilespmem:s26+$0xFFFFFFD0];
	[tilespmem:s25+$0x60] =	vst v24  }
0x151: {  	v24 =	vperm.xlane v23, v9;
	v39 =	vmul.f32 v49, v53;
	v34 =	vld [tilespmem:s26+$0x20];
	[tilespmem:s25+$0xB0] =	vst v52  }
0x152: {  	v23 =	vperm.xlane v23, v10;
	v40 =	vmul.f32 v36, v54;
	v35 =	vld [tilespmem:s26+$0x70];
	[tilespmem:s25+$0x100] =	vst v25  }
0x153: {  	s31 =	sadd.s32 $0x10, s31;
	v25 =	vperm.xlane v21, v9;
	v42 =	vmul.f32 v50, v42;
	v36 =	vld [tilespmem:s26+$0xC0];
	[tilespmem:s25+$0x1F0] =	vst v48  }
0x154: {  	[tilespmem:s25+$0x240] =	vst v44  }
0x155: {  	[tilespmem:s25+$0xFFFFFDA0] =	vst v41  }
0x156: {  	[tilespmem:s25+$0xFFFFFDF0] =	vst v43  }
0x157: {  	[tilespmem:s25+$0xFFFFFE40] =	vst v38  }
0x158: {  	[tilespmem:s25+$0xFFFFFE90] =	vst v39  }
0x159: {  	[tilespmem:s25+$0xFFFFFEE0] =	vst v40  }
0x15a: {  	[tilespmem:s24+$0x120] =	vst v19  }
0x15b: {  	v37 =	vmul.f32 v37, v45;
	v50 =	vld [tilespmem:s26+$0x110];
	[tilespmem:s24+$0x210] =	vst v20  }
0x15c: {  	v12 =	vmul.f32 v12, v22;
	[tilespmem:s25+$0xFFFFFF30] =	vst v42;
	v51 =	vld [tilespmem:s26+$0x200]  }
0x15d: {  	v19 =	vmul.f32 v26, v33;
	v26 =	vld [tilespmem:s26+$0x250];
	[tilespmem:s25+$0xFFFFFF80] =	vst v37  }
0x15e: {  	v20 =	vmul.f32 v27, v34;
	v27 =	vld [tilespmem:s26+$0xFFFFFDB0];
	[tilespmem:s28+$0x170] =	vst v12  }
0x15f: {  	v28 =	vmul.f32 v28, v35;
	[tilespmem:s25+$0xFFFFFFD0] =	vst v19;
	v19 =	vld [tilespmem:s26+$0xFFFFFE00]  }
0x160: {  	v29 =	vmul.f32 v29, v36;
	[tilespmem:s25+$0x20] =	vst v20;
	v20 =	vld [tilespmem:s26+$0xFFFFFE50]  }
0x161: {  	v32 =	vmul.f32 v32, v50;
	[tilespmem:s25+$0x70] =	vst v28;
	v28 =	vld [tilespmem:s26+$0xFFFFFEA0]  }
0x162: {  	v30 =	vmul.f32 v30, v51;
	[tilespmem:s25+$0xC0] =	vst v29;
	v29 =	vld [tilespmem:s26+$0xFFFFFEF0]  }
0x163: {  	v26 =	vmul.f32 v31, v26;
	[tilespmem:s25+$0x110] =	vst v32  }
0x164: {  	v21 =	vperm.xlane v21, v10;
	v31 =	vld [tilespmem:s26+$0xFFFFFF40];
	v24 =	vmul.f32 v24, v27;
	[tilespmem:s25+$0x200] =	vst v30  }
0x165: {  	[tilespmem:s25+$0x250] =	vst v26;
	v19 =	vmul.f32 v23, v19;
	v23 =	vperm.xlane v17, v9  }
0x166: {  	v17 =	vperm.xlane v17, v10;
	v20 =	vmul.f32 v25, v20;
	[tilespmem:s25+$0xFFFFFDB0] =	vst v24;
	v24 =	vld [tilespmem:s26+$0xFFFFFF90]  }
0x167: {  	v21 =	vmul.f32 v21, v28;
	[tilespmem:s25+$0xFFFFFE00] =	vst v19;
	v19 =	vmul.f32 v23, v29;
	v23 =	vld [tilespmem:s26+$0xFFFFFFE0]  }
0x168: {  	[tilespmem:s25+$0xFFFFFE50] =	vst v20;
	v20 =	vld [tilespmem:s26+$0x30]  }
0x169: {  	v22 =	vld [tilespmem:s26+$0x80];
	v17 =	vmul.f32 v17, v31;
	[tilespmem:s25+$0xFFFFFEA0] =	vst v21;
	v21 =	vperm.xlane v14, v9  }
0x16a: {  	v11 =	vmul.f32 v11, v13;
	v13 =	vld [tilespmem:s26+$0xD0];
	v14 =	vperm.xlane v14, v10;
	[tilespmem:s28+$0xFFFFFEF0] =	vst v19  }
0x16b: {  	[tilespmem:s28+$0xFFFFFF40] =	vst v17;
	v17 =	vperm.xlane v18, v9;
	v19 =	vld [tilespmem:s26+$0x120];
	v12 =	vmul.f32 v21, v24  }
0x16c: {  	[tilespmem:s24+$0x260] =	vst v11;
	v18 =	vperm.xlane v18, v10;
	v21 =	vld [tilespmem:s29+$0x210];
	v11 =	vmul.f32 v14, v23  }
0x16d: {  	v14 =	vperm.xlane v15, v9;
	v23 =	vld [tilespmem:s29+$0x260];
	[tilespmem:s28+$0xFFFFFF90] =	vst v12;
	v12 =	vmul.f32 v17, v20  }
0x16e: {  	v15 =	vperm.xlane v15, v10;
	[tilespmem:s28+$0xFFFFFFE0] =	vst v11;
	v11 =	vmul.f32 v18, v22  }
0x16f: {  	v17 =	vperm.xlane v16, v9;
	v13 =	vmul.f32 v14, v13;
	[tilespmem:s28+$0x30] =	vst v12  }
0x170: {  	v12 =	vperm.xlane v16, v10;
	v14 =	vmul.f32 v15, v19;
	[tilespmem:s28+$0x80] =	vst v11  }
0x171: {  	v11 =	vmul.f32 v17, v21;
	[tilespmem:s28+$0xD0] =	vst v13  }
0x172: {  	[tilespmem:s28+$0x120] =	vst v14;
	v12 =	vmul.f32 v12, v23  }
0x173: {  	[tilespmem:s28+$0x210] =	vst v11  }
0x174: {  	[tilespmem:s28+$0x260] =	vst v12  }
0x175: {  	v11 =	vld [tilespmem:s23+$0x2760];
	_ =	sdelay $0x4  }
0x176: {  	[tilespmem:$0x4E70] =	vst v11  }
0x177: {  	v11 =	vld [tilespmem:s23+$0x2770];
	_ =	sdelay $0x4  }
0x178: {  	[tilespmem:$0x4E80] =	vst v11  }
0x179: {  	v11 =	vld [tilespmem:s23+$0x2780];
	_ =	sdelay $0x4  }
0x17a: {  	[tilespmem:$0x4E90] =	vst v11  }
0x17b: {  	v11 =	vld [tilespmem:s23+$0x2790];
	_ =	sdelay $0x3  }
0x17c: {  	s0 =	simm.s32 $0xC  }
0x17d: {  	[tilespmem:$0x4EA0] =	vst v11;
	v11 =	vor.u32 s0, v1  }
0x17e: {  	v12 =	vld [tilespmem:s23+$0x27A0];
	v13 =	vmul.u32 $0x50, v11;
	v11 =	vshll.u32 v11, $0x4  }
0x17f: {  	v11 =	vor.u32 v2, v11  }
0x180: {  	v13 =	vadd.s32 v3, v13;
	_ =	sdelay $0x2  }
0x181: {  	[tilespmem:$0x4EB0] =	vst v12  }
0x182: {  	v11 =	vld.idx.msk [tilespmem:v11+s20+$0x0], $0xffff  }
0x183: {  	v12 =	vld.idx.msk [tilespmem:v13+s19+$0x0], $0xffff;
	_ =	sdelay $0x3  }
0x184: {  	s12 =	simm.s32 $0x4;
	s26 =	simm.s32 $0xE  }
0x185: {  	v24 =	vor.u32 s26, v1;
	v16 =	vor.u32 s12, v1;
	v11 =	vadd.f32 v11, v12  }
0x186: {  	v25 =	vmul.u32 $0x50, v24;
	v19 =	vmul.u32 $0x50, v16  }
0x187: {  	v24 =	vshll.u32 v24, $0x4;
	v15 =	vmul.f32 $2.000000030e-01, v11  }
0x188: {  	s2 =	simm.s32 $0x0;
	v25 =	vadd.s32 v3, v25;
	v16 =	vshll.u32 v16, $0x4;
	v19 =	vadd.s32 v3, v19  }
0x189: {  	v16 =	vor.u32 v2, v16;
	v12 =	vor.u32 s2, v1;
	v11 =	vmax.f32 v11, v15  }
0x18a: {  	v14 =	vmul.u32 $0x50, v12;
	v12 =	vshll.u32 v12, $0x4;
	v11 =	vmul.f32 $1.442695020e+00, v11  }
0x18b: {  	s1 =	simm.s32 $0x2;
	v24 =	vor.u32 v2, v24;
	v12 =	vor.u32 v2, v12  }
0x18c: {  	s23 =	simm.s32 $0x6;
	v13 =	vor.u32 s1, v1;
	v14 =	vadd.s32 v3, v14;
	(erf) = vpow2.f32 v11  }
0x18d: {  	v17 =	vor.u32 s23, v1;
	v19 =	vld.idx.msk [tilespmem:v19+s19+$0x0], $0xffff;
	v18 =	vmul.u32 $0x50, v13;
	v13 =	vshll.u32 v13, $0x4  }
0x18e: {  	s24 =	simm.s32 $0x8;
	v20 =	vmul.u32 $0x50, v17;
	v16 =	vld.idx.msk [tilespmem:v16+s20+$0x0], $0xffff;
	v13 =	vor.u32 v2, v13  }
0x18f: {  	v17 =	vshll.u32 v17, $0x4;
	v25 =	vld.idx.msk [tilespmem:v25+s19+$0x0], $0xffff;
	v18 =	vadd.s32 v3, v18;
	v15 =	vor.u32 s24, v1  }
0x190: {  	v23 =	vor.u32 v2, v17;
	v21 =	vmul.u32 $0x50, v15;
	v15 =	vshll.u32 v15, $0x4;
	v12 =	vld.idx.msk [tilespmem:v12+s20+$0x0], $0xffff  }
0x191: {  	v15 =	vor.u32 v2, v15;
	v14 =	vld.idx.msk [tilespmem:v14+s19+$0x0], $0xffff  }
0x192: {  	v24 =	vld.idx.msk [tilespmem:v24+s20+$0x0], $0xffff;
	v11 =	vadd.s32 v3, v20  }
0x193: {  	s25 =	simm.s32 $0xA;
	v13 =	vld.idx.msk [tilespmem:v13+s20+$0x0], $0xffff;
	v21 =	vadd.s32 v3, v21  }
0x194: {  	v18 =	vld.idx.msk [tilespmem:v18+s19+$0x0], $0xffff;
	v20 =	vor.u32 s25, v1  }
0x195: {  	v23 =	vld.idx.msk [tilespmem:v23+s20+$0x0], $0xffff;
	v22 =	vmul.u32 $0x50, v20;
	v20 =	vshll.u32 v20, $0x4;
	v17 =	vpop (erf)  }
0x196: {  	s23 =	simm.s32 $0xA640;
	v20 =	vor.u32 v2, v20;
	v15 =	vld.idx.msk [tilespmem:v15+s20+$0x0], $0xffff;
	v12 =	vadd.f32 v12, v14;
	v14 =	vnsel vm0, $0x0, v17  }
0x197: {  	v22 =	vadd.s32 v3, v22;
	v11 =	vld.idx.msk [tilespmem:v11+s19+$0x0], $0xffff;
	[tilespmem:s23+$0x180] =	vst v14;
	v14 =	vsel vm0, $0x0, v17  }
0x198: {  	s26 =	simm.s32 $0x6A40;
	v21 =	vld.idx.msk [tilespmem:v21+s19+$0x0], $0xffff;
	v26 =	vmul.f32 $2.000000030e-01, v12;
	[tilespmem:s23+$0x1D0] =	vst v14  }
0x199: {  	v13 =	vadd.f32 v13, v18;
	v14 =	vld [tilespmem:s26+$0x140]  }
0x19a: {  	v16 =	vadd.f32 v16, v19;
	v12 =	vmax.f32 v12, v26;
	v18 =	vld [tilespmem:s26+$0x190]  }
0x19b: {  	v19 =	vld.idx.msk [tilespmem:v20+s20+$0x0], $0xffff;
	v20 =	vmul.f32 $2.000000030e-01, v13;
	v12 =	vmul.f32 $1.442695020e+00, v12  }
0x19c: {  	v22 =	vld.idx.msk [tilespmem:v22+s19+$0x0], $0xffff;
	v11 =	vadd.f32 v23, v11;
	v23 =	vmul.f32 $2.000000030e-01, v16;
	v26 =	vperm.xlane v17, v1  }
0x19d: {  	v15 =	vadd.f32 v15, v21;
	v21 =	vperm.xlane v17, v4;
	(erf) = vpow2.f32 v12  }
0x19e: {  	v12 =	vmax.f32 v13, v20;
	v14 =	vmul.f32 v26, v14  }
0x19f: {  	v16 =	vmax.f32 v16, v23;
	v12 =	vmul.f32 $1.442695020e+00, v12;
	v18 =	vmul.f32 v21, v18  }
0x1a0: {  	v13 =	vmul.f32 $2.000000030e-01, v11;
	[tilespmem:s23+$0x140] =	vst v14;
	v14 =	vmul.f32 $1.442695020e+00, v16;
	v16 =	vadd.f32 v24, v25  }
0x1a1: {  	v19 =	vadd.f32 v19, v22;
	(erf) = vpow2.f32 v12;
	[tilespmem:s23+$0x190] =	vst v18  }
0x1a2: {  	v20 =	vmul.f32 $2.000000030e-01, v15;
	v11 =	vmax.f32 v11, v13;
	v13 =	vld [tilespmem:s26+$0x150];
	v18 =	vmul.f32 $2.000000030e-01, v16  }
0x1a3: {  	v11 =	vmul.f32 $1.442695020e+00, v11;
	(erf) = vpow2.f32 v14;
	v14 =	vld [tilespmem:s26+$0x1A0]  }
0x1a4: {  	v12 =	vmul.f32 $2.000000030e-01, v19  }
0x1a5: {  	v15 =	vmax.f32 v15, v20;
	(erf) = vpow2.f32 v11;
	v11 =	vperm.xlane v17, v5  }
0x1a6: {  	v12 =	vmax.f32 v19, v12;
	v19 =	vperm.xlane v17, v6;
	v16 =	vmax.f32 v16, v18;
	v18 =	vpop (erf)  }
0x1a7: {  	v15 =	vmul.f32 $1.442695020e+00, v15;
	v11 =	vmul.f32 v11, v13;
	v20 =	vnsel vm0, $0x0, v18  }
0x1a8: {  	v13 =	vmul.f32 v19, v14;
	[tilespmem:s23+$0xFFFFFDC0] =	vst v20  }
0x1a9: {  	v12 =	vmul.f32 $1.442695020e+00, v12;
	(erf) = vpow2.f32 v15;
	[tilespmem:s23+$0x150] =	vst v11  }
0x1aa: {  	v16 =	vmul.f32 $1.442695020e+00, v16;
	v19 =	vpop (erf);
	v11 =	vsel vm0, $0x0, v18;
	[tilespmem:s23+$0x1A0] =	vst v13  }
0x1ab: {  	(erf) = vpow2.f32 v12;
	v14 =	vnsel vm0, $0x0, v19;
	[tilespmem:s23+$0xFFFFFE10] =	vst v11;
	v11 =	vld [tilespmem:s26+$0x160]  }
0x1ac: {  	(erf) = vpow2.f32 v16;
	v15 =	vsel vm0, $0x0, v19;
	[tilespmem:s23+$0xFFFFFE60] =	vst v14;
	v16 =	vld [tilespmem:s26+$0x1B0];
	v13 =	vpop (erf)  }
0x1ad: {  	[tilespmem:s23+$0xFFFFFEB0] =	vst v15;
	v21 =	vnsel vm0, $0x0, v13  }
0x1ae: {  	v24 =	vld [tilespmem:s26+$0xFFFFFD80];
	v15 =	vsel vm0, $0x0, v13;
	v14 =	vpop (erf);
	[tilespmem:s23+$0xFFFFFF00] =	vst v21;
	v21 =	vperm.xlane v17, v7  }
0x1af: {  	v30 =	vperm.xlane v17, v8;
	v26 =	vld [tilespmem:s26+$0xFFFFFDD0];
	v27 =	vnsel vm0, $0x0, v14;
	[tilespmem:s23+$0xFFFFFF50] =	vst v15  }
0x1b0: {  	v29 =	vld [tilespmem:s26+$0xFFFFFE20];
	v31 =	vsel vm0, $0x0, v14;
	[tilespmem:s23+$0xFFFFFFA0] =	vst v27;
	v11 =	vmul.f32 v21, v11  }
0x1b1: {  	v20 =	vperm.xlane v18, v1;
	v53 =	vld [tilespmem:s26+$0xFFFFFE70];
	[tilespmem:s23+$0xFFFFFFF0] =	vst v31;
	v30 =	vmul.f32 v30, v16  }
0x1b2: {  	v22 =	vperm.xlane v18, v4;
	v27 =	vld [tilespmem:s26+$0xFFFFFEC0];
	v15 =	vpop (erf);
	[tilespmem:s23+$0x160] =	vst v11  }
0x1b3: {  	v12 =	vperm.xlane v17, v9;
	v55 =	vld [tilespmem:s26+$0xFFFFFF10];
	v24 =	vmul.f32 v20, v24;
	v56 =	vnsel vm0, $0x0, v15;
	[tilespmem:s23+$0x1B0] =	vst v30  }
0x1b4: {  	v48 =	vperm.xlane v18, v6;
	v39 =	vld [tilespmem:s26+$0xFFFFFF60];
	v22 =	vmul.f32 v22, v26;
	[tilespmem:s23+$0x40] =	vst v56  }
0x1b5: {  	v23 =	vperm.xlane v19, v1;
	v25 =	vperm.xlane v19, v4;
	v44 =	vld [tilespmem:s26+$0xFFFFFFB0];
	[tilespmem:s23+$0xFFFFFD80] =	vst v24  }
0x1b6: {  	v50 =	vperm.xlane v19, v6;
	v43 =	vperm.xlane v19, v9;
	v16 =	vpop (erf);
	v30 =	vsel vm0, $0x0, v15;
	[tilespmem:s23+$0xFFFFFDD0] =	vst v22;
	v61 =	vld [tilespmem:s26+$0x1C0]  }
0x1b7: {  	v28 =	vperm.xlane v13, v1;
	v25 =	vmul.f32 v25, v53;
	v62 =	vnsel vm0, $0x0, v16;
	[tilespmem:s23+$0x90] =	vst v30;
	v53 =	vld [tilespmem:s26+$0xFFFFFDE0]  }
0x1b8: {  	v52 =	vperm.xlane v13, v4;
	v23 =	vmul.f32 v23, v29;
	v20 =	vsel vm0, $0x0, v16;
	[tilespmem:s23+$0xE0] =	vst v62;
	v26 =	vld [tilespmem:s26+$0x0]  }
0x1b9: {  	v51 =	vperm.xlane v13, v5;
	[tilespmem:s23+$0x130] =	vst v20;
	v27 =	vmul.f32 v28, v27;
	v28 =	vld [tilespmem:s26+$0x50]  }
0x1ba: {  	v17 =	vperm.xlane v17, v10;
	v38 =	vperm.xlane v14, v8;
	[tilespmem:s23+$0xFFFFFE20] =	vst v23;
	v11 =	vpop (erf);
	v46 =	vld [tilespmem:s26+$0xA0]  }
0x1bb: {  	v31 =	vperm.xlane v14, v4;
	v21 =	vperm.xlane v14, v1;
	[tilespmem:s23+$0xFFFFFE70] =	vst v25;
	v47 =	vld [tilespmem:s26+$0xF0];
	v29 =	vnsel vm0, $0x0, v11  }
0x1bc: {  	v54 =	vperm.xlane v15, v1;
	v30 =	vmul.f32 v52, v55;
	v52 =	vld [tilespmem:s26+$0xFFFFFD90];
	v20 =	vsel vm0, $0x0, v11;
	[tilespmem:s23+$0x220] =	vst v29  }
0x1bd: {  	v57 =	vperm.xlane v15, v4;
	v58 =	vperm.xlane v16, v1;
	v55 =	vld [tilespmem:s26+$0xFFFFFE80];
	[tilespmem:s23+$0x270] =	vst v20  }
0x1be: {  	v59 =	vperm.xlane v16, v4;
	v24 =	vperm.xlane v19, v5;
	v49 =	vld [tilespmem:s26+$0x1E0]  }
0x1bf: {  	v23 =	vperm.xlane v13, v6;
	v21 =	vmul.f32 v21, v39;
	[tilespmem:s23+$0xFFFFFEC0] =	vst v27;
	v22 =	vld [tilespmem:s26+$0x230]  }
0x1c0: {  	v31 =	vmul.f32 v31, v44;
	[tilespmem:s23+$0xFFFFFF10] =	vst v30;
	v20 =	vmul.f32 v17, v61;
	v17 =	vld [tilespmem:s26+$0x170]  }
0x1c1: {  	v25 =	vperm.xlane v14, v5;
	[tilespmem:s23+$0xFFFFFF60] =	vst v21;
	v26 =	vmul.f32 v54, v26;
	v54 =	vld [tilespmem:s26+$0xFFFFFE30]  }
0x1c2: {  	v56 =	vperm.xlane v15, v6;
	[tilespmem:s23+$0xFFFFFFB0] =	vst v31;
	v28 =	vmul.f32 v57, v28;
	v57 =	vld [tilespmem:s26+$0xFFFFFED0]  }
0x1c3: {  	v60 =	vperm.xlane v11, v1;
	v32 =	vmul.f32 v58, v46;
	v58 =	vld [tilespmem:s26+$0xFFFFFF20];
	[tilespmem:s23+$0x1C0] =	vst v20  }
0x1c4: {  	v45 =	vperm.xlane v16, v7;
	v29 =	vperm.xlane v18, v5;
	v46 =	vld [tilespmem:s26+$0xFFFFFF70];
	[tilespmem:s23+$0x0] =	vst v26  }
0x1c5: {  	v33 =	vmul.f32 v59, v47;
	[tilespmem:s23+$0x50] =	vst v28;
	v36 =	vmul.f32 v60, v49;
	v60 =	vld [tilespmem:s26+$0xFFFFFFC0]  }
0x1c6: {  	v62 =	vperm.xlane v18, v7;
	v26 =	vmul.f32 v29, v52;
	[tilespmem:s23+$0xA0] =	vst v32;
	v61 =	vld [tilespmem:s26+$0x10]  }
0x1c7: {  	v63 =	vperm.xlane v11, v4;
	v28 =	vmul.f32 v48, v53;
	[tilespmem:s23+$0xF0] =	vst v33;
	v47 =	vld [tilespmem:s26+$0x60]  }
0x1c8: {  	v27 =	vperm.xlane v14, v6;
	v30 =	vperm.xlane v15, v5;
	v49 =	vld [tilespmem:s26+$0xB0];
	[tilespmem:s23+$0xFFFFFD90] =	vst v26  }
0x1c9: {  	v22 =	vmul.f32 v63, v22;
	[tilespmem:s23+$0xFFFFFDE0] =	vst v28;
	v34 =	vmul.f32 v51, v57;
	v51 =	vld [tilespmem:s26+$0x100]  }
0x1ca: {  	v63 =	vmul.f32 v50, v55;
	v24 =	vmul.f32 v24, v54;
	[tilespmem:s23+$0x1E0] =	vst v36;
	v54 =	vld [tilespmem:s26+$0xFFFFFDA0]  }
0x1cb: {  	v21 =	vperm.xlane v16, v5;
	v31 =	vperm.xlane v16, v6;
	[tilespmem:s23+$0x230] =	vst v22;
	v55 =	vld [tilespmem:s26+$0xFFFFFDF0]  }
0x1cc: {  	v59 =	vperm.xlane v11, v5;
	v29 =	vperm.xlane v11, v6;
	[tilespmem:s23+$0xFFFFFE80] =	vst v63;
	v26 =	vld [tilespmem:s26+$0x1F0]  }
0x1cd: {  	v48 =	vperm.xlane v18, v8;
	v23 =	vmul.f32 v23, v58;
	v28 =	vld [tilespmem:s26+$0x240];
	[tilespmem:s23+$0xFFFFFE30] =	vst v24  }
0x1ce: {  	v25 =	vmul.f32 v25, v46;
	[tilespmem:s23+$0xFFFFFED0] =	vst v34;
	v39 =	vmul.f32 v56, v47;
	v56 =	vld [tilespmem:s26+$0xFFFFFE40]  }
0x1cf: {  	s31 =	simm.s32 $0x1C;
	v52 =	vperm.xlane v13, v7;
	[tilespmem:s23+$0xFFFFFF20] =	vst v23;
	v27 =	vmul.f32 v27, v60;
	v57 =	vld [tilespmem:s26+$0xFFFFFE90]  }
0x1d0: {  	v53 =	vperm.xlane v13, v8;
	[tilespmem:s23+$0xFFFFFF70] =	vst v25;
	v25 =	vor.u32 s31, v1;
	v30 =	vmul.f32 v30, v61;
	v58 =	vld [tilespmem:s26+$0xFFFFFEE0]  }
0x1d1: {  	[tilespmem:s23+$0xFFFFFFC0] =	vst v27;
	v27 =	vmul.u32 $0x50, v25;
	v25 =	vshll.u32 v25, $0x4;
	v26 =	vmul.f32 v59, v26;
	v59 =	vld [tilespmem:s26+$0xFFFFFF30]  }
0x1d2: {  	v50 =	vperm.xlane v19, v7;
	v21 =	vmul.f32 v21, v49;
	[tilespmem:s23+$0x10] =	vst v30;
	v47 =	vld [tilespmem:s26+$0xFFFFFF80];
	v25 =	vor.u32 v2, v25  }
0x1d3: {  	s1 =	simm.s32 $0x1E;
	v12 =	vmul.f32 v12, v17;
	v31 =	vmul.f32 v31, v51;
	[tilespmem:s23+$0x60] =	vst v39;
	v35 =	vld [tilespmem:s26+$0xFFFFFFD0];
	v27 =	vadd.s32 v3, v27  }
0x1d4: {  	v44 =	vor.u32 s1, v1;
	v22 =	vperm.xlane v19, v8;
	v36 =	vperm.xlane v18, v9;
	[tilespmem:s23+$0xB0] =	vst v21;
	v42 =	vld [tilespmem:s26+$0x20]  }
0x1d5: {  	v20 =	vshll.u32 v44, $0x4;
	v18 =	vperm.xlane v18, v10;
	v32 =	vmul.f32 v62, v54;
	v40 =	vld [tilespmem:s26+$0x70];
	[tilespmem:s23+$0x100] =	vst v31  }
0x1d6: {  	s2 =	simm.s32 $0x14;
	v20 =	vor.u32 v2, v20;
	v19 =	vperm.xlane v19, v10;
	v33 =	vmul.f32 v48, v55;
	v31 =	vld [tilespmem:s26+$0xC0]  }
0x1d7: {  	v24 =	vperm.xlane v14, v7;
	v34 =	vperm.xlane v15, v7;
	s31 =	simm.s32 $0x10;
	v61 =	vor.u32 s2, v1;
	[tilespmem:s23+$0xFFFFFDA0] =	vst v32;
	v25 =	vld.idx.msk [tilespmem:v25+s20+$0x0], $0xffff  }
0x1d8: {  	v63 =	vmul.u32 $0x50, v61;
	v48 =	vor.u32 s31, v1;
	v28 =	vmul.f32 v29, v28;
	[tilespmem:s23+$0xFFFFFDF0] =	vst v33;
	v27 =	vld.idx.msk [tilespmem:v27+s19+$0x0], $0xffff  }
0x1d9: {  	s12 =	simm.s32 $0x12;
	v23 =	vperm.xlane v15, v8;
	v62 =	vmul.u32 $0x50, v48;
	v21 =	vmul.f32 v50, v56;
	[tilespmem:s23+$0x1F0] =	vst v26;
	v26 =	vld [tilespmem:s26+$0x110]  }
0x1da: {  	s25 =	simm.s32 $0x18;
	v60 =	vor.u32 s12, v1;
	v33 =	vadd.s32 v3, v63;
	v22 =	vmul.f32 v22, v57;
	[tilespmem:s23+$0x240] =	vst v28;
	v56 =	vld [tilespmem:s26+$0xFFFFFDB0]  }
0x1db: {  	v49 =	vor.u32 s25, v1;
	v46 =	vshll.u32 v60, $0x4;
	v32 =	vadd.s32 v3, v62;
	v50 =	vld [tilespmem:s26+$0x200];
	[tilespmem:s23+$0xFFFFFE40] =	vst v21  }
0x1dc: {  	s12 =	simm.s32 $0x1A;
	v41 =	vmul.f32 v52, v58;
	v52 =	vmul.u32 $0x50, v60;
	[tilespmem:s23+$0xFFFFFE90] =	vst v22;
	v37 =	vmul.f32 v53, v59;
	v53 =	vld [tilespmem:s26+$0x250]  }
0x1dd: {  	s24 =	simm.s32 $0x16;
	v51 =	vor.u32 s12, v1;
	v22 =	vshll.u32 v48, $0x4;
	v48 =	vld [tilespmem:s26+$0xFFFFFE50];
	v25 =	vadd.f32 v25, v27  }
0x1de: {  	v55 =	vmul.u32 $0x50, v49;
	v28 =	vor.u32 s24, v1;
	v60 =	vadd.s32 v3, v52;
	v62 =	vld [tilespmem:s26+$0xFFFFFEA0]  }
0x1df: {  	[tilespmem:s23+$0xFFFFFEE0] =	vst v41;
	v59 =	vshll.u32 v61, $0x4;
	v22 =	vor.u32 v2, v22;
	v33 =	vld.idx.msk [tilespmem:v33+s19+$0x0], $0xffff;
	v61 =	vmul.f32 $2.000000030e-01, v25  }
0x1e0: {  	v49 =	vshll.u32 v49, $0x4;
	v46 =	vor.u32 v2, v46;
	v54 =	vmul.u32 $0x50, v28;
	[tilespmem:s23+$0xFFFFFF30] =	vst v37;
	v32 =	vld.idx.msk [tilespmem:v32+s19+$0x0], $0xffff  }
0x1e1: {  	v49 =	vor.u32 v2, v49;
	v63 =	vadd.s32 v3, v55;
	v52 =	vld [tilespmem:s26+$0xFFFFFEF0];
	v25 =	vmax.f32 v25, v61  }
0x1e2: {  	v21 =	vmul.u32 $0x50, v51;
	v54 =	vadd.s32 v3, v54;
	v55 =	vld [tilespmem:s26+$0xFFFFFF40];
	v25 =	vmul.f32 $1.442695020e+00, v25  }
0x1e3: {  	v51 =	vshll.u32 v51, $0x4;
	v24 =	vmul.f32 v24, v47;
	v35 =	vmul.f32 v38, v35;
	v38 =	vld.idx.msk [tilespmem:v60+s19+$0x0], $0xffff  }
0x1e4: {  	[tilespmem:s23+$0x170] =	vst v12;
	v51 =	vor.u32 v2, v51;
	v31 =	vmul.f32 v45, v31;
	v22 =	vld.idx.msk [tilespmem:v22+s20+$0x0], $0xffff;
	(erf) = vpow2.f32 v25  }
0x1e5: {  	v30 =	vperm.xlane v11, v7;
	v29 =	vperm.xlane v16, v8;
	[tilespmem:s23+$0xFFFFFF80] =	vst v24;
	v60 =	vld.idx.msk [tilespmem:v46+s20+$0x0], $0xffff  }
0x1e6: {  	v39 =	vperm.xlane v11, v8;
	v28 =	vshll.u32 v28, $0x4;
	v24 =	vor.u32 v2, v59;
	[tilespmem:s23+$0xC0] =	vst v31;
	v31 =	vld.idx.msk [tilespmem:v49+s20+$0x0], $0xffff  }
0x1e7: {  	v58 =	vperm.xlane v13, v10;
	v26 =	vmul.f32 v29, v26;
	v29 =	vld.idx.msk [tilespmem:v54+s19+$0x0], $0xffff;
	v25 =	vor.u32 v2, v28  }
0x1e8: {  	v23 =	vmul.f32 v23, v40;
	v21 =	vadd.s32 v3, v21;
	v39 =	vmul.f32 v39, v53;
	v53 =	vld.idx.msk [tilespmem:v63+s19+$0x0], $0xffff  }
0x1e9: {  	v59 =	vperm.xlane v14, v9;
	[tilespmem:s23+$0x110] =	vst v26;
	v26 =	vld.idx.msk [tilespmem:v51+s20+$0x0], $0xffff;
	v22 =	vadd.f32 v22, v32  }
0x1ea: {  	v57 =	vmul.u32 $0x50, v44;
	v14 =	vperm.xlane v14, v10;
	[tilespmem:s23+$0xFFFFFFD0] =	vst v35;
	v36 =	vmul.f32 v36, v56;
	v27 =	vld [tilespmem:s26+$0xFFFFFE00]  }
0x1eb: {  	[tilespmem:s23+$0x70] =	vst v23;
	v30 =	vmul.f32 v30, v50;
	v24 =	vld.idx.msk [tilespmem:v24+s20+$0x0], $0xffff;
	v51 =	vmul.f32 $2.000000030e-01, v22  }
0x1ec: {  	v54 =	vadd.s32 v3, v57;
	v57 =	vperm.xlane v13, v9;
	v19 =	vmul.f32 v19, v62;
	v23 =	vld.idx.msk [tilespmem:v25+s20+$0x0], $0xffff  }
0x1ed: {  	v21 =	vld.idx.msk [tilespmem:v21+s19+$0x0], $0xffff;
	v50 =	vmul.f32 v58, v55;
	v35 =	vadd.f32 v60, v38;
	v22 =	vmax.f32 v22, v51;
	v13 =	vpop (erf)  }
0x1ee: {  	s24 =	simm.s32 $0xAB40;
	[tilespmem:s23+$0x200] =	vst v30;
	v61 =	vperm.xlane v15, v9;
	v22 =	vmul.f32 $1.442695020e+00, v22;
	v62 =	vnsel vm0, $0x0, v13  }
0x1ef: {  	v20 =	vld.idx.msk [tilespmem:v20+s20+$0x0], $0xffff;
	v15 =	vperm.xlane v15, v10;
	v18 =	vmul.f32 v18, v27;
	v49 =	vsel vm0, $0x0, v13;
	[tilespmem:s24+$0x180] =	vst v62  }
0x1f0: {  	s25 =	simm.s32 $0x6F40;
	v31 =	vadd.f32 v31, v53;
	v27 =	vmul.f32 v43, v48;
	(erf) = vpow2.f32 v22;
	v22 =	vld [tilespmem:s26+$0xFFFFFFE0];
	[tilespmem:s24+$0x1D0] =	vst v49  }
0x1f1: {  	[tilespmem:s23+$0xFFFFFDB0] =	vst v36;
	v17 =	vmul.f32 $2.000000030e-01, v35;
	v24 =	vadd.f32 v24, v33;
	v23 =	vadd.f32 v23, v29;
	v29 =	vld [tilespmem:s25+$0x140]  }
0x1f2: {  	v48 =	vmul.f32 v57, v52;
	v28 =	vmul.f32 v34, v42;
	[tilespmem:s23+$0xFFFFFE00] =	vst v18;
	v18 =	vadd.f32 v26, v21;
	v32 =	vld [tilespmem:s25+$0x190]  }
0x1f3: {  	[tilespmem:s23+$0x250] =	vst v39;
	v63 =	vld.idx.msk [tilespmem:v54+s19+$0x0], $0xffff;
	v21 =	vmul.f32 $2.000000030e-01, v31;
	v17 =	vmax.f32 v35, v17;
	v30 =	vmul.f32 $2.000000030e-01, v24  }
0x1f4: {  	v53 =	vld [tilespmem:s26+$0xFFFFFF90];
	v17 =	vmul.f32 $1.442695020e+00, v17;
	[tilespmem:s23+$0x20] =	vst v28;
	v26 =	vperm.xlane v13, v1  }
0x1f5: {  	[tilespmem:s23+$0xFFFFFE50] =	vst v27;
	v28 =	vperm.xlane v16, v9;
	v24 =	vmax.f32 v24, v30;
	v30 =	vld [tilespmem:s26+$0x80];
	v27 =	vperm.xlane v13, v4  }
0x1f6: {  	[tilespmem:s23+$0xFFFFFEA0] =	vst v19;
	v12 =	vmul.f32 v14, v22;
	v22 =	vld [tilespmem:s26+$0xD0];
	v26 =	vmul.f32 v26, v29  }
0x1f7: {  	[tilespmem:s23+$0xFFFFFF40] =	vst v50;
	v52 =	vmul.f32 $2.000000030e-01, v23;
	v29 =	vld [tilespmem:s26+$0x30];
	v27 =	vmul.f32 v27, v32  }
0x1f8: {  	v21 =	vmax.f32 v31, v21;
	v24 =	vmul.f32 $1.442695020e+00, v24;
	(erf) = vpow2.f32 v17;
	[tilespmem:s24+$0x140] =	vst v26  }
0x1f9: {  	v17 =	vmul.f32 $1.442695020e+00, v21;
	v21 =	vmul.f32 v59, v53;
	v23 =	vmax.f32 v23, v52;
	[tilespmem:s24+$0x190] =	vst v27  }
0x1fa: {  	[tilespmem:s23+$0xFFFFFEF0] =	vst v48;
	v19 =	vmul.f32 $2.000000030e-01, v18;
	v23 =	vmul.f32 $1.442695020e+00, v23;
	v26 =	vld [tilespmem:s25+$0x150]  }
0x1fb: {  	(erf) = vpow2.f32 v24;
	[tilespmem:s23+$0xFFFFFF90] =	vst v21;
	v22 =	vmul.f32 v28, v22;
	v14 =	vld [tilespmem:s25+$0x1A0]  }
0x1fc: {  	v20 =	vadd.f32 v20, v63;
	[tilespmem:s23+$0xFFFFFFE0] =	vst v12;
	v12 =	vmul.f32 v15, v30;
	v21 =	vmul.f32 v61, v29  }
0x1fd: {  	v18 =	vmax.f32 v18, v19;
	v19 =	vld [tilespmem:s26+$0x120];
	v15 =	vperm.xlane v13, v5;
	[tilespmem:s23+$0xD0] =	vst v22;
	(erf) = vpow2.f32 v23  }
0x1fe: {  	v23 =	vpop (erf);
	[tilespmem:s23+$0x30] =	vst v21;
	v21 =	vperm.xlane v13, v6  }
0x1ff: {  	v54 =	vmul.f32 $2.000000030e-01, v20;
	v24 =	vld [tilespmem:s26+$0x210];
	[tilespmem:s23+$0x80] =	vst v12;
	v12 =	vnsel vm0, $0x0, v23;
	v15 =	vmul.f32 v15, v26  }
0x200: {  	v16 =	vperm.xlane v16, v10;
	[tilespmem:s24+$0xFFFFFDC0] =	vst v12;
	v14 =	vmul.f32 v21, v14  }
0x201: {  	v25 =	vperm.xlane v11, v9;
	v18 =	vmul.f32 $1.442695020e+00, v18;
	v20 =	vmax.f32 v20, v54;
	[tilespmem:s24+$0x150] =	vst v15  }
0x202: {  	v20 =	vmul.f32 $1.442695020e+00, v20;
	(erf) = vpow2.f32 v17;
	v15 =	vsel vm0, $0x0, v23;
	v21 =	vpop (erf);
	[tilespmem:s24+$0x1A0] =	vst v14  }
0x203: {  	v19 =	vmul.f32 v16, v19;
	(erf) = vpow2.f32 v18;
	[tilespmem:s24+$0xFFFFFE10] =	vst v15;
	v14 =	vnsel vm0, $0x0, v21;
	v15 =	vld [tilespmem:s25+$0x160]  }
0x204: {  	(erf) = vpow2.f32 v20;
	v20 =	vmul.f32 v25, v24;
	v16 =	vsel vm0, $0x0, v21;
	v17 =	vpop (erf);
	v25 =	vld [tilespmem:s25+$0x1B0];
	[tilespmem:s24+$0xFFFFFE60] =	vst v14  }
0x205: {  	v11 =	vperm.xlane v11, v10;
	v28 =	vld [tilespmem:s25+$0xFFFFFD80];
	v18 =	vnsel vm0, $0x0, v17;
	[tilespmem:s24+$0xFFFFFEB0] =	vst v16  }
0x206: {  	v24 =	vperm.xlane v23, v1;
	v30 =	vld [tilespmem:s25+$0xFFFFFDD0];
	v16 =	vsel vm0, $0x0, v17;
	[tilespmem:s24+$0xFFFFFF00] =	vst v18;
	v18 =	vperm.xlane v13, v7;
	v14 =	vpop (erf)  }
0x207: {  	v33 =	vperm.xlane v23, v5;
	[tilespmem:s24+$0xFFFFFF50] =	vst v16;
	v16 =	vperm.xlane v13, v8;
	v31 =	vnsel vm0, $0x0, v14  }
0x208: {  	v12 =	vperm.xlane v13, v9;
	v56 =	vsel vm0, $0x0, v14;
	[tilespmem:s24+$0xFFFFFFA0] =	vst v31;
	v31 =	vmul.f32 v18, v15  }
0x209: {  	v26 =	vperm.xlane v23, v4;
	v55 =	vld [tilespmem:s25+$0xFFFFFE20];
	[tilespmem:s24+$0xFFFFFFF0] =	vst v56;
	v25 =	vmul.f32 v16, v25  }
0x20a: {  	v27 =	vperm.xlane v21, v1;
	v58 =	vld [tilespmem:s25+$0xFFFFFE70];
	v24 =	vmul.f32 v24, v28;
	[tilespmem:s24+$0x160] =	vst v31  }
0x20b: {  	v29 =	vperm.xlane v21, v4;
	v60 =	vld [tilespmem:s25+$0xFFFFFEC0];
	v26 =	vmul.f32 v26, v30;
	[tilespmem:s24+$0x1B0] =	vst v25  }
0x20c: {  	v46 =	vperm.xlane v21, v8;
	v32 =	vperm.xlane v17, v1;
	v63 =	vld [tilespmem:s25+$0xFFFFFF10];
	v18 =	vpop (erf);
	[tilespmem:s24+$0xFFFFFD80] =	vst v24  }
0x20d: {  	v57 =	vperm.xlane v17, v4;
	v47 =	vperm.xlane v17, v7;
	v50 =	vld [tilespmem:s25+$0xFFFFFF60];
	v31 =	vnsel vm0, $0x0, v18;
	[tilespmem:s24+$0xFFFFFDD0] =	vst v26  }
0x20e: {  	v13 =	vperm.xlane v13, v10;
	v59 =	vperm.xlane v14, v1;
	v54 =	vld [tilespmem:s25+$0xFFFFFFB0];
	v15 =	vpop (erf);
	v25 =	vsel vm0, $0x0, v18;
	[tilespmem:s24+$0x40] =	vst v31  }
0x20f: {  	v61 =	vperm.xlane v14, v4;
	v62 =	vperm.xlane v18, v1;
	v31 =	vld [tilespmem:s25+$0x1C0];
	v53 =	vnsel vm0, $0x0, v15;
	[tilespmem:s24+$0x90] =	vst v25  }
0x210: {  	v48 =	vperm.xlane v18, v4;
	v27 =	vmul.f32 v27, v55;
	v25 =	vsel vm0, $0x0, v15;
	v22 =	vld [tilespmem:s25+$0x170];
	[tilespmem:s24+$0xE0] =	vst v53  }
0x211: {  	v29 =	vmul.f32 v29, v58;
	v24 =	vperm.xlane v21, v5;
	v30 =	vld [tilespmem:s25+$0x0];
	[tilespmem:s24+$0x130] =	vst v25  }
0x212: {  	v26 =	vperm.xlane v17, v5;
	v16 =	vpop (erf);
	v49 =	vperm.xlane v15, v1;
	v56 =	vld [tilespmem:s25+$0x50];
	[tilespmem:s24+$0xFFFFFE20] =	vst v27  }
0x213: {  	v51 =	vperm.xlane v15, v4;
	v35 =	vmul.f32 v57, v63;
	v55 =	vnsel vm0, $0x0, v16;
	[tilespmem:s24+$0xFFFFFE70] =	vst v29;
	v57 =	vld [tilespmem:s25+$0xA0]  }
0x214: {  	v32 =	vmul.f32 v32, v60;
	v60 =	vperm.xlane v21, v6;
	v25 =	vsel vm0, $0x0, v16;
	[tilespmem:s24+$0x220] =	vst v55;
	v58 =	vld [tilespmem:s25+$0xF0]  }
0x215: {  	v52 =	vperm.xlane v16, v1;
	v28 =	vperm.xlane v16, v4;
	[tilespmem:s24+$0x270] =	vst v25;
	v55 =	vld [tilespmem:s25+$0xFFFFFE30]  }
0x216: {  	v27 =	vperm.xlane v17, v6;
	[tilespmem:s24+$0xFFFFFEC0] =	vst v32;
	v37 =	vmul.f32 v59, v50;
	v59 =	vld [tilespmem:s25+$0x1E0]  }
0x217: {  	v29 =	vperm.xlane v14, v5;
	[tilespmem:s24+$0xFFFFFF10] =	vst v35;
	v34 =	vmul.f32 v61, v54;
	v61 =	vld [tilespmem:s25+$0x230]  }
0x218: {  	v25 =	vperm.xlane v23, v6;
	v54 =	vld [tilespmem:s25+$0xFFFFFDE0];
	v31 =	vmul.f32 v13, v31;
	[tilespmem:s24+$0xFFFFFF60] =	vst v37  }
0x219: {  	v63 =	vld [tilespmem:s25+$0xFFFFFED0];
	[tilespmem:s24+$0xFFFFFFB0] =	vst v34;
	v34 =	vperm.xlane v15, v6;
	v30 =	vmul.f32 v62, v30  }
0x21a: {  	v53 =	vld [tilespmem:s25+$0xFFFFFF20];
	[tilespmem:s24+$0x1C0] =	vst v31;
	v31 =	vmul.f32 v48, v56;
	v38 =	vmul.f32 v49, v57  }
0x21b: {  	v13 =	vld [tilespmem:s26+$0x260];
	v40 =	vmul.f32 v51, v58;
	v56 =	vperm.xlane v14, v6;
	[tilespmem:s24+$0x0] =	vst v30  }
0x21c: {  	v62 =	vld [tilespmem:s25+$0xFFFFFD90];
	v58 =	vperm.xlane v18, v5;
	v49 =	vperm.xlane v16, v5;
	[tilespmem:s24+$0x50] =	vst v31  }
0x21d: {  	v37 =	vld [tilespmem:s25+$0xFFFFFF70];
	v24 =	vmul.f32 v24, v55;
	v43 =	vmul.f32 v52, v59;
	[tilespmem:s24+$0xA0] =	vst v38  }
0x21e: {  	v57 =	vld [tilespmem:s25+$0xFFFFFE80];
	v59 =	vperm.xlane v18, v6;
	v52 =	vperm.xlane v15, v5;
	[tilespmem:s24+$0xF0] =	vst v40  }
0x21f: {  	v28 =	vmul.f32 v28, v61;
	v25 =	vmul.f32 v25, v54;
	v54 =	vld [tilespmem:s25+$0xFFFFFFC0];
	[tilespmem:s24+$0xFFFFFE30] =	vst v24  }
0x220: {  	v30 =	vperm.xlane v16, v6;
	v61 =	vmul.f32 v26, v63;
	v26 =	vld [tilespmem:s25+$0x60];
	[tilespmem:s24+$0x1E0] =	vst v43  }
0x221: {  	v36 =	vmul.f32 v27, v53;
	v31 =	vperm.xlane v23, v7;
	v27 =	vld [tilespmem:s25+$0xB0];
	[tilespmem:s24+$0x230] =	vst v28  }
0x222: {  	v38 =	vperm.xlane v23, v8;
	[tilespmem:s24+$0xFFFFFED0] =	vst v61;
	v33 =	vmul.f32 v33, v62;
	v62 =	vld [tilespmem:s25+$0x100]  }
0x223: {  	v40 =	vperm.xlane v21, v7;
	[tilespmem:s24+$0xFFFFFF20] =	vst v36;
	v28 =	vperm.xlane v18, v8;
	v63 =	vld [tilespmem:s25+$0x1F0]  }
0x224: {  	[tilespmem:s24+$0xFFFFFDE0] =	vst v25;
	v29 =	vmul.f32 v29, v37;
	v37 =	vperm.xlane v14, v7;
	v36 =	vld [tilespmem:s25+$0xFFFFFEE0]  }
0x225: {  	v55 =	vmul.f32 v60, v57;
	v60 =	vld [tilespmem:s25+$0x10];
	[tilespmem:s24+$0xFFFFFD90] =	vst v33;
	v32 =	vmul.f32 v56, v54  }
0x226: {  	v57 =	vld [tilespmem:s25+$0x240];
	v56 =	vperm.xlane v17, v8;
	[tilespmem:s24+$0xFFFFFF70] =	vst v29;
	v29 =	vperm.xlane v15, v7  }
0x227: {  	[tilespmem:s24+$0xFFFFFE80] =	vst v55;
	v24 =	vmul.f32 v59, v26;
	v59 =	vld [tilespmem:s25+$0xFFFFFDF0];
	v26 =	vperm.xlane v14, v8  }
0x228: {  	v48 =	vmul.f32 v52, v27;
	v61 =	vmul.f32 v34, v62;
	v62 =	vld [tilespmem:s25+$0xFFFFFE90]  }
0x229: {  	v27 =	vperm.xlane v18, v7;
	v49 =	vmul.f32 v49, v63;
	v63 =	vld [tilespmem:s25+$0xFFFFFF30]  }
0x22a: {  	[tilespmem:s24+$0xFFFFFFC0] =	vst v32;
	v32 =	vperm.xlane v15, v8;
	v25 =	vmul.f32 v58, v60;
	v58 =	vld [tilespmem:s25+$0xFFFFFDA0]  }
0x22b: {  	v60 =	vld [tilespmem:s25+$0xFFFFFE40];
	v44 =	vmul.f32 v30, v57;
	v30 =	vperm.xlane v16, v7  }
0x22c: {  	v45 =	vld [tilespmem:s25+$0xFFFFFF80];
	[tilespmem:s24+$0x60] =	vst v24;
	v24 =	vperm.xlane v23, v9;
	v23 =	vperm.xlane v23, v10  }
0x22d: {  	v33 =	vld [tilespmem:s25+$0xFFFFFFD0];
	[tilespmem:s24+$0x10] =	vst v25;
	v25 =	vperm.xlane v21, v9;
	v43 =	vmul.f32 v38, v59  }
0x22e: {  	[tilespmem:s24+$0xB0] =	vst v48;
	v34 =	vld [tilespmem:s25+$0x20];
	v39 =	vmul.f32 v46, v62;
	v42 =	vmul.f32 v56, v63  }
0x22f: {  	s30 =	simm.s32 $0x2E;
	[tilespmem:s24+$0x100] =	vst v61;
	v35 =	vld [tilespmem:s25+$0x70];
	v41 =	vmul.f32 v31, v58;
	v31 =	vperm.xlane v16, v8  }
0x230: {  	s29 =	simm.s32 $0x8;
	s28 =	simm.s32 $0x6F40;
	s26 =	simm.s32 $0xAB40;
	[tilespmem:s24+$0x1F0] =	vst v49;
	v38 =	vmul.f32 v40, v60;
	v40 =	vmul.f32 v47, v36;
	v36 =	vld [tilespmem:s25+$0xC0]  }
.LBB2_7:
0x231: {  	s0 =	sadd.s32 $0xFFFFFFF4, s30;
	s1 =	sadd.s32 $0xFFFFFFF6, s30;
	s2 =	sadd.s32 $0xFFFFFFFE, s30;
	v46 =	vor.u32 s30, v1;
	v21 =	vperm.xlane v21, v10;
	v37 =	vmul.f32 v37, v45;
	v45 =	vld [tilespmem:s25+$0x110];
	[tilespmem:s24+$0x240] =	vst v44  }
0x232: {  	s12 =	sadd.s32 $0xFFFFFFFC, s30;
	v44 =	vor.u32 s0, v1;
	v47 =	vor.u32 s1, v1;
	s0 =	sadd.s32 $0xFFFFFFF8, s30;
	s1 =	sadd.s32 $0xFFFFFFFA, s30;
	v48 =	vor.u32 s2, v1;
	v49 =	vld [tilespmem:s25+$0x200]  }
0x233: {  	s2 =	sadd.s32 $0xFFFFFFF2, s30;
	v50 =	vor.u32 s0, v1;
	v51 =	vmul.u32 $0x50, v48;
	v48 =	vshll.u32 v48, $0x4;
	[tilespmem:s24+$0xFFFFFDA0] =	vst v41;
	v41 =	vld [tilespmem:s25+$0x250]  }
0x234: {  	v52 =	vor.u32 s2, v1;
	v53 =	vor.u32 s1, v1;
	v48 =	vor.u32 v2, v48;
	[tilespmem:s24+$0xFFFFFDF0] =	vst v43  }
0x235: {  	s29 =	sadd.s32 $0x8, s29;
	v54 =	vor.u32 s12, v1;
	v43 =	vmul.u32 $0x50, v52;
	v51 =	vadd.s32 v3, v51;
	v55 =	vld [tilespmem:s25+$0xFFFFFDB0];
	[tilespmem:s24+$0xFFFFFE40] =	vst v38  }
0x236: {  	p1 =	slt.u32 s29, $0x20;
	v56 =	vmul.u32 $0x50, v47;
	v57 =	vmul.u32 $0x50, v50;
	v38 =	vmul.u32 $0x50, v44;
	v58 =	vld [tilespmem:s25+$0xFFFFFE00];
	[tilespmem:s24+$0xFFFFFE90] =	vst v39  }
0x237: {  	v60 =	vmul.u32 $0x50, v46;
	v59 =	vmul.u32 $0x50, v54;
	v39 =	vmul.u32 $0x50, v53;
	v61 =	vld [tilespmem:s25+$0xFFFFFE50];
	[tilespmem:s24+$0xFFFFFEE0] =	vst v40  }
0x238: {  	v47 =	vshll.u32 v47, $0x4;
	v44 =	vshll.u32 v44, $0x4;
	v40 =	vshll.u32 v52, $0x4;
	v52 =	vld [tilespmem:s25+$0xFFFFFEA0];
	[tilespmem:s24+$0xFFFFFF30] =	vst v42  }
0x239: {  	v42 =	vshll.u32 v50, $0x4;
	v50 =	vshll.u32 v53, $0x4;
	v53 =	vshll.u32 v54, $0x4;
	v48 =	vld.idx.msk [tilespmem:v48+s20+$0x0], $0xffff;
	[tilespmem:s24+$0xFFFFFF80] =	vst v37  }
0x23a: {  	v46 =	vshll.u32 v46, $0x4;
	v38 =	vadd.s32 v3, v38;
	v37 =	vadd.s32 v3, v43;
	v43 =	vld.idx.msk [tilespmem:v51+s19+$0x0], $0xffff;
	[tilespmem:s23+$0x120] =	vst v19  }
0x23b: {  	v39 =	vadd.s32 v3, v39;
	v19 =	vadd.s32 v3, v56;
	v51 =	vadd.s32 v3, v57;
	v54 =	vld [tilespmem:s25+$0xFFFFFEF0];
	[tilespmem:s23+$0x210] =	vst v20  }
0x23c: {  	v20 =	vor.u32 v2, v40;
	v40 =	vor.u32 v2, v44;
	v44 =	vadd.s32 v3, v59;
	v56 =	vld [tilespmem:s25+$0xFFFFFF40]  }
0x23d: {  	v47 =	vor.u32 v2, v47;
	v42 =	vor.u32 v2, v42;
	v50 =	vor.u32 v2, v50  }
0x23e: {  	v46 =	vor.u32 v2, v46;
	v53 =	vor.u32 v2, v53;
	v57 =	vadd.s32 v3, v60  }
0x23f: {  	v26 =	vmul.f32 v26, v33;
	v27 =	vmul.f32 v27, v34;
	v37 =	vld.idx.msk [tilespmem:v37+s19+$0x0], $0xffff  }
0x240: {  	v28 =	vmul.f32 v28, v35;
	v29 =	vmul.f32 v29, v36;
	v34 =	vadd.f32 v48, v43;
	v33 =	vld.idx.msk [tilespmem:v38+s19+$0x0], $0xffff  }
0x241: {  	v30 =	vmul.f32 v30, v49;
	v19 =	vld.idx.msk [tilespmem:v19+s19+$0x0], $0xffff;
	[tilespmem:s24+$0xFFFFFFD0] =	vst v26;
	v26 =	vmul.f32 v32, v45  }
0x242: {  	v35 =	vmul.f32 $2.000000030e-01, v34;
	v32 =	vld.idx.msk [tilespmem:v51+s19+$0x0], $0xffff;
	[tilespmem:s24+$0x20] =	vst v27;
	v27 =	vmul.f32 v31, v41  }
0x243: {  	v36 =	vperm.xlane v17, v9;
	v17 =	vperm.xlane v17, v10;
	v31 =	vld.idx.msk [tilespmem:v39+s19+$0x0], $0xffff;
	[tilespmem:s24+$0x70] =	vst v28  }
0x244: {  	v34 =	vmax.f32 v34, v35;
	v35 =	vperm.xlane v14, v9;
	v28 =	vld.idx.msk [tilespmem:v44+s19+$0x0], $0xffff;
	[tilespmem:s24+$0xC0] =	vst v29  }
0x245: {  	v14 =	vperm.xlane v14, v10;
	v29 =	vmul.f32 $1.442695020e+00, v34;
	v20 =	vld.idx.msk [tilespmem:v20+s20+$0x0], $0xffff;
	[tilespmem:s24+$0x110] =	vst v26  }
0x246: {  	v34 =	vperm.xlane v18, v9;
	v18 =	vperm.xlane v18, v10;
	v26 =	vld.idx.msk [tilespmem:v40+s20+$0x0], $0xffff;
	[tilespmem:s24+$0x200] =	vst v30  }
0x247: {  	v30 =	vld.idx.msk [tilespmem:v47+s20+$0x0], $0xffff;
	(erf) = vpow2.f32 v29;
	v29 =	vperm.xlane v15, v9;
	[tilespmem:s24+$0x250] =	vst v27  }
0x248: {  	v38 =	vperm.xlane v16, v9;
	v15 =	vperm.xlane v15, v10;
	v27 =	vld.idx.msk [tilespmem:v42+s20+$0x0], $0xffff  }
0x249: {  	v24 =	vmul.f32 v24, v55;
	v16 =	vperm.xlane v16, v10;
	v39 =	vld.idx.msk [tilespmem:v50+s20+$0x0], $0xffff  }
0x24a: {  	v23 =	vmul.f32 v23, v58;
	v25 =	vmul.f32 v25, v61;
	v40 =	vld.idx.msk [tilespmem:v53+s20+$0x0], $0xffff  }
0x24b: {  	v21 =	vmul.f32 v21, v52;
	v36 =	vmul.f32 v36, v54;
	v20 =	vadd.f32 v20, v37;
	v37 =	vld.idx.msk [tilespmem:v57+s19+$0x0], $0xffff  }
0x24c: {  	v12 =	vmul.f32 v12, v22;
	v17 =	vmul.f32 v17, v56;
	v26 =	vadd.f32 v26, v33;
	v33 =	vld.idx.msk [tilespmem:v46+s20+$0x0], $0xffff  }
0x24d: {  	v41 =	vmul.f32 $2.000000030e-01, v20;
	v19 =	vadd.f32 v30, v19;
	v30 =	vmul.f32 v11, v13;
	v11 =	vmovc v16;
	[tilespmem:s24+$0xFFFFFDB0] =	vst v24;
	v24 =	vld [tilespmem:s25+$0xFFFFFF90]  }
0x24e: {  	v13 =	vmul.f32 $2.000000030e-01, v26;
	v16 =	vadd.f32 v27, v32;
	[tilespmem:s24+$0xFFFFFE00] =	vst v23;
	v23 =	vld [tilespmem:s25+$0xFFFFFFE0]  }
0x24f: {  	v20 =	vmax.f32 v20, v41;
	v27 =	vmul.f32 $2.000000030e-01, v19;
	v31 =	vadd.f32 v39, v31;
	[tilespmem:s24+$0xFFFFFE50] =	vst v25;
	v25 =	vld [tilespmem:s25+$0x30]  }
0x250: {  	v13 =	vmax.f32 v26, v13;
	v26 =	vmul.f32 $2.000000030e-01, v16;
	v28 =	vadd.f32 v40, v28;
	v22 =	vpop (erf);
	[tilespmem:s24+$0xFFFFFEA0] =	vst v21;
	v21 =	vld [tilespmem:s25+$0x80]  }
0x251: {  	v19 =	vmax.f32 v19, v27;
	v27 =	vmul.f32 $2.000000030e-01, v31;
	s24 =	sadd.s32 $0x500, s24;
	v32 =	vnsel vm0, $0x0, v22;
	[tilespmem:s26+$0xFFFFFEF0] =	vst v36;
	v36 =	vld [tilespmem:s25+$0xD0]  }
0x252: {  	v39 =	vmul.f32 $2.000000030e-01, v28;
	v33 =	vadd.f32 v33, v37;
	[tilespmem:s24+$0x180] =	vst v32;
	v32 =	vsel vm0, $0x0, v22;
	v37 =	vld [tilespmem:s25+$0x120]  }
0x253: {  	v20 =	vmul.f32 $1.442695020e+00, v20;
	v16 =	vmax.f32 v16, v26;
	v26 =	vmax.f32 v31, v27;
	s25 =	sadd.s32 $0x500, s25;
	[tilespmem:s24+$0x1D0] =	vst v32;
	v27 =	vld [tilespmem:s28+$0x210]  }
0x254: {  	v31 =	vmul.f32 $1.442695020e+00, v13;
	v13 =	vmax.f32 v28, v39;
	v32 =	vmul.f32 $2.000000030e-01, v33;
	v28 =	vld [tilespmem:s25+$0x140];
	[tilespmem:s26+$0xFFFFFF40] =	vst v17  }
0x255: {  	v16 =	vmul.f32 $1.442695020e+00, v16;
	v17 =	vmul.f32 $1.442695020e+00, v19;
	v19 =	vld [tilespmem:s25+$0x190];
	[tilespmem:s26+$0x170] =	vst v12  }
0x256: {  	v26 =	vmul.f32 $1.442695020e+00, v26;
	v39 =	vmul.f32 $1.442695020e+00, v13;
	v12 =	vmax.f32 v33, v32;
	v13 =	vld [tilespmem:s28+$0x260];
	[tilespmem:s23+$0x260] =	vst v30;
	s23 =	smov.u32 s26;
	s26 =	smov.u32 s24;
	s28 =	smov.u32 s25  }
0x257: {  	v30 =	vperm.xlane v22, v1;
	v32 =	vmul.f32 $1.442695020e+00, v12  }
0x258: {  	v12 =	vperm.xlane v22, v4;
	(erf) = vpow2.f32 v20  }
0x259: {  	v20 =	vmul.f32 v30, v28;
	(erf) = vpow2.f32 v31  }
0x25a: {  	v19 =	vmul.f32 v12, v19;
	(erf) = vpow2.f32 v17  }
0x25b: {  	v12 =	vperm.xlane v22, v9;
	[tilespmem:s24+$0x140] =	vst v20;
	(erf) = vpow2.f32 v16  }
0x25c: {  	v16 =	vmul.f32 v35, v24;
	[tilespmem:s24+$0x190] =	vst v19;
	(erf) = vpow2.f32 v26  }
0x25d: {  	v14 =	vmul.f32 v14, v23;
	v17 =	vld [tilespmem:s25+$0x150];
	(erf) = vpow2.f32 v39  }
0x25e: {  	v24 =	vld [tilespmem:s25+$0x1A0];
	(erf) = vpow2.f32 v32;
	[tilespmem:s23+$0xFFFFFF90] =	vst v16;
	v16 =	vmul.f32 v34, v25  }
0x25f: {  	[tilespmem:s23+$0xFFFFFFE0] =	vst v14;
	v14 =	vmul.f32 v18, v21;
	v18 =	vmul.f32 v29, v36  }
0x260: {  	v26 =	vperm.xlane v22, v5;
	v19 =	vmul.f32 v15, v37;
	[tilespmem:s23+$0x30] =	vst v16  }
0x261: {  	v20 =	vmul.f32 v38, v27;
	v15 =	vperm.xlane v22, v6;
	v23 =	vpop (erf);
	[tilespmem:s23+$0x80] =	vst v14  }
0x262: {  	v30 =	vnsel vm0, $0x0, v23;
	v16 =	vsel vm0, $0x0, v23;
	v25 =	vmul.f32 v26, v17;
	v21 =	vpop (erf);
	[tilespmem:s23+$0xD0] =	vst v18  }
0x263: {  	[tilespmem:s24+$0xFFFFFDC0] =	vst v30;
	v26 =	vnsel vm0, $0x0, v21;
	v27 =	vsel vm0, $0x0, v21;
	v36 =	vmul.f32 v15, v24;
	v17 =	vpop (erf)  }
0x264: {  	v24 =	vperm.xlane v23, v1;
	v28 =	vnsel vm0, $0x0, v17;
	v29 =	vsel vm0, $0x0, v17;
	[tilespmem:s24+$0x150] =	vst v25;
	v14 =	vpop (erf)  }
0x265: {  	v25 =	vperm.xlane v23, v4;
	v30 =	vnsel vm0, $0x0, v14;
	v31 =	vsel vm0, $0x0, v14;
	[tilespmem:s24+$0x1A0] =	vst v36;
	v18 =	vpop (erf)  }
0x266: {  	v32 =	vperm.xlane v21, v1;
	[tilespmem:s24+$0xFFFFFE10] =	vst v16;
	v33 =	vnsel vm0, $0x0, v18;
	v34 =	vsel vm0, $0x0, v18;
	v35 =	vld [tilespmem:s25+$0x160];
	v15 =	vpop (erf)  }
0x267: {  	[tilespmem:s24+$0xFFFFFE60] =	vst v26;
	v26 =	vperm.xlane v21, v4;
	v36 =	vnsel vm0, $0x0, v15;
	v37 =	vsel vm0, $0x0, v15;
	v38 =	vld [tilespmem:s25+$0x1B0];
	v16 =	vpop (erf)  }
0x268: {  	v39 =	vld [tilespmem:s25+$0xFFFFFD80];
	[tilespmem:s24+$0xFFFFFEB0] =	vst v27;
	v27 =	vperm.xlane v17, v1;
	v40 =	vnsel vm0, $0x0, v16;
	v41 =	vsel vm0, $0x0, v16  }
0x269: {  	v43 =	vperm.xlane v22, v7;
	v42 =	vld [tilespmem:s25+$0xFFFFFDD0];
	[tilespmem:s24+$0xFFFFFF00] =	vst v28;
	v28 =	vperm.xlane v17, v4  }
0x26a: {  	v45 =	vperm.xlane v22, v8;
	v44 =	vld [tilespmem:s25+$0xFFFFFE20];
	[tilespmem:s24+$0xFFFFFF50] =	vst v29;
	v29 =	vperm.xlane v14, v1  }
0x26b: {  	v46 =	vld [tilespmem:s25+$0xFFFFFE70];
	[tilespmem:s24+$0xFFFFFFA0] =	vst v30;
	v30 =	vperm.xlane v14, v4;
	v35 =	vmul.f32 v43, v35  }
0x26c: {  	v43 =	vld [tilespmem:s25+$0xFFFFFEC0];
	[tilespmem:s24+$0xFFFFFFF0] =	vst v31;
	v31 =	vperm.xlane v18, v1;
	v38 =	vmul.f32 v45, v38  }
0x26d: {  	v47 =	vperm.xlane v18, v4;
	v48 =	vperm.xlane v15, v1;
	v45 =	vld [tilespmem:s25+$0xFFFFFF10];
	[tilespmem:s24+$0x160] =	vst v35  }
0x26e: {  	v49 =	vperm.xlane v15, v4;
	v35 =	vld [tilespmem:s25+$0xFFFFFF60];
	[tilespmem:s24+$0x1B0] =	vst v38;
	v38 =	vperm.xlane v16, v1  }
0x26f: {  	v24 =	vmul.f32 v24, v39;
	v39 =	vperm.xlane v16, v4;
	[tilespmem:s24+$0x40] =	vst v33;
	v33 =	vld [tilespmem:s25+$0x1C0]  }
0x270: {  	v25 =	vmul.f32 v25, v42;
	v32 =	vmul.f32 v32, v44;
	v42 =	vld [tilespmem:s25+$0xFFFFFFB0];
	[tilespmem:s24+$0x90] =	vst v34  }
0x271: {  	v26 =	vmul.f32 v26, v46;
	v27 =	vmul.f32 v27, v43;
	v34 =	vld [tilespmem:s25+$0x0];
	[tilespmem:s24+$0xE0] =	vst v36  }
0x272: {  	v22 =	vperm.xlane v22, v10;
	v28 =	vmul.f32 v28, v45;
	v36 =	vld [tilespmem:s25+$0x50];
	[tilespmem:s24+$0x130] =	vst v37  }
0x273: {  	v37 =	vperm.xlane v23, v5;
	v29 =	vmul.f32 v29, v35;
	v35 =	vld [tilespmem:s25+$0xA0];
	[tilespmem:s24+$0x220] =	vst v40  }
0x274: {  	v40 =	vperm.xlane v23, v6;
	v43 =	vld [tilespmem:s25+$0xF0];
	v33 =	vmul.f32 v22, v33;
	[tilespmem:s24+$0x270] =	vst v41  }
0x275: {  	[tilespmem:s24+$0xFFFFFD80] =	vst v24;
	v24 =	vperm.xlane v21, v5;
	v30 =	vmul.f32 v30, v42;
	v41 =	vld [tilespmem:s25+$0x1E0]  }
0x276: {  	v42 =	vperm.xlane v21, v6;
	v31 =	vmul.f32 v31, v34;
	v22 =	vld [tilespmem:s25+$0x170];
	[tilespmem:s24+$0x1C0] =	vst v33  }
0x277: {  	[tilespmem:s24+$0xFFFFFDD0] =	vst v25;
	v25 =	vperm.xlane v17, v5;
	v33 =	vmul.f32 v47, v36;
	v34 =	vld [tilespmem:s25+$0x230]  }
0x278: {  	v36 =	vld [tilespmem:s25+$0xFFFFFD90];
	[tilespmem:s24+$0xFFFFFE20] =	vst v32;
	v32 =	vperm.xlane v17, v6;
	v35 =	vmul.f32 v48, v35  }
0x279: {  	v44 =	vld [tilespmem:s25+$0xFFFFFDE0];
	[tilespmem:s24+$0xFFFFFE70] =	vst v26;
	v26 =	vperm.xlane v14, v5;
	v43 =	vmul.f32 v49, v43  }
0x27a: {  	v45 =	vld [tilespmem:s25+$0xFFFFFE30];
	[tilespmem:s24+$0xFFFFFEC0] =	vst v27;
	v27 =	vperm.xlane v14, v6;
	v38 =	vmul.f32 v38, v41  }
0x27b: {  	v46 =	vperm.xlane v18, v6;
	v41 =	vld [tilespmem:s25+$0xFFFFFE80];
	[tilespmem:s24+$0xFFFFFF10] =	vst v28;
	v28 =	vperm.xlane v18, v5  }
0x27c: {  	v47 =	vld [tilespmem:s25+$0xFFFFFED0];
	[tilespmem:s24+$0xFFFFFF60] =	vst v29;
	v29 =	vperm.xlane v15, v5;
	v34 =	vmul.f32 v39, v34  }
0x27d: {  	v48 =	vperm.xlane v16, v5;
	v39 =	vld [tilespmem:s25+$0xFFFFFF20];
	[tilespmem:s24+$0xFFFFFFB0] =	vst v30;
	v30 =	vperm.xlane v15, v6  }
0x27e: {  	v36 =	vmul.f32 v37, v36;
	v37 =	vld [tilespmem:s25+$0xFFFFFF70];
	[tilespmem:s24+$0x0] =	vst v31;
	v31 =	vperm.xlane v16, v6  }
0x27f: {  	v40 =	vmul.f32 v40, v44;
	v24 =	vmul.f32 v24, v45;
	v44 =	vld [tilespmem:s25+$0xFFFFFFC0];
	[tilespmem:s24+$0x50] =	vst v33  }
0x280: {  	v33 =	vperm.xlane v23, v7;
	v41 =	vmul.f32 v42, v41;
	v42 =	vld [tilespmem:s25+$0x10];
	[tilespmem:s24+$0xA0] =	vst v35  }
0x281: {  	v35 =	vperm.xlane v23, v8;
	v25 =	vmul.f32 v25, v47;
	v45 =	vld [tilespmem:s25+$0x60];
	[tilespmem:s24+$0xF0] =	vst v43  }
0x282: {  	v47 =	vperm.xlane v21, v7;
	v32 =	vmul.f32 v32, v39;
	v39 =	vld [tilespmem:s25+$0xB0];
	[tilespmem:s24+$0x1E0] =	vst v38  }
0x283: {  	v49 =	vperm.xlane v21, v8;
	v38 =	vmul.f32 v26, v37;
	v43 =	vld [tilespmem:s25+$0x100];
	[tilespmem:s24+$0x230] =	vst v34  }
0x284: {  	[tilespmem:s24+$0xFFFFFD90] =	vst v36;
	v36 =	vperm.xlane v17, v7;
	v34 =	vmul.f32 v27, v44;
	v44 =	vld [tilespmem:s25+$0x1F0]  }
0x285: {  	v50 =	vperm.xlane v17, v8;
	[tilespmem:s24+$0xFFFFFDE0] =	vst v40;
	v40 =	vmul.f32 v28, v42;
	v42 =	vld [tilespmem:s25+$0x240]  }
0x286: {  	v37 =	vperm.xlane v14, v7;
	v51 =	vld [tilespmem:s25+$0xFFFFFDA0];
	[tilespmem:s24+$0xFFFFFE30] =	vst v24;
	v24 =	vmul.f32 v46, v45  }
0x287: {  	v26 =	vperm.xlane v14, v8;
	v46 =	vld [tilespmem:s25+$0xFFFFFDF0];
	[tilespmem:s24+$0xFFFFFE80] =	vst v41;
	v52 =	vmul.f32 v29, v39  }
0x288: {  	v27 =	vperm.xlane v18, v7;
	v39 =	vld [tilespmem:s25+$0xFFFFFE40];
	[tilespmem:s24+$0xFFFFFED0] =	vst v25;
	v25 =	vmul.f32 v30, v43  }
0x289: {  	v28 =	vperm.xlane v18, v8;
	v53 =	vld [tilespmem:s25+$0xFFFFFE90];
	[tilespmem:s24+$0xFFFFFF20] =	vst v32;
	v48 =	vmul.f32 v48, v44  }
0x28a: {  	v29 =	vperm.xlane v15, v7;
	v54 =	vld [tilespmem:s25+$0xFFFFFEE0];
	[tilespmem:s24+$0xFFFFFF70] =	vst v38;
	v44 =	vmul.f32 v31, v42  }
0x28b: {  	v30 =	vperm.xlane v16, v7;
	v32 =	vperm.xlane v15, v8;
	v42 =	vld [tilespmem:s25+$0xFFFFFF30];
	[tilespmem:s24+$0xFFFFFFC0] =	vst v34  }
.Ltmp2:
0x28c: {  	v31 =	vperm.xlane v16, v8;
	v41 =	vmul.f32 v33, v51;
	v45 =	vld [tilespmem:s25+$0xFFFFFF80];
	[tilespmem:s24+$0x10] =	vst v40;
	(pc) =	sbr.rel @p1 .LBB2_7-.Ltmp2, $4  }
0x28d: {  	v43 =	vmul.f32 v35, v46;
	v38 =	vmul.f32 v47, v39;
	v33 =	vld [tilespmem:s25+$0xFFFFFFD0];
	[tilespmem:s24+$0x60] =	vst v24  }
0x28e: {  	v24 =	vperm.xlane v23, v9;
	v39 =	vmul.f32 v49, v53;
	v34 =	vld [tilespmem:s25+$0x20];
	[tilespmem:s24+$0xB0] =	vst v52  }
0x28f: {  	v23 =	vperm.xlane v23, v10;
	v40 =	vmul.f32 v36, v54;
	v35 =	vld [tilespmem:s25+$0x70];
	[tilespmem:s24+$0x100] =	vst v25  }
0x290: {  	s30 =	sadd.s32 $0x10, s30;
	v25 =	vperm.xlane v21, v9;
	v42 =	vmul.f32 v50, v42;
	v36 =	vld [tilespmem:s25+$0xC0];
	[tilespmem:s24+$0x1F0] =	vst v48  }
0x291: {  	[tilespmem:s24+$0x240] =	vst v44  }
0x292: {  	[tilespmem:s24+$0xFFFFFDA0] =	vst v41  }
0x293: {  	[tilespmem:s24+$0xFFFFFDF0] =	vst v43  }
0x294: {  	[tilespmem:s24+$0xFFFFFE40] =	vst v38  }
0x295: {  	[tilespmem:s24+$0xFFFFFE90] =	vst v39  }
0x296: {  	[tilespmem:s24+$0xFFFFFEE0] =	vst v40  }
0x297: {  	[tilespmem:s23+$0x120] =	vst v19  }
0x298: {  	v37 =	vmul.f32 v37, v45;
	[tilespmem:s23+$0x210] =	vst v20  }
0x299: {  	v12 =	vmul.f32 v12, v22;
	[tilespmem:s24+$0xFFFFFF30] =	vst v42  }
0x29a: {  	v57 =	vld [tilespmem:s25+$0x110];
	v11 =	vmul.f32 v11, v13;
	[tilespmem:s24+$0xFFFFFF80] =	vst v37  }
0x29b: {  	v58 =	vld [tilespmem:s25+$0x200];
	v59 =	vmul.f32 v26, v33;
	[tilespmem:s26+$0x170] =	vst v12  }
0x29c: {  	v60 =	vld [tilespmem:s25+$0x250];
	v61 =	vmul.f32 v27, v34;
	[tilespmem:s23+$0x260] =	vst v11  }
0x29d: {  	v62 =	vld [tilespmem:s25+$0xFFFFFDB0];
	v28 =	vmul.f32 v28, v35;
	[tilespmem:s24+$0xFFFFFFD0] =	vst v59  }
0x29e: {  	v63 =	vld [tilespmem:s25+$0xFFFFFE00];
	v29 =	vmul.f32 v29, v36;
	[tilespmem:s24+$0x20] =	vst v61  }
0x29f: {  	v39 =	vld [tilespmem:s25+$0xFFFFFEA0];
	v32 =	vmul.f32 v32, v57;
	[tilespmem:s24+$0x70] =	vst v28  }
0x2a0: {  	v40 =	vld [tilespmem:s25+$0xFFFFFEF0];
	v30 =	vmul.f32 v30, v58;
	[tilespmem:s24+$0xC0] =	vst v29  }
0x2a1: {  	v41 =	vld [tilespmem:s25+$0xFFFFFF40];
	v26 =	vmul.f32 v31, v60;
	[tilespmem:s24+$0x110] =	vst v32  }
0x2a2: {  	v21 =	vperm.xlane v21, v10;
	v36 =	vld [tilespmem:s25+$0xFFFFFE50];
	v24 =	vmul.f32 v24, v62;
	[tilespmem:s24+$0x200] =	vst v30  }
0x2a3: {  	v42 =	vperm.xlane v17, v9;
	v44 =	vld [tilespmem:s25+$0xFFFFFF90];
	v19 =	vmul.f32 v23, v63;
	[tilespmem:s24+$0x250] =	vst v26  }
0x2a4: {  	v43 =	vperm.xlane v17, v10;
	v46 =	vld [tilespmem:s25+$0xFFFFFFE0];
	v21 =	vmul.f32 v21, v39;
	[tilespmem:s24+$0xFFFFFDB0] =	vst v24  }
0x2a5: {  	v47 =	vld [tilespmem:s25+$0x30];
	v45 =	vmul.f32 v42, v40;
	[tilespmem:s24+$0xFFFFFE00] =	vst v19  }
0x2a6: {  	v48 =	vperm.xlane v14, v9;
	v49 =	vld [tilespmem:s25+$0x80];
	v17 =	vmul.f32 v43, v41;
	[tilespmem:s24+$0xFFFFFEA0] =	vst v21  }
0x2a7: {  	v50 =	vperm.xlane v14, v10;
	v51 =	vld [tilespmem:s25+$0xD0];
	v20 =	vmul.f32 v25, v36;
	[tilespmem:s26+$0xFFFFFEF0] =	vst v45  }
0x2a8: {  	v52 =	vperm.xlane v18, v9;
	v53 =	vld [tilespmem:s25+$0x120];
	[tilespmem:s26+$0xFFFFFF40] =	vst v17;
	v54 =	vmul.f32 v48, v44  }
0x2a9: {  	v55 =	vperm.xlane v18, v10;
	v56 =	vld [tilespmem:s28+$0x210];
	v11 =	vmul.f32 v50, v46;
	[tilespmem:s24+$0xFFFFFE50] =	vst v20  }
0x2aa: {  	v57 =	vperm.xlane v15, v9;
	v58 =	vld [tilespmem:s28+$0x260];
	[tilespmem:s26+$0xFFFFFF90] =	vst v54;
	v59 =	vmul.f32 v52, v47  }
0x2ab: {  	s22 =	sadd.s32 $0x1, s22;
	v60 =	vperm.xlane v15, v10;
	[tilespmem:s26+$0xFFFFFFE0] =	vst v11;
	v11 =	vmul.f32 v55, v49  }
0x2ac: {  	p1 =	sne.s32 s22, $0x3E;
	v61 =	vperm.xlane v16, v9;
	v13 =	vmul.f32 v57, v51;
	[tilespmem:s26+$0x30] =	vst v59  }
.Ltmp3:
0x2ad: {  	v62 =	vperm.xlane v16, v10;
	v63 =	vmul.f32 v60, v53;
	[tilespmem:s26+$0x80] =	vst v11;
	(pc) =	sbr.rel @p1 .LBB2_4-.Ltmp3, $4  }
0x2ae: {  	v11 =	vmul.f32 v61, v56;
	[tilespmem:s26+$0xD0] =	vst v13  }
0x2af: {  	v12 =	vmul.f32 v62, v58;
	[tilespmem:s26+$0x120] =	vst v63  }
0x2b0: {  	[tilespmem:s26+$0x210] =	vst v11  }
0x2b1: {  	[tilespmem:s26+$0x260] =	vst v12  }
0x2b2: {  	v11 =	vld [tilespmem:$0x4DD0]  }
0x2b3: {  	v12 =	vld [tilespmem:$0x4DE0]  }
0x2b4: {  	v13 =	vld [tilespmem:$0x4DF0];
	s0 =	simm.s32 $0xC  }
0x2b5: {  	v14 =	vld [tilespmem:$0x4E00];
	v15 =	vor.u32 s0, v1  }
0x2b6: {  	v16 =	vld [tilespmem:$0x4E10];
	v17 =	vmul.u32 $0x50, v15;
	v15 =	vshll.u32 v15, $0x4  }
0x2b7: {  	[tilespmem:$0x4E20] =	vst v11;
	v11 =	vor.u32 v2, v15  }
0x2b8: {  	[tilespmem:$0x4E30] =	vst v12;
	v12 =	vadd.s32 v3, v17  }
0x2b9: {  	[tilespmem:$0x4E40] =	vst v13  }
0x2ba: {  	[tilespmem:$0x4E50] =	vst v14  }
0x2bb: {  	[tilespmem:$0x4E60] =	vst v16  }
0x2bc: {  	v11 =	vld.idx.msk [tilespmem:v11+s18+$0x0], $0xffff  }
0x2bd: {  	v12 =	vld.idx.msk [tilespmem:v12+s17+$0x0], $0xffff;
	_ =	sdelay $0x2  }
0x2be: {  	s2 =	simm.s32 $0xE  }
0x2bf: {  	v24 =	vor.u32 s2, v1  }
0x2c0: {  	v25 =	vmul.u32 $0x50, v24;
	v24 =	vshll.u32 v24, $0x4;
	v11 =	vadd.f32 v11, v12  }
0x2c1: {  	s1 =	simm.s32 $0x2;
	v24 =	vor.u32 v2, v24  }
0x2c2: {  	s26 =	simm.s32 $0x4;
	v25 =	vadd.s32 v3, v25;
	v13 =	vor.u32 s1, v1;
	v15 =	vmul.f32 $2.000000030e-01, v11  }
0x2c3: {  	s25 =	simm.s32 $0x0;
	v16 =	vor.u32 s26, v1;
	v18 =	vmul.u32 $0x50, v13;
	v13 =	vshll.u32 v13, $0x4  }
0x2c4: {  	v13 =	vor.u32 v2, v13;
	v12 =	vor.u32 s25, v1;
	v11 =	vmax.f32 v11, v15  }
0x2c5: {  	s30 =	simm.s32 $0x6;
	v14 =	vmul.u32 $0x50, v12;
	v12 =	vshll.u32 v12, $0x4;
	v11 =	vmul.f32 $1.442695020e+00, v11  }
0x2c6: {  	v17 =	vor.u32 s30, v1;
	v19 =	vmul.u32 $0x50, v16;
	v12 =	vor.u32 v2, v12  }
0x2c7: {  	v16 =	vshll.u32 v16, $0x4;
	v14 =	vadd.s32 v3, v14;
	(erf) = vpow2.f32 v11  }
0x2c8: {  	v20 =	vmul.u32 $0x50, v17;
	v17 =	vshll.u32 v17, $0x4;
	v16 =	vor.u32 v2, v16;
	v24 =	vld.idx.msk [tilespmem:v24+s18+$0x0], $0xffff  }
0x2c9: {  	s31 =	simm.s32 $0x8;
	v23 =	vor.u32 v2, v17;
	v25 =	vld.idx.msk [tilespmem:v25+s17+$0x0], $0xffff  }
0x2ca: {  	v18 =	vadd.s32 v3, v18;
	v13 =	vld.idx.msk [tilespmem:v13+s18+$0x0], $0xffff;
	v15 =	vor.u32 s31, v1  }
0x2cb: {  	v19 =	vadd.s32 v3, v19;
	v21 =	vmul.u32 $0x50, v15;
	v15 =	vshll.u32 v15, $0x4;
	v12 =	vld.idx.msk [tilespmem:v12+s18+$0x0], $0xffff  }
0x2cc: {  	v15 =	vor.u32 v2, v15;
	v14 =	vld.idx.msk [tilespmem:v14+s17+$0x0], $0xffff  }
0x2cd: {  	v16 =	vld.idx.msk [tilespmem:v16+s18+$0x0], $0xffff;
	v11 =	vadd.s32 v3, v20  }
0x2ce: {  	s1 =	simm.s32 $0xA;
	v23 =	vld.idx.msk [tilespmem:v23+s18+$0x0], $0xffff;
	v21 =	vadd.s32 v3, v21  }
0x2cf: {  	v18 =	vld.idx.msk [tilespmem:v18+s17+$0x0], $0xffff;
	v20 =	vor.u32 s1, v1  }
0x2d0: {  	v19 =	vld.idx.msk [tilespmem:v19+s17+$0x0], $0xffff;
	v22 =	vmul.u32 $0x50, v20;
	v20 =	vshll.u32 v20, $0x4;
	v17 =	vpop (erf)  }
0x2d1: {  	s22 =	simm.s32 $0x8D40;
	v20 =	vor.u32 v2, v20;
	v15 =	vld.idx.msk [tilespmem:v15+s18+$0x0], $0xffff;
	v12 =	vadd.f32 v12, v14;
	v14 =	vnsel vm0, $0x0, v17  }
0x2d2: {  	v11 =	vld.idx.msk [tilespmem:v11+s17+$0x0], $0xffff;
	[tilespmem:s22+$0x180] =	vst v14;
	v14 =	vsel vm0, $0x0, v17  }
0x2d3: {  	s25 =	simm.s32 $0x5140;
	v22 =	vadd.s32 v3, v22;
	v21 =	vld.idx.msk [tilespmem:v21+s17+$0x0], $0xffff;
	v26 =	vmul.f32 $2.000000030e-01, v12;
	[tilespmem:s22+$0x1D0] =	vst v14  }
0x2d4: {  	v13 =	vadd.f32 v13, v18;
	v14 =	vld [tilespmem:s25+$0x140]  }
0x2d5: {  	v16 =	vadd.f32 v16, v19;
	v12 =	vmax.f32 v12, v26;
	v18 =	vld [tilespmem:s25+$0x190]  }
0x2d6: {  	v19 =	vld.idx.msk [tilespmem:v20+s18+$0x0], $0xffff;
	v20 =	vmul.f32 $2.000000030e-01, v13;
	v12 =	vmul.f32 $1.442695020e+00, v12  }
0x2d7: {  	v11 =	vadd.f32 v23, v11;
	v23 =	vmul.f32 $2.000000030e-01, v16;
	v26 =	vperm.xlane v17, v1  }
0x2d8: {  	v22 =	vld.idx.msk [tilespmem:v22+s17+$0x0], $0xffff;
	v15 =	vadd.f32 v15, v21;
	v21 =	vperm.xlane v17, v4;
	(erf) = vpow2.f32 v12  }
0x2d9: {  	v12 =	vmax.f32 v13, v20;
	v14 =	vmul.f32 v26, v14  }
0x2da: {  	v16 =	vmax.f32 v16, v23;
	v12 =	vmul.f32 $1.442695020e+00, v12;
	v18 =	vmul.f32 v21, v18  }
0x2db: {  	v13 =	vmul.f32 $2.000000030e-01, v11;
	[tilespmem:s22+$0x140] =	vst v14;
	v14 =	vmul.f32 $1.442695020e+00, v16;
	v16 =	vadd.f32 v24, v25  }
0x2dc: {  	(erf) = vpow2.f32 v12;
	[tilespmem:s22+$0x190] =	vst v18  }
0x2dd: {  	v19 =	vadd.f32 v19, v22;
	v11 =	vmax.f32 v11, v13;
	v13 =	vld [tilespmem:s25+$0x150];
	v18 =	vmul.f32 $2.000000030e-01, v16  }
0x2de: {  	v11 =	vmul.f32 $1.442695020e+00, v11;
	(erf) = vpow2.f32 v14;
	v14 =	vld [tilespmem:s25+$0x1A0]  }
0x2df: {  	v20 =	vmul.f32 $2.000000030e-01, v15;
	v12 =	vmul.f32 $2.000000030e-01, v19  }
0x2e0: {  	(erf) = vpow2.f32 v11;
	v11 =	vperm.xlane v17, v5  }
0x2e1: {  	v12 =	vmax.f32 v19, v12;
	v19 =	vperm.xlane v17, v6;
	v16 =	vmax.f32 v16, v18;
	v18 =	vpop (erf)  }
0x2e2: {  	v15 =	vmax.f32 v15, v20;
	v11 =	vmul.f32 v11, v13;
	v20 =	vnsel vm0, $0x0, v18  }
0x2e3: {  	v15 =	vmul.f32 $1.442695020e+00, v15;
	v13 =	vmul.f32 v19, v14;
	[tilespmem:s22+$0xFFFFFDC0] =	vst v20  }
0x2e4: {  	v12 =	vmul.f32 $1.442695020e+00, v12;
	[tilespmem:s22+$0x150] =	vst v11  }
0x2e5: {  	(erf) = vpow2.f32 v15;
	v16 =	vmul.f32 $1.442695020e+00, v16;
	v19 =	vpop (erf);
	v11 =	vsel vm0, $0x0, v18;
	[tilespmem:s22+$0x1A0] =	vst v13  }
0x2e6: {  	(erf) = vpow2.f32 v12;
	v14 =	vnsel vm0, $0x0, v19;
	[tilespmem:s22+$0xFFFFFE10] =	vst v11;
	v11 =	vld [tilespmem:s25+$0x160]  }
0x2e7: {  	(erf) = vpow2.f32 v16;
	v15 =	vsel vm0, $0x0, v19;
	[tilespmem:s22+$0xFFFFFE60] =	vst v14;
	v16 =	vld [tilespmem:s25+$0x1B0];
	v13 =	vpop (erf)  }
0x2e8: {  	[tilespmem:s22+$0xFFFFFEB0] =	vst v15;
	v24 =	vld [tilespmem:s25+$0xFFFFFD80];
	v21 =	vnsel vm0, $0x0, v13  }
0x2e9: {  	v26 =	vld [tilespmem:s25+$0xFFFFFDD0];
	v15 =	vsel vm0, $0x0, v13;
	v14 =	vpop (erf);
	[tilespmem:s22+$0xFFFFFF00] =	vst v21;
	v21 =	vperm.xlane v17, v7  }
0x2ea: {  	v30 =	vperm.xlane v17, v8;
	v29 =	vld [tilespmem:s25+$0xFFFFFE20];
	v27 =	vnsel vm0, $0x0, v14;
	[tilespmem:s22+$0xFFFFFF50] =	vst v15  }
0x2eb: {  	v20 =	vperm.xlane v18, v1;
	v33 =	vld [tilespmem:s25+$0xFFFFFE70];
	v31 =	vsel vm0, $0x0, v14;
	[tilespmem:s22+$0xFFFFFFA0] =	vst v27;
	v11 =	vmul.f32 v21, v11  }
0x2ec: {  	v22 =	vperm.xlane v18, v4;
	v27 =	vld [tilespmem:s25+$0xFFFFFEC0];
	[tilespmem:s22+$0xFFFFFFF0] =	vst v31;
	v30 =	vmul.f32 v30, v16  }
0x2ed: {  	v23 =	vperm.xlane v19, v1;
	v35 =	vld [tilespmem:s25+$0xFFFFFF10];
	v24 =	vmul.f32 v20, v24;
	[tilespmem:s22+$0x160] =	vst v11  }
0x2ee: {  	v25 =	vperm.xlane v19, v4;
	v39 =	vld [tilespmem:s25+$0xFFFFFF60];
	v22 =	vmul.f32 v22, v26;
	[tilespmem:s22+$0x1B0] =	vst v30  }
0x2ef: {  	v12 =	vperm.xlane v17, v9;
	v44 =	vld [tilespmem:s25+$0xFFFFFFB0];
	v23 =	vmul.f32 v23, v29;
	[tilespmem:s22+$0xFFFFFD80] =	vst v24  }
0x2f0: {  	v49 =	vperm.xlane v18, v6;
	v25 =	vmul.f32 v25, v33;
	[tilespmem:s22+$0xFFFFFDD0] =	vst v22;
	v63 =	vld [tilespmem:s25+$0x1C0]  }
0x2f1: {  	v62 =	vperm.xlane v18, v7;
	v51 =	vperm.xlane v19, v6;
	v15 =	vpop (erf);
	[tilespmem:s22+$0xFFFFFE20] =	vst v23;
	v53 =	vld [tilespmem:s25+$0xFFFFFD90]  }
0x2f2: {  	v28 =	vperm.xlane v13, v1;
	v32 =	vperm.xlane v13, v4;
	v36 =	vnsel vm0, $0x0, v15;
	[tilespmem:s22+$0xFFFFFE70] =	vst v25;
	v54 =	vld [tilespmem:s25+$0xFFFFFDE0]  }
0x2f3: {  	v52 =	vperm.xlane v13, v5;
	v17 =	vperm.xlane v17, v10;
	v16 =	vpop (erf);
	v30 =	vsel vm0, $0x0, v15;
	[tilespmem:s22+$0x40] =	vst v36;
	v55 =	vld [tilespmem:s25+$0xFFFFFE30]  }
0x2f4: {  	v31 =	vperm.xlane v14, v4;
	v21 =	vperm.xlane v14, v1;
	v42 =	vnsel vm0, $0x0, v16;
	[tilespmem:s22+$0x90] =	vst v30;
	v56 =	vld [tilespmem:s25+$0xFFFFFE80]  }
0x2f5: {  	v34 =	vperm.xlane v15, v1;
	v37 =	vperm.xlane v15, v4;
	v20 =	vsel vm0, $0x0, v16;
	[tilespmem:s22+$0xE0] =	vst v42;
	v11 =	vpop (erf);
	v26 =	vld [tilespmem:s25+$0x0]  }
0x2f6: {  	v57 =	vperm.xlane v15, v6;
	[tilespmem:s22+$0x130] =	vst v20;
	v27 =	vmul.f32 v28, v27;
	v28 =	vld [tilespmem:s25+$0x50];
	v29 =	vnsel vm0, $0x0, v11  }
0x2f7: {  	v38 =	vperm.xlane v16, v1;
	v40 =	vperm.xlane v16, v4;
	v47 =	vld [tilespmem:s25+$0xA0];
	v20 =	vsel vm0, $0x0, v11;
	[tilespmem:s22+$0x220] =	vst v29  }
0x2f8: {  	v24 =	vperm.xlane v19, v5;
	v30 =	vmul.f32 v32, v35;
	v48 =	vld [tilespmem:s25+$0xF0];
	[tilespmem:s22+$0x270] =	vst v20  }
0x2f9: {  	v23 =	vperm.xlane v13, v6;
	v21 =	vmul.f32 v21, v39;
	[tilespmem:s22+$0xFFFFFEC0] =	vst v27;
	v50 =	vld [tilespmem:s25+$0x1E0]  }
0x2fa: {  	v25 =	vperm.xlane v14, v5;
	v31 =	vmul.f32 v31, v44;
	[tilespmem:s22+$0xFFFFFF10] =	vst v30;
	v22 =	vld [tilespmem:s25+$0x230]  }
0x2fb: {  	v41 =	vperm.xlane v11, v1;
	v58 =	vld [tilespmem:s25+$0xFFFFFED0];
	[tilespmem:s22+$0xFFFFFF60] =	vst v21;
	v24 =	vmul.f32 v24, v55  }
0x2fc: {  	v59 =	vld [tilespmem:s25+$0xFFFFFF20];
	[tilespmem:s22+$0xFFFFFFB0] =	vst v31;
	v20 =	vmul.f32 v17, v63;
	v63 =	vmul.f32 v51, v56  }
0x2fd: {  	v43 =	vperm.xlane v11, v4;
	v17 =	vld [tilespmem:s25+$0x170];
	v26 =	vmul.f32 v34, v26;
	[tilespmem:s22+$0xFFFFFE30] =	vst v24  }
0x2fe: {  	v45 =	vperm.xlane v11, v5;
	v46 =	vld [tilespmem:s25+$0xFFFFFF70];
	v28 =	vmul.f32 v37, v28;
	[tilespmem:s22+$0xFFFFFE80] =	vst v63  }
0x2ff: {  	v29 =	vperm.xlane v18, v5;
	v60 =	vld [tilespmem:s25+$0xFFFFFFC0];
	v32 =	vmul.f32 v38, v47;
	[tilespmem:s22+$0x0] =	vst v26  }
0x300: {  	v27 =	vperm.xlane v14, v6;
	v33 =	vmul.f32 v40, v48;
	[tilespmem:s22+$0x50] =	vst v28;
	v56 =	vld [tilespmem:s25+$0xFFFFFE40]  }
0x301: {  	v30 =	vperm.xlane v15, v5;
	v26 =	vmul.f32 v29, v53;
	[tilespmem:s22+$0xA0] =	vst v32;
	v61 =	vld [tilespmem:s25+$0x10]  }
0x302: {  	v21 =	vperm.xlane v16, v5;
	v28 =	vmul.f32 v49, v54;
	[tilespmem:s22+$0xF0] =	vst v33;
	v47 =	vld [tilespmem:s25+$0x60]  }
0x303: {  	v31 =	vperm.xlane v16, v6;
	v36 =	vmul.f32 v41, v50;
	v49 =	vld [tilespmem:s25+$0xB0];
	[tilespmem:s22+$0xFFFFFD90] =	vst v26  }
0x304: {  	v48 =	vperm.xlane v18, v8;
	v22 =	vmul.f32 v43, v22;
	v51 =	vld [tilespmem:s25+$0x100];
	[tilespmem:s22+$0xFFFFFDE0] =	vst v28  }
0x305: {  	v38 =	vperm.xlane v14, v8;
	v34 =	vmul.f32 v52, v58;
	[tilespmem:s22+$0x1E0] =	vst v36;
	v54 =	vld [tilespmem:s25+$0xFFFFFDA0]  }
0x306: {  	v24 =	vperm.xlane v14, v7;
	v23 =	vmul.f32 v23, v59;
	[tilespmem:s22+$0x230] =	vst v22;
	v55 =	vld [tilespmem:s25+$0xFFFFFDF0]  }
0x307: {  	v29 =	vperm.xlane v11, v6;
	v25 =	vmul.f32 v25, v46;
	[tilespmem:s22+$0xFFFFFED0] =	vst v34;
	v26 =	vld [tilespmem:s25+$0x1F0]  }
0x308: {  	v53 =	vperm.xlane v13, v8;
	v27 =	vmul.f32 v27, v60;
	[tilespmem:s22+$0xFFFFFF20] =	vst v23;
	v28 =	vld [tilespmem:s25+$0x240]  }
0x309: {  	s12 =	simm.s32 $0x1C;
	v50 =	vperm.xlane v19, v7;
	v52 =	vperm.xlane v13, v7;
	v58 =	vld [tilespmem:s25+$0xFFFFFEE0];
	[tilespmem:s22+$0xFFFFFF70] =	vst v25  }
0x30a: {  	v43 =	vperm.xlane v19, v9;
	v25 =	vor.u32 s12, v1;
	v59 =	vld [tilespmem:s25+$0xFFFFFF30];
	[tilespmem:s22+$0xFFFFFFC0] =	vst v27;
	v30 =	vmul.f32 v30, v61  }
0x30b: {  	[tilespmem:s22+$0x1C0] =	vst v20;
	v27 =	vmul.u32 $0x50, v25;
	v25 =	vshll.u32 v25, $0x4;
	v35 =	vld [tilespmem:s25+$0xFFFFFFD0];
	v39 =	vmul.f32 v57, v47  }
0x30c: {  	v12 =	vmul.f32 v12, v17;
	v21 =	vmul.f32 v21, v49;
	v57 =	vld [tilespmem:s25+$0xFFFFFE90];
	v25 =	vor.u32 v2, v25;
	[tilespmem:s22+$0x10] =	vst v30  }
0x30d: {  	s23 =	simm.s32 $0x1E;
	v22 =	vperm.xlane v19, v8;
	v31 =	vmul.f32 v31, v51;
	v47 =	vld [tilespmem:s25+$0xFFFFFF80];
	v27 =	vadd.s32 v3, v27;
	[tilespmem:s22+$0x60] =	vst v39  }
0x30e: {  	v44 =	vor.u32 s23, v1;
	v34 =	vperm.xlane v15, v7;
	v23 =	vperm.xlane v15, v8;
	[tilespmem:s22+$0xB0] =	vst v21;
	v42 =	vld [tilespmem:s25+$0x20]  }
0x30f: {  	v20 =	vshll.u32 v44, $0x4;
	v36 =	vperm.xlane v18, v9;
	v32 =	vmul.f32 v62, v54;
	[tilespmem:s22+$0x100] =	vst v31;
	v40 =	vld [tilespmem:s25+$0x70]  }
0x310: {  	s24 =	simm.s32 $0x12;
	v20 =	vor.u32 v2, v20;
	v18 =	vperm.xlane v18, v10;
	v33 =	vmul.f32 v48, v55;
	v31 =	vld [tilespmem:s25+$0xC0]  }
0x311: {  	s2 =	simm.s32 $0x14;
	v60 =	vor.u32 s24, v1;
	v19 =	vperm.xlane v19, v10;
	v26 =	vmul.f32 v45, v26;
	[tilespmem:s22+$0xFFFFFDA0] =	vst v32;
	v25 =	vld.idx.msk [tilespmem:v25+s18+$0x0], $0xffff  }
0x312: {  	v46 =	vshll.u32 v60, $0x4;
	v61 =	vor.u32 s2, v1;
	v28 =	vmul.f32 v29, v28;
	[tilespmem:s22+$0xFFFFFDF0] =	vst v33;
	v27 =	vld.idx.msk [tilespmem:v27+s17+$0x0], $0xffff  }
0x313: {  	s31 =	simm.s32 $0x10;
	v46 =	vor.u32 v2, v46;
	v63 =	vmul.u32 $0x50, v61;
	v41 =	vmul.f32 v52, v58;
	[tilespmem:s22+$0x1F0] =	vst v26;
	v26 =	vld [tilespmem:s25+$0x110]  }
0x314: {  	s30 =	simm.s32 $0x18;
	v21 =	vmul.f32 v50, v56;
	v48 =	vor.u32 s31, v1;
	v37 =	vmul.f32 v53, v59;
	[tilespmem:s22+$0x240] =	vst v28;
	v56 =	vld [tilespmem:s25+$0xFFFFFDB0]  }
0x315: {  	v49 =	vor.u32 s30, v1;
	v62 =	vmul.u32 $0x50, v48;
	v52 =	vmul.u32 $0x50, v60;
	[tilespmem:s22+$0xFFFFFEE0] =	vst v41;
	v50 =	vld [tilespmem:s25+$0x200]  }
0x316: {  	v55 =	vmul.u32 $0x50, v49;
	v33 =	vadd.s32 v3, v63;
	v22 =	vmul.f32 v22, v57;
	[tilespmem:s22+$0xFFFFFF30] =	vst v37;
	v53 =	vld [tilespmem:s25+$0x250]  }
0x317: {  	s12 =	simm.s32 $0x1A;
	[tilespmem:s22+$0xFFFFFE40] =	vst v21;
	v32 =	vadd.s32 v3, v62;
	v60 =	vadd.s32 v3, v52;
	v52 =	vld [tilespmem:s25+$0xFFFFFEF0];
	v25 =	vadd.f32 v25, v27  }
0x318: {  	v51 =	vor.u32 s12, v1;
	v49 =	vshll.u32 v49, $0x4;
	v63 =	vadd.s32 v3, v55;
	v55 =	vld [tilespmem:s25+$0xFFFFFF40];
	[tilespmem:s22+$0xFFFFFE90] =	vst v22  }
0x319: {  	v59 =	vshll.u32 v61, $0x4;
	v22 =	vshll.u32 v48, $0x4;
	v48 =	vld [tilespmem:s25+$0xFFFFFE50];
	v61 =	vmul.f32 $2.000000030e-01, v25  }
0x31a: {  	v30 =	vperm.xlane v11, v7;
	v39 =	vperm.xlane v11, v8;
	v49 =	vor.u32 v2, v49;
	v62 =	vld [tilespmem:s25+$0xFFFFFEA0]  }
0x31b: {  	v45 =	vperm.xlane v16, v7;
	v21 =	vmul.u32 $0x50, v51;
	v33 =	vld.idx.msk [tilespmem:v33+s17+$0x0], $0xffff;
	v25 =	vmax.f32 v25, v61  }
0x31c: {  	s26 =	simm.s32 $0x16;
	v24 =	vmul.f32 v24, v47;
	v22 =	vor.u32 v2, v22;
	v32 =	vld.idx.msk [tilespmem:v32+s17+$0x0], $0xffff;
	v25 =	vmul.f32 $1.442695020e+00, v25  }
0x31d: {  	v35 =	vmul.f32 v38, v35;
	v28 =	vor.u32 s26, v1;
	v31 =	vmul.f32 v45, v31;
	v38 =	vld.idx.msk [tilespmem:v60+s17+$0x0], $0xffff  }
0x31e: {  	v54 =	vmul.u32 $0x50, v28;
	v21 =	vadd.s32 v3, v21;
	[tilespmem:s22+$0xFFFFFF80] =	vst v24;
	v60 =	vld.idx.msk [tilespmem:v46+s18+$0x0], $0xffff;
	(erf) = vpow2.f32 v25  }
0x31f: {  	v29 =	vperm.xlane v16, v8;
	v24 =	vor.u32 v2, v59;
	[tilespmem:s22+$0xC0] =	vst v31;
	v31 =	vld.idx.msk [tilespmem:v49+s18+$0x0], $0xffff  }
0x320: {  	v58 =	vperm.xlane v13, v10;
	v28 =	vshll.u32 v28, $0x4;
	v54 =	vadd.s32 v3, v54;
	v27 =	vld [tilespmem:s25+$0xFFFFFE00]  }
0x321: {  	[tilespmem:s22+$0x170] =	vst v12;
	v51 =	vshll.u32 v51, $0x4;
	v59 =	vperm.xlane v14, v9;
	v22 =	vld.idx.msk [tilespmem:v22+s18+$0x0], $0xffff;
	v25 =	vor.u32 v2, v28  }
0x322: {  	v51 =	vor.u32 v2, v51;
	v23 =	vmul.f32 v23, v40;
	v39 =	vmul.f32 v39, v53;
	v53 =	vld.idx.msk [tilespmem:v63+s17+$0x0], $0xffff  }
0x323: {  	v57 =	vmul.u32 $0x50, v44;
	[tilespmem:s22+$0xFFFFFFD0] =	vst v35;
	v14 =	vperm.xlane v14, v10;
	v26 =	vmul.f32 v29, v26;
	v21 =	vld.idx.msk [tilespmem:v21+s17+$0x0], $0xffff  }
0x324: {  	[tilespmem:s22+$0x70] =	vst v23;
	v36 =	vmul.f32 v36, v56;
	v30 =	vmul.f32 v30, v50;
	v24 =	vld.idx.msk [tilespmem:v24+s18+$0x0], $0xffff  }
0x325: {  	v50 =	vmul.f32 v58, v55;
	[tilespmem:s22+$0x110] =	vst v26;
	v29 =	vld.idx.msk [tilespmem:v54+s17+$0x0], $0xffff;
	v54 =	vadd.s32 v3, v57  }
0x326: {  	v57 =	vperm.xlane v13, v9;
	v19 =	vmul.f32 v19, v62;
	v22 =	vadd.f32 v22, v32;
	v23 =	vld.idx.msk [tilespmem:v25+s18+$0x0], $0xffff  }
0x327: {  	v26 =	vld.idx.msk [tilespmem:v51+s18+$0x0], $0xffff;
	v61 =	vperm.xlane v15, v9;
	v15 =	vperm.xlane v15, v10;
	v35 =	vadd.f32 v60, v38;
	v13 =	vpop (erf)  }
0x328: {  	s23 =	simm.s32 $0x9240;
	[tilespmem:s22+$0xFFFFFDB0] =	vst v36;
	v18 =	vmul.f32 v18, v27;
	v51 =	vmul.f32 $2.000000030e-01, v22;
	v62 =	vnsel vm0, $0x0, v13  }
0x329: {  	v20 =	vld.idx.msk [tilespmem:v20+s18+$0x0], $0xffff;
	v27 =	vmul.f32 v43, v48;
	v48 =	vmul.f32 v57, v52;
	v49 =	vsel vm0, $0x0, v13;
	[tilespmem:s23+$0x180] =	vst v62  }
0x32a: {  	s24 =	simm.s32 $0x5640;
	v31 =	vadd.f32 v31, v53;
	v24 =	vadd.f32 v24, v33;
	v22 =	vmax.f32 v22, v51;
	[tilespmem:s23+$0x1D0] =	vst v49  }
0x32b: {  	[tilespmem:s22+$0x200] =	vst v30;
	v17 =	vmul.f32 $2.000000030e-01, v35;
	v22 =	vmul.f32 $1.442695020e+00, v22;
	v23 =	vadd.f32 v23, v29;
	v29 =	vld [tilespmem:s24+$0x140]  }
0x32c: {  	v28 =	vmul.f32 v34, v42;
	[tilespmem:s22+$0xFFFFFE00] =	vst v18;
	v18 =	vadd.f32 v26, v21;
	v21 =	vmul.f32 $2.000000030e-01, v31;
	v32 =	vld [tilespmem:s24+$0x190]  }
0x32d: {  	[tilespmem:s22+$0xFFFFFEA0] =	vst v19;
	v30 =	vmul.f32 $2.000000030e-01, v24;
	(erf) = vpow2.f32 v22;
	v22 =	vld [tilespmem:s25+$0xFFFFFFE0]  }
0x32e: {  	v53 =	vld [tilespmem:s25+$0xFFFFFF90];
	[tilespmem:s22+$0x20] =	vst v28;
	v28 =	vperm.xlane v16, v9;
	v26 =	vperm.xlane v13, v1  }
0x32f: {  	v63 =	vld.idx.msk [tilespmem:v54+s17+$0x0], $0xffff;
	[tilespmem:s22+$0xFFFFFE50] =	vst v27;
	v17 =	vmax.f32 v35, v17;
	v19 =	vmul.f32 $2.000000030e-01, v18;
	v27 =	vperm.xlane v13, v4  }
0x330: {  	[tilespmem:s22+$0x250] =	vst v39;
	v17 =	vmul.f32 $1.442695020e+00, v17;
	v24 =	vmax.f32 v24, v30;
	v30 =	vld [tilespmem:s25+$0x80];
	v26 =	vmul.f32 v26, v29  }
0x331: {  	[tilespmem:s22+$0xFFFFFF40] =	vst v50;
	v52 =	vmul.f32 $2.000000030e-01, v23;
	v29 =	vld [tilespmem:s25+$0x30];
	v27 =	vmul.f32 v27, v32  }
0x332: {  	v21 =	vmax.f32 v31, v21;
	v24 =	vmul.f32 $1.442695020e+00, v24;
	v12 =	vmul.f32 v14, v22;
	v22 =	vld [tilespmem:s25+$0xD0];
	[tilespmem:s23+$0x140] =	vst v26  }
0x333: {  	(erf) = vpow2.f32 v17;
	v17 =	vmul.f32 $1.442695020e+00, v21;
	v23 =	vmax.f32 v23, v52;
	[tilespmem:s23+$0x190] =	vst v27  }
0x334: {  	[tilespmem:s22+$0xFFFFFEF0] =	vst v48;
	v21 =	vmul.f32 v59, v53;
	v23 =	vmul.f32 $1.442695020e+00, v23;
	v26 =	vld [tilespmem:s24+$0x150]  }
0x335: {  	(erf) = vpow2.f32 v24;
	[tilespmem:s22+$0xFFFFFFE0] =	vst v12;
	v12 =	vmul.f32 v15, v30;
	v14 =	vld [tilespmem:s24+$0x1A0]  }
0x336: {  	[tilespmem:s22+$0xFFFFFF90] =	vst v21;
	v15 =	vperm.xlane v13, v5;
	v21 =	vmul.f32 v61, v29  }
0x337: {  	v20 =	vadd.f32 v20, v63;
	(erf) = vpow2.f32 v23;
	[tilespmem:s22+$0x80] =	vst v12;
	v22 =	vmul.f32 v28, v22  }
0x338: {  	v18 =	vmax.f32 v18, v19;
	v19 =	vld [tilespmem:s25+$0x120];
	v23 =	vpop (erf);
	[tilespmem:s22+$0x30] =	vst v21;
	v21 =	vperm.xlane v13, v6  }
0x339: {  	v54 =	vmul.f32 $2.000000030e-01, v20;
	v24 =	vld [tilespmem:s25+$0x210];
	[tilespmem:s22+$0xD0] =	vst v22;
	v12 =	vnsel vm0, $0x0, v23;
	v15 =	vmul.f32 v15, v26  }
0x33a: {  	v16 =	vperm.xlane v16, v10;
	[tilespmem:s23+$0xFFFFFDC0] =	vst v12;
	v14 =	vmul.f32 v21, v14  }
0x33b: {  	v25 =	vperm.xlane v11, v9;
	v18 =	vmul.f32 $1.442695020e+00, v18;
	v20 =	vmax.f32 v20, v54;
	[tilespmem:s23+$0x150] =	vst v15  }
0x33c: {  	v20 =	vmul.f32 $1.442695020e+00, v20;
	(erf) = vpow2.f32 v17;
	v15 =	vsel vm0, $0x0, v23;
	v21 =	vpop (erf);
	[tilespmem:s23+$0x1A0] =	vst v14  }
0x33d: {  	v19 =	vmul.f32 v16, v19;
	(erf) = vpow2.f32 v18;
	[tilespmem:s23+$0xFFFFFE10] =	vst v15;
	v14 =	vnsel vm0, $0x0, v21;
	v15 =	vld [tilespmem:s24+$0x160]  }
0x33e: {  	(erf) = vpow2.f32 v20;
	v20 =	vmul.f32 v25, v24;
	v16 =	vsel vm0, $0x0, v21;
	v17 =	vpop (erf);
	v25 =	vld [tilespmem:s24+$0x1B0];
	[tilespmem:s23+$0xFFFFFE60] =	vst v14  }
0x33f: {  	v11 =	vperm.xlane v11, v10;
	v28 =	vld [tilespmem:s24+$0xFFFFFD80];
	v18 =	vnsel vm0, $0x0, v17;
	[tilespmem:s23+$0xFFFFFEB0] =	vst v16  }
0x340: {  	v24 =	vperm.xlane v23, v1;
	v30 =	vld [tilespmem:s24+$0xFFFFFDD0];
	v16 =	vsel vm0, $0x0, v17;
	[tilespmem:s23+$0xFFFFFF00] =	vst v18;
	v18 =	vperm.xlane v13, v7;
	v14 =	vpop (erf)  }
0x341: {  	v33 =	vperm.xlane v23, v5;
	[tilespmem:s23+$0xFFFFFF50] =	vst v16;
	v16 =	vperm.xlane v13, v8;
	v31 =	vnsel vm0, $0x0, v14  }
0x342: {  	v12 =	vperm.xlane v13, v9;
	v56 =	vsel vm0, $0x0, v14;
	[tilespmem:s23+$0xFFFFFFA0] =	vst v31;
	v31 =	vmul.f32 v18, v15  }
0x343: {  	v26 =	vperm.xlane v23, v4;
	v55 =	vld [tilespmem:s24+$0xFFFFFE20];
	[tilespmem:s23+$0xFFFFFFF0] =	vst v56;
	v25 =	vmul.f32 v16, v25  }
0x344: {  	v27 =	vperm.xlane v21, v1;
	v58 =	vld [tilespmem:s24+$0xFFFFFE70];
	v24 =	vmul.f32 v24, v28;
	[tilespmem:s23+$0x160] =	vst v31  }
0x345: {  	v29 =	vperm.xlane v21, v4;
	v60 =	vld [tilespmem:s24+$0xFFFFFEC0];
	v26 =	vmul.f32 v26, v30;
	[tilespmem:s23+$0x1B0] =	vst v25  }
0x346: {  	v46 =	vperm.xlane v21, v8;
	v32 =	vperm.xlane v17, v1;
	v63 =	vld [tilespmem:s24+$0xFFFFFF10];
	v18 =	vpop (erf);
	[tilespmem:s23+$0xFFFFFD80] =	vst v24  }
0x347: {  	v57 =	vperm.xlane v17, v4;
	v47 =	vperm.xlane v17, v7;
	v50 =	vld [tilespmem:s24+$0xFFFFFF60];
	v31 =	vnsel vm0, $0x0, v18;
	[tilespmem:s23+$0xFFFFFDD0] =	vst v26  }
0x348: {  	v13 =	vperm.xlane v13, v10;
	v59 =	vperm.xlane v14, v1;
	v54 =	vld [tilespmem:s24+$0xFFFFFFB0];
	v15 =	vpop (erf);
	v25 =	vsel vm0, $0x0, v18;
	[tilespmem:s23+$0x40] =	vst v31  }
0x349: {  	v61 =	vperm.xlane v14, v4;
	v62 =	vperm.xlane v18, v1;
	v31 =	vld [tilespmem:s24+$0x1C0];
	v53 =	vnsel vm0, $0x0, v15;
	[tilespmem:s23+$0x90] =	vst v25  }
0x34a: {  	v48 =	vperm.xlane v18, v4;
	v27 =	vmul.f32 v27, v55;
	v25 =	vsel vm0, $0x0, v15;
	v22 =	vld [tilespmem:s24+$0x170];
	[tilespmem:s23+$0xE0] =	vst v53  }
0x34b: {  	v29 =	vmul.f32 v29, v58;
	v24 =	vperm.xlane v21, v5;
	v30 =	vld [tilespmem:s24+$0x0];
	[tilespmem:s23+$0x130] =	vst v25  }
0x34c: {  	v26 =	vperm.xlane v17, v5;
	v16 =	vpop (erf);
	v49 =	vperm.xlane v15, v1;
	v56 =	vld [tilespmem:s24+$0x50];
	[tilespmem:s23+$0xFFFFFE20] =	vst v27  }
0x34d: {  	v51 =	vperm.xlane v15, v4;
	v35 =	vmul.f32 v57, v63;
	v55 =	vnsel vm0, $0x0, v16;
	[tilespmem:s23+$0xFFFFFE70] =	vst v29;
	v57 =	vld [tilespmem:s24+$0xA0]  }
0x34e: {  	v32 =	vmul.f32 v32, v60;
	v60 =	vperm.xlane v21, v6;
	v25 =	vsel vm0, $0x0, v16;
	[tilespmem:s23+$0x220] =	vst v55;
	v58 =	vld [tilespmem:s24+$0xF0]  }
0x34f: {  	v52 =	vperm.xlane v16, v1;
	v28 =	vperm.xlane v16, v4;
	[tilespmem:s23+$0x270] =	vst v25;
	v55 =	vld [tilespmem:s24+$0xFFFFFE30]  }
0x350: {  	v27 =	vperm.xlane v17, v6;
	[tilespmem:s23+$0xFFFFFEC0] =	vst v32;
	v37 =	vmul.f32 v59, v50;
	v59 =	vld [tilespmem:s24+$0x1E0]  }
0x351: {  	v29 =	vperm.xlane v14, v5;
	[tilespmem:s23+$0xFFFFFF10] =	vst v35;
	v34 =	vmul.f32 v61, v54;
	v61 =	vld [tilespmem:s24+$0x230]  }
0x352: {  	v25 =	vperm.xlane v23, v6;
	v54 =	vld [tilespmem:s24+$0xFFFFFDE0];
	v31 =	vmul.f32 v13, v31;
	[tilespmem:s23+$0xFFFFFF60] =	vst v37  }
0x353: {  	v63 =	vld [tilespmem:s24+$0xFFFFFED0];
	[tilespmem:s23+$0xFFFFFFB0] =	vst v34;
	v34 =	vperm.xlane v15, v6;
	v30 =	vmul.f32 v62, v30  }
0x354: {  	v53 =	vld [tilespmem:s24+$0xFFFFFF20];
	[tilespmem:s23+$0x1C0] =	vst v31;
	v31 =	vmul.f32 v48, v56;
	v38 =	vmul.f32 v49, v57  }
0x355: {  	v13 =	vld [tilespmem:s25+$0x260];
	v40 =	vmul.f32 v51, v58;
	v56 =	vperm.xlane v14, v6;
	[tilespmem:s23+$0x0] =	vst v30  }
0x356: {  	v62 =	vld [tilespmem:s24+$0xFFFFFD90];
	v58 =	vperm.xlane v18, v5;
	v49 =	vperm.xlane v16, v5;
	[tilespmem:s23+$0x50] =	vst v31  }
0x357: {  	v37 =	vld [tilespmem:s24+$0xFFFFFF70];
	v24 =	vmul.f32 v24, v55;
	v43 =	vmul.f32 v52, v59;
	[tilespmem:s23+$0xA0] =	vst v38  }
0x358: {  	v57 =	vld [tilespmem:s24+$0xFFFFFE80];
	v59 =	vperm.xlane v18, v6;
	v52 =	vperm.xlane v15, v5;
	[tilespmem:s23+$0xF0] =	vst v40  }
0x359: {  	v28 =	vmul.f32 v28, v61;
	v25 =	vmul.f32 v25, v54;
	v54 =	vld [tilespmem:s24+$0xFFFFFFC0];
	[tilespmem:s23+$0xFFFFFE30] =	vst v24  }
0x35a: {  	v30 =	vperm.xlane v16, v6;
	v61 =	vmul.f32 v26, v63;
	v26 =	vld [tilespmem:s24+$0x60];
	[tilespmem:s23+$0x1E0] =	vst v43  }
0x35b: {  	v36 =	vmul.f32 v27, v53;
	v31 =	vperm.xlane v23, v7;
	v27 =	vld [tilespmem:s24+$0xB0];
	[tilespmem:s23+$0x230] =	vst v28  }
0x35c: {  	v38 =	vperm.xlane v23, v8;
	[tilespmem:s23+$0xFFFFFED0] =	vst v61;
	v33 =	vmul.f32 v33, v62;
	v62 =	vld [tilespmem:s24+$0x100]  }
0x35d: {  	v40 =	vperm.xlane v21, v7;
	[tilespmem:s23+$0xFFFFFF20] =	vst v36;
	v28 =	vperm.xlane v18, v8;
	v63 =	vld [tilespmem:s24+$0x1F0]  }
0x35e: {  	[tilespmem:s23+$0xFFFFFDE0] =	vst v25;
	v29 =	vmul.f32 v29, v37;
	v37 =	vperm.xlane v14, v7;
	v36 =	vld [tilespmem:s24+$0xFFFFFEE0]  }
0x35f: {  	v55 =	vmul.f32 v60, v57;
	v60 =	vld [tilespmem:s24+$0x10];
	[tilespmem:s23+$0xFFFFFD90] =	vst v33;
	v32 =	vmul.f32 v56, v54  }
0x360: {  	v57 =	vld [tilespmem:s24+$0x240];
	v56 =	vperm.xlane v17, v8;
	[tilespmem:s23+$0xFFFFFF70] =	vst v29;
	v29 =	vperm.xlane v15, v7  }
0x361: {  	[tilespmem:s23+$0xFFFFFE80] =	vst v55;
	v24 =	vmul.f32 v59, v26;
	v59 =	vld [tilespmem:s24+$0xFFFFFDF0];
	v26 =	vperm.xlane v14, v8  }
0x362: {  	v48 =	vmul.f32 v52, v27;
	v61 =	vmul.f32 v34, v62;
	v62 =	vld [tilespmem:s24+$0xFFFFFE90]  }
0x363: {  	v27 =	vperm.xlane v18, v7;
	v49 =	vmul.f32 v49, v63;
	v63 =	vld [tilespmem:s24+$0xFFFFFF30]  }
0x364: {  	[tilespmem:s23+$0xFFFFFFC0] =	vst v32;
	v32 =	vperm.xlane v15, v8;
	v25 =	vmul.f32 v58, v60;
	v58 =	vld [tilespmem:s24+$0xFFFFFDA0]  }
0x365: {  	v60 =	vld [tilespmem:s24+$0xFFFFFE40];
	v44 =	vmul.f32 v30, v57;
	v30 =	vperm.xlane v16, v7  }
0x366: {  	v45 =	vld [tilespmem:s24+$0xFFFFFF80];
	[tilespmem:s23+$0x60] =	vst v24;
	v24 =	vperm.xlane v23, v9;
	v23 =	vperm.xlane v23, v10  }
0x367: {  	v33 =	vld [tilespmem:s24+$0xFFFFFFD0];
	[tilespmem:s23+$0x10] =	vst v25;
	v25 =	vperm.xlane v21, v9;
	v43 =	vmul.f32 v38, v59  }
0x368: {  	[tilespmem:s23+$0xB0] =	vst v48;
	v34 =	vld [tilespmem:s24+$0x20];
	v39 =	vmul.f32 v46, v62;
	v42 =	vmul.f32 v56, v63  }
0x369: {  	s28 =	simm.s32 $0x8;
	[tilespmem:s23+$0x100] =	vst v61;
	v35 =	vld [tilespmem:s24+$0x70];
	v41 =	vmul.f32 v31, v58;
	v31 =	vperm.xlane v16, v8  }
0x36a: {  	s29 =	simm.s32 $0x2E;
	s26 =	simm.s32 $0x5640;
	s25 =	simm.s32 $0x9240;
	[tilespmem:s23+$0x1F0] =	vst v49;
	v38 =	vmul.f32 v40, v60;
	v40 =	vmul.f32 v47, v36;
	v36 =	vld [tilespmem:s24+$0xC0]  }
.LBB2_10:
0x36b: {  	s0 =	sadd.s32 $0xFFFFFFF4, s29;
	s1 =	sadd.s32 $0xFFFFFFF6, s29;
	s2 =	sadd.s32 $0xFFFFFFFE, s29;
	v46 =	vor.u32 s29, v1;
	v21 =	vperm.xlane v21, v10;
	v37 =	vmul.f32 v37, v45;
	v45 =	vld [tilespmem:s24+$0x110];
	[tilespmem:s23+$0x240] =	vst v44  }
0x36c: {  	s12 =	sadd.s32 $0xFFFFFFFC, s29;
	v44 =	vor.u32 s0, v1;
	v47 =	vor.u32 s1, v1;
	s0 =	sadd.s32 $0xFFFFFFF8, s29;
	s1 =	sadd.s32 $0xFFFFFFFA, s29;
	v48 =	vor.u32 s2, v1;
	v49 =	vld [tilespmem:s24+$0x200]  }
0x36d: {  	s2 =	sadd.s32 $0xFFFFFFF2, s29;
	v50 =	vor.u32 s0, v1;
	v51 =	vmul.u32 $0x50, v48;
	v48 =	vshll.u32 v48, $0x4;
	[tilespmem:s23+$0xFFFFFDA0] =	vst v41;
	v41 =	vld [tilespmem:s24+$0x250]  }
0x36e: {  	v52 =	vor.u32 s2, v1;
	v53 =	vor.u32 s1, v1;
	v48 =	vor.u32 v2, v48;
	[tilespmem:s23+$0xFFFFFDF0] =	vst v43  }
0x36f: {  	s28 =	sadd.s32 $0x8, s28;
	v54 =	vor.u32 s12, v1;
	v43 =	vmul.u32 $0x50, v52;
	v51 =	vadd.s32 v3, v51;
	v55 =	vld [tilespmem:s24+$0xFFFFFDB0];
	[tilespmem:s23+$0xFFFFFE40] =	vst v38  }
0x370: {  	p1 =	slt.u32 s28, $0x20;
	v56 =	vmul.u32 $0x50, v47;
	v57 =	vmul.u32 $0x50, v50;
	v38 =	vmul.u32 $0x50, v44;
	v58 =	vld [tilespmem:s24+$0xFFFFFE00];
	[tilespmem:s23+$0xFFFFFE90] =	vst v39  }
0x371: {  	v60 =	vmul.u32 $0x50, v46;
	v59 =	vmul.u32 $0x50, v54;
	v39 =	vmul.u32 $0x50, v53;
	v61 =	vld [tilespmem:s24+$0xFFFFFE50];
	[tilespmem:s23+$0xFFFFFEE0] =	vst v40  }
0x372: {  	v47 =	vshll.u32 v47, $0x4;
	v44 =	vshll.u32 v44, $0x4;
	v40 =	vshll.u32 v52, $0x4;
	v52 =	vld [tilespmem:s24+$0xFFFFFEA0];
	[tilespmem:s23+$0xFFFFFF30] =	vst v42  }
0x373: {  	v42 =	vshll.u32 v50, $0x4;
	v50 =	vshll.u32 v53, $0x4;
	v53 =	vshll.u32 v54, $0x4;
	v48 =	vld.idx.msk [tilespmem:v48+s18+$0x0], $0xffff;
	[tilespmem:s23+$0xFFFFFF80] =	vst v37  }
0x374: {  	v46 =	vshll.u32 v46, $0x4;
	v38 =	vadd.s32 v3, v38;
	v37 =	vadd.s32 v3, v43;
	v43 =	vld.idx.msk [tilespmem:v51+s17+$0x0], $0xffff;
	[tilespmem:s22+$0x120] =	vst v19  }
0x375: {  	v39 =	vadd.s32 v3, v39;
	v19 =	vadd.s32 v3, v56;
	v51 =	vadd.s32 v3, v57;
	v54 =	vld [tilespmem:s24+$0xFFFFFEF0];
	[tilespmem:s22+$0x210] =	vst v20  }
0x376: {  	v20 =	vor.u32 v2, v40;
	v40 =	vor.u32 v2, v44;
	v44 =	vadd.s32 v3, v59;
	v56 =	vld [tilespmem:s24+$0xFFFFFF40]  }
0x377: {  	v47 =	vor.u32 v2, v47;
	v42 =	vor.u32 v2, v42;
	v50 =	vor.u32 v2, v50  }
0x378: {  	v46 =	vor.u32 v2, v46;
	v53 =	vor.u32 v2, v53;
	v57 =	vadd.s32 v3, v60  }
0x379: {  	v26 =	vmul.f32 v26, v33;
	v27 =	vmul.f32 v27, v34;
	v37 =	vld.idx.msk [tilespmem:v37+s17+$0x0], $0xffff  }
0x37a: {  	v28 =	vmul.f32 v28, v35;
	v29 =	vmul.f32 v29, v36;
	v34 =	vadd.f32 v48, v43;
	v33 =	vld.idx.msk [tilespmem:v38+s17+$0x0], $0xffff  }
0x37b: {  	v30 =	vmul.f32 v30, v49;
	v19 =	vld.idx.msk [tilespmem:v19+s17+$0x0], $0xffff;
	[tilespmem:s23+$0xFFFFFFD0] =	vst v26;
	v26 =	vmul.f32 v32, v45  }
0x37c: {  	v35 =	vmul.f32 $2.000000030e-01, v34;
	v32 =	vld.idx.msk [tilespmem:v51+s17+$0x0], $0xffff;
	[tilespmem:s23+$0x20] =	vst v27;
	v27 =	vmul.f32 v31, v41  }
0x37d: {  	v36 =	vperm.xlane v17, v9;
	v17 =	vperm.xlane v17, v10;
	v31 =	vld.idx.msk [tilespmem:v39+s17+$0x0], $0xffff;
	[tilespmem:s23+$0x70] =	vst v28  }
0x37e: {  	v34 =	vmax.f32 v34, v35;
	v35 =	vperm.xlane v14, v9;
	v28 =	vld.idx.msk [tilespmem:v44+s17+$0x0], $0xffff;
	[tilespmem:s23+$0xC0] =	vst v29  }
0x37f: {  	v14 =	vperm.xlane v14, v10;
	v29 =	vmul.f32 $1.442695020e+00, v34;
	v20 =	vld.idx.msk [tilespmem:v20+s18+$0x0], $0xffff;
	[tilespmem:s23+$0x110] =	vst v26  }
0x380: {  	v34 =	vperm.xlane v18, v9;
	v18 =	vperm.xlane v18, v10;
	v26 =	vld.idx.msk [tilespmem:v40+s18+$0x0], $0xffff;
	[tilespmem:s23+$0x200] =	vst v30  }
0x381: {  	v30 =	vld.idx.msk [tilespmem:v47+s18+$0x0], $0xffff;
	(erf) = vpow2.f32 v29;
	v29 =	vperm.xlane v15, v9;
	[tilespmem:s23+$0x250] =	vst v27  }
0x382: {  	v38 =	vperm.xlane v16, v9;
	v15 =	vperm.xlane v15, v10;
	v27 =	vld.idx.msk [tilespmem:v42+s18+$0x0], $0xffff  }
0x383: {  	v24 =	vmul.f32 v24, v55;
	v16 =	vperm.xlane v16, v10;
	v39 =	vld.idx.msk [tilespmem:v50+s18+$0x0], $0xffff  }
0x384: {  	v23 =	vmul.f32 v23, v58;
	v25 =	vmul.f32 v25, v61;
	v40 =	vld.idx.msk [tilespmem:v53+s18+$0x0], $0xffff  }
0x385: {  	v21 =	vmul.f32 v21, v52;
	v36 =	vmul.f32 v36, v54;
	v20 =	vadd.f32 v20, v37;
	v37 =	vld.idx.msk [tilespmem:v57+s17+$0x0], $0xffff  }
0x386: {  	v12 =	vmul.f32 v12, v22;
	v17 =	vmul.f32 v17, v56;
	v26 =	vadd.f32 v26, v33;
	v33 =	vld.idx.msk [tilespmem:v46+s18+$0x0], $0xffff  }
0x387: {  	v41 =	vmul.f32 $2.000000030e-01, v20;
	v19 =	vadd.f32 v30, v19;
	v30 =	vmul.f32 v11, v13;
	v11 =	vmovc v16;
	[tilespmem:s23+$0xFFFFFDB0] =	vst v24;
	v24 =	vld [tilespmem:s24+$0xFFFFFF90]  }
0x388: {  	v13 =	vmul.f32 $2.000000030e-01, v26;
	v16 =	vadd.f32 v27, v32;
	[tilespmem:s23+$0xFFFFFE00] =	vst v23;
	v23 =	vld [tilespmem:s24+$0xFFFFFFE0]  }
0x389: {  	v20 =	vmax.f32 v20, v41;
	v27 =	vmul.f32 $2.000000030e-01, v19;
	v31 =	vadd.f32 v39, v31;
	[tilespmem:s23+$0xFFFFFE50] =	vst v25;
	v25 =	vld [tilespmem:s24+$0x30]  }
0x38a: {  	v13 =	vmax.f32 v26, v13;
	v26 =	vmul.f32 $2.000000030e-01, v16;
	v28 =	vadd.f32 v40, v28;
	v22 =	vpop (erf);
	[tilespmem:s23+$0xFFFFFEA0] =	vst v21;
	v21 =	vld [tilespmem:s24+$0x80]  }
0x38b: {  	v19 =	vmax.f32 v19, v27;
	v27 =	vmul.f32 $2.000000030e-01, v31;
	s23 =	sadd.s32 $0x500, s23;
	v32 =	vnsel vm0, $0x0, v22;
	[tilespmem:s25+$0xFFFFFEF0] =	vst v36;
	v36 =	vld [tilespmem:s24+$0xD0]  }
0x38c: {  	v39 =	vmul.f32 $2.000000030e-01, v28;
	v33 =	vadd.f32 v33, v37;
	[tilespmem:s23+$0x180] =	vst v32;
	v32 =	vsel vm0, $0x0, v22;
	v37 =	vld [tilespmem:s24+$0x120]  }
0x38d: {  	v20 =	vmul.f32 $1.442695020e+00, v20;
	v16 =	vmax.f32 v16, v26;
	v26 =	vmax.f32 v31, v27;
	s24 =	sadd.s32 $0x500, s24;
	[tilespmem:s23+$0x1D0] =	vst v32;
	v27 =	vld [tilespmem:s26+$0x210]  }
0x38e: {  	v31 =	vmul.f32 $1.442695020e+00, v13;
	v13 =	vmax.f32 v28, v39;
	v32 =	vmul.f32 $2.000000030e-01, v33;
	v28 =	vld [tilespmem:s24+$0x140];
	[tilespmem:s25+$0xFFFFFF40] =	vst v17  }
0x38f: {  	v16 =	vmul.f32 $1.442695020e+00, v16;
	v17 =	vmul.f32 $1.442695020e+00, v19;
	v19 =	vld [tilespmem:s24+$0x190];
	[tilespmem:s25+$0x170] =	vst v12  }
0x390: {  	v26 =	vmul.f32 $1.442695020e+00, v26;
	v39 =	vmul.f32 $1.442695020e+00, v13;
	v12 =	vmax.f32 v33, v32;
	v13 =	vld [tilespmem:s26+$0x260];
	[tilespmem:s22+$0x260] =	vst v30;
	s22 =	smov.u32 s25;
	s25 =	smov.u32 s23;
	s26 =	smov.u32 s24  }
0x391: {  	v30 =	vperm.xlane v22, v1;
	v32 =	vmul.f32 $1.442695020e+00, v12  }
0x392: {  	v12 =	vperm.xlane v22, v4;
	(erf) = vpow2.f32 v20  }
0x393: {  	v20 =	vmul.f32 v30, v28;
	(erf) = vpow2.f32 v31  }
0x394: {  	v19 =	vmul.f32 v12, v19;
	(erf) = vpow2.f32 v17  }
0x395: {  	v12 =	vperm.xlane v22, v9;
	[tilespmem:s23+$0x140] =	vst v20;
	(erf) = vpow2.f32 v16  }
0x396: {  	v16 =	vmul.f32 v35, v24;
	[tilespmem:s23+$0x190] =	vst v19;
	(erf) = vpow2.f32 v26  }
0x397: {  	v14 =	vmul.f32 v14, v23;
	v17 =	vld [tilespmem:s24+$0x150];
	(erf) = vpow2.f32 v39  }
0x398: {  	v24 =	vld [tilespmem:s24+$0x1A0];
	(erf) = vpow2.f32 v32;
	[tilespmem:s22+$0xFFFFFF90] =	vst v16;
	v16 =	vmul.f32 v34, v25  }
0x399: {  	[tilespmem:s22+$0xFFFFFFE0] =	vst v14;
	v14 =	vmul.f32 v18, v21;
	v18 =	vmul.f32 v29, v36  }
0x39a: {  	v26 =	vperm.xlane v22, v5;
	v19 =	vmul.f32 v15, v37;
	[tilespmem:s22+$0x30] =	vst v16  }
0x39b: {  	v20 =	vmul.f32 v38, v27;
	v15 =	vperm.xlane v22, v6;
	v23 =	vpop (erf);
	[tilespmem:s22+$0x80] =	vst v14  }
0x39c: {  	v30 =	vnsel vm0, $0x0, v23;
	v16 =	vsel vm0, $0x0, v23;
	v25 =	vmul.f32 v26, v17;
	v21 =	vpop (erf);
	[tilespmem:s22+$0xD0] =	vst v18  }
0x39d: {  	[tilespmem:s23+$0xFFFFFDC0] =	vst v30;
	v26 =	vnsel vm0, $0x0, v21;
	v27 =	vsel vm0, $0x0, v21;
	v36 =	vmul.f32 v15, v24;
	v17 =	vpop (erf)  }
0x39e: {  	v24 =	vperm.xlane v23, v1;
	v28 =	vnsel vm0, $0x0, v17;
	v29 =	vsel vm0, $0x0, v17;
	[tilespmem:s23+$0x150] =	vst v25;
	v14 =	vpop (erf)  }
0x39f: {  	v25 =	vperm.xlane v23, v4;
	v30 =	vnsel vm0, $0x0, v14;
	v31 =	vsel vm0, $0x0, v14;
	[tilespmem:s23+$0x1A0] =	vst v36;
	v18 =	vpop (erf)  }
0x3a0: {  	v32 =	vperm.xlane v21, v1;
	[tilespmem:s23+$0xFFFFFE10] =	vst v16;
	v33 =	vnsel vm0, $0x0, v18;
	v34 =	vsel vm0, $0x0, v18;
	v35 =	vld [tilespmem:s24+$0x160];
	v15 =	vpop (erf)  }
0x3a1: {  	[tilespmem:s23+$0xFFFFFE60] =	vst v26;
	v26 =	vperm.xlane v21, v4;
	v36 =	vnsel vm0, $0x0, v15;
	v37 =	vsel vm0, $0x0, v15;
	v38 =	vld [tilespmem:s24+$0x1B0];
	v16 =	vpop (erf)  }
0x3a2: {  	v39 =	vld [tilespmem:s24+$0xFFFFFD80];
	[tilespmem:s23+$0xFFFFFEB0] =	vst v27;
	v27 =	vperm.xlane v17, v1;
	v40 =	vnsel vm0, $0x0, v16;
	v41 =	vsel vm0, $0x0, v16  }
0x3a3: {  	v43 =	vperm.xlane v22, v7;
	v42 =	vld [tilespmem:s24+$0xFFFFFDD0];
	[tilespmem:s23+$0xFFFFFF00] =	vst v28;
	v28 =	vperm.xlane v17, v4  }
0x3a4: {  	v45 =	vperm.xlane v22, v8;
	v44 =	vld [tilespmem:s24+$0xFFFFFE20];
	[tilespmem:s23+$0xFFFFFF50] =	vst v29;
	v29 =	vperm.xlane v14, v1  }
0x3a5: {  	v46 =	vld [tilespmem:s24+$0xFFFFFE70];
	[tilespmem:s23+$0xFFFFFFA0] =	vst v30;
	v30 =	vperm.xlane v14, v4;
	v35 =	vmul.f32 v43, v35  }
0x3a6: {  	v43 =	vld [tilespmem:s24+$0xFFFFFEC0];
	[tilespmem:s23+$0xFFFFFFF0] =	vst v31;
	v31 =	vperm.xlane v18, v1;
	v38 =	vmul.f32 v45, v38  }
0x3a7: {  	v47 =	vperm.xlane v18, v4;
	v48 =	vperm.xlane v15, v1;
	v45 =	vld [tilespmem:s24+$0xFFFFFF10];
	[tilespmem:s23+$0x160] =	vst v35  }
0x3a8: {  	v49 =	vperm.xlane v15, v4;
	v35 =	vld [tilespmem:s24+$0xFFFFFF60];
	[tilespmem:s23+$0x1B0] =	vst v38;
	v38 =	vperm.xlane v16, v1  }
0x3a9: {  	v24 =	vmul.f32 v24, v39;
	v39 =	vperm.xlane v16, v4;
	[tilespmem:s23+$0x40] =	vst v33;
	v33 =	vld [tilespmem:s24+$0x1C0]  }
0x3aa: {  	v25 =	vmul.f32 v25, v42;
	v32 =	vmul.f32 v32, v44;
	v42 =	vld [tilespmem:s24+$0xFFFFFFB0];
	[tilespmem:s23+$0x90] =	vst v34  }
0x3ab: {  	v26 =	vmul.f32 v26, v46;
	v27 =	vmul.f32 v27, v43;
	v34 =	vld [tilespmem:s24+$0x0];
	[tilespmem:s23+$0xE0] =	vst v36  }
0x3ac: {  	v22 =	vperm.xlane v22, v10;
	v28 =	vmul.f32 v28, v45;
	v36 =	vld [tilespmem:s24+$0x50];
	[tilespmem:s23+$0x130] =	vst v37  }
0x3ad: {  	v37 =	vperm.xlane v23, v5;
	v29 =	vmul.f32 v29, v35;
	v35 =	vld [tilespmem:s24+$0xA0];
	[tilespmem:s23+$0x220] =	vst v40  }
0x3ae: {  	v40 =	vperm.xlane v23, v6;
	v43 =	vld [tilespmem:s24+$0xF0];
	v33 =	vmul.f32 v22, v33;
	[tilespmem:s23+$0x270] =	vst v41  }
0x3af: {  	[tilespmem:s23+$0xFFFFFD80] =	vst v24;
	v24 =	vperm.xlane v21, v5;
	v30 =	vmul.f32 v30, v42;
	v41 =	vld [tilespmem:s24+$0x1E0]  }
0x3b0: {  	v42 =	vperm.xlane v21, v6;
	v31 =	vmul.f32 v31, v34;
	v22 =	vld [tilespmem:s24+$0x170];
	[tilespmem:s23+$0x1C0] =	vst v33  }
0x3b1: {  	[tilespmem:s23+$0xFFFFFDD0] =	vst v25;
	v25 =	vperm.xlane v17, v5;
	v33 =	vmul.f32 v47, v36;
	v34 =	vld [tilespmem:s24+$0x230]  }
0x3b2: {  	v36 =	vld [tilespmem:s24+$0xFFFFFD90];
	[tilespmem:s23+$0xFFFFFE20] =	vst v32;
	v32 =	vperm.xlane v17, v6;
	v35 =	vmul.f32 v48, v35  }
0x3b3: {  	v44 =	vld [tilespmem:s24+$0xFFFFFDE0];
	[tilespmem:s23+$0xFFFFFE70] =	vst v26;
	v26 =	vperm.xlane v14, v5;
	v43 =	vmul.f32 v49, v43  }
0x3b4: {  	v45 =	vld [tilespmem:s24+$0xFFFFFE30];
	[tilespmem:s23+$0xFFFFFEC0] =	vst v27;
	v27 =	vperm.xlane v14, v6;
	v38 =	vmul.f32 v38, v41  }
0x3b5: {  	v46 =	vperm.xlane v18, v6;
	v41 =	vld [tilespmem:s24+$0xFFFFFE80];
	[tilespmem:s23+$0xFFFFFF10] =	vst v28;
	v28 =	vperm.xlane v18, v5  }
0x3b6: {  	v47 =	vld [tilespmem:s24+$0xFFFFFED0];
	[tilespmem:s23+$0xFFFFFF60] =	vst v29;
	v29 =	vperm.xlane v15, v5;
	v34 =	vmul.f32 v39, v34  }
0x3b7: {  	v48 =	vperm.xlane v16, v5;
	v39 =	vld [tilespmem:s24+$0xFFFFFF20];
	[tilespmem:s23+$0xFFFFFFB0] =	vst v30;
	v30 =	vperm.xlane v15, v6  }
0x3b8: {  	v36 =	vmul.f32 v37, v36;
	v37 =	vld [tilespmem:s24+$0xFFFFFF70];
	[tilespmem:s23+$0x0] =	vst v31;
	v31 =	vperm.xlane v16, v6  }
0x3b9: {  	v40 =	vmul.f32 v40, v44;
	v24 =	vmul.f32 v24, v45;
	v44 =	vld [tilespmem:s24+$0xFFFFFFC0];
	[tilespmem:s23+$0x50] =	vst v33  }
0x3ba: {  	v33 =	vperm.xlane v23, v7;
	v41 =	vmul.f32 v42, v41;
	v42 =	vld [tilespmem:s24+$0x10];
	[tilespmem:s23+$0xA0] =	vst v35  }
0x3bb: {  	v35 =	vperm.xlane v23, v8;
	v25 =	vmul.f32 v25, v47;
	v45 =	vld [tilespmem:s24+$0x60];
	[tilespmem:s23+$0xF0] =	vst v43  }
0x3bc: {  	v47 =	vperm.xlane v21, v7;
	v32 =	vmul.f32 v32, v39;
	v39 =	vld [tilespmem:s24+$0xB0];
	[tilespmem:s23+$0x1E0] =	vst v38  }
0x3bd: {  	v49 =	vperm.xlane v21, v8;
	v38 =	vmul.f32 v26, v37;
	v43 =	vld [tilespmem:s24+$0x100];
	[tilespmem:s23+$0x230] =	vst v34  }
0x3be: {  	[tilespmem:s23+$0xFFFFFD90] =	vst v36;
	v36 =	vperm.xlane v17, v7;
	v34 =	vmul.f32 v27, v44;
	v44 =	vld [tilespmem:s24+$0x1F0]  }
0x3bf: {  	v50 =	vperm.xlane v17, v8;
	[tilespmem:s23+$0xFFFFFDE0] =	vst v40;
	v40 =	vmul.f32 v28, v42;
	v42 =	vld [tilespmem:s24+$0x240]  }
0x3c0: {  	v37 =	vperm.xlane v14, v7;
	v51 =	vld [tilespmem:s24+$0xFFFFFDA0];
	[tilespmem:s23+$0xFFFFFE30] =	vst v24;
	v24 =	vmul.f32 v46, v45  }
0x3c1: {  	v26 =	vperm.xlane v14, v8;
	v46 =	vld [tilespmem:s24+$0xFFFFFDF0];
	[tilespmem:s23+$0xFFFFFE80] =	vst v41;
	v52 =	vmul.f32 v29, v39  }
0x3c2: {  	v27 =	vperm.xlane v18, v7;
	v39 =	vld [tilespmem:s24+$0xFFFFFE40];
	[tilespmem:s23+$0xFFFFFED0] =	vst v25;
	v25 =	vmul.f32 v30, v43  }
0x3c3: {  	v28 =	vperm.xlane v18, v8;
	v53 =	vld [tilespmem:s24+$0xFFFFFE90];
	[tilespmem:s23+$0xFFFFFF20] =	vst v32;
	v48 =	vmul.f32 v48, v44  }
0x3c4: {  	v29 =	vperm.xlane v15, v7;
	v54 =	vld [tilespmem:s24+$0xFFFFFEE0];
	[tilespmem:s23+$0xFFFFFF70] =	vst v38;
	v44 =	vmul.f32 v31, v42  }
0x3c5: {  	v30 =	vperm.xlane v16, v7;
	v32 =	vperm.xlane v15, v8;
	v42 =	vld [tilespmem:s24+$0xFFFFFF30];
	[tilespmem:s23+$0xFFFFFFC0] =	vst v34  }
.Ltmp4:
0x3c6: {  	v31 =	vperm.xlane v16, v8;
	v41 =	vmul.f32 v33, v51;
	v45 =	vld [tilespmem:s24+$0xFFFFFF80];
	[tilespmem:s23+$0x10] =	vst v40;
	(pc) =	sbr.rel @p1 .LBB2_10-.Ltmp4, $4  }
0x3c7: {  	v43 =	vmul.f32 v35, v46;
	v38 =	vmul.f32 v47, v39;
	v33 =	vld [tilespmem:s24+$0xFFFFFFD0];
	[tilespmem:s23+$0x60] =	vst v24  }
0x3c8: {  	v24 =	vperm.xlane v23, v9;
	v39 =	vmul.f32 v49, v53;
	v34 =	vld [tilespmem:s24+$0x20];
	[tilespmem:s23+$0xB0] =	vst v52  }
0x3c9: {  	v23 =	vperm.xlane v23, v10;
	v40 =	vmul.f32 v36, v54;
	v35 =	vld [tilespmem:s24+$0x70];
	[tilespmem:s23+$0x100] =	vst v25  }
0x3ca: {  	s29 =	sadd.s32 $0x10, s29;
	v25 =	vperm.xlane v21, v9;
	v42 =	vmul.f32 v50, v42;
	v36 =	vld [tilespmem:s24+$0xC0];
	[tilespmem:s23+$0x1F0] =	vst v48  }
0x3cb: {  	[tilespmem:s23+$0x240] =	vst v44  }
0x3cc: {  	[tilespmem:s23+$0xFFFFFDA0] =	vst v41  }
0x3cd: {  	[tilespmem:s23+$0xFFFFFDF0] =	vst v43  }
0x3ce: {  	[tilespmem:s23+$0xFFFFFE40] =	vst v38  }
0x3cf: {  	[tilespmem:s23+$0xFFFFFE90] =	vst v39  }
0x3d0: {  	[tilespmem:s23+$0xFFFFFEE0] =	vst v40  }
0x3d1: {  	[tilespmem:s22+$0x120] =	vst v19  }
0x3d2: {  	v37 =	vmul.f32 v37, v45;
	[tilespmem:s22+$0x210] =	vst v20  }
0x3d3: {  	v12 =	vmul.f32 v12, v22;
	[tilespmem:s23+$0xFFFFFF30] =	vst v42  }
0x3d4: {  	v57 =	vld [tilespmem:s24+$0x110];
	v11 =	vmul.f32 v11, v13;
	[tilespmem:s23+$0xFFFFFF80] =	vst v37  }
0x3d5: {  	v58 =	vld [tilespmem:s24+$0x200];
	v59 =	vmul.f32 v26, v33;
	[tilespmem:s25+$0x170] =	vst v12  }
0x3d6: {  	v60 =	vld [tilespmem:s24+$0x250];
	v61 =	vmul.f32 v27, v34;
	[tilespmem:s22+$0x260] =	vst v11  }
0x3d7: {  	v62 =	vld [tilespmem:s24+$0xFFFFFDB0];
	v28 =	vmul.f32 v28, v35;
	[tilespmem:s23+$0xFFFFFFD0] =	vst v59  }
0x3d8: {  	v63 =	vld [tilespmem:s24+$0xFFFFFE00];
	v29 =	vmul.f32 v29, v36;
	[tilespmem:s23+$0x20] =	vst v61  }
0x3d9: {  	v39 =	vld [tilespmem:s24+$0xFFFFFEA0];
	v32 =	vmul.f32 v32, v57;
	[tilespmem:s23+$0x70] =	vst v28  }
0x3da: {  	v40 =	vld [tilespmem:s24+$0xFFFFFEF0];
	v30 =	vmul.f32 v30, v58;
	[tilespmem:s23+$0xC0] =	vst v29  }
0x3db: {  	v41 =	vld [tilespmem:s24+$0xFFFFFF40];
	v26 =	vmul.f32 v31, v60;
	[tilespmem:s23+$0x110] =	vst v32  }
0x3dc: {  	v21 =	vperm.xlane v21, v10;
	v36 =	vld [tilespmem:s24+$0xFFFFFE50];
	v24 =	vmul.f32 v24, v62;
	[tilespmem:s23+$0x200] =	vst v30  }
0x3dd: {  	v42 =	vperm.xlane v17, v9;
	v44 =	vld [tilespmem:s24+$0xFFFFFF90];
	v19 =	vmul.f32 v23, v63;
	[tilespmem:s23+$0x250] =	vst v26  }
0x3de: {  	v43 =	vperm.xlane v17, v10;
	v46 =	vld [tilespmem:s24+$0xFFFFFFE0];
	v21 =	vmul.f32 v21, v39;
	[tilespmem:s23+$0xFFFFFDB0] =	vst v24  }
0x3df: {  	v47 =	vld [tilespmem:s24+$0x30];
	v45 =	vmul.f32 v42, v40;
	[tilespmem:s23+$0xFFFFFE00] =	vst v19  }
0x3e0: {  	v48 =	vperm.xlane v14, v9;
	v49 =	vld [tilespmem:s24+$0x80];
	v17 =	vmul.f32 v43, v41;
	[tilespmem:s23+$0xFFFFFEA0] =	vst v21  }
0x3e1: {  	v50 =	vperm.xlane v14, v10;
	v51 =	vld [tilespmem:s24+$0xD0];
	v20 =	vmul.f32 v25, v36;
	[tilespmem:s25+$0xFFFFFEF0] =	vst v45  }
0x3e2: {  	v52 =	vperm.xlane v18, v9;
	v53 =	vld [tilespmem:s24+$0x120];
	[tilespmem:s25+$0xFFFFFF40] =	vst v17;
	v54 =	vmul.f32 v48, v44  }
0x3e3: {  	v55 =	vperm.xlane v18, v10;
	v56 =	vld [tilespmem:s26+$0x210];
	v11 =	vmul.f32 v50, v46;
	[tilespmem:s23+$0xFFFFFE50] =	vst v20  }
0x3e4: {  	v57 =	vperm.xlane v15, v9;
	v58 =	vld [tilespmem:s26+$0x260];
	[tilespmem:s25+$0xFFFFFF90] =	vst v54;
	v59 =	vmul.f32 v52, v47  }
0x3e5: {  	v60 =	vperm.xlane v15, v10;
	[tilespmem:s25+$0xFFFFFFE0] =	vst v11;
	v11 =	vmul.f32 v55, v49  }
0x3e6: {  	v61 =	vperm.xlane v16, v9;
	v13 =	vmul.f32 v57, v51;
	[tilespmem:s25+$0x30] =	vst v59  }
0x3e7: {  	v62 =	vperm.xlane v16, v10;
	v63 =	vmul.f32 v60, v53;
	[tilespmem:s25+$0x80] =	vst v11  }
0x3e8: {  	v11 =	vmul.f32 v61, v56;
	[tilespmem:s25+$0xD0] =	vst v13  }
0x3e9: {  	v12 =	vmul.f32 v62, v58;
	[tilespmem:s25+$0x120] =	vst v63  }
0x3ea: {  	s0 =	stileid.u32;
	[tilespmem:s25+$0x210] =	vst v11  }
0x3eb: {  	s0 =	sshll.u32 s0, $0x6;
	[tilespmem:s25+$0x260] =	vst v12  }
0x3ec: {  	s1 =	sshrl.u32 s5, $0x3;
	s0 =	sor.u32 $0x1C03, s0;
	[bflag:$0x0] =	sbarrier.arrive $0xFFFF  }
0x3ed: {  	[hbm:s9], [sflag:s0] =	dma.local [spmem:s1], $0x1860  }
0x3ee: {  	_ =	swait.ge [sflag:s14], $0x1860  }
0x3ef: {  	s21 =	sadd.s32 $0x1, s21;
	[sflag:s14] =	ssyncset.done $0x0  }
0x3f0: {  	p1 =	sne.s32 s21, s11;
	s1 =	sshrl.u32 @!p0 s8, $0x3;
	[sflag:s14] =	ssyncadd.s32 $0xFFFFE7A0  }
0x3f1: {  	[hbm:s10], [sflag:s0] =	dma.local @!p0 [spmem:s1], $0xA0  }
.Ltmp5:
0x3f2: {  	_ = 	snop;
	(pc) =	sbr.rel @p1 .LBB2_1-.Ltmp5, $4  }
0x3f3: {  	s0 =	simm.s32 @!p0 $0x3  }
0x3f4: {  	_ =	swait.ge @!p0 [sflag:s0], $0xA0  }
0x3f5: {  	[sflag:s0] =	ssyncset.done @!p0 $0x0  }
0x3f6: {  	[sflag:s0] =	ssyncadd.s32 @!p0 $0xFFFFFF60  }
0x3f7: {  	_ =	sfence.sel $0x180000  }
0x3f8: {  	[bflag:$0x0] =	sbarrier.arrive $0xFFFF  }
0x3f9: {  	_ =	strace $0x90000047  }
0x3fa: {  	[bflag:$0x2] =	sbarrier.arrive $0xFFFF  }
0x3fb: {  	s0 =	rddreg [dreg:$0x2]  }
0x3fc: {  	s0 =	sadd.s32 @!p0 $0x100000, s0  }
0x3fd: {  	[sflag:s0] =	ssyncadd.tile.s32 @!p0 $0x1;
	_ =	shalt  }
.Lfunc_end2:
_tile_overlayer_lowered:
.L_overlay_start_2:
0x3fe: {  	(tag) =	ssettag $0x2  }
0x3ff: {  	s0 =	rddreg [dreg:$0x0];
	s2 =	stileid.u32  }
0x400: {  	s1 =	rddreg [dreg:$0x1];
	p0 =	sne.s32 s2, $0x0  }
0x401: {  	s3 =	rddreg [dreg:$0x2];
	[bflag:$0x3] =	sbarrier.arrive $0xFFFF;
	s2 =	simm.s32 @!p0 $0x1C03  }
0x402: {  	[timem:s3], [sflag:s2] =	dma.local @!p0 [hbm:s0], s1  }
0x403: {  	s0 =	simm.s32 @!p0 $0x3  }
0x404: {  	_ =	swait.ge @!p0 [sflag:s0], s1  }
0x405: {  	s1 =	ssub.s32 @!p0 $0x0, s1;
	[sflag:s0] =	ssyncset.done @!p0 $0x0  }
0x406: {  	[sflag:s0] =	ssyncadd.s32 @!p0 s1  }
0x407: {  	[bflag:$0x3] =	sbarrier.arrive $0xFFFF  }
0x408: {  	_ =	shalt  }

</sc_bundles>
